<compile_context>
chip_gen: v7x
topology: tpu7x:2x2x1
jax: 0.10.2.dev20260603
libtpu: 0.0.44.dev20260713+nightly
codegen_flags: <defaults>
</compile_context>

<pallas_src>
import functools

import jax
import jax.numpy as jnp
from jax import lax
from jax.experimental import pallas as pl
from jax.experimental.pallas import tpu as pltpu
from jax.experimental.pallas import tpu_sc as plsc

B = 16384
D = 32
L = 16
NC = 2
NS = 16
NW = NC * NS
BPW = B // NW
NIDX = 4
ICH = BPW // NIDX
NG = BPW // L
NROW = 1000000
GRID = 49
CB = 5120
QS = GRID * CB


def _tr_body(v0_ref, v1_ref, v2_ref, v3_ref, out_ref):
    for t, ref in enumerate((v0_ref, v1_ref, v2_ref, v3_ref)):
        out_ref[:, t * D:(t + 1) * D] = ref[...].T


_transpose_tc = pl.pallas_call(
    _tr_body,
    grid=(GRID,),
    in_specs=[pl.BlockSpec((D, CB), lambda i, t=t: (0, i + GRID * t))
              for t in range(4)],
    out_specs=pl.BlockSpec((CB, 128), lambda i: (i, 0)),
    out_shape=jax.ShapeDtypeStruct((QS, 128), jnp.float32),
)


def _pack(vt):
    return _transpose_tc(vt, vt, vt, vt)


NGC = ICH // L


def _gmf_body(uidx_hbm, iidx_hbm, uoff_hbm, uemb_hbm, iemb_hbm, wtb_hbm,
              out_hbm, uidx_v, iidx_v, uoff_v, ue_v, ie_v, wtb_v, out_v,
              usem, isem):
    wid = lax.axis_index("s") * NC + lax.axis_index("c")
    base = wid * BPW
    pltpu.sync_copy(uidx_hbm.at[wid], uidx_v)
    pltpu.sync_copy(iidx_hbm.at[wid], iidx_v)
    pltpu.sync_copy(uoff_hbm.at[wid], uoff_v)
    pltpu.sync_copy(wtb_hbm, wtb_v)

    lane = lax.iota(jnp.int32, L)
    w0 = wtb_v[pl.ds(0, L)]
    w1 = wtb_v[pl.ds(L, L)]
    bias = wtb_v[pl.ds(2 * L, L)]

    def fire(j, slot):
        return (pltpu.async_copy(uemb_hbm.at[uidx_v.at[j]],
                                 ue_v.at[slot], usem),
                pltpu.async_copy(iemb_hbm.at[iidx_v.at[j]],
                                 ie_v.at[slot], isem))

    inflight = {0: fire(0, 0)}
    for j in range(NIDX):
        if j + 1 < NIDX:
            inflight[j + 1] = fire(j + 1, (j + 1) % 2)
        for c in inflight.pop(j):
            c.wait()
        slot = j % 2

        def group(g, carry):
            acc = bias
            offs_vec = uoff_v[pl.ds(j * ICH + g * L, L)]
            for r in range(L):
                row = g * L + r
                offs = offs_vec[r]
                uo = lax.rem(offs, 4) * 32
                io = lax.div(offs, 4) * 32
                rows = jnp.full((L,), row, dtype=jnp.int32)
                u0 = plsc.load_gather(ue_v.at[slot], [rows, uo + lane])
                u1 = plsc.load_gather(ue_v.at[slot], [rows, uo + lane + L])
                i0 = plsc.load_gather(ie_v.at[slot], [rows, io + lane])
                i1 = plsc.load_gather(ie_v.at[slot], [rows, io + lane + L])
                p = u0 * i0 * w0 + u1 * i1 * w1
                s = jnp.sum(p)
                acc = jnp.where(lane == r, s, acc)
            out_v[pl.ds(j * ICH + g * L, L)] = acc + bias
            return carry

        lax.fori_loop(0, NGC, group, 0)
    pltpu.sync_copy(out_v, out_hbm.at[pl.ds(base, BPW)])


_gmf_sc = functools.partial(
    pl.kernel,
    mesh=plsc.VectorSubcoreMesh(core_axis_name="c", subcore_axis_name="s"),
    out_type=jax.ShapeDtypeStruct((B,), jnp.float32),
    scratch_types=[
        pltpu.VMEM((NIDX, ICH), jnp.int32),
        pltpu.VMEM((NIDX, ICH), jnp.int32),
        pltpu.VMEM((BPW,), jnp.int32),
        pltpu.VMEM((2, ICH, 128), jnp.float32),
        pltpu.VMEM((2, ICH, 128), jnp.float32),
        pltpu.VMEM((D + L,), jnp.float32),
        pltpu.VMEM((BPW,), jnp.float32),
        pltpu.SemaphoreType.DMA,
        pltpu.SemaphoreType.DMA,
    ],
    compiler_params=pltpu.CompilerParams(needs_layout_passes=False,
                                         use_tc_tiling_on_sc=True),
)(_gmf_body)


def kernel(user_idx, item_idx, user_emb, item_emb, head_w, head_b,
           user_bias, item_bias, global_bias):
    del user_bias, item_bias
    ui = user_idx.astype(jnp.int32)
    ii = item_idx.astype(jnp.int32)
    uidx = (ui % QS).reshape(NW, NIDX, ICH)
    iidx = (ii % QS).reshape(NW, NIDX, ICH)
    uoff = (ui // QS + 4 * (ii // QS)).reshape(NW, BPW)
    wtb = jnp.concatenate(
        [head_w.reshape(D),
         jnp.broadcast_to((head_b + global_bias).reshape(1), (L,))])
    up = _pack(user_emb.T)
    ip = _pack(item_emb.T)
    return _gmf_sc(uidx, iidx, uoff, up, ip, wtb)

# --- scband reference (transcript-rebuilt; emitter-appended) ---
"""Pipeline reference for scband-gmf-34351148433845 (READ-ONLY COPY).

The authoritative reference and input builder live on the scoring server;
editing this copy changes nothing except your own understanding.
"""

import jax, jax.numpy as jnp
import numpy as np

NUM_USERS = 1000000
NUM_ITEMS = 1000000
EMB_DIM = 32
BATCH = 16384

def setup_inputs(seed: int = 0) -> dict:
    key = jax.random.key(seed)
    k1, k2, k3, k4, k5, k6 = jax.random.split(key, 6)
    user_idx = jax.random.randint(k1, (BATCH,), 0, NUM_USERS, dtype=jnp.int64 if jax.config.jax_enable_x64 else jnp.int32)
    item_idx = jax.random.randint(k2, (BATCH,), 0, NUM_ITEMS, dtype=jnp.int64 if jax.config.jax_enable_x64 else jnp.int32)
    user_emb = jax.random.normal(k3, (NUM_USERS, EMB_DIM), dtype=jnp.float32) * 0.02
    item_emb = jax.random.normal(k4, (NUM_ITEMS, EMB_DIM), dtype=jnp.float32) * 0.02
    # nn.Linear(emb_dim, 1): weight [1, emb_dim], bias [1]
    bound = 1.0 / np.sqrt(EMB_DIM)
    head_w = jax.random.uniform(k5, (1, EMB_DIM), dtype=jnp.float32, minval=-bound, maxval=bound)
    head_b = jax.random.uniform(k6, (1,), dtype=jnp.float32, minval=-bound, maxval=bound)
    user_bias = jnp.zeros((NUM_USERS, 1), dtype=jnp.float32)
    item_bias = jnp.zeros((NUM_ITEMS, 1), dtype=jnp.float32)
    global_bias = jnp.zeros((1,), dtype=jnp.float32)
    return {
        "user_idx": user_idx,
        "item_idx": item_idx,
        "user_emb": user_emb,
        "item_emb": item_emb,
        "head_w": head_w,
        "head_b": head_b,
        "user_bias": user_bias,
        "item_bias": item_bias,
        "global_bias": global_bias,
    }

def reference(user_idx, item_idx, user_emb, item_emb, head_w, head_b, user_bias, item_bias, global_bias):
    ue = jnp.take(user_emb, user_idx, axis=0)          # [B, D]
    ie = jnp.take(item_emb, item_idx, axis=0)          # [B, D]
    out = (ue * ie) @ head_w.T + head_b                # [B, 1]
    out = out + jnp.take(user_bias, user_idx, axis=0) + jnp.take(item_bias, item_idx, axis=0) + global_bias
    return jnp.squeeze(out, axis=-1)                   # [B]

if __name__ == "__main__":
    import jax
    _d = setup_inputs()
    print(jax.jit(kernel)(*tuple(_d.values())))

</pallas_src>

<mosaic_0001>
#map = affine_map<(d0, d1) -> (0, 0, 0)>
#map1 = affine_map<(d0, d1) -> (0, 0)>
#map2 = affine_map<(d0, d1) -> (0)>
module attributes {stable_mosaic.version = 14 : i64} {
  func.func @_gmf_body(%arg0: i32, %arg1: i32, %arg2: memref<32x4x128xi32, #tpu.memory_space<hbm>>, %arg3: memref<32x4x128xi32, #tpu.memory_space<hbm>>, %arg4: memref<32x512xi32, #tpu.memory_space<hbm>>, %arg5: memref<250880x128xf32, #tpu.memory_space<hbm>>, %arg6: memref<250880x128xf32, #tpu.memory_space<hbm>>, %arg7: memref<48xf32, #tpu.memory_space<hbm>>, %arg8: memref<16384xf32, #tpu.memory_space<hbm>>, %arg9: memref<4x128xi32, #tpu.memory_space<vmem>>, %arg10: memref<4x128xi32, #tpu.memory_space<vmem>>, %arg11: memref<512xi32, #tpu.memory_space<vmem>>, %arg12: memref<2x128x128xf32, #tpu.memory_space<vmem>>, %arg13: memref<2x128x128xf32, #tpu.memory_space<vmem>>, %arg14: memref<48xf32, #tpu.memory_space<vmem>>, %arg15: memref<512xf32, #tpu.memory_space<vmem>>, %arg16: memref<!tpu.dma_semaphore, #tpu.memory_space<semaphore_mem>>, %arg17: memref<!tpu.dma_semaphore, #tpu.memory_space<semaphore_mem>>) attributes {dimension_semantics = [#tpu.dimension_semantics<core_parallel>, #tpu.dimension_semantics<subcore_parallel>], iteration_bounds = array<i64: 2, 16>, scalar_prefetch = 0 : i64, scratch_operands = 9 : i64, tpu.core_type = #tpu.core_type<sc_vector_subcore>, window_params = [{transform_indices = #map}, {transform_indices = #map}, {transform_indices = #map1}, {transform_indices = #map1}, {transform_indices = #map1}, {transform_indices = #map2}, {transform_indices = #map2}]} {
    %mul3A = arith.constant 2 : i32
    %mul3A_0 = arith.muli %arg1, %mul3A : i32
    %add3A = arith.addi %mul3A_0, %arg0 : i32
    %mul3A_1 = arith.constant 512 : i32
    %mul3A_2 = arith.muli %add3A, %mul3A_1 : i32
    "tpu.region"() ({
      %run_scoped3A = tpu.sem_alloc : memref<!tpu.dma_semaphore, #tpu.memory_space<semaphore_mem>>
      %dma_start3A_221 = arith.constant 0 : i32
      %dma_start3A_222 = arith.constant 0 : i32
      %dma_start3A_223 = tpu.memref_slice %arg2[%add3A, %dma_start3A_221, %dma_start3A_222] : memref<32x4x128xi32, #tpu.memory_space<hbm>> -> memref<1x4x128xi32, #tpu.memory_space<hbm>>
      %dma_start3A_224 = tpu.memref_squeeze %dma_start3A_223 : memref<1x4x128xi32, #tpu.memory_space<hbm>> -> memref<4x128xi32, #tpu.memory_space<hbm>>
      %dma_start3A_225 = arith.constant 0 : i32
      %dma_start3A_226 = arith.constant 0 : i32
      %dma_start3A_227 = tpu.memref_slice %arg2[%add3A, %dma_start3A_225, %dma_start3A_226] : memref<32x4x128xi32, #tpu.memory_space<hbm>> -> memref<1x4x128xi32, #tpu.memory_space<hbm>>
      %dma_start3A_228 = tpu.memref_squeeze %dma_start3A_227 : memref<1x4x128xi32, #tpu.memory_space<hbm>> -> memref<4x128xi32, #tpu.memory_space<hbm>>
      tpu.enqueue_dma source(%dma_start3A_228 : memref<4x128xi32, #tpu.memory_space<hbm>>) target(%arg9 : memref<4x128xi32, #tpu.memory_space<vmem>>) target_semaphore(%run_scoped3A : memref<!tpu.dma_semaphore, #tpu.memory_space<semaphore_mem>>)
      %dma_wait3A_229 = arith.constant 0 : i32
      %dma_wait3A_230 = arith.constant 0 : i32
      %dma_wait3A_231 = tpu.memref_slice %arg2[%add3A, %dma_wait3A_229, %dma_wait3A_230] : memref<32x4x128xi32, #tpu.memory_space<hbm>> -> memref<1x4x128xi32, #tpu.memory_space<hbm>>
      %dma_wait3A_232 = tpu.memref_squeeze %dma_wait3A_231 : memref<1x4x128xi32, #tpu.memory_space<hbm>> -> memref<4x128xi32, #tpu.memory_space<hbm>>
      %dma_wait3A_233 = arith.constant 0 : i32
      %dma_wait3A_234 = arith.constant 0 : i32
      %dma_wait3A_235 = tpu.memref_slice %arg2[%add3A, %dma_wait3A_233, %dma_wait3A_234] : memref<32x4x128xi32, #tpu.memory_space<hbm>> -> memref<1x4x128xi32, #tpu.memory_space<hbm>>
      %dma_wait3A_236 = tpu.memref_squeeze %dma_wait3A_235 : memref<1x4x128xi32, #tpu.memory_space<hbm>> -> memref<4x128xi32, #tpu.memory_space<hbm>>
      tpu.wait_dma2 semaphore(%run_scoped3A : memref<!tpu.dma_semaphore, #tpu.memory_space<semaphore_mem>>) src(%dma_wait3A_236 : memref<4x128xi32, #tpu.memory_space<hbm>>) dst(%arg9 : memref<4x128xi32, #tpu.memory_space<vmem>>)
      tpu.yield
    }) : () -> ()
    "tpu.region"() ({
      %run_scoped3A = tpu.sem_alloc : memref<!tpu.dma_semaphore, #tpu.memory_space<semaphore_mem>>
      %dma_start3A_221 = arith.constant 0 : i32
      %dma_start3A_222 = arith.constant 0 : i32
      %dma_start3A_223 = tpu.memref_slice %arg3[%add3A, %dma_start3A_221, %dma_start3A_222] : memref<32x4x128xi32, #tpu.memory_space<hbm>> -> memref<1x4x128xi32, #tpu.memory_space<hbm>>
      %dma_start3A_224 = tpu.memref_squeeze %dma_start3A_223 : memref<1x4x128xi32, #tpu.memory_space<hbm>> -> memref<4x128xi32, #tpu.memory_space<hbm>>
      %dma_start3A_225 = arith.constant 0 : i32
      %dma_start3A_226 = arith.constant 0 : i32
      %dma_start3A_227 = tpu.memref_slice %arg3[%add3A, %dma_start3A_225, %dma_start3A_226] : memref<32x4x128xi32, #tpu.memory_space<hbm>> -> memref<1x4x128xi32, #tpu.memory_space<hbm>>
      %dma_start3A_228 = tpu.memref_squeeze %dma_start3A_227 : memref<1x4x128xi32, #tpu.memory_space<hbm>> -> memref<4x128xi32, #tpu.memory_space<hbm>>
      tpu.enqueue_dma source(%dma_start3A_228 : memref<4x128xi32, #tpu.memory_space<hbm>>) target(%arg10 : memref<4x128xi32, #tpu.memory_space<vmem>>) target_semaphore(%run_scoped3A : memref<!tpu.dma_semaphore, #tpu.memory_space<semaphore_mem>>)
      %dma_wait3A_229 = arith.constant 0 : i32
      %dma_wait3A_230 = arith.constant 0 : i32
      %dma_wait3A_231 = tpu.memref_slice %arg3[%add3A, %dma_wait3A_229, %dma_wait3A_230] : memref<32x4x128xi32, #tpu.memory_space<hbm>> -> memref<1x4x128xi32, #tpu.memory_space<hbm>>
      %dma_wait3A_232 = tpu.memref_squeeze %dma_wait3A_231 : memref<1x4x128xi32, #tpu.memory_space<hbm>> -> memref<4x128xi32, #tpu.memory_space<hbm>>
      %dma_wait3A_233 = arith.constant 0 : i32
      %dma_wait3A_234 = arith.constant 0 : i32
      %dma_wait3A_235 = tpu.memref_slice %arg3[%add3A, %dma_wait3A_233, %dma_wait3A_234] : memref<32x4x128xi32, #tpu.memory_space<hbm>> -> memref<1x4x128xi32, #tpu.memory_space<hbm>>
      %dma_wait3A_236 = tpu.memref_squeeze %dma_wait3A_235 : memref<1x4x128xi32, #tpu.memory_space<hbm>> -> memref<4x128xi32, #tpu.memory_space<hbm>>
      tpu.wait_dma2 semaphore(%run_scoped3A : memref<!tpu.dma_semaphore, #tpu.memory_space<semaphore_mem>>) src(%dma_wait3A_236 : memref<4x128xi32, #tpu.memory_space<hbm>>) dst(%arg10 : memref<4x128xi32, #tpu.memory_space<vmem>>)
      tpu.yield
    }) : () -> ()
    "tpu.region"() ({
      %run_scoped3A = tpu.sem_alloc : memref<!tpu.dma_semaphore, #tpu.memory_space<semaphore_mem>>
      %dma_start3A_221 = arith.constant 0 : i32
      %dma_start3A_222 = tpu.memref_slice %arg4[%add3A, %dma_start3A_221] : memref<32x512xi32, #tpu.memory_space<hbm>> -> memref<1x512xi32, #tpu.memory_space<hbm>>
      %dma_start3A_223 = tpu.memref_squeeze %dma_start3A_222 : memref<1x512xi32, #tpu.memory_space<hbm>> -> memref<512xi32, #tpu.memory_space<hbm>>
      %dma_start3A_224 = arith.constant 0 : i32
      %dma_start3A_225 = tpu.memref_slice %arg4[%add3A, %dma_start3A_224] : memref<32x512xi32, #tpu.memory_space<hbm>> -> memref<1x512xi32, #tpu.memory_space<hbm>>
      %dma_start3A_226 = tpu.memref_squeeze %dma_start3A_225 : memref<1x512xi32, #tpu.memory_space<hbm>> -> memref<512xi32, #tpu.memory_space<hbm>>
      tpu.enqueue_dma source(%dma_start3A_226 : memref<512xi32, #tpu.memory_space<hbm>>) target(%arg11 : memref<512xi32, #tpu.memory_space<vmem>>) target_semaphore(%run_scoped3A : memref<!tpu.dma_semaphore, #tpu.memory_space<semaphore_mem>>)
      %dma_wait3A_227 = arith.constant 0 : i32
      %dma_wait3A_228 = tpu.memref_slice %arg4[%add3A, %dma_wait3A_227] : memref<32x512xi32, #tpu.memory_space<hbm>> -> memref<1x512xi32, #tpu.memory_space<hbm>>
      %dma_wait3A_229 = tpu.memref_squeeze %dma_wait3A_228 : memref<1x512xi32, #tpu.memory_space<hbm>> -> memref<512xi32, #tpu.memory_space<hbm>>
      %dma_wait3A_230 = arith.constant 0 : i32
      %dma_wait3A_231 = tpu.memref_slice %arg4[%add3A, %dma_wait3A_230] : memref<32x512xi32, #tpu.memory_space<hbm>> -> memref<1x512xi32, #tpu.memory_space<hbm>>
      %dma_wait3A_232 = tpu.memref_squeeze %dma_wait3A_231 : memref<1x512xi32, #tpu.memory_space<hbm>> -> memref<512xi32, #tpu.memory_space<hbm>>
      tpu.wait_dma2 semaphore(%run_scoped3A : memref<!tpu.dma_semaphore, #tpu.memory_space<semaphore_mem>>) src(%dma_wait3A_232 : memref<512xi32, #tpu.memory_space<hbm>>) dst(%arg11 : memref<512xi32, #tpu.memory_space<vmem>>)
      tpu.yield
    }) : () -> ()
    "tpu.region"() ({
      %run_scoped3A = tpu.sem_alloc : memref<!tpu.dma_semaphore, #tpu.memory_space<semaphore_mem>>
      tpu.enqueue_dma source(%arg7 : memref<48xf32, #tpu.memory_space<hbm>>) target(%arg14 : memref<48xf32, #tpu.memory_space<vmem>>) target_semaphore(%run_scoped3A : memref<!tpu.dma_semaphore, #tpu.memory_space<semaphore_mem>>)
      tpu.wait_dma2 semaphore(%run_scoped3A : memref<!tpu.dma_semaphore, #tpu.memory_space<semaphore_mem>>) src(%arg7 : memref<48xf32, #tpu.memory_space<hbm>>) dst(%arg14 : memref<48xf32, #tpu.memory_space<vmem>>)
      tpu.yield
    }) : () -> ()
    %iota3A = tpu.iota {dimensions = array<i32: 0>} : vector<16xi32>
    %get3A = arith.constant 0 : index
    %get3A_3 = tpu.vector_load %arg14[%get3A] {strides = array<i32>} : memref<48xf32, #tpu.memory_space<vmem>>, vector<16xf32>,
    %get3A_4 = arith.constant 16 : index
    %get3A_5 = tpu.vector_load %arg14[%get3A_4] {strides = array<i32>} : memref<48xf32, #tpu.memory_space<vmem>>, vector<16xf32>,
    %get3A_6 = arith.constant 32 : index
    %get3A_7 = tpu.vector_load %arg14[%get3A_6] {strides = array<i32>} : memref<48xf32, #tpu.memory_space<vmem>>, vector<16xf32>,
    %dma_start3A = arith.constant 0 : i32
    %dma_start3A_8 = arith.constant 0 : i32
    %dma_start3A_9 = arith.constant 0 : i32
    %dma_start3A_10 = arith.constant 0 : i32
    %dma_start3A_11 = tpu.memref_slice %arg12[%dma_start3A_8, %dma_start3A_9, %dma_start3A_10] : memref<2x128x128xf32, #tpu.memory_space<vmem>> -> memref<1x128x128xf32, #tpu.memory_space<vmem>>
    %dma_start3A_12 = tpu.memref_squeeze %dma_start3A_11 : memref<1x128x128xf32, #tpu.memory_space<vmem>> -> memref<128x128xf32, #tpu.memory_space<vmem>>
    %dma_start3A_13 = arith.constant 0 : i32
    %dma_start3A_14 = tpu.memref_slice %arg9[%dma_start3A, %dma_start3A_13] : memref<4x128xi32, #tpu.memory_space<vmem>> -> memref<1x128xi32, #tpu.memory_space<vmem>>
    %dma_start3A_15 = tpu.memref_squeeze %dma_start3A_14 : memref<1x128xi32, #tpu.memory_space<vmem>> -> memref<128xi32, #tpu.memory_space<vmem>>
    %dma_start3A_16 = arith.constant 0 : i32
    %dma_start3A_17 = arith.constant 0 : i32
    %dma_start3A_18 = tpu.memref_slice %arg5[%dma_start3A_16, %dma_start3A_17] : memref<250880x128xf32, #tpu.memory_space<hbm>> -> memref<250880x128xf32, #tpu.memory_space<hbm>>
    tpu.enqueue_indirect_dma source(%dma_start3A_18 : memref<250880x128xf32, #tpu.memory_space<hbm>>) target(%dma_start3A_12 : memref<128x128xf32, #tpu.memory_space<vmem>>) offsets(%dma_start3A_15 : memref<128xi32, #tpu.memory_space<vmem>>) semaphore(%arg16 : memref<!tpu.dma_semaphore, #tpu.memory_space<semaphore_mem>>)
    %dma_start3A_19 = arith.constant 0 : i32
    %dma_start3A_20 = arith.constant 0 : i32
    %dma_start3A_21 = arith.constant 0 : i32
    %dma_start3A_22 = arith.constant 0 : i32
    %dma_start3A_23 = tpu.memref_slice %arg13[%dma_start3A_20, %dma_start3A_21, %dma_start3A_22] : memref<2x128x128xf32, #tpu.memory_space<vmem>> -> memref<1x128x128xf32, #tpu.memory_space<vmem>>
    %dma_start3A_24 = tpu.memref_squeeze %dma_start3A_23 : memref<1x128x128xf32, #tpu.memory_space<vmem>> -> memref<128x128xf32, #tpu.memory_space<vmem>>
    %dma_start3A_25 = arith.constant 0 : i32
    %dma_start3A_26 = tpu.memref_slice %arg10[%dma_start3A_19, %dma_start3A_25] : memref<4x128xi32, #tpu.memory_space<vmem>> -> memref<1x128xi32, #tpu.memory_space<vmem>>
    %dma_start3A_27 = tpu.memref_squeeze %dma_start3A_26 : memref<1x128xi32, #tpu.memory_space<vmem>> -> memref<128xi32, #tpu.memory_space<vmem>>
    %dma_start3A_28 = arith.constant 0 : i32
    %dma_start3A_29 = arith.constant 0 : i32
    %dma_start3A_30 = tpu.memref_slice %arg6[%dma_start3A_28, %dma_start3A_29] : memref<250880x128xf32, #tpu.memory_space<hbm>> -> memref<250880x128xf32, #tpu.memory_space<hbm>>
    tpu.enqueue_indirect_dma source(%dma_start3A_30 : memref<250880x128xf32, #tpu.memory_space<hbm>>) target(%dma_start3A_24 : memref<128x128xf32, #tpu.memory_space<vmem>>) offsets(%dma_start3A_27 : memref<128xi32, #tpu.memory_space<vmem>>) semaphore(%arg17 : memref<!tpu.dma_semaphore, #tpu.memory_space<semaphore_mem>>)
    %dma_start3A_31 = arith.constant 1 : i32
    %dma_start3A_32 = arith.constant 1 : i32
    %dma_start3A_33 = arith.constant 0 : i32
    %dma_start3A_34 = arith.constant 0 : i32
    %dma_start3A_35 = tpu.memref_slice %arg12[%dma_start3A_32, %dma_start3A_33, %dma_start3A_34] : memref<2x128x128xf32, #tpu.memory_space<vmem>> -> memref<1x128x128xf32, #tpu.memory_space<vmem>>
    %dma_start3A_36 = tpu.memref_squeeze %dma_start3A_35 : memref<1x128x128xf32, #tpu.memory_space<vmem>> -> memref<128x128xf32, #tpu.memory_space<vmem>>
    %dma_start3A_37 = arith.constant 0 : i32
    %dma_start3A_38 = tpu.memref_slice %arg9[%dma_start3A_31, %dma_start3A_37] : memref<4x128xi32, #tpu.memory_space<vmem>> -> memref<1x128xi32, #tpu.memory_space<vmem>>
    %dma_start3A_39 = tpu.memref_squeeze %dma_start3A_38 : memref<1x128xi32, #tpu.memory_space<vmem>> -> memref<128xi32, #tpu.memory_space<vmem>>
    %dma_start3A_40 = arith.constant 0 : i32
    %dma_start3A_41 = arith.constant 0 : i32
    %dma_start3A_42 = tpu.memref_slice %arg5[%dma_start3A_40, %dma_start3A_41] : memref<250880x128xf32, #tpu.memory_space<hbm>> -> memref<250880x128xf32, #tpu.memory_space<hbm>>
    tpu.enqueue_indirect_dma source(%dma_start3A_42 : memref<250880x128xf32, #tpu.memory_space<hbm>>) target(%dma_start3A_36 : memref<128x128xf32, #tpu.memory_space<vmem>>) offsets(%dma_start3A_39 : memref<128xi32, #tpu.memory_space<vmem>>) semaphore(%arg16 : memref<!tpu.dma_semaphore, #tpu.memory_space<semaphore_mem>>)
    %dma_start3A_43 = arith.constant 1 : i32
    %dma_start3A_44 = arith.constant 1 : i32
    %dma_start3A_45 = arith.constant 0 : i32
    %dma_start3A_46 = arith.constant 0 : i32
    %dma_start3A_47 = tpu.memref_slice %arg13[%dma_start3A_44, %dma_start3A_45, %dma_start3A_46] : memref<2x128x128xf32, #tpu.memory_space<vmem>> -> memref<1x128x128xf32, #tpu.memory_space<vmem>>
    %dma_start3A_48 = tpu.memref_squeeze %dma_start3A_47 : memref<1x128x128xf32, #tpu.memory_space<vmem>> -> memref<128x128xf32, #tpu.memory_space<vmem>>
    %dma_start3A_49 = arith.constant 0 : i32
    %dma_start3A_50 = tpu.memref_slice %arg10[%dma_start3A_43, %dma_start3A_49] : memref<4x128xi32, #tpu.memory_space<vmem>> -> memref<1x128xi32, #tpu.memory_space<vmem>>
    %dma_start3A_51 = tpu.memref_squeeze %dma_start3A_50 : memref<1x128xi32, #tpu.memory_space<vmem>> -> memref<128xi32, #tpu.memory_space<vmem>>
    %dma_start3A_52 = arith.constant 0 : i32
    %dma_start3A_53 = arith.constant 0 : i32
    %dma_start3A_54 = tpu.memref_slice %arg6[%dma_start3A_52, %dma_start3A_53] : memref<250880x128xf32, #tpu.memory_space<hbm>> -> memref<250880x128xf32, #tpu.memory_space<hbm>>
    tpu.enqueue_indirect_dma source(%dma_start3A_54 : memref<250880x128xf32, #tpu.memory_space<hbm>>) target(%dma_start3A_48 : memref<128x128xf32, #tpu.memory_space<vmem>>) offsets(%dma_start3A_51 : memref<128xi32, #tpu.memory_space<vmem>>) semaphore(%arg17 : memref<!tpu.dma_semaphore, #tpu.memory_space<semaphore_mem>>)
    %dma_wait3A = arith.constant 0 : i32
    %dma_wait3A_55 = arith.constant 0 : i32
    %dma_wait3A_56 = arith.constant 0 : i32
    %dma_wait3A_57 = arith.constant 0 : i32
    %dma_wait3A_58 = tpu.memref_slice %arg12[%dma_wait3A_55, %dma_wait3A_56, %dma_wait3A_57] : memref<2x128x128xf32, #tpu.memory_space<vmem>> -> memref<1x128x128xf32, #tpu.memory_space<vmem>>
    %dma_wait3A_59 = tpu.memref_squeeze %dma_wait3A_58 : memref<1x128x128xf32, #tpu.memory_space<vmem>> -> memref<128x128xf32, #tpu.memory_space<vmem>>
    %dma_wait3A_60 = arith.constant 0 : i32
    %dma_wait3A_61 = tpu.memref_slice %arg9[%dma_wait3A, %dma_wait3A_60] : memref<4x128xi32, #tpu.memory_space<vmem>> -> memref<1x128xi32, #tpu.memory_space<vmem>>
    %dma_wait3A_62 = tpu.memref_squeeze %dma_wait3A_61 : memref<1x128xi32, #tpu.memory_space<vmem>> -> memref<128xi32, #tpu.memory_space<vmem>>
    %dma_wait3A_63 = arith.constant 0 : i32
    %dma_wait3A_64 = arith.constant 0 : i32
    %dma_wait3A_65 = tpu.memref_slice %arg5[%dma_wait3A_63, %dma_wait3A_64] : memref<250880x128xf32, #tpu.memory_space<hbm>> -> memref<250880x128xf32, #tpu.memory_space<hbm>>
    tpu.wait_indirect_dma semaphore(%arg16 : memref<!tpu.dma_semaphore, #tpu.memory_space<semaphore_mem>>) src(%dma_wait3A_65 : memref<250880x128xf32, #tpu.memory_space<hbm>>) dst(%dma_wait3A_59 : memref<128x128xf32, #tpu.memory_space<vmem>>)
    %dma_wait3A_66 = arith.constant 0 : i32
    %dma_wait3A_67 = arith.constant 0 : i32
    %dma_wait3A_68 = arith.constant 0 : i32
    %dma_wait3A_69 = arith.constant 0 : i32
    %dma_wait3A_70 = tpu.memref_slice %arg13[%dma_wait3A_67, %dma_wait3A_68, %dma_wait3A_69] : memref<2x128x128xf32, #tpu.memory_space<vmem>> -> memref<1x128x128xf32, #tpu.memory_space<vmem>>
    %dma_wait3A_71 = tpu.memref_squeeze %dma_wait3A_70 : memref<1x128x128xf32, #tpu.memory_space<vmem>> -> memref<128x128xf32, #tpu.memory_space<vmem>>
    %dma_wait3A_72 = arith.constant 0 : i32
    %dma_wait3A_73 = tpu.memref_slice %arg10[%dma_wait3A_66, %dma_wait3A_72] : memref<4x128xi32, #tpu.memory_space<vmem>> -> memref<1x128xi32, #tpu.memory_space<vmem>>
    %dma_wait3A_74 = tpu.memref_squeeze %dma_wait3A_73 : memref<1x128xi32, #tpu.memory_space<vmem>> -> memref<128xi32, #tpu.memory_space<vmem>>
    %dma_wait3A_75 = arith.constant 0 : i32
    %dma_wait3A_76 = arith.constant 0 : i32
    %dma_wait3A_77 = tpu.memref_slice %arg6[%dma_wait3A_75, %dma_wait3A_76] : memref<250880x128xf32, #tpu.memory_space<hbm>> -> memref<250880x128xf32, #tpu.memory_space<hbm>>
    tpu.wait_indirect_dma semaphore(%arg17 : memref<!tpu.dma_semaphore, #tpu.memory_space<semaphore_mem>>) src(%dma_wait3A_77 : memref<250880x128xf32, #tpu.memory_space<hbm>>) dst(%dma_wait3A_71 : memref<128x128xf32, #tpu.memory_space<vmem>>)
    %scan3A = arith.constant 0 : i32
    %scan3A_78 = arith.constant 0 : i32
    %scan3A_79 = arith.constant 8 : i32
    %scan3A_80 = arith.addi %scan3A_78, %scan3A_79 : i32
    %scan3A_81 = arith.constant 1 : i32
    scf.for %scan3A_221 = %scan3A_78 to %scan3A_80 step %scan3A_81  : i32 {
      %mul3A_222 = arith.constant 16 : i32
      %mul3A_223 = arith.muli %scan3A_221, %mul3A_222 : i32
      %add3A_224 = arith.constant 0 : i32
      %add3A_225 = arith.addi %add3A_224, %mul3A_223 : i32
      %get3A_226 = arith.index_cast %add3A_225 : i32 to index
      %get3A_227 = tpu.vector_load %arg11[%get3A_226] {strides = array<i32>} : memref<512xi32, #tpu.memory_space<vmem>>, vector<16xi32>,
      %mul3A_228 = arith.constant 16 : i32
      %mul3A_229 = arith.muli %scan3A_221, %mul3A_228 : i32
      %add3A_230 = arith.constant 0 : i32
      %add3A_231 = arith.addi %mul3A_229, %add3A_230 : i32
      %slice3A = vector.extract_strided_slice %get3A_227 {offsets = [0], sizes = [1], strides = [1]} : vector<16xi32> to vector<1xi32>
      %squeeze3A = vector.extract %slice3A[0] : i32 from vector<1xi32>
      %rem3A = arith.constant 4 : i32
      %rem3A_232 = arith.remsi %squeeze3A, %rem3A : i32
      %mul3A_233 = arith.constant 32 : i32
      %mul3A_234 = arith.muli %rem3A_232, %mul3A_233 : i32
      %div3A = arith.constant 4 : i32
      %div3A_235 = arith.divsi %squeeze3A, %div3A : i32
      %mul3A_236 = arith.constant 32 : i32
      %mul3A_237 = arith.muli %div3A_235, %mul3A_236 : i32
      %broadcast_in_dim3A = vector.broadcast %add3A_231 : i32 to vector<16xi32>
      %add3A_238 = vector.broadcast %mul3A_234 : i32 to vector<16xi32>
      %add3A_239 = arith.addi %add3A_238, %iota3A : vector<16xi32>
      %gather3A = arith.constant 0 : i32
      %gather3A_240 = arith.constant 0 : i32
      %gather3A_241 = arith.constant 0 : i32
      %gather3A_242 = tpu.memref_slice %arg12[%gather3A, %gather3A_240, %gather3A_241] : memref<2x128x128xf32, #tpu.memory_space<vmem>> -> memref<1x128x128xf32, #tpu.memory_space<vmem>>
      %gather3A_243 = tpu.memref_squeeze %gather3A_242 : memref<1x128x128xf32, #tpu.memory_space<vmem>> -> memref<128x128xf32, #tpu.memory_space<vmem>>
      %gather3A_244 = tpu.vector_load_idx %gather3A_243[%broadcast_in_dim3A, %add3A_239] : memref<128x128xf32, #tpu.memory_space<vmem>>[vector<16xi32>, vector<16xi32>], vector<16xf32>,
      %add3A_245 = vector.broadcast %mul3A_234 : i32 to vector<16xi32>
      %add3A_246 = arith.addi %add3A_245, %iota3A : vector<16xi32>
      %add3A_247 = arith.constant 16 : i32
      %add3A_248 = vector.broadcast %add3A_247 : i32 to vector<16xi32>
      %add3A_249 = arith.addi %add3A_246, %add3A_248 : vector<16xi32>
      %gather3A_250 = arith.constant 0 : i32
      %gather3A_251 = arith.constant 0 : i32
      %gather3A_252 = arith.constant 0 : i32
      %gather3A_253 = tpu.memref_slice %arg12[%gather3A_250, %gather3A_251, %gather3A_252] : memref<2x128x128xf32, #tpu.memory_space<vmem>> -> memref<1x128x128xf32, #tpu.memory_space<vmem>>
      %gather3A_254 = tpu.memref_squeeze %gather3A_253 : memref<1x128x128xf32, #tpu.memory_space<vmem>> -> memref<128x128xf32, #tpu.memory_space<vmem>>
      %gather3A_255 = tpu.vector_load_idx %gather3A_254[%broadcast_in_dim3A, %add3A_249] : memref<128x128xf32, #tpu.memory_space<vmem>>[vector<16xi32>, vector<16xi32>], vector<16xf32>,
      %add3A_256 = vector.broadcast %mul3A_237 : i32 to vector<16xi32>
      %add3A_257 = arith.addi %add3A_256, %iota3A : vector<16xi32>
      %gather3A_258 = arith.constant 0 : i32
      %gather3A_259 = arith.constant 0 : i32
      %gather3A_260 = arith.constant 0 : i32
      %gather3A_261 = tpu.memref_slice %arg13[%gather3A_258, %gather3A_259, %gather3A_260] : memref<2x128x128xf32, #tpu.memory_space<vmem>> -> memref<1x128x128xf32, #tpu.memory_space<vmem>>
      %gather3A_262 = tpu.memref_squeeze %gather3A_261 : memref<1x128x128xf32, #tpu.memory_space<vmem>> -> memref<128x128xf32, #tpu.memory_space<vmem>>
      %gather3A_263 = tpu.vector_load_idx %gather3A_262[%broadcast_in_dim3A, %add3A_257] : memref<128x128xf32, #tpu.memory_space<vmem>>[vector<16xi32>, vector<16xi32>], vector<16xf32>,
      %add3A_264 = vector.broadcast %mul3A_237 : i32 to vector<16xi32>
      %add3A_265 = arith.addi %add3A_264, %iota3A : vector<16xi32>
      %add3A_266 = arith.constant 16 : i32
      %add3A_267 = vector.broadcast %add3A_266 : i32 to vector<16xi32>
      %add3A_268 = arith.addi %add3A_265, %add3A_267 : vector<16xi32>
      %gather3A_269 = arith.constant 0 : i32
      %gather3A_270 = arith.constant 0 : i32
      %gather3A_271 = arith.constant 0 : i32
      %gather3A_272 = tpu.memref_slice %arg13[%gather3A_269, %gather3A_270, %gather3A_271] : memref<2x128x128xf32, #tpu.memory_space<vmem>> -> memref<1x128x128xf32, #tpu.memory_space<vmem>>
      %gather3A_273 = tpu.memref_squeeze %gather3A_272 : memref<1x128x128xf32, #tpu.memory_space<vmem>> -> memref<128x128xf32, #tpu.memory_space<vmem>>
      %gather3A_274 = tpu.vector_load_idx %gather3A_273[%broadcast_in_dim3A, %add3A_268] : memref<128x128xf32, #tpu.memory_space<vmem>>[vector<16xi32>, vector<16xi32>], vector<16xf32>,
      %mul3A_275 = arith.mulf %gather3A_244, %gather3A_263 : vector<16xf32>
      %mul3A_276 = arith.mulf %mul3A_275, %get3A_3 : vector<16xf32>
      %mul3A_277 = arith.mulf %gather3A_255, %gather3A_274 : vector<16xf32>
      %mul3A_278 = arith.mulf %mul3A_277, %get3A_5 : vector<16xf32>
      %add3A_279 = arith.addf %mul3A_276, %mul3A_278 : vector<16xf32>
      %reduce_sum3A = arith.constant true
      %reduce_sum3A_280 = vector.broadcast %reduce_sum3A : i1 to vector<16xi1>
      %reduce_sum3A_281 = tpu.scan <sum>, %add3A_279 masked %reduce_sum3A_280 : vector<16xf32>, vector<16xi1> -> vector<16xf32>
      %reduce_sum3A_282 = vector.extract %reduce_sum3A_281[15] : f32 from vector<16xf32>
      %eq3A = arith.constant 0 : i32
      %eq3A_283 = vector.broadcast %eq3A : i32 to vector<16xi32>
      %eq3A_284 = arith.cmpi eq, %iota3A, %eq3A_283 : vector<16xi32>
      %broadcast_in_dim3A_285 = vector.broadcast %reduce_sum3A_282 : f32 to vector<16xf32>
      %select_n3A = arith.select %eq3A_284, %broadcast_in_dim3A_285, %get3A_7 : vector<16xi1>, vector<16xf32>
      %mul3A_286 = arith.constant 16 : i32
      %mul3A_287 = arith.muli %scan3A_221, %mul3A_286 : i32
      %add3A_288 = arith.constant 1 : i32
      %add3A_289 = arith.addi %mul3A_287, %add3A_288 : i32
      %slice3A_290 = vector.extract_strided_slice %get3A_227 {offsets = [1], sizes = [1], strides = [1]} : vector<16xi32> to vector<1xi32>
      %squeeze3A_291 = vector.extract %slice3A_290[0] : i32 from vector<1xi32>
      %rem3A_292 = arith.constant 4 : i32
      %rem3A_293 = arith.remsi %squeeze3A_291, %rem3A_292 : i32
      %mul3A_294 = arith.constant 32 : i32
      %mul3A_295 = arith.muli %rem3A_293, %mul3A_294 : i32
      %div3A_296 = arith.constant 4 : i32
      %div3A_297 = arith.divsi %squeeze3A_291, %div3A_296 : i32
      %mul3A_298 = arith.constant 32 : i32
      %mul3A_299 = arith.muli %div3A_297, %mul3A_298 : i32
      %broadcast_in_dim3A_300 = vector.broadcast %add3A_289 : i32 to vector<16xi32>
      %add3A_301 = vector.broadcast %mul3A_295 : i32 to vector<16xi32>
      %add3A_302 = arith.addi %add3A_301, %iota3A : vector<16xi32>
      %gather3A_303 = arith.constant 0 : i32
      %gather3A_304 = arith.constant 0 : i32
      %gather3A_305 = arith.constant 0 : i32
      %gather3A_306 = tpu.memref_slice %arg12[%gather3A_303, %gather3A_304, %gather3A_305] : memref<2x128x128xf32, #tpu.memory_space<vmem>> -> memref<1x128x128xf32, #tpu.memory_space<vmem>>
      %gather3A_307 = tpu.memref_squeeze %gather3A_306 : memref<1x128x128xf32, #tpu.memory_space<vmem>> -> memref<128x128xf32, #tpu.memory_space<vmem>>
      %gather3A_308 = tpu.vector_load_idx %gather3A_307[%broadcast_in_dim3A_300, %add3A_302] : memref<128x128xf32, #tpu.memory_space<vmem>>[vector<16xi32>, vector<16xi32>], vector<16xf32>,
      %add3A_309 = vector.broadcast %mul3A_295 : i32 to vector<16xi32>
      %add3A_310 = arith.addi %add3A_309, %iota3A : vector<16xi32>
      %add3A_311 = arith.constant 16 : i32
      %add3A_312 = vector.broadcast %add3A_311 : i32 to vector<16xi32>
      %add3A_313 = arith.addi %add3A_310, %add3A_312 : vector<16xi32>
      %gather3A_314 = arith.constant 0 : i32
      %gather3A_315 = arith.constant 0 : i32
      %gather3A_316 = arith.constant 0 : i32
      %gather3A_317 = tpu.memref_slice %arg12[%gather3A_314, %gather3A_315, %gather3A_316] : memref<2x128x128xf32, #tpu.memory_space<vmem>> -> memref<1x128x128xf32, #tpu.memory_space<vmem>>
      %gather3A_318 = tpu.memref_squeeze %gather3A_317 : memref<1x128x128xf32, #tpu.memory_space<vmem>> -> memref<128x128xf32, #tpu.memory_space<vmem>>
      %gather3A_319 = tpu.vector_load_idx %gather3A_318[%broadcast_in_dim3A_300, %add3A_313] : memref<128x128xf32, #tpu.memory_space<vmem>>[vector<16xi32>, vector<16xi32>], vector<16xf32>,
      %add3A_320 = vector.broadcast %mul3A_299 : i32 to vector<16xi32>
      %add3A_321 = arith.addi %add3A_320, %iota3A : vector<16xi32>
      %gather3A_322 = arith.constant 0 : i32
      %gather3A_323 = arith.constant 0 : i32
      %gather3A_324 = arith.constant 0 : i32
      %gather3A_325 = tpu.memref_slice %arg13[%gather3A_322, %gather3A_323, %gather3A_324] : memref<2x128x128xf32, #tpu.memory_space<vmem>> -> memref<1x128x128xf32, #tpu.memory_space<vmem>>
      %gather3A_326 = tpu.memref_squeeze %gather3A_325 : memref<1x128x128xf32, #tpu.memory_space<vmem>> -> memref<128x128xf32, #tpu.memory_space<vmem>>
      %gather3A_327 = tpu.vector_load_idx %gather3A_326[%broadcast_in_dim3A_300, %add3A_321] : memref<128x128xf32, #tpu.memory_space<vmem>>[vector<16xi32>, vector<16xi32>], vector<16xf32>,
      %add3A_328 = vector.broadcast %mul3A_299 : i32 to vector<16xi32>
      %add3A_329 = arith.addi %add3A_328, %iota3A : vector<16xi32>
      %add3A_330 = arith.constant 16 : i32
      %add3A_331 = vector.broadcast %add3A_330 : i32 to vector<16xi32>
      %add3A_332 = arith.addi %add3A_329, %add3A_331 : vector<16xi32>
      %gather3A_333 = arith.constant 0 : i32
      %gather3A_334 = arith.constant 0 : i32
      %gather3A_335 = arith.constant 0 : i32
      %gather3A_336 = tpu.memref_slice %arg13[%gather3A_333, %gather3A_334, %gather3A_335] : memref<2x128x128xf32, #tpu.memory_space<vmem>> -> memref<1x128x128xf32, #tpu.memory_space<vmem>>
      %gather3A_337 = tpu.memref_squeeze %gather3A_336 : memref<1x128x128xf32, #tpu.memory_space<vmem>> -> memref<128x128xf32, #tpu.memory_space<vmem>>
      %gather3A_338 = tpu.vector_load_idx %gather3A_337[%broadcast_in_dim3A_300, %add3A_332] : memref<128x128xf32, #tpu.memory_space<vmem>>[vector<16xi32>, vector<16xi32>], vector<16xf32>,
      %mul3A_339 = arith.mulf %gather3A_308, %gather3A_327 : vector<16xf32>
      %mul3A_340 = arith.mulf %mul3A_339, %get3A_3 : vector<16xf32>
      %mul3A_341 = arith.mulf %gather3A_319, %gather3A_338 : vector<16xf32>
      %mul3A_342 = arith.mulf %mul3A_341, %get3A_5 : vector<16xf32>
      %add3A_343 = arith.addf %mul3A_340, %mul3A_342 : vector<16xf32>
      %reduce_sum3A_344 = arith.constant true
      %reduce_sum3A_345 = vector.broadcast %reduce_sum3A_344 : i1 to vector<16xi1>
      %reduce_sum3A_346 = tpu.scan <sum>, %add3A_343 masked %reduce_sum3A_345 : vector<16xf32>, vector<16xi1> -> vector<16xf32>
      %reduce_sum3A_347 = vector.extract %reduce_sum3A_346[15] : f32 from vector<16xf32>
      %eq3A_348 = arith.constant 1 : i32
      %eq3A_349 = vector.broadcast %eq3A_348 : i32 to vector<16xi32>
      %eq3A_350 = arith.cmpi eq, %iota3A, %eq3A_349 : vector<16xi32>
      %broadcast_in_dim3A_351 = vector.broadcast %reduce_sum3A_347 : f32 to vector<16xf32>
      %select_n3A_352 = arith.select %eq3A_350, %broadcast_in_dim3A_351, %select_n3A : vector<16xi1>, vector<16xf32>
      %mul3A_353 = arith.constant 16 : i32
      %mul3A_354 = arith.muli %scan3A_221, %mul3A_353 : i32
      %add3A_355 = arith.constant 2 : i32
      %add3A_356 = arith.addi %mul3A_354, %add3A_355 : i32
      %slice3A_357 = vector.extract_strided_slice %get3A_227 {offsets = [2], sizes = [1], strides = [1]} : vector<16xi32> to vector<1xi32>
      %squeeze3A_358 = vector.extract %slice3A_357[0] : i32 from vector<1xi32>
      %rem3A_359 = arith.constant 4 : i32
      %rem3A_360 = arith.remsi %squeeze3A_358, %rem3A_359 : i32
      %mul3A_361 = arith.constant 32 : i32
      %mul3A_362 = arith.muli %rem3A_360, %mul3A_361 : i32
      %div3A_363 = arith.constant 4 : i32
      %div3A_364 = arith.divsi %squeeze3A_358, %div3A_363 : i32
      %mul3A_365 = arith.constant 32 : i32
      %mul3A_366 = arith.muli %div3A_364, %mul3A_365 : i32
      %broadcast_in_dim3A_367 = vector.broadcast %add3A_356 : i32 to vector<16xi32>
      %add3A_368 = vector.broadcast %mul3A_362 : i32 to vector<16xi32>
      %add3A_369 = arith.addi %add3A_368, %iota3A : vector<16xi32>
      %gather3A_370 = arith.constant 0 : i32
      %gather3A_371 = arith.constant 0 : i32
      %gather3A_372 = arith.constant 0 : i32
      %gather3A_373 = tpu.memref_slice %arg12[%gather3A_370, %gather3A_371, %gather3A_372] : memref<2x128x128xf32, #tpu.memory_space<vmem>> -> memref<1x128x128xf32, #tpu.memory_space<vmem>>
      %gather3A_374 = tpu.memref_squeeze %gather3A_373 : memref<1x128x128xf32, #tpu.memory_space<vmem>> -> memref<128x128xf32, #tpu.memory_space<vmem>>
      %gather3A_375 = tpu.vector_load_idx %gather3A_374[%broadcast_in_dim3A_367, %add3A_369] : memref<128x128xf32, #tpu.memory_space<vmem>>[vector<16xi32>, vector<16xi32>], vector<16xf32>,
      %add3A_376 = vector.broadcast %mul3A_362 : i32 to vector<16xi32>
      %add3A_377 = arith.addi %add3A_376, %iota3A : vector<16xi32>
      %add3A_378 = arith.constant 16 : i32
      %add3A_379 = vector.broadcast %add3A_378 : i32 to vector<16xi32>
      %add3A_380 = arith.addi %add3A_377, %add3A_379 : vector<16xi32>
      %gather3A_381 = arith.constant 0 : i32
      %gather3A_382 = arith.constant 0 : i32
      %gather3A_383 = arith.constant 0 : i32
      %gather3A_384 = tpu.memref_slice %arg12[%gather3A_381, %gather3A_382, %gather3A_383] : memref<2x128x128xf32, #tpu.memory_space<vmem>> -> memref<1x128x128xf32, #tpu.memory_space<vmem>>
      %gather3A_385 = tpu.memref_squeeze %gather3A_384 : memref<1x128x128xf32, #tpu.memory_space<vmem>> -> memref<128x128xf32, #tpu.memory_space<vmem>>
      %gather3A_386 = tpu.vector_load_idx %gather3A_385[%broadcast_in_dim3A_367, %add3A_380] : memref<128x128xf32, #tpu.memory_space<vmem>>[vector<16xi32>, vector<16xi32>], vector<16xf32>,
      %add3A_387 = vector.broadcast %mul3A_366 : i32 to vector<16xi32>
      %add3A_388 = arith.addi %add3A_387, %iota3A : vector<16xi32>
      %gather3A_389 = arith.constant 0 : i32
      %gather3A_390 = arith.constant 0 : i32
      %gather3A_391 = arith.constant 0 : i32
      %gather3A_392 = tpu.memref_slice %arg13[%gather3A_389, %gather3A_390, %gather3A_391] : memref<2x128x128xf32, #tpu.memory_space<vmem>> -> memref<1x128x128xf32, #tpu.memory_space<vmem>>
      %gather3A_393 = tpu.memref_squeeze %gather3A_392 : memref<1x128x128xf32, #tpu.memory_space<vmem>> -> memref<128x128xf32, #tpu.memory_space<vmem>>
      %gather3A_394 = tpu.vector_load_idx %gather3A_393[%broadcast_in_dim3A_367, %add3A_388] : memref<128x128xf32, #tpu.memory_space<vmem>>[vector<16xi32>, vector<16xi32>], vector<16xf32>,
      %add3A_395 = vector.broadcast %mul3A_366 : i32 to vector<16xi32>
      %add3A_396 = arith.addi %add3A_395, %iota3A : vector<16xi32>
      %add3A_397 = arith.constant 16 : i32
      %add3A_398 = vector.broadcast %add3A_397 : i32 to vector<16xi32>
      %add3A_399 = arith.addi %add3A_396, %add3A_398 : vector<16xi32>
      %gather3A_400 = arith.constant 0 : i32
      %gather3A_401 = arith.constant 0 : i32
      %gather3A_402 = arith.constant 0 : i32
      %gather3A_403 = tpu.memref_slice %arg13[%gather3A_400, %gather3A_401, %gather3A_402] : memref<2x128x128xf32, #tpu.memory_space<vmem>> -> memref<1x128x128xf32, #tpu.memory_space<vmem>>
      %gather3A_404 = tpu.memref_squeeze %gather3A_403 : memref<1x128x128xf32, #tpu.memory_space<vmem>> -> memref<128x128xf32, #tpu.memory_space<vmem>>
      %gather3A_405 = tpu.vector_load_idx %gather3A_404[%broadcast_in_dim3A_367, %add3A_399] : memref<128x128xf32, #tpu.memory_space<vmem>>[vector<16xi32>, vector<16xi32>], vector<16xf32>,
      %mul3A_406 = arith.mulf %gather3A_375, %gather3A_394 : vector<16xf32>
      %mul3A_407 = arith.mulf %mul3A_406, %get3A_3 : vector<16xf32>
      %mul3A_408 = arith.mulf %gather3A_386, %gather3A_405 : vector<16xf32>
      %mul3A_409 = arith.mulf %mul3A_408, %get3A_5 : vector<16xf32>
      %add3A_410 = arith.addf %mul3A_407, %mul3A_409 : vector<16xf32>
      %reduce_sum3A_411 = arith.constant true
      %reduce_sum3A_412 = vector.broadcast %reduce_sum3A_411 : i1 to vector<16xi1>
      %reduce_sum3A_413 = tpu.scan <sum>, %add3A_410 masked %reduce_sum3A_412 : vector<16xf32>, vector<16xi1> -> vector<16xf32>
      %reduce_sum3A_414 = vector.extract %reduce_sum3A_413[15] : f32 from vector<16xf32>
      %eq3A_415 = arith.constant 2 : i32
      %eq3A_416 = vector.broadcast %eq3A_415 : i32 to vector<16xi32>
      %eq3A_417 = arith.cmpi eq, %iota3A, %eq3A_416 : vector<16xi32>
      %broadcast_in_dim3A_418 = vector.broadcast %reduce_sum3A_414 : f32 to vector<16xf32>
      %select_n3A_419 = arith.select %eq3A_417, %broadcast_in_dim3A_418, %select_n3A_352 : vector<16xi1>, vector<16xf32>
      %mul3A_420 = arith.constant 16 : i32
      %mul3A_421 = arith.muli %scan3A_221, %mul3A_420 : i32
      %add3A_422 = arith.constant 3 : i32
      %add3A_423 = arith.addi %mul3A_421, %add3A_422 : i32
      %slice3A_424 = vector.extract_strided_slice %get3A_227 {offsets = [3], sizes = [1], strides = [1]} : vector<16xi32> to vector<1xi32>
      %squeeze3A_425 = vector.extract %slice3A_424[0] : i32 from vector<1xi32>
      %rem3A_426 = arith.constant 4 : i32
      %rem3A_427 = arith.remsi %squeeze3A_425, %rem3A_426 : i32
      %mul3A_428 = arith.constant 32 : i32
      %mul3A_429 = arith.muli %rem3A_427, %mul3A_428 : i32
      %div3A_430 = arith.constant 4 : i32
      %div3A_431 = arith.divsi %squeeze3A_425, %div3A_430 : i32
      %mul3A_432 = arith.constant 32 : i32
      %mul3A_433 = arith.muli %div3A_431, %mul3A_432 : i32
      %broadcast_in_dim3A_434 = vector.broadcast %add3A_423 : i32 to vector<16xi32>
      %add3A_435 = vector.broadcast %mul3A_429 : i32 to vector<16xi32>
      %add3A_436 = arith.addi %add3A_435, %iota3A : vector<16xi32>
      %gather3A_437 = arith.constant 0 : i32
      %gather3A_438 = arith.constant 0 : i32
      %gather3A_439 = arith.constant 0 : i32
      %gather3A_440 = tpu.memref_slice %arg12[%gather3A_437, %gather3A_438, %gather3A_439] : memref<2x128x128xf32, #tpu.memory_space<vmem>> -> memref<1x128x128xf32, #tpu.memory_space<vmem>>
      %gather3A_441 = tpu.memref_squeeze %gather3A_440 : memref<1x128x128xf32, #tpu.memory_space<vmem>> -> memref<128x128xf32, #tpu.memory_space<vmem>>
      %gather3A_442 = tpu.vector_load_idx %gather3A_441[%broadcast_in_dim3A_434, %add3A_436] : memref<128x128xf32, #tpu.memory_space<vmem>>[vector<16xi32>, vector<16xi32>], vector<16xf32>,
      %add3A_443 = vector.broadcast %mul3A_429 : i32 to vector<16xi32>
      %add3A_444 = arith.addi %add3A_443, %iota3A : vector<16xi32>
      %add3A_445 = arith.constant 16 : i32
      %add3A_446 = vector.broadcast %add3A_445 : i32 to vector<16xi32>
      %add3A_447 = arith.addi %add3A_444, %add3A_446 : vector<16xi32>
      %gather3A_448 = arith.constant 0 : i32
      %gather3A_449 = arith.constant 0 : i32
      %gather3A_450 = arith.constant 0 : i32
      %gather3A_451 = tpu.memref_slice %arg12[%gather3A_448, %gather3A_449, %gather3A_450] : memref<2x128x128xf32, #tpu.memory_space<vmem>> -> memref<1x128x128xf32, #tpu.memory_space<vmem>>
      %gather3A_452 = tpu.memref_squeeze %gather3A_451 : memref<1x128x128xf32, #tpu.memory_space<vmem>> -> memref<128x128xf32, #tpu.memory_space<vmem>>
      %gather3A_453 = tpu.vector_load_idx %gather3A_452[%broadcast_in_dim3A_434, %add3A_447] : memref<128x128xf32, #tpu.memory_space<vmem>>[vector<16xi32>, vector<16xi32>], vector<16xf32>,
      %add3A_454 = vector.broadcast %mul3A_433 : i32 to vector<16xi32>
      %add3A_455 = arith.addi %add3A_454, %iota3A : vector<16xi32>
      %gather3A_456 = arith.constant 0 : i32
      %gather3A_457 = arith.constant 0 : i32
      %gather3A_458 = arith.constant 0 : i32
      %gather3A_459 = tpu.memref_slice %arg13[%gather3A_456, %gather3A_457, %gather3A_458] : memref<2x128x128xf32, #tpu.memory_space<vmem>> -> memref<1x128x128xf32, #tpu.memory_space<vmem>>
      %gather3A_460 = tpu.memref_squeeze %gather3A_459 : memref<1x128x128xf32, #tpu.memory_space<vmem>> -> memref<128x128xf32, #tpu.memory_space<vmem>>
      %gather3A_461 = tpu.vector_load_idx %gather3A_460[%broadcast_in_dim3A_434, %add3A_455] : memref<128x128xf32, #tpu.memory_space<vmem>>[vector<16xi32>, vector<16xi32>], vector<16xf32>,
      %add3A_462 = vector.broadcast %mul3A_433 : i32 to vector<16xi32>
      %add3A_463 = arith.addi %add3A_462, %iota3A : vector<16xi32>
      %add3A_464 = arith.constant 16 : i32
      %add3A_465 = vector.broadcast %add3A_464 : i32 to vector<16xi32>
      %add3A_466 = arith.addi %add3A_463, %add3A_465 : vector<16xi32>
      %gather3A_467 = arith.constant 0 : i32
      %gather3A_468 = arith.constant 0 : i32
      %gather3A_469 = arith.constant 0 : i32
      %gather3A_470 = tpu.memref_slice %arg13[%gather3A_467, %gather3A_468, %gather3A_469] : memref<2x128x128xf32, #tpu.memory_space<vmem>> -> memref<1x128x128xf32, #tpu.memory_space<vmem>>
      %gather3A_471 = tpu.memref_squeeze %gather3A_470 : memref<1x128x128xf32, #tpu.memory_space<vmem>> -> memref<128x128xf32, #tpu.memory_space<vmem>>
      %gather3A_472 = tpu.vector_load_idx %gather3A_471[%broadcast_in_dim3A_434, %add3A_466] : memref<128x128xf32, #tpu.memory_space<vmem>>[vector<16xi32>, vector<16xi32>], vector<16xf32>,
      %mul3A_473 = arith.mulf %gather3A_442, %gather3A_461 : vector<16xf32>
      %mul3A_474 = arith.mulf %mul3A_473, %get3A_3 : vector<16xf32>
      %mul3A_475 = arith.mulf %gather3A_453, %gather3A_472 : vector<16xf32>
      %mul3A_476 = arith.mulf %mul3A_475, %get3A_5 : vector<16xf32>
      %add3A_477 = arith.addf %mul3A_474, %mul3A_476 : vector<16xf32>
      %reduce_sum3A_478 = arith.constant true
      %reduce_sum3A_479 = vector.broadcast %reduce_sum3A_478 : i1 to vector<16xi1>
      %reduce_sum3A_480 = tpu.scan <sum>, %add3A_477 masked %reduce_sum3A_479 : vector<16xf32>, vector<16xi1> -> vector<16xf32>
      %reduce_sum3A_481 = vector.extract %reduce_sum3A_480[15] : f32 from vector<16xf32>
      %eq3A_482 = arith.constant 3 : i32
      %eq3A_483 = vector.broadcast %eq3A_482 : i32 to vector<16xi32>
      %eq3A_484 = arith.cmpi eq, %iota3A, %eq3A_483 : vector<16xi32>
      %broadcast_in_dim3A_485 = vector.broadcast %reduce_sum3A_481 : f32 to vector<16xf32>
      %select_n3A_486 = arith.select %eq3A_484, %broadcast_in_dim3A_485, %select_n3A_419 : vector<16xi1>, vector<16xf32>
      %mul3A_487 = arith.constant 16 : i32
      %mul3A_488 = arith.muli %scan3A_221, %mul3A_487 : i32
      %add3A_489 = arith.constant 4 : i32
      %add3A_490 = arith.addi %mul3A_488, %add3A_489 : i32
      %slice3A_491 = vector.extract_strided_slice %get3A_227 {offsets = [4], sizes = [1], strides = [1]} : vector<16xi32> to vector<1xi32>
      %squeeze3A_492 = vector.extract %slice3A_491[0] : i32 from vector<1xi32>
      %rem3A_493 = arith.constant 4 : i32
      %rem3A_494 = arith.remsi %squeeze3A_492, %rem3A_493 : i32
      %mul3A_495 = arith.constant 32 : i32
      %mul3A_496 = arith.muli %rem3A_494, %mul3A_495 : i32
      %div3A_497 = arith.constant 4 : i32
      %div3A_498 = arith.divsi %squeeze3A_492, %div3A_497 : i32
      %mul3A_499 = arith.constant 32 : i32
      %mul3A_500 = arith.muli %div3A_498, %mul3A_499 : i32
      %broadcast_in_dim3A_501 = vector.broadcast %add3A_490 : i32 to vector<16xi32>
      %add3A_502 = vector.broadcast %mul3A_496 : i32 to vector<16xi32>
      %add3A_503 = arith.addi %add3A_502, %iota3A : vector<16xi32>
      %gather3A_504 = arith.constant 0 : i32
      %gather3A_505 = arith.constant 0 : i32
      %gather3A_506 = arith.constant 0 : i32
      %gather3A_507 = tpu.memref_slice %arg12[%gather3A_504, %gather3A_505, %gather3A_506] : memref<2x128x128xf32, #tpu.memory_space<vmem>> -> memref<1x128x128xf32, #tpu.memory_space<vmem>>
      %gather3A_508 = tpu.memref_squeeze %gather3A_507 : memref<1x128x128xf32, #tpu.memory_space<vmem>> -> memref<128x128xf32, #tpu.memory_space<vmem>>
      %gather3A_509 = tpu.vector_load_idx %gather3A_508[%broadcast_in_dim3A_501, %add3A_503] : memref<128x128xf32, #tpu.memory_space<vmem>>[vector<16xi32>, vector<16xi32>], vector<16xf32>,
      %add3A_510 = vector.broadcast %mul3A_496 : i32 to vector<16xi32>
      %add3A_511 = arith.addi %add3A_510, %iota3A : vector<16xi32>
      %add3A_512 = arith.constant 16 : i32
      %add3A_513 = vector.broadcast %add3A_512 : i32 to vector<16xi32>
      %add3A_514 = arith.addi %add3A_511, %add3A_513 : vector<16xi32>
      %gather3A_515 = arith.constant 0 : i32
      %gather3A_516 = arith.constant 0 : i32
      %gather3A_517 = arith.constant 0 : i32
      %gather3A_518 = tpu.memref_slice %arg12[%gather3A_515, %gather3A_516, %gather3A_517] : memref<2x128x128xf32, #tpu.memory_space<vmem>> -> memref<1x128x128xf32, #tpu.memory_space<vmem>>
      %gather3A_519 = tpu.memref_squeeze %gather3A_518 : memref<1x128x128xf32, #tpu.memory_space<vmem>> -> memref<128x128xf32, #tpu.memory_space<vmem>>
      %gather3A_520 = tpu.vector_load_idx %gather3A_519[%broadcast_in_dim3A_501, %add3A_514] : memref<128x128xf32, #tpu.memory_space<vmem>>[vector<16xi32>, vector<16xi32>], vector<16xf32>,
      %add3A_521 = vector.broadcast %mul3A_500 : i32 to vector<16xi32>
      %add3A_522 = arith.addi %add3A_521, %iota3A : vector<16xi32>
      %gather3A_523 = arith.constant 0 : i32
      %gather3A_524 = arith.constant 0 : i32
      %gather3A_525 = arith.constant 0 : i32
      %gather3A_526 = tpu.memref_slice %arg13[%gather3A_523, %gather3A_524, %gather3A_525] : memref<2x128x128xf32, #tpu.memory_space<vmem>> -> memref<1x128x128xf32, #tpu.memory_space<vmem>>
      %gather3A_527 = tpu.memref_squeeze %gather3A_526 : memref<1x128x128xf32, #tpu.memory_space<vmem>> -> memref<128x128xf32, #tpu.memory_space<vmem>>
      %gather3A_528 = tpu.vector_load_idx %gather3A_527[%broadcast_in_dim3A_501, %add3A_522] : memref<128x128xf32, #tpu.memory_space<vmem>>[vector<16xi32>, vector<16xi32>], vector<16xf32>,
      %add3A_529 = vector.broadcast %mul3A_500 : i32 to vector<16xi32>
      %add3A_530 = arith.addi %add3A_529, %iota3A : vector<16xi32>
      %add3A_531 = arith.constant 16 : i32
      %add3A_532 = vector.broadcast %add3A_531 : i32 to vector<16xi32>
      %add3A_533 = arith.addi %add3A_530, %add3A_532 : vector<16xi32>
      %gather3A_534 = arith.constant 0 : i32
      %gather3A_535 = arith.constant 0 : i32
      %gather3A_536 = arith.constant 0 : i32
      %gather3A_537 = tpu.memref_slice %arg13[%gather3A_534, %gather3A_535, %gather3A_536] : memref<2x128x128xf32, #tpu.memory_space<vmem>> -> memref<1x128x128xf32, #tpu.memory_space<vmem>>
      %gather3A_538 = tpu.memref_squeeze %gather3A_537 : memref<1x128x128xf32, #tpu.memory_space<vmem>> -> memref<128x128xf32, #tpu.memory_space<vmem>>
      %gather3A_539 = tpu.vector_load_idx %gather3A_538[%broadcast_in_dim3A_501, %add3A_533] : memref<128x128xf32, #tpu.memory_space<vmem>>[vector<16xi32>, vector<16xi32>], vector<16xf32>,
      %mul3A_540 = arith.mulf %gather3A_509, %gather3A_528 : vector<16xf32>
      %mul3A_541 = arith.mulf %mul3A_540, %get3A_3 : vector<16xf32>
      %mul3A_542 = arith.mulf %gather3A_520, %gather3A_539 : vector<16xf32>
      %mul3A_543 = arith.mulf %mul3A_542, %get3A_5 : vector<16xf32>
      %add3A_544 = arith.addf %mul3A_541, %mul3A_543 : vector<16xf32>
      %reduce_sum3A_545 = arith.constant true
      %reduce_sum3A_546 = vector.broadcast %reduce_sum3A_545 : i1 to vector<16xi1>
      %reduce_sum3A_547 = tpu.scan <sum>, %add3A_544 masked %reduce_sum3A_546 : vector<16xf32>, vector<16xi1> -> vector<16xf32>
      %reduce_sum3A_548 = vector.extract %reduce_sum3A_547[15] : f32 from vector<16xf32>
      %eq3A_549 = arith.constant 4 : i32
      %eq3A_550 = vector.broadcast %eq3A_549 : i32 to vector<16xi32>
      %eq3A_551 = arith.cmpi eq, %iota3A, %eq3A_550 : vector<16xi32>
      %broadcast_in_dim3A_552 = vector.broadcast %reduce_sum3A_548 : f32 to vector<16xf32>
      %select_n3A_553 = arith.select %eq3A_551, %broadcast_in_dim3A_552, %select_n3A_486 : vector<16xi1>, vector<16xf32>
      %mul3A_554 = arith.constant 16 : i32
      %mul3A_555 = arith.muli %scan3A_221, %mul3A_554 : i32
      %add3A_556 = arith.constant 5 : i32
      %add3A_557 = arith.addi %mul3A_555, %add3A_556 : i32
      %slice3A_558 = vector.extract_strided_slice %get3A_227 {offsets = [5], sizes = [1], strides = [1]} : vector<16xi32> to vector<1xi32>
      %squeeze3A_559 = vector.extract %slice3A_558[0] : i32 from vector<1xi32>
      %rem3A_560 = arith.constant 4 : i32
      %rem3A_561 = arith.remsi %squeeze3A_559, %rem3A_560 : i32
      %mul3A_562 = arith.constant 32 : i32
      %mul3A_563 = arith.muli %rem3A_561, %mul3A_562 : i32
      %div3A_564 = arith.constant 4 : i32
      %div3A_565 = arith.divsi %squeeze3A_559, %div3A_564 : i32
      %mul3A_566 = arith.constant 32 : i32
      %mul3A_567 = arith.muli %div3A_565, %mul3A_566 : i32
      %broadcast_in_dim3A_568 = vector.broadcast %add3A_557 : i32 to vector<16xi32>
      %add3A_569 = vector.broadcast %mul3A_563 : i32 to vector<16xi32>
      %add3A_570 = arith.addi %add3A_569, %iota3A : vector<16xi32>
      %gather3A_571 = arith.constant 0 : i32
      %gather3A_572 = arith.constant 0 : i32
      %gather3A_573 = arith.constant 0 : i32
      %gather3A_574 = tpu.memref_slice %arg12[%gather3A_571, %gather3A_572, %gather3A_573] : memref<2x128x128xf32, #tpu.memory_space<vmem>> -> memref<1x128x128xf32, #tpu.memory_space<vmem>>
      %gather3A_575 = tpu.memref_squeeze %gather3A_574 : memref<1x128x128xf32, #tpu.memory_space<vmem>> -> memref<128x128xf32, #tpu.memory_space<vmem>>
      %gather3A_576 = tpu.vector_load_idx %gather3A_575[%broadcast_in_dim3A_568, %add3A_570] : memref<128x128xf32, #tpu.memory_space<vmem>>[vector<16xi32>, vector<16xi32>], vector<16xf32>,
      %add3A_577 = vector.broadcast %mul3A_563 : i32 to vector<16xi32>
      %add3A_578 = arith.addi %add3A_577, %iota3A : vector<16xi32>
      %add3A_579 = arith.constant 16 : i32
      %add3A_580 = vector.broadcast %add3A_579 : i32 to vector<16xi32>
      %add3A_581 = arith.addi %add3A_578, %add3A_580 : vector<16xi32>
      %gather3A_582 = arith.constant 0 : i32
      %gather3A_583 = arith.constant 0 : i32
      %gather3A_584 = arith.constant 0 : i32
      %gather3A_585 = tpu.memref_slice %arg12[%gather3A_582, %gather3A_583, %gather3A_584] : memref<2x128x128xf32, #tpu.memory_space<vmem>> -> memref<1x128x128xf32, #tpu.memory_space<vmem>>
      %gather3A_586 = tpu.memref_squeeze %gather3A_585 : memref<1x128x128xf32, #tpu.memory_space<vmem>> -> memref<128x128xf32, #tpu.memory_space<vmem>>
      %gather3A_587 = tpu.vector_load_idx %gather3A_586[%broadcast_in_dim3A_568, %add3A_581] : memref<128x128xf32, #tpu.memory_space<vmem>>[vector<16xi32>, vector<16xi32>], vector<16xf32>,
      %add3A_588 = vector.broadcast %mul3A_567 : i32 to vector<16xi32>
      %add3A_589 = arith.addi %add3A_588, %iota3A : vector<16xi32>
      %gather3A_590 = arith.constant 0 : i32
      %gather3A_591 = arith.constant 0 : i32
      %gather3A_592 = arith.constant 0 : i32
      %gather3A_593 = tpu.memref_slice %arg13[%gather3A_590, %gather3A_591, %gather3A_592] : memref<2x128x128xf32, #tpu.memory_space<vmem>> -> memref<1x128x128xf32, #tpu.memory_space<vmem>>
      %gather3A_594 = tpu.memref_squeeze %gather3A_593 : memref<1x128x128xf32, #tpu.memory_space<vmem>> -> memref<128x128xf32, #tpu.memory_space<vmem>>
      %gather3A_595 = tpu.vector_load_idx %gather3A_594[%broadcast_in_dim3A_568, %add3A_589] : memref<128x128xf32, #tpu.memory_space<vmem>>[vector<16xi32>, vector<16xi32>], vector<16xf32>,
      %add3A_596 = vector.broadcast %mul3A_567 : i32 to vector<16xi32>
      %add3A_597 = arith.addi %add3A_596, %iota3A : vector<16xi32>
      %add3A_598 = arith.constant 16 : i32
      %add3A_599 = vector.broadcast %add3A_598 : i32 to vector<16xi32>
      %add3A_600 = arith.addi %add3A_597, %add3A_599 : vector<16xi32>
      %gather3A_601 = arith.constant 0 : i32
      %gather3A_602 = arith.constant 0 : i32
      %gather3A_603 = arith.constant 0 : i32
      %gather3A_604 = tpu.memref_slice %arg13[%gather3A_601, %gather3A_602, %gather3A_603] : memref<2x128x128xf32, #tpu.memory_space<vmem>> -> memref<1x128x128xf32, #tpu.memory_space<vmem>>
      %gather3A_605 = tpu.memref_squeeze %gather3A_604 : memref<1x128x128xf32, #tpu.memory_space<vmem>> -> memref<128x128xf32, #tpu.memory_space<vmem>>
      %gather3A_606 = tpu.vector_load_idx %gather3A_605[%broadcast_in_dim3A_568, %add3A_600] : memref<128x128xf32, #tpu.memory_space<vmem>>[vector<16xi32>, vector<16xi32>], vector<16xf32>,
      %mul3A_607 = arith.mulf %gather3A_576, %gather3A_595 : vector<16xf32>
      %mul3A_608 = arith.mulf %mul3A_607, %get3A_3 : vector<16xf32>
      %mul3A_609 = arith.mulf %gather3A_587, %gather3A_606 : vector<16xf32>
      %mul3A_610 = arith.mulf %mul3A_609, %get3A_5 : vector<16xf32>
      %add3A_611 = arith.addf %mul3A_608, %mul3A_610 : vector<16xf32>
      %reduce_sum3A_612 = arith.constant true
      %reduce_sum3A_613 = vector.broadcast %reduce_sum3A_612 : i1 to vector<16xi1>
      %reduce_sum3A_614 = tpu.scan <sum>, %add3A_611 masked %reduce_sum3A_613 : vector<16xf32>, vector<16xi1> -> vector<16xf32>
      %reduce_sum3A_615 = vector.extract %reduce_sum3A_614[15] : f32 from vector<16xf32>
      %eq3A_616 = arith.constant 5 : i32
      %eq3A_617 = vector.broadcast %eq3A_616 : i32 to vector<16xi32>
      %eq3A_618 = arith.cmpi eq, %iota3A, %eq3A_617 : vector<16xi32>
      %broadcast_in_dim3A_619 = vector.broadcast %reduce_sum3A_615 : f32 to vector<16xf32>
      %select_n3A_620 = arith.select %eq3A_618, %broadcast_in_dim3A_619, %select_n3A_553 : vector<16xi1>, vector<16xf32>
      %mul3A_621 = arith.constant 16 : i32
      %mul3A_622 = arith.muli %scan3A_221, %mul3A_621 : i32
      %add3A_623 = arith.constant 6 : i32
      %add3A_624 = arith.addi %mul3A_622, %add3A_623 : i32
      %slice3A_625 = vector.extract_strided_slice %get3A_227 {offsets = [6], sizes = [1], strides = [1]} : vector<16xi32> to vector<1xi32>
      %squeeze3A_626 = vector.extract %slice3A_625[0] : i32 from vector<1xi32>
      %rem3A_627 = arith.constant 4 : i32
      %rem3A_628 = arith.remsi %squeeze3A_626, %rem3A_627 : i32
      %mul3A_629 = arith.constant 32 : i32
      %mul3A_630 = arith.muli %rem3A_628, %mul3A_629 : i32
      %div3A_631 = arith.constant 4 : i32
      %div3A_632 = arith.divsi %squeeze3A_626, %div3A_631 : i32
      %mul3A_633 = arith.constant 32 : i32
      %mul3A_634 = arith.muli %div3A_632, %mul3A_633 : i32
      %broadcast_in_dim3A_635 = vector.broadcast %add3A_624 : i32 to vector<16xi32>
      %add3A_636 = vector.broadcast %mul3A_630 : i32 to vector<16xi32>
      %add3A_637 = arith.addi %add3A_636, %iota3A : vector<16xi32>
      %gather3A_638 = arith.constant 0 : i32
      %gather3A_639 = arith.constant 0 : i32
      %gather3A_640 = arith.constant 0 : i32
      %gather3A_641 = tpu.memref_slice %arg12[%gather3A_638, %gather3A_639, %gather3A_640] : memref<2x128x128xf32, #tpu.memory_space<vmem>> -> memref<1x128x128xf32, #tpu.memory_space<vmem>>
      %gather3A_642 = tpu.memref_squeeze %gather3A_641 : memref<1x128x128xf32, #tpu.memory_space<vmem>> -> memref<128x128xf32, #tpu.memory_space<vmem>>
      %gather3A_643 = tpu.vector_load_idx %gather3A_642[%broadcast_in_dim3A_635, %add3A_637] : memref<128x128xf32, #tpu.memory_space<vmem>>[vector<16xi32>, vector<16xi32>], vector<16xf32>,
      %add3A_644 = vector.broadcast %mul3A_630 : i32 to vector<16xi32>
      %add3A_645 = arith.addi %add3A_644, %iota3A : vector<16xi32>
      %add3A_646 = arith.constant 16 : i32
      %add3A_647 = vector.broadcast %add3A_646 : i32 to vector<16xi32>
      %add3A_648 = arith.addi %add3A_645, %add3A_647 : vector<16xi32>
      %gather3A_649 = arith.constant 0 : i32
      %gather3A_650 = arith.constant 0 : i32
      %gather3A_651 = arith.constant 0 : i32
      %gather3A_652 = tpu.memref_slice %arg12[%gather3A_649, %gather3A_650, %gather3A_651] : memref<2x128x128xf32, #tpu.memory_space<vmem>> -> memref<1x128x128xf32, #tpu.memory_space<vmem>>
      %gather3A_653 = tpu.memref_squeeze %gather3A_652 : memref<1x128x128xf32, #tpu.memory_space<vmem>> -> memref<128x128xf32, #tpu.memory_space<vmem>>
      %gather3A_654 = tpu.vector_load_idx %gather3A_653[%broadcast_in_dim3A_635, %add3A_648] : memref<128x128xf32, #tpu.memory_space<vmem>>[vector<16xi32>, vector<16xi32>], vector<16xf32>,
      %add3A_655 = vector.broadcast %mul3A_634 : i32 to vector<16xi32>
      %add3A_656 = arith.addi %add3A_655, %iota3A : vector<16xi32>
      %gather3A_657 = arith.constant 0 : i32
      %gather3A_658 = arith.constant 0 : i32
      %gather3A_659 = arith.constant 0 : i32
      %gather3A_660 = tpu.memref_slice %arg13[%gather3A_657, %gather3A_658, %gather3A_659] : memref<2x128x128xf32, #tpu.memory_space<vmem>> -> memref<1x128x128xf32, #tpu.memory_space<vmem>>
      %gather3A_661 = tpu.memref_squeeze %gather3A_660 : memref<1x128x128xf32, #tpu.memory_space<vmem>> -> memref<128x128xf32, #tpu.memory_space<vmem>>
      %gather3A_662 = tpu.vector_load_idx %gather3A_661[%broadcast_in_dim3A_635, %add3A_656] : memref<128x128xf32, #tpu.memory_space<vmem>>[vector<16xi32>, vector<16xi32>], vector<16xf32>,
      %add3A_663 = vector.broadcast %mul3A_634 : i32 to vector<16xi32>
      %add3A_664 = arith.addi %add3A_663, %iota3A : vector<16xi32>
      %add3A_665 = arith.constant 16 : i32
      %add3A_666 = vector.broadcast %add3A_665 : i32 to vector<16xi32>
      %add3A_667 = arith.addi %add3A_664, %add3A_666 : vector<16xi32>
      %gather3A_668 = arith.constant 0 : i32
      %gather3A_669 = arith.constant 0 : i32
      %gather3A_670 = arith.constant 0 : i32
      %gather3A_671 = tpu.memref_slice %arg13[%gather3A_668, %gather3A_669, %gather3A_670] : memref<2x128x128xf32, #tpu.memory_space<vmem>> -> memref<1x128x128xf32, #tpu.memory_space<vmem>>
      %gather3A_672 = tpu.memref_squeeze %gather3A_671 : memref<1x128x128xf32, #tpu.memory_space<vmem>> -> memref<128x128xf32, #tpu.memory_space<vmem>>
      %gather3A_673 = tpu.vector_load_idx %gather3A_672[%broadcast_in_dim3A_635, %add3A_667] : memref<128x128xf32, #tpu.memory_space<vmem>>[vector<16xi32>, vector<16xi32>], vector<16xf32>,
      %mul3A_674 = arith.mulf %gather3A_643, %gather3A_662 : vector<16xf32>
      %mul3A_675 = arith.mulf %mul3A_674, %get3A_3 : vector<16xf32>
      %mul3A_676 = arith.mulf %gather3A_654, %gather3A_673 : vector<16xf32>
      %mul3A_677 = arith.mulf %mul3A_676, %get3A_5 : vector<16xf32>
      %add3A_678 = arith.addf %mul3A_675, %mul3A_677 : vector<16xf32>
      %reduce_sum3A_679 = arith.constant true
      %reduce_sum3A_680 = vector.broadcast %reduce_sum3A_679 : i1 to vector<16xi1>
      %reduce_sum3A_681 = tpu.scan <sum>, %add3A_678 masked %reduce_sum3A_680 : vector<16xf32>, vector<16xi1> -> vector<16xf32>
      %reduce_sum3A_682 = vector.extract %reduce_sum3A_681[15] : f32 from vector<16xf32>
      %eq3A_683 = arith.constant 6 : i32
      %eq3A_684 = vector.broadcast %eq3A_683 : i32 to vector<16xi32>
      %eq3A_685 = arith.cmpi eq, %iota3A, %eq3A_684 : vector<16xi32>
      %broadcast_in_dim3A_686 = vector.broadcast %reduce_sum3A_682 : f32 to vector<16xf32>
      %select_n3A_687 = arith.select %eq3A_685, %broadcast_in_dim3A_686, %select_n3A_620 : vector<16xi1>, vector<16xf32>
      %mul3A_688 = arith.constant 16 : i32
      %mul3A_689 = arith.muli %scan3A_221, %mul3A_688 : i32
      %add3A_690 = arith.constant 7 : i32
      %add3A_691 = arith.addi %mul3A_689, %add3A_690 : i32
      %slice3A_692 = vector.extract_strided_slice %get3A_227 {offsets = [7], sizes = [1], strides = [1]} : vector<16xi32> to vector<1xi32>
      %squeeze3A_693 = vector.extract %slice3A_692[0] : i32 from vector<1xi32>
      %rem3A_694 = arith.constant 4 : i32
      %rem3A_695 = arith.remsi %squeeze3A_693, %rem3A_694 : i32
      %mul3A_696 = arith.constant 32 : i32
      %mul3A_697 = arith.muli %rem3A_695, %mul3A_696 : i32
      %div3A_698 = arith.constant 4 : i32
      %div3A_699 = arith.divsi %squeeze3A_693, %div3A_698 : i32
      %mul3A_700 = arith.constant 32 : i32
      %mul3A_701 = arith.muli %div3A_699, %mul3A_700 : i32
      %broadcast_in_dim3A_702 = vector.broadcast %add3A_691 : i32 to vector<16xi32>
      %add3A_703 = vector.broadcast %mul3A_697 : i32 to vector<16xi32>
      %add3A_704 = arith.addi %add3A_703, %iota3A : vector<16xi32>
      %gather3A_705 = arith.constant 0 : i32
      %gather3A_706 = arith.constant 0 : i32
      %gather3A_707 = arith.constant 0 : i32
      %gather3A_708 = tpu.memref_slice %arg12[%gather3A_705, %gather3A_706, %gather3A_707] : memref<2x128x128xf32, #tpu.memory_space<vmem>> -> memref<1x128x128xf32, #tpu.memory_space<vmem>>
      %gather3A_709 = tpu.memref_squeeze %gather3A_708 : memref<1x128x128xf32, #tpu.memory_space<vmem>> -> memref<128x128xf32, #tpu.memory_space<vmem>>
      %gather3A_710 = tpu.vector_load_idx %gather3A_709[%broadcast_in_dim3A_702, %add3A_704] : memref<128x128xf32, #tpu.memory_space<vmem>>[vector<16xi32>, vector<16xi32>], vector<16xf32>,
      %add3A_711 = vector.broadcast %mul3A_697 : i32 to vector<16xi32>
      %add3A_712 = arith.addi %add3A_711, %iota3A : vector<16xi32>
      %add3A_713 = arith.constant 16 : i32
      %add3A_714 = vector.broadcast %add3A_713 : i32 to vector<16xi32>
      %add3A_715 = arith.addi %add3A_712, %add3A_714 : vector<16xi32>
      %gather3A_716 = arith.constant 0 : i32
      %gather3A_717 = arith.constant 0 : i32
      %gather3A_718 = arith.constant 0 : i32
      %gather3A_719 = tpu.memref_slice %arg12[%gather3A_716, %gather3A_717, %gather3A_718] : memref<2x128x128xf32, #tpu.memory_space<vmem>> -> memref<1x128x128xf32, #tpu.memory_space<vmem>>
      %gather3A_720 = tpu.memref_squeeze %gather3A_719 : memref<1x128x128xf32, #tpu.memory_space<vmem>> -> memref<128x128xf32, #tpu.memory_space<vmem>>
      %gather3A_721 = tpu.vector_load_idx %gather3A_720[%broadcast_in_dim3A_702, %add3A_715] : memref<128x128xf32, #tpu.memory_space<vmem>>[vector<16xi32>, vector<16xi32>], vector<16xf32>,
      %add3A_722 = vector.broadcast %mul3A_701 : i32 to vector<16xi32>
      %add3A_723 = arith.addi %add3A_722, %iota3A : vector<16xi32>
      %gather3A_724 = arith.constant 0 : i32
      %gather3A_725 = arith.constant 0 : i32
      %gather3A_726 = arith.constant 0 : i32
      %gather3A_727 = tpu.memref_slice %arg13[%gather3A_724, %gather3A_725, %gather3A_726] : memref<2x128x128xf32, #tpu.memory_space<vmem>> -> memref<1x128x128xf32, #tpu.memory_space<vmem>>
      %gather3A_728 = tpu.memref_squeeze %gather3A_727 : memref<1x128x128xf32, #tpu.memory_space<vmem>> -> memref<128x128xf32, #tpu.memory_space<vmem>>
      %gather3A_729 = tpu.vector_load_idx %gather3A_728[%broadcast_in_dim3A_702, %add3A_723] : memref<128x128xf32, #tpu.memory_space<vmem>>[vector<16xi32>, vector<16xi32>], vector<16xf32>,
      %add3A_730 = vector.broadcast %mul3A_701 : i32 to vector<16xi32>
      %add3A_731 = arith.addi %add3A_730, %iota3A : vector<16xi32>
      %add3A_732 = arith.constant 16 : i32
      %add3A_733 = vector.broadcast %add3A_732 : i32 to vector<16xi32>
      %add3A_734 = arith.addi %add3A_731, %add3A_733 : vector<16xi32>
      %gather3A_735 = arith.constant 0 : i32
      %gather3A_736 = arith.constant 0 : i32
      %gather3A_737 = arith.constant 0 : i32
      %gather3A_738 = tpu.memref_slice %arg13[%gather3A_735, %gather3A_736, %gather3A_737] : memref<2x128x128xf32, #tpu.memory_space<vmem>> -> memref<1x128x128xf32, #tpu.memory_space<vmem>>
      %gather3A_739 = tpu.memref_squeeze %gather3A_738 : memref<1x128x128xf32, #tpu.memory_space<vmem>> -> memref<128x128xf32, #tpu.memory_space<vmem>>
      %gather3A_740 = tpu.vector_load_idx %gather3A_739[%broadcast_in_dim3A_702, %add3A_734] : memref<128x128xf32, #tpu.memory_space<vmem>>[vector<16xi32>, vector<16xi32>], vector<16xf32>,
      %mul3A_741 = arith.mulf %gather3A_710, %gather3A_729 : vector<16xf32>
      %mul3A_742 = arith.mulf %mul3A_741, %get3A_3 : vector<16xf32>
      %mul3A_743 = arith.mulf %gather3A_721, %gather3A_740 : vector<16xf32>
      %mul3A_744 = arith.mulf %mul3A_743, %get3A_5 : vector<16xf32>
      %add3A_745 = arith.addf %mul3A_742, %mul3A_744 : vector<16xf32>
      %reduce_sum3A_746 = arith.constant true
      %reduce_sum3A_747 = vector.broadcast %reduce_sum3A_746 : i1 to vector<16xi1>
      %reduce_sum3A_748 = tpu.scan <sum>, %add3A_745 masked %reduce_sum3A_747 : vector<16xf32>, vector<16xi1> -> vector<16xf32>
      %reduce_sum3A_749 = vector.extract %reduce_sum3A_748[15] : f32 from vector<16xf32>
      %eq3A_750 = arith.constant 7 : i32
      %eq3A_751 = vector.broadcast %eq3A_750 : i32 to vector<16xi32>
      %eq3A_752 = arith.cmpi eq, %iota3A, %eq3A_751 : vector<16xi32>
      %broadcast_in_dim3A_753 = vector.broadcast %reduce_sum3A_749 : f32 to vector<16xf32>
      %select_n3A_754 = arith.select %eq3A_752, %broadcast_in_dim3A_753, %select_n3A_687 : vector<16xi1>, vector<16xf32>
      %mul3A_755 = arith.constant 16 : i32
      %mul3A_756 = arith.muli %scan3A_221, %mul3A_755 : i32
      %add3A_757 = arith.constant 8 : i32
      %add3A_758 = arith.addi %mul3A_756, %add3A_757 : i32
      %slice3A_759 = vector.extract_strided_slice %get3A_227 {offsets = [8], sizes = [1], strides = [1]} : vector<16xi32> to vector<1xi32>
      %squeeze3A_760 = vector.extract %slice3A_759[0] : i32 from vector<1xi32>
      %rem3A_761 = arith.constant 4 : i32
      %rem3A_762 = arith.remsi %squeeze3A_760, %rem3A_761 : i32
      %mul3A_763 = arith.constant 32 : i32
      %mul3A_764 = arith.muli %rem3A_762, %mul3A_763 : i32
      %div3A_765 = arith.constant 4 : i32
      %div3A_766 = arith.divsi %squeeze3A_760, %div3A_765 : i32
      %mul3A_767 = arith.constant 32 : i32
      %mul3A_768 = arith.muli %div3A_766, %mul3A_767 : i32
      %broadcast_in_dim3A_769 = vector.broadcast %add3A_758 : i32 to vector<16xi32>
      %add3A_770 = vector.broadcast %mul3A_764 : i32 to vector<16xi32>
      %add3A_771 = arith.addi %add3A_770, %iota3A : vector<16xi32>
      %gather3A_772 = arith.constant 0 : i32
      %gather3A_773 = arith.constant 0 : i32
      %gather3A_774 = arith.constant 0 : i32
      %gather3A_775 = tpu.memref_slice %arg12[%gather3A_772, %gather3A_773, %gather3A_774] : memref<2x128x128xf32, #tpu.memory_space<vmem>> -> memref<1x128x128xf32, #tpu.memory_space<vmem>>
      %gather3A_776 = tpu.memref_squeeze %gather3A_775 : memref<1x128x128xf32, #tpu.memory_space<vmem>> -> memref<128x128xf32, #tpu.memory_space<vmem>>
      %gather3A_777 = tpu.vector_load_idx %gather3A_776[%broadcast_in_dim3A_769, %add3A_771] : memref<128x128xf32, #tpu.memory_space<vmem>>[vector<16xi32>, vector<16xi32>], vector<16xf32>,
      %add3A_778 = vector.broadcast %mul3A_764 : i32 to vector<16xi32>
      %add3A_779 = arith.addi %add3A_778, %iota3A : vector<16xi32>
      %add3A_780 = arith.constant 16 : i32
      %add3A_781 = vector.broadcast %add3A_780 : i32 to vector<16xi32>
      %add3A_782 = arith.addi %add3A_779, %add3A_781 : vector<16xi32>
      %gather3A_783 = arith.constant 0 : i32
      %gather3A_784 = arith.constant 0 : i32
      %gather3A_785 = arith.constant 0 : i32
      %gather3A_786 = tpu.memref_slice %arg12[%gather3A_783, %gather3A_784, %gather3A_785] : memref<2x128x128xf32, #tpu.memory_space<vmem>> -> memref<1x128x128xf32, #tpu.memory_space<vmem>>
      %gather3A_787 = tpu.memref_squeeze %gather3A_786 : memref<1x128x128xf32, #tpu.memory_space<vmem>> -> memref<128x128xf32, #tpu.memory_space<vmem>>
      %gather3A_788 = tpu.vector_load_idx %gather3A_787[%broadcast_in_dim3A_769, %add3A_782] : memref<128x128xf32, #tpu.memory_space<vmem>>[vector<16xi32>, vector<16xi32>], vector<16xf32>,
      %add3A_789 = vector.broadcast %mul3A_768 : i32 to vector<16xi32>
      %add3A_790 = arith.addi %add3A_789, %iota3A : vector<16xi32>
      %gather3A_791 = arith.constant 0 : i32
      %gather3A_792 = arith.constant 0 : i32
      %gather3A_793 = arith.constant 0 : i32
      %gather3A_794 = tpu.memref_slice %arg13[%gather3A_791, %gather3A_792, %gather3A_793] : memref<2x128x128xf32, #tpu.memory_space<vmem>> -> memref<1x128x128xf32, #tpu.memory_space<vmem>>
      %gather3A_795 = tpu.memref_squeeze %gather3A_794 : memref<1x128x128xf32, #tpu.memory_space<vmem>> -> memref<128x128xf32, #tpu.memory_space<vmem>>
      %gather3A_796 = tpu.vector_load_idx %gather3A_795[%broadcast_in_dim3A_769, %add3A_790] : memref<128x128xf32, #tpu.memory_space<vmem>>[vector<16xi32>, vector<16xi32>], vector<16xf32>,
      %add3A_797 = vector.broadcast %mul3A_768 : i32 to vector<16xi32>
      %add3A_798 = arith.addi %add3A_797, %iota3A : vector<16xi32>
      %add3A_799 = arith.constant 16 : i32
      %add3A_800 = vector.broadcast %add3A_799 : i32 to vector<16xi32>
      %add3A_801 = arith.addi %add3A_798, %add3A_800 : vector<16xi32>
      %gather3A_802 = arith.constant 0 : i32
      %gather3A_803 = arith.constant 0 : i32
      %gather3A_804 = arith.constant 0 : i32
      %gather3A_805 = tpu.memref_slice %arg13[%gather3A_802, %gather3A_803, %gather3A_804] : memref<2x128x128xf32, #tpu.memory_space<vmem>> -> memref<1x128x128xf32, #tpu.memory_space<vmem>>
      %gather3A_806 = tpu.memref_squeeze %gather3A_805 : memref<1x128x128xf32, #tpu.memory_space<vmem>> -> memref<128x128xf32, #tpu.memory_space<vmem>>
      %gather3A_807 = tpu.vector_load_idx %gather3A_806[%broadcast_in_dim3A_769, %add3A_801] : memref<128x128xf32, #tpu.memory_space<vmem>>[vector<16xi32>, vector<16xi32>], vector<16xf32>,
      %mul3A_808 = arith.mulf %gather3A_777, %gather3A_796 : vector<16xf32>
      %mul3A_809 = arith.mulf %mul3A_808, %get3A_3 : vector<16xf32>
      %mul3A_810 = arith.mulf %gather3A_788, %gather3A_807 : vector<16xf32>
      %mul3A_811 = arith.mulf %mul3A_810, %get3A_5 : vector<16xf32>
      %add3A_812 = arith.addf %mul3A_809, %mul3A_811 : vector<16xf32>
      %reduce_sum3A_813 = arith.constant true
      %reduce_sum3A_814 = vector.broadcast %reduce_sum3A_813 : i1 to vector<16xi1>
      %reduce_sum3A_815 = tpu.scan <sum>, %add3A_812 masked %reduce_sum3A_814 : vector<16xf32>, vector<16xi1> -> vector<16xf32>
      %reduce_sum3A_816 = vector.extract %reduce_sum3A_815[15] : f32 from vector<16xf32>
      %eq3A_817 = arith.constant 8 : i32
      %eq3A_818 = vector.broadcast %eq3A_817 : i32 to vector<16xi32>
      %eq3A_819 = arith.cmpi eq, %iota3A, %eq3A_818 : vector<16xi32>
      %broadcast_in_dim3A_820 = vector.broadcast %reduce_sum3A_816 : f32 to vector<16xf32>
      %select_n3A_821 = arith.select %eq3A_819, %broadcast_in_dim3A_820, %select_n3A_754 : vector<16xi1>, vector<16xf32>
      %mul3A_822 = arith.constant 16 : i32
      %mul3A_823 = arith.muli %scan3A_221, %mul3A_822 : i32
      %add3A_824 = arith.constant 9 : i32
      %add3A_825 = arith.addi %mul3A_823, %add3A_824 : i32
      %slice3A_826 = vector.extract_strided_slice %get3A_227 {offsets = [9], sizes = [1], strides = [1]} : vector<16xi32> to vector<1xi32>
      %squeeze3A_827 = vector.extract %slice3A_826[0] : i32 from vector<1xi32>
      %rem3A_828 = arith.constant 4 : i32
      %rem3A_829 = arith.remsi %squeeze3A_827, %rem3A_828 : i32
      %mul3A_830 = arith.constant 32 : i32
      %mul3A_831 = arith.muli %rem3A_829, %mul3A_830 : i32
      %div3A_832 = arith.constant 4 : i32
      %div3A_833 = arith.divsi %squeeze3A_827, %div3A_832 : i32
      %mul3A_834 = arith.constant 32 : i32
      %mul3A_835 = arith.muli %div3A_833, %mul3A_834 : i32
      %broadcast_in_dim3A_836 = vector.broadcast %add3A_825 : i32 to vector<16xi32>
      %add3A_837 = vector.broadcast %mul3A_831 : i32 to vector<16xi32>
      %add3A_838 = arith.addi %add3A_837, %iota3A : vector<16xi32>
      %gather3A_839 = arith.constant 0 : i32
      %gather3A_840 = arith.constant 0 : i32
      %gather3A_841 = arith.constant 0 : i32
      %gather3A_842 = tpu.memref_slice %arg12[%gather3A_839, %gather3A_840, %gather3A_841] : memref<2x128x128xf32, #tpu.memory_space<vmem>> -> memref<1x128x128xf32, #tpu.memory_space<vmem>>
      %gather3A_843 = tpu.memref_squeeze %gather3A_842 : memref<1x128x128xf32, #tpu.memory_space<vmem>> -> memref<128x128xf32, #tpu.memory_space<vmem>>
      %gather3A_844 = tpu.vector_load_idx %gather3A_843[%broadcast_in_dim3A_836, %add3A_838] : memref<128x128xf32, #tpu.memory_space<vmem>>[vector<16xi32>, vector<16xi32>], vector<16xf32>,
      %add3A_845 = vector.broadcast %mul3A_831 : i32 to vector<16xi32>
      %add3A_846 = arith.addi %add3A_845, %iota3A : vector<16xi32>
      %add3A_847 = arith.constant 16 : i32
      %add3A_848 = vector.broadcast %add3A_847 : i32 to vector<16xi32>
      %add3A_849 = arith.addi %add3A_846, %add3A_848 : vector<16xi32>
      %gather3A_850 = arith.constant 0 : i32
      %gather3A_851 = arith.constant 0 : i32
      %gather3A_852 = arith.constant 0 : i32
      %gather3A_853 = tpu.memref_slice %arg12[%gather3A_850, %gather3A_851, %gather3A_852] : memref<2x128x128xf32, #tpu.memory_space<vmem>> -> memref<1x128x128xf32, #tpu.memory_space<vmem>>
      %gather3A_854 = tpu.memref_squeeze %gather3A_853 : memref<1x128x128xf32, #tpu.memory_space<vmem>> -> memref<128x128xf32, #tpu.memory_space<vmem>>
      %gather3A_855 = tpu.vector_load_idx %gather3A_854[%broadcast_in_dim3A_836, %add3A_849] : memref<128x128xf32, #tpu.memory_space<vmem>>[vector<16xi32>, vector<16xi32>], vector<16xf32>,
      %add3A_856 = vector.broadcast %mul3A_835 : i32 to vector<16xi32>
      %add3A_857 = arith.addi %add3A_856, %iota3A : vector<16xi32>
      %gather3A_858 = arith.constant 0 : i32
      %gather3A_859 = arith.constant 0 : i32
      %gather3A_860 = arith.constant 0 : i32
      %gather3A_861 = tpu.memref_slice %arg13[%gather3A_858, %gather3A_859, %gather3A_860] : memref<2x128x128xf32, #tpu.memory_space<vmem>> -> memref<1x128x128xf32, #tpu.memory_space<vmem>>
      %gather3A_862 = tpu.memref_squeeze %gather3A_861 : memref<1x128x128xf32, #tpu.memory_space<vmem>> -> memref<128x128xf32, #tpu.memory_space<vmem>>
      %gather3A_863 = tpu.vector_load_idx %gather3A_862[%broadcast_in_dim3A_836, %add3A_857] : memref<128x128xf32, #tpu.memory_space<vmem>>[vector<16xi32>, vector<16xi32>], vector<16xf32>,
      %add3A_864 = vector.broadcast %mul3A_835 : i32 to vector<16xi32>
      %add3A_865 = arith.addi %add3A_864, %iota3A : vector<16xi32>
      %add3A_866 = arith.constant 16 : i32
      %add3A_867 = vector.broadcast %add3A_866 : i32 to vector<16xi32>
      %add3A_868 = arith.addi %add3A_865, %add3A_867 : vector<16xi32>
      %gather3A_869 = arith.constant 0 : i32
      %gather3A_870 = arith.constant 0 : i32
      %gather3A_871 = arith.constant 0 : i32
      %gather3A_872 = tpu.memref_slice %arg13[%gather3A_869, %gather3A_870, %gather3A_871] : memref<2x128x128xf32, #tpu.memory_space<vmem>> -> memref<1x128x128xf32, #tpu.memory_space<vmem>>
      %gather3A_873 = tpu.memref_squeeze %gather3A_872 : memref<1x128x128xf32, #tpu.memory_space<vmem>> -> memref<128x128xf32, #tpu.memory_space<vmem>>
      %gather3A_874 = tpu.vector_load_idx %gather3A_873[%broadcast_in_dim3A_836, %add3A_868] : memref<128x128xf32, #tpu.memory_space<vmem>>[vector<16xi32>, vector<16xi32>], vector<16xf32>,
      %mul3A_875 = arith.mulf %gather3A_844, %gather3A_863 : vector<16xf32>
      %mul3A_876 = arith.mulf %mul3A_875, %get3A_3 : vector<16xf32>
      %mul3A_877 = arith.mulf %gather3A_855, %gather3A_874 : vector<16xf32>
      %mul3A_878 = arith.mulf %mul3A_877, %get3A_5 : vector<16xf32>
      %add3A_879 = arith.addf %mul3A_876, %mul3A_878 : vector<16xf32>
      %reduce_sum3A_880 = arith.constant true
      %reduce_sum3A_881 = vector.broadcast %reduce_sum3A_880 : i1 to vector<16xi1>
      %reduce_sum3A_882 = tpu.scan <sum>, %add3A_879 masked %reduce_sum3A_881 : vector<16xf32>, vector<16xi1> -> vector<16xf32>
      %reduce_sum3A_883 = vector.extract %reduce_sum3A_882[15] : f32 from vector<16xf32>
      %eq3A_884 = arith.constant 9 : i32
      %eq3A_885 = vector.broadcast %eq3A_884 : i32 to vector<16xi32>
      %eq3A_886 = arith.cmpi eq, %iota3A, %eq3A_885 : vector<16xi32>
      %broadcast_in_dim3A_887 = vector.broadcast %reduce_sum3A_883 : f32 to vector<16xf32>
      %select_n3A_888 = arith.select %eq3A_886, %broadcast_in_dim3A_887, %select_n3A_821 : vector<16xi1>, vector<16xf32>
      %mul3A_889 = arith.constant 16 : i32
      %mul3A_890 = arith.muli %scan3A_221, %mul3A_889 : i32
      %add3A_891 = arith.constant 10 : i32
      %add3A_892 = arith.addi %mul3A_890, %add3A_891 : i32
      %slice3A_893 = vector.extract_strided_slice %get3A_227 {offsets = [10], sizes = [1], strides = [1]} : vector<16xi32> to vector<1xi32>
      %squeeze3A_894 = vector.extract %slice3A_893[0] : i32 from vector<1xi32>
      %rem3A_895 = arith.constant 4 : i32
      %rem3A_896 = arith.remsi %squeeze3A_894, %rem3A_895 : i32
      %mul3A_897 = arith.constant 32 : i32
      %mul3A_898 = arith.muli %rem3A_896, %mul3A_897 : i32
      %div3A_899 = arith.constant 4 : i32
      %div3A_900 = arith.divsi %squeeze3A_894, %div3A_899 : i32
      %mul3A_901 = arith.constant 32 : i32
      %mul3A_902 = arith.muli %div3A_900, %mul3A_901 : i32
      %broadcast_in_dim3A_903 = vector.broadcast %add3A_892 : i32 to vector<16xi32>
      %add3A_904 = vector.broadcast %mul3A_898 : i32 to vector<16xi32>
      %add3A_905 = arith.addi %add3A_904, %iota3A : vector<16xi32>
      %gather3A_906 = arith.constant 0 : i32
      %gather3A_907 = arith.constant 0 : i32
      %gather3A_908 = arith.constant 0 : i32
      %gather3A_909 = tpu.memref_slice %arg12[%gather3A_906, %gather3A_907, %gather3A_908] : memref<2x128x128xf32, #tpu.memory_space<vmem>> -> memref<1x128x128xf32, #tpu.memory_space<vmem>>
      %gather3A_910 = tpu.memref_squeeze %gather3A_909 : memref<1x128x128xf32, #tpu.memory_space<vmem>> -> memref<128x128xf32, #tpu.memory_space<vmem>>
      %gather3A_911 = tpu.vector_load_idx %gather3A_910[%broadcast_in_dim3A_903, %add3A_905] : memref<128x128xf32, #tpu.memory_space<vmem>>[vector<16xi32>, vector<16xi32>], vector<16xf32>,
      %add3A_912 = vector.broadcast %mul3A_898 : i32 to vector<16xi32>
      %add3A_913 = arith.addi %add3A_912, %iota3A : vector<16xi32>
      %add3A_914 = arith.constant 16 : i32
      %add3A_915 = vector.broadcast %add3A_914 : i32 to vector<16xi32>
      %add3A_916 = arith.addi %add3A_913, %add3A_915 : vector<16xi32>
      %gather3A_917 = arith.constant 0 : i32
      %gather3A_918 = arith.constant 0 : i32
      %gather3A_919 = arith.constant 0 : i32
      %gather3A_920 = tpu.memref_slice %arg12[%gather3A_917, %gather3A_918, %gather3A_919] : memref<2x128x128xf32, #tpu.memory_space<vmem>> -> memref<1x128x128xf32, #tpu.memory_space<vmem>>
      %gather3A_921 = tpu.memref_squeeze %gather3A_920 : memref<1x128x128xf32, #tpu.memory_space<vmem>> -> memref<128x128xf32, #tpu.memory_space<vmem>>
      %gather3A_922 = tpu.vector_load_idx %gather3A_921[%broadcast_in_dim3A_903, %add3A_916] : memref<128x128xf32, #tpu.memory_space<vmem>>[vector<16xi32>, vector<16xi32>], vector<16xf32>,
      %add3A_923 = vector.broadcast %mul3A_902 : i32 to vector<16xi32>
      %add3A_924 = arith.addi %add3A_923, %iota3A : vector<16xi32>
      %gather3A_925 = arith.constant 0 : i32
      %gather3A_926 = arith.constant 0 : i32
      %gather3A_927 = arith.constant 0 : i32
      %gather3A_928 = tpu.memref_slice %arg13[%gather3A_925, %gather3A_926, %gather3A_927] : memref<2x128x128xf32, #tpu.memory_space<vmem>> -> memref<1x128x128xf32, #tpu.memory_space<vmem>>
      %gather3A_929 = tpu.memref_squeeze %gather3A_928 : memref<1x128x128xf32, #tpu.memory_space<vmem>> -> memref<128x128xf32, #tpu.memory_space<vmem>>
      %gather3A_930 = tpu.vector_load_idx %gather3A_929[%broadcast_in_dim3A_903, %add3A_924] : memref<128x128xf32, #tpu.memory_space<vmem>>[vector<16xi32>, vector<16xi32>], vector<16xf32>,
      %add3A_931 = vector.broadcast %mul3A_902 : i32 to vector<16xi32>
      %add3A_932 = arith.addi %add3A_931, %iota3A : vector<16xi32>
      %add3A_933 = arith.constant 16 : i32
      %add3A_934 = vector.broadcast %add3A_933 : i32 to vector<16xi32>
      %add3A_935 = arith.addi %add3A_932, %add3A_934 : vector<16xi32>
      %gather3A_936 = arith.constant 0 : i32
      %gather3A_937 = arith.constant 0 : i32
      %gather3A_938 = arith.constant 0 : i32
      %gather3A_939 = tpu.memref_slice %arg13[%gather3A_936, %gather3A_937, %gather3A_938] : memref<2x128x128xf32, #tpu.memory_space<vmem>> -> memref<1x128x128xf32, #tpu.memory_space<vmem>>
      %gather3A_940 = tpu.memref_squeeze %gather3A_939 : memref<1x128x128xf32, #tpu.memory_space<vmem>> -> memref<128x128xf32, #tpu.memory_space<vmem>>
      %gather3A_941 = tpu.vector_load_idx %gather3A_940[%broadcast_in_dim3A_903, %add3A_935] : memref<128x128xf32, #tpu.memory_space<vmem>>[vector<16xi32>, vector<16xi32>], vector<16xf32>,
      %mul3A_942 = arith.mulf %gather3A_911, %gather3A_930 : vector<16xf32>
      %mul3A_943 = arith.mulf %mul3A_942, %get3A_3 : vector<16xf32>
      %mul3A_944 = arith.mulf %gather3A_922, %gather3A_941 : vector<16xf32>
      %mul3A_945 = arith.mulf %mul3A_944, %get3A_5 : vector<16xf32>
      %add3A_946 = arith.addf %mul3A_943, %mul3A_945 : vector<16xf32>
      %reduce_sum3A_947 = arith.constant true
      %reduce_sum3A_948 = vector.broadcast %reduce_sum3A_947 : i1 to vector<16xi1>
      %reduce_sum3A_949 = tpu.scan <sum>, %add3A_946 masked %reduce_sum3A_948 : vector<16xf32>, vector<16xi1> -> vector<16xf32>
      %reduce_sum3A_950 = vector.extract %reduce_sum3A_949[15] : f32 from vector<16xf32>
      %eq3A_951 = arith.constant 10 : i32
      %eq3A_952 = vector.broadcast %eq3A_951 : i32 to vector<16xi32>
      %eq3A_953 = arith.cmpi eq, %iota3A, %eq3A_952 : vector<16xi32>
      %broadcast_in_dim3A_954 = vector.broadcast %reduce_sum3A_950 : f32 to vector<16xf32>
      %select_n3A_955 = arith.select %eq3A_953, %broadcast_in_dim3A_954, %select_n3A_888 : vector<16xi1>, vector<16xf32>
      %mul3A_956 = arith.constant 16 : i32
      %mul3A_957 = arith.muli %scan3A_221, %mul3A_956 : i32
      %add3A_958 = arith.constant 11 : i32
      %add3A_959 = arith.addi %mul3A_957, %add3A_958 : i32
      %slice3A_960 = vector.extract_strided_slice %get3A_227 {offsets = [11], sizes = [1], strides = [1]} : vector<16xi32> to vector<1xi32>
      %squeeze3A_961 = vector.extract %slice3A_960[0] : i32 from vector<1xi32>
      %rem3A_962 = arith.constant 4 : i32
      %rem3A_963 = arith.remsi %squeeze3A_961, %rem3A_962 : i32
      %mul3A_964 = arith.constant 32 : i32
      %mul3A_965 = arith.muli %rem3A_963, %mul3A_964 : i32
      %div3A_966 = arith.constant 4 : i32
      %div3A_967 = arith.divsi %squeeze3A_961, %div3A_966 : i32
      %mul3A_968 = arith.constant 32 : i32
      %mul3A_969 = arith.muli %div3A_967, %mul3A_968 : i32
      %broadcast_in_dim3A_970 = vector.broadcast %add3A_959 : i32 to vector<16xi32>
      %add3A_971 = vector.broadcast %mul3A_965 : i32 to vector<16xi32>
      %add3A_972 = arith.addi %add3A_971, %iota3A : vector<16xi32>
      %gather3A_973 = arith.constant 0 : i32
      %gather3A_974 = arith.constant 0 : i32
      %gather3A_975 = arith.constant 0 : i32
      %gather3A_976 = tpu.memref_slice %arg12[%gather3A_973, %gather3A_974, %gather3A_975] : memref<2x128x128xf32, #tpu.memory_space<vmem>> -> memref<1x128x128xf32, #tpu.memory_space<vmem>>
      %gather3A_977 = tpu.memref_squeeze %gather3A_976 : memref<1x128x128xf32, #tpu.memory_space<vmem>> -> memref<128x128xf32, #tpu.memory_space<vmem>>
      %gather3A_978 = tpu.vector_load_idx %gather3A_977[%broadcast_in_dim3A_970, %add3A_972] : memref<128x128xf32, #tpu.memory_space<vmem>>[vector<16xi32>, vector<16xi32>], vector<16xf32>,
      %add3A_979 = vector.broadcast %mul3A_965 : i32 to vector<16xi32>
      %add3A_980 = arith.addi %add3A_979, %iota3A : vector<16xi32>
      %add3A_981 = arith.constant 16 : i32
      %add3A_982 = vector.broadcast %add3A_981 : i32 to vector<16xi32>
      %add3A_983 = arith.addi %add3A_980, %add3A_982 : vector<16xi32>
      %gather3A_984 = arith.constant 0 : i32
      %gather3A_985 = arith.constant 0 : i32
      %gather3A_986 = arith.constant 0 : i32
      %gather3A_987 = tpu.memref_slice %arg12[%gather3A_984, %gather3A_985, %gather3A_986] : memref<2x128x128xf32, #tpu.memory_space<vmem>> -> memref<1x128x128xf32, #tpu.memory_space<vmem>>
      %gather3A_988 = tpu.memref_squeeze %gather3A_987 : memref<1x128x128xf32, #tpu.memory_space<vmem>> -> memref<128x128xf32, #tpu.memory_space<vmem>>
      %gather3A_989 = tpu.vector_load_idx %gather3A_988[%broadcast_in_dim3A_970, %add3A_983] : memref<128x128xf32, #tpu.memory_space<vmem>>[vector<16xi32>, vector<16xi32>], vector<16xf32>,
      %add3A_990 = vector.broadcast %mul3A_969 : i32 to vector<16xi32>
      %add3A_991 = arith.addi %add3A_990, %iota3A : vector<16xi32>
      %gather3A_992 = arith.constant 0 : i32
      %gather3A_993 = arith.constant 0 : i32
      %gather3A_994 = arith.constant 0 : i32
      %gather3A_995 = tpu.memref_slice %arg13[%gather3A_992, %gather3A_993, %gather3A_994] : memref<2x128x128xf32, #tpu.memory_space<vmem>> -> memref<1x128x128xf32, #tpu.memory_space<vmem>>
      %gather3A_996 = tpu.memref_squeeze %gather3A_995 : memref<1x128x128xf32, #tpu.memory_space<vmem>> -> memref<128x128xf32, #tpu.memory_space<vmem>>
      %gather3A_997 = tpu.vector_load_idx %gather3A_996[%broadcast_in_dim3A_970, %add3A_991] : memref<128x128xf32, #tpu.memory_space<vmem>>[vector<16xi32>, vector<16xi32>], vector<16xf32>,
      %add3A_998 = vector.broadcast %mul3A_969 : i32 to vector<16xi32>
      %add3A_999 = arith.addi %add3A_998, %iota3A : vector<16xi32>
      %add3A_1000 = arith.constant 16 : i32
      %add3A_1001 = vector.broadcast %add3A_1000 : i32 to vector<16xi32>
      %add3A_1002 = arith.addi %add3A_999, %add3A_1001 : vector<16xi32>
      %gather3A_1003 = arith.constant 0 : i32
      %gather3A_1004 = arith.constant 0 : i32
      %gather3A_1005 = arith.constant 0 : i32
      %gather3A_1006 = tpu.memref_slice %arg13[%gather3A_1003, %gather3A_1004, %gather3A_1005] : memref<2x128x128xf32, #tpu.memory_space<vmem>> -> memref<1x128x128xf32, #tpu.memory_space<vmem>>
      %gather3A_1007 = tpu.memref_squeeze %gather3A_1006 : memref<1x128x128xf32, #tpu.memory_space<vmem>> -> memref<128x128xf32, #tpu.memory_space<vmem>>
      %gather3A_1008 = tpu.vector_load_idx %gather3A_1007[%broadcast_in_dim3A_970, %add3A_1002] : memref<128x128xf32, #tpu.memory_space<vmem>>[vector<16xi32>, vector<16xi32>], vector<16xf32>,
      %mul3A_1009 = arith.mulf %gather3A_978, %gather3A_997 : vector<16xf32>
      %mul3A_1010 = arith.mulf %mul3A_1009, %get3A_3 : vector<16xf32>
      %mul3A_1011 = arith.mulf %gather3A_989, %gather3A_1008 : vector<16xf32>
      %mul3A_1012 = arith.mulf %mul3A_1011, %get3A_5 : vector<16xf32>
      %add3A_1013 = arith.addf %mul3A_1010, %mul3A_1012 : vector<16xf32>
      %reduce_sum3A_1014 = arith.constant true
      %reduce_sum3A_1015 = vector.broadcast %reduce_sum3A_1014 : i1 to vector<16xi1>
      %reduce_sum3A_1016 = tpu.scan <sum>, %add3A_1013 masked %reduce_sum3A_1015 : vector<16xf32>, vector<16xi1> -> vector<16xf32>
      %reduce_sum3A_1017 = vector.extract %reduce_sum3A_1016[15] : f32 from vector<16xf32>
      %eq3A_1018 = arith.constant 11 : i32
      %eq3A_1019 = vector.broadcast %eq3A_1018 : i32 to vector<16xi32>
      %eq3A_1020 = arith.cmpi eq, %iota3A, %eq3A_1019 : vector<16xi32>
      %broadcast_in_dim3A_1021 = vector.broadcast %reduce_sum3A_1017 : f32 to vector<16xf32>
      %select_n3A_1022 = arith.select %eq3A_1020, %broadcast_in_dim3A_1021, %select_n3A_955 : vector<16xi1>, vector<16xf32>
      %mul3A_1023 = arith.constant 16 : i32
      %mul3A_1024 = arith.muli %scan3A_221, %mul3A_1023 : i32
      %add3A_1025 = arith.constant 12 : i32
      %add3A_1026 = arith.addi %mul3A_1024, %add3A_1025 : i32
      %slice3A_1027 = vector.extract_strided_slice %get3A_227 {offsets = [12], sizes = [1], strides = [1]} : vector<16xi32> to vector<1xi32>
      %squeeze3A_1028 = vector.extract %slice3A_1027[0] : i32 from vector<1xi32>
      %rem3A_1029 = arith.constant 4 : i32
      %rem3A_1030 = arith.remsi %squeeze3A_1028, %rem3A_1029 : i32
      %mul3A_1031 = arith.constant 32 : i32
      %mul3A_1032 = arith.muli %rem3A_1030, %mul3A_1031 : i32
      %div3A_1033 = arith.constant 4 : i32
      %div3A_1034 = arith.divsi %squeeze3A_1028, %div3A_1033 : i32
      %mul3A_1035 = arith.constant 32 : i32
      %mul3A_1036 = arith.muli %div3A_1034, %mul3A_1035 : i32
      %broadcast_in_dim3A_1037 = vector.broadcast %add3A_1026 : i32 to vector<16xi32>
      %add3A_1038 = vector.broadcast %mul3A_1032 : i32 to vector<16xi32>
      %add3A_1039 = arith.addi %add3A_1038, %iota3A : vector<16xi32>
      %gather3A_1040 = arith.constant 0 : i32
      %gather3A_1041 = arith.constant 0 : i32
      %gather3A_1042 = arith.constant 0 : i32
      %gather3A_1043 = tpu.memref_slice %arg12[%gather3A_1040, %gather3A_1041, %gather3A_1042] : memref<2x128x128xf32, #tpu.memory_space<vmem>> -> memref<1x128x128xf32, #tpu.memory_space<vmem>>
      %gather3A_1044 = tpu.memref_squeeze %gather3A_1043 : memref<1x128x128xf32, #tpu.memory_space<vmem>> -> memref<128x128xf32, #tpu.memory_space<vmem>>
      %gather3A_1045 = tpu.vector_load_idx %gather3A_1044[%broadcast_in_dim3A_1037, %add3A_1039] : memref<128x128xf32, #tpu.memory_space<vmem>>[vector<16xi32>, vector<16xi32>], vector<16xf32>,
      %add3A_1046 = vector.broadcast %mul3A_1032 : i32 to vector<16xi32>
      %add3A_1047 = arith.addi %add3A_1046, %iota3A : vector<16xi32>
      %add3A_1048 = arith.constant 16 : i32
      %add3A_1049 = vector.broadcast %add3A_1048 : i32 to vector<16xi32>
      %add3A_1050 = arith.addi %add3A_1047, %add3A_1049 : vector<16xi32>
      %gather3A_1051 = arith.constant 0 : i32
      %gather3A_1052 = arith.constant 0 : i32
      %gather3A_1053 = arith.constant 0 : i32
      %gather3A_1054 = tpu.memref_slice %arg12[%gather3A_1051, %gather3A_1052, %gather3A_1053] : memref<2x128x128xf32, #tpu.memory_space<vmem>> -> memref<1x128x128xf32, #tpu.memory_space<vmem>>
      %gather3A_1055 = tpu.memref_squeeze %gather3A_1054 : memref<1x128x128xf32, #tpu.memory_space<vmem>> -> memref<128x128xf32, #tpu.memory_space<vmem>>
      %gather3A_1056 = tpu.vector_load_idx %gather3A_1055[%broadcast_in_dim3A_1037, %add3A_1050] : memref<128x128xf32, #tpu.memory_space<vmem>>[vector<16xi32>, vector<16xi32>], vector<16xf32>,
      %add3A_1057 = vector.broadcast %mul3A_1036 : i32 to vector<16xi32>
      %add3A_1058 = arith.addi %add3A_1057, %iota3A : vector<16xi32>
      %gather3A_1059 = arith.constant 0 : i32
      %gather3A_1060 = arith.constant 0 : i32
      %gather3A_1061 = arith.constant 0 : i32
      %gather3A_1062 = tpu.memref_slice %arg13[%gather3A_1059, %gather3A_1060, %gather3A_1061] : memref<2x128x128xf32, #tpu.memory_space<vmem>> -> memref<1x128x128xf32, #tpu.memory_space<vmem>>
      %gather3A_1063 = tpu.memref_squeeze %gather3A_1062 : memref<1x128x128xf32, #tpu.memory_space<vmem>> -> memref<128x128xf32, #tpu.memory_space<vmem>>
      %gather3A_1064 = tpu.vector_load_idx %gather3A_1063[%broadcast_in_dim3A_1037, %add3A_1058] : memref<128x128xf32, #tpu.memory_space<vmem>>[vector<16xi32>, vector<16xi32>], vector<16xf32>,
      %add3A_1065 = vector.broadcast %mul3A_1036 : i32 to vector<16xi32>
      %add3A_1066 = arith.addi %add3A_1065, %iota3A : vector<16xi32>
      %add3A_1067 = arith.constant 16 : i32
      %add3A_1068 = vector.broadcast %add3A_1067 : i32 to vector<16xi32>
      %add3A_1069 = arith.addi %add3A_1066, %add3A_1068 : vector<16xi32>
      %gather3A_1070 = arith.constant 0 : i32
      %gather3A_1071 = arith.constant 0 : i32
      %gather3A_1072 = arith.constant 0 : i32
      %gather3A_1073 = tpu.memref_slice %arg13[%gather3A_1070, %gather3A_1071, %gather3A_1072] : memref<2x128x128xf32, #tpu.memory_space<vmem>> -> memref<1x128x128xf32, #tpu.memory_space<vmem>>
      %gather3A_1074 = tpu.memref_squeeze %gather3A_1073 : memref<1x128x128xf32, #tpu.memory_space<vmem>> -> memref<128x128xf32, #tpu.memory_space<vmem>>
      %gather3A_1075 = tpu.vector_load_idx %gather3A_1074[%broadcast_in_dim3A_1037, %add3A_1069] : memref<128x128xf32, #tpu.memory_space<vmem>>[vector<16xi32>, vector<16xi32>], vector<16xf32>,
      %mul3A_1076 = arith.mulf %gather3A_1045, %gather3A_1064 : vector<16xf32>
      %mul3A_1077 = arith.mulf %mul3A_1076, %get3A_3 : vector<16xf32>
      %mul3A_1078 = arith.mulf %gather3A_1056, %gather3A_1075 : vector<16xf32>
      %mul3A_1079 = arith.mulf %mul3A_1078, %get3A_5 : vector<16xf32>
      %add3A_1080 = arith.addf %mul3A_1077, %mul3A_1079 : vector<16xf32>
      %reduce_sum3A_1081 = arith.constant true
      %reduce_sum3A_1082 = vector.broadcast %reduce_sum3A_1081 : i1 to vector<16xi1>
      %reduce_sum3A_1083 = tpu.scan <sum>, %add3A_1080 masked %reduce_sum3A_1082 : vector<16xf32>, vector<16xi1> -> vector<16xf32>
      %reduce_sum3A_1084 = vector.extract %reduce_sum3A_1083[15] : f32 from vector<16xf32>
      %eq3A_1085 = arith.constant 12 : i32
      %eq3A_1086 = vector.broadcast %eq3A_1085 : i32 to vector<16xi32>
      %eq3A_1087 = arith.cmpi eq, %iota3A, %eq3A_1086 : vector<16xi32>
      %broadcast_in_dim3A_1088 = vector.broadcast %reduce_sum3A_1084 : f32 to vector<16xf32>
      %select_n3A_1089 = arith.select %eq3A_1087, %broadcast_in_dim3A_1088, %select_n3A_1022 : vector<16xi1>, vector<16xf32>
      %mul3A_1090 = arith.constant 16 : i32
      %mul3A_1091 = arith.muli %scan3A_221, %mul3A_1090 : i32
      %add3A_1092 = arith.constant 13 : i32
      %add3A_1093 = arith.addi %mul3A_1091, %add3A_1092 : i32
      %slice3A_1094 = vector.extract_strided_slice %get3A_227 {offsets = [13], sizes = [1], strides = [1]} : vector<16xi32> to vector<1xi32>
      %squeeze3A_1095 = vector.extract %slice3A_1094[0] : i32 from vector<1xi32>
      %rem3A_1096 = arith.constant 4 : i32
      %rem3A_1097 = arith.remsi %squeeze3A_1095, %rem3A_1096 : i32
      %mul3A_1098 = arith.constant 32 : i32
      %mul3A_1099 = arith.muli %rem3A_1097, %mul3A_1098 : i32
      %div3A_1100 = arith.constant 4 : i32
      %div3A_1101 = arith.divsi %squeeze3A_1095, %div3A_1100 : i32
      %mul3A_1102 = arith.constant 32 : i32
      %mul3A_1103 = arith.muli %div3A_1101, %mul3A_1102 : i32
      %broadcast_in_dim3A_1104 = vector.broadcast %add3A_1093 : i32 to vector<16xi32>
      %add3A_1105 = vector.broadcast %mul3A_1099 : i32 to vector<16xi32>
      %add3A_1106 = arith.addi %add3A_1105, %iota3A : vector<16xi32>
      %gather3A_1107 = arith.constant 0 : i32
      %gather3A_1108 = arith.constant 0 : i32
      %gather3A_1109 = arith.constant 0 : i32
      %gather3A_1110 = tpu.memref_slice %arg12[%gather3A_1107, %gather3A_1108, %gather3A_1109] : memref<2x128x128xf32, #tpu.memory_space<vmem>> -> memref<1x128x128xf32, #tpu.memory_space<vmem>>
      %gather3A_1111 = tpu.memref_squeeze %gather3A_1110 : memref<1x128x128xf32, #tpu.memory_space<vmem>> -> memref<128x128xf32, #tpu.memory_space<vmem>>
      %gather3A_1112 = tpu.vector_load_idx %gather3A_1111[%broadcast_in_dim3A_1104, %add3A_1106] : memref<128x128xf32, #tpu.memory_space<vmem>>[vector<16xi32>, vector<16xi32>], vector<16xf32>,
      %add3A_1113 = vector.broadcast %mul3A_1099 : i32 to vector<16xi32>
      %add3A_1114 = arith.addi %add3A_1113, %iota3A : vector<16xi32>
      %add3A_1115 = arith.constant 16 : i32
      %add3A_1116 = vector.broadcast %add3A_1115 : i32 to vector<16xi32>
      %add3A_1117 = arith.addi %add3A_1114, %add3A_1116 : vector<16xi32>
      %gather3A_1118 = arith.constant 0 : i32
      %gather3A_1119 = arith.constant 0 : i32
      %gather3A_1120 = arith.constant 0 : i32
      %gather3A_1121 = tpu.memref_slice %arg12[%gather3A_1118, %gather3A_1119, %gather3A_1120] : memref<2x128x128xf32, #tpu.memory_space<vmem>> -> memref<1x128x128xf32, #tpu.memory_space<vmem>>
      %gather3A_1122 = tpu.memref_squeeze %gather3A_1121 : memref<1x128x128xf32, #tpu.memory_space<vmem>> -> memref<128x128xf32, #tpu.memory_space<vmem>>
      %gather3A_1123 = tpu.vector_load_idx %gather3A_1122[%broadcast_in_dim3A_1104, %add3A_1117] : memref<128x128xf32, #tpu.memory_space<vmem>>[vector<16xi32>, vector<16xi32>], vector<16xf32>,
      %add3A_1124 = vector.broadcast %mul3A_1103 : i32 to vector<16xi32>
      %add3A_1125 = arith.addi %add3A_1124, %iota3A : vector<16xi32>
      %gather3A_1126 = arith.constant 0 : i32
      %gather3A_1127 = arith.constant 0 : i32
      %gather3A_1128 = arith.constant 0 : i32
      %gather3A_1129 = tpu.memref_slice %arg13[%gather3A_1126, %gather3A_1127, %gather3A_1128] : memref<2x128x128xf32, #tpu.memory_space<vmem>> -> memref<1x128x128xf32, #tpu.memory_space<vmem>>
      %gather3A_1130 = tpu.memref_squeeze %gather3A_1129 : memref<1x128x128xf32, #tpu.memory_space<vmem>> -> memref<128x128xf32, #tpu.memory_space<vmem>>
      %gather3A_1131 = tpu.vector_load_idx %gather3A_1130[%broadcast_in_dim3A_1104, %add3A_1125] : memref<128x128xf32, #tpu.memory_space<vmem>>[vector<16xi32>, vector<16xi32>], vector<16xf32>,
      %add3A_1132 = vector.broadcast %mul3A_1103 : i32 to vector<16xi32>
      %add3A_1133 = arith.addi %add3A_1132, %iota3A : vector<16xi32>
      %add3A_1134 = arith.constant 16 : i32
      %add3A_1135 = vector.broadcast %add3A_1134 : i32 to vector<16xi32>
      %add3A_1136 = arith.addi %add3A_1133, %add3A_1135 : vector<16xi32>
      %gather3A_1137 = arith.constant 0 : i32
      %gather3A_1138 = arith.constant 0 : i32
      %gather3A_1139 = arith.constant 0 : i32
      %gather3A_1140 = tpu.memref_slice %arg13[%gather3A_1137, %gather3A_1138, %gather3A_1139] : memref<2x128x128xf32, #tpu.memory_space<vmem>> -> memref<1x128x128xf32, #tpu.memory_space<vmem>>
      %gather3A_1141 = tpu.memref_squeeze %gather3A_1140 : memref<1x128x128xf32, #tpu.memory_space<vmem>> -> memref<128x128xf32, #tpu.memory_space<vmem>>
      %gather3A_1142 = tpu.vector_load_idx %gather3A_1141[%broadcast_in_dim3A_1104, %add3A_1136] : memref<128x128xf32, #tpu.memory_space<vmem>>[vector<16xi32>, vector<16xi32>], vector<16xf32>,
      %mul3A_1143 = arith.mulf %gather3A_1112, %gather3A_1131 : vector<16xf32>
      %mul3A_1144 = arith.mulf %mul3A_1143, %get3A_3 : vector<16xf32>
      %mul3A_1145 = arith.mulf %gather3A_1123, %gather3A_1142 : vector<16xf32>
      %mul3A_1146 = arith.mulf %mul3A_1145, %get3A_5 : vector<16xf32>
      %add3A_1147 = arith.addf %mul3A_1144, %mul3A_1146 : vector<16xf32>
      %reduce_sum3A_1148 = arith.constant true
      %reduce_sum3A_1149 = vector.broadcast %reduce_sum3A_1148 : i1 to vector<16xi1>
      %reduce_sum3A_1150 = tpu.scan <sum>, %add3A_1147 masked %reduce_sum3A_1149 : vector<16xf32>, vector<16xi1> -> vector<16xf32>
      %reduce_sum3A_1151 = vector.extract %reduce_sum3A_1150[15] : f32 from vector<16xf32>
      %eq3A_1152 = arith.constant 13 : i32
      %eq3A_1153 = vector.broadcast %eq3A_1152 : i32 to vector<16xi32>
      %eq3A_1154 = arith.cmpi eq, %iota3A, %eq3A_1153 : vector<16xi32>
      %broadcast_in_dim3A_1155 = vector.broadcast %reduce_sum3A_1151 : f32 to vector<16xf32>
      %select_n3A_1156 = arith.select %eq3A_1154, %broadcast_in_dim3A_1155, %select_n3A_1089 : vector<16xi1>, vector<16xf32>
      %mul3A_1157 = arith.constant 16 : i32
      %mul3A_1158 = arith.muli %scan3A_221, %mul3A_1157 : i32
      %add3A_1159 = arith.constant 14 : i32
      %add3A_1160 = arith.addi %mul3A_1158, %add3A_1159 : i32
      %slice3A_1161 = vector.extract_strided_slice %get3A_227 {offsets = [14], sizes = [1], strides = [1]} : vector<16xi32> to vector<1xi32>
      %squeeze3A_1162 = vector.extract %slice3A_1161[0] : i32 from vector<1xi32>
      %rem3A_1163 = arith.constant 4 : i32
      %rem3A_1164 = arith.remsi %squeeze3A_1162, %rem3A_1163 : i32
      %mul3A_1165 = arith.constant 32 : i32
      %mul3A_1166 = arith.muli %rem3A_1164, %mul3A_1165 : i32
      %div3A_1167 = arith.constant 4 : i32
      %div3A_1168 = arith.divsi %squeeze3A_1162, %div3A_1167 : i32
      %mul3A_1169 = arith.constant 32 : i32
      %mul3A_1170 = arith.muli %div3A_1168, %mul3A_1169 : i32
      %broadcast_in_dim3A_1171 = vector.broadcast %add3A_1160 : i32 to vector<16xi32>
      %add3A_1172 = vector.broadcast %mul3A_1166 : i32 to vector<16xi32>
      %add3A_1173 = arith.addi %add3A_1172, %iota3A : vector<16xi32>
      %gather3A_1174 = arith.constant 0 : i32
      %gather3A_1175 = arith.constant 0 : i32
      %gather3A_1176 = arith.constant 0 : i32
      %gather3A_1177 = tpu.memref_slice %arg12[%gather3A_1174, %gather3A_1175, %gather3A_1176] : memref<2x128x128xf32, #tpu.memory_space<vmem>> -> memref<1x128x128xf32, #tpu.memory_space<vmem>>
      %gather3A_1178 = tpu.memref_squeeze %gather3A_1177 : memref<1x128x128xf32, #tpu.memory_space<vmem>> -> memref<128x128xf32, #tpu.memory_space<vmem>>
      %gather3A_1179 = tpu.vector_load_idx %gather3A_1178[%broadcast_in_dim3A_1171, %add3A_1173] : memref<128x128xf32, #tpu.memory_space<vmem>>[vector<16xi32>, vector<16xi32>], vector<16xf32>,
      %add3A_1180 = vector.broadcast %mul3A_1166 : i32 to vector<16xi32>
      %add3A_1181 = arith.addi %add3A_1180, %iota3A : vector<16xi32>
      %add3A_1182 = arith.constant 16 : i32
      %add3A_1183 = vector.broadcast %add3A_1182 : i32 to vector<16xi32>
      %add3A_1184 = arith.addi %add3A_1181, %add3A_1183 : vector<16xi32>
      %gather3A_1185 = arith.constant 0 : i32
      %gather3A_1186 = arith.constant 0 : i32
      %gather3A_1187 = arith.constant 0 : i32
      %gather3A_1188 = tpu.memref_slice %arg12[%gather3A_1185, %gather3A_1186, %gather3A_1187] : memref<2x128x128xf32, #tpu.memory_space<vmem>> -> memref<1x128x128xf32, #tpu.memory_space<vmem>>
      %gather3A_1189 = tpu.memref_squeeze %gather3A_1188 : memref<1x128x128xf32, #tpu.memory_space<vmem>> -> memref<128x128xf32, #tpu.memory_space<vmem>>
      %gather3A_1190 = tpu.vector_load_idx %gather3A_1189[%broadcast_in_dim3A_1171, %add3A_1184] : memref<128x128xf32, #tpu.memory_space<vmem>>[vector<16xi32>, vector<16xi32>], vector<16xf32>,
      %add3A_1191 = vector.broadcast %mul3A_1170 : i32 to vector<16xi32>
      %add3A_1192 = arith.addi %add3A_1191, %iota3A : vector<16xi32>
      %gather3A_1193 = arith.constant 0 : i32
      %gather3A_1194 = arith.constant 0 : i32
      %gather3A_1195 = arith.constant 0 : i32
      %gather3A_1196 = tpu.memref_slice %arg13[%gather3A_1193, %gather3A_1194, %gather3A_1195] : memref<2x128x128xf32, #tpu.memory_space<vmem>> -> memref<1x128x128xf32, #tpu.memory_space<vmem>>
      %gather3A_1197 = tpu.memref_squeeze %gather3A_1196 : memref<1x128x128xf32, #tpu.memory_space<vmem>> -> memref<128x128xf32, #tpu.memory_space<vmem>>
      %gather3A_1198 = tpu.vector_load_idx %gather3A_1197[%broadcast_in_dim3A_1171, %add3A_1192] : memref<128x128xf32, #tpu.memory_space<vmem>>[vector<16xi32>, vector<16xi32>], vector<16xf32>,
      %add3A_1199 = vector.broadcast %mul3A_1170 : i32 to vector<16xi32>
      %add3A_1200 = arith.addi %add3A_1199, %iota3A : vector<16xi32>
      %add3A_1201 = arith.constant 16 : i32
      %add3A_1202 = vector.broadcast %add3A_1201 : i32 to vector<16xi32>
      %add3A_1203 = arith.addi %add3A_1200, %add3A_1202 : vector<16xi32>
      %gather3A_1204 = arith.constant 0 : i32
      %gather3A_1205 = arith.constant 0 : i32
      %gather3A_1206 = arith.constant 0 : i32
      %gather3A_1207 = tpu.memref_slice %arg13[%gather3A_1204, %gather3A_1205, %gather3A_1206] : memref<2x128x128xf32, #tpu.memory_space<vmem>> -> memref<1x128x128xf32, #tpu.memory_space<vmem>>
      %gather3A_1208 = tpu.memref_squeeze %gather3A_1207 : memref<1x128x128xf32, #tpu.memory_space<vmem>> -> memref<128x128xf32, #tpu.memory_space<vmem>>
      %gather3A_1209 = tpu.vector_load_idx %gather3A_1208[%broadcast_in_dim3A_1171, %add3A_1203] : memref<128x128xf32, #tpu.memory_space<vmem>>[vector<16xi32>, vector<16xi32>], vector<16xf32>,
      %mul3A_1210 = arith.mulf %gather3A_1179, %gather3A_1198 : vector<16xf32>
      %mul3A_1211 = arith.mulf %mul3A_1210, %get3A_3 : vector<16xf32>
      %mul3A_1212 = arith.mulf %gather3A_1190, %gather3A_1209 : vector<16xf32>
      %mul3A_1213 = arith.mulf %mul3A_1212, %get3A_5 : vector<16xf32>
      %add3A_1214 = arith.addf %mul3A_1211, %mul3A_1213 : vector<16xf32>
      %reduce_sum3A_1215 = arith.constant true
      %reduce_sum3A_1216 = vector.broadcast %reduce_sum3A_1215 : i1 to vector<16xi1>
      %reduce_sum3A_1217 = tpu.scan <sum>, %add3A_1214 masked %reduce_sum3A_1216 : vector<16xf32>, vector<16xi1> -> vector<16xf32>
      %reduce_sum3A_1218 = vector.extract %reduce_sum3A_1217[15] : f32 from vector<16xf32>
      %eq3A_1219 = arith.constant 14 : i32
      %eq3A_1220 = vector.broadcast %eq3A_1219 : i32 to vector<16xi32>
      %eq3A_1221 = arith.cmpi eq, %iota3A, %eq3A_1220 : vector<16xi32>
      %broadcast_in_dim3A_1222 = vector.broadcast %reduce_sum3A_1218 : f32 to vector<16xf32>
      %select_n3A_1223 = arith.select %eq3A_1221, %broadcast_in_dim3A_1222, %select_n3A_1156 : vector<16xi1>, vector<16xf32>
      %mul3A_1224 = arith.constant 16 : i32
      %mul3A_1225 = arith.muli %scan3A_221, %mul3A_1224 : i32
      %add3A_1226 = arith.constant 15 : i32
      %add3A_1227 = arith.addi %mul3A_1225, %add3A_1226 : i32
      %slice3A_1228 = vector.extract_strided_slice %get3A_227 {offsets = [15], sizes = [1], strides = [1]} : vector<16xi32> to vector<1xi32>
      %squeeze3A_1229 = vector.extract %slice3A_1228[0] : i32 from vector<1xi32>
      %rem3A_1230 = arith.constant 4 : i32
      %rem3A_1231 = arith.remsi %squeeze3A_1229, %rem3A_1230 : i32
      %mul3A_1232 = arith.constant 32 : i32
      %mul3A_1233 = arith.muli %rem3A_1231, %mul3A_1232 : i32
      %div3A_1234 = arith.constant 4 : i32
      %div3A_1235 = arith.divsi %squeeze3A_1229, %div3A_1234 : i32
      %mul3A_1236 = arith.constant 32 : i32
      %mul3A_1237 = arith.muli %div3A_1235, %mul3A_1236 : i32
      %broadcast_in_dim3A_1238 = vector.broadcast %add3A_1227 : i32 to vector<16xi32>
      %add3A_1239 = vector.broadcast %mul3A_1233 : i32 to vector<16xi32>
      %add3A_1240 = arith.addi %add3A_1239, %iota3A : vector<16xi32>
      %gather3A_1241 = arith.constant 0 : i32
      %gather3A_1242 = arith.constant 0 : i32
      %gather3A_1243 = arith.constant 0 : i32
      %gather3A_1244 = tpu.memref_slice %arg12[%gather3A_1241, %gather3A_1242, %gather3A_1243] : memref<2x128x128xf32, #tpu.memory_space<vmem>> -> memref<1x128x128xf32, #tpu.memory_space<vmem>>
      %gather3A_1245 = tpu.memref_squeeze %gather3A_1244 : memref<1x128x128xf32, #tpu.memory_space<vmem>> -> memref<128x128xf32, #tpu.memory_space<vmem>>
      %gather3A_1246 = tpu.vector_load_idx %gather3A_1245[%broadcast_in_dim3A_1238, %add3A_1240] : memref<128x128xf32, #tpu.memory_space<vmem>>[vector<16xi32>, vector<16xi32>], vector<16xf32>,
      %add3A_1247 = vector.broadcast %mul3A_1233 : i32 to vector<16xi32>
      %add3A_1248 = arith.addi %add3A_1247, %iota3A : vector<16xi32>
      %add3A_1249 = arith.constant 16 : i32
      %add3A_1250 = vector.broadcast %add3A_1249 : i32 to vector<16xi32>
      %add3A_1251 = arith.addi %add3A_1248, %add3A_1250 : vector<16xi32>
      %gather3A_1252 = arith.constant 0 : i32
      %gather3A_1253 = arith.constant 0 : i32
      %gather3A_1254 = arith.constant 0 : i32
      %gather3A_1255 = tpu.memref_slice %arg12[%gather3A_1252, %gather3A_1253, %gather3A_1254] : memref<2x128x128xf32, #tpu.memory_space<vmem>> -> memref<1x128x128xf32, #tpu.memory_space<vmem>>
      %gather3A_1256 = tpu.memref_squeeze %gather3A_1255 : memref<1x128x128xf32, #tpu.memory_space<vmem>> -> memref<128x128xf32, #tpu.memory_space<vmem>>
      %gather3A_1257 = tpu.vector_load_idx %gather3A_1256[%broadcast_in_dim3A_1238, %add3A_1251] : memref<128x128xf32, #tpu.memory_space<vmem>>[vector<16xi32>, vector<16xi32>], vector<16xf32>,
      %add3A_1258 = vector.broadcast %mul3A_1237 : i32 to vector<16xi32>
      %add3A_1259 = arith.addi %add3A_1258, %iota3A : vector<16xi32>
      %gather3A_1260 = arith.constant 0 : i32
      %gather3A_1261 = arith.constant 0 : i32
      %gather3A_1262 = arith.constant 0 : i32
      %gather3A_1263 = tpu.memref_slice %arg13[%gather3A_1260, %gather3A_1261, %gather3A_1262] : memref<2x128x128xf32, #tpu.memory_space<vmem>> -> memref<1x128x128xf32, #tpu.memory_space<vmem>>
      %gather3A_1264 = tpu.memref_squeeze %gather3A_1263 : memref<1x128x128xf32, #tpu.memory_space<vmem>> -> memref<128x128xf32, #tpu.memory_space<vmem>>
      %gather3A_1265 = tpu.vector_load_idx %gather3A_1264[%broadcast_in_dim3A_1238, %add3A_1259] : memref<128x128xf32, #tpu.memory_space<vmem>>[vector<16xi32>, vector<16xi32>], vector<16xf32>,
      %add3A_1266 = vector.broadcast %mul3A_1237 : i32 to vector<16xi32>
      %add3A_1267 = arith.addi %add3A_1266, %iota3A : vector<16xi32>
      %add3A_1268 = arith.constant 16 : i32
      %add3A_1269 = vector.broadcast %add3A_1268 : i32 to vector<16xi32>
      %add3A_1270 = arith.addi %add3A_1267, %add3A_1269 : vector<16xi32>
      %gather3A_1271 = arith.constant 0 : i32
      %gather3A_1272 = arith.constant 0 : i32
      %gather3A_1273 = arith.constant 0 : i32
      %gather3A_1274 = tpu.memref_slice %arg13[%gather3A_1271, %gather3A_1272, %gather3A_1273] : memref<2x128x128xf32, #tpu.memory_space<vmem>> -> memref<1x128x128xf32, #tpu.memory_space<vmem>>
      %gather3A_1275 = tpu.memref_squeeze %gather3A_1274 : memref<1x128x128xf32, #tpu.memory_space<vmem>> -> memref<128x128xf32, #tpu.memory_space<vmem>>
      %gather3A_1276 = tpu.vector_load_idx %gather3A_1275[%broadcast_in_dim3A_1238, %add3A_1270] : memref<128x128xf32, #tpu.memory_space<vmem>>[vector<16xi32>, vector<16xi32>], vector<16xf32>,
      %mul3A_1277 = arith.mulf %gather3A_1246, %gather3A_1265 : vector<16xf32>
      %mul3A_1278 = arith.mulf %mul3A_1277, %get3A_3 : vector<16xf32>
      %mul3A_1279 = arith.mulf %gather3A_1257, %gather3A_1276 : vector<16xf32>
      %mul3A_1280 = arith.mulf %mul3A_1279, %get3A_5 : vector<16xf32>
      %add3A_1281 = arith.addf %mul3A_1278, %mul3A_1280 : vector<16xf32>
      %reduce_sum3A_1282 = arith.constant true
      %reduce_sum3A_1283 = vector.broadcast %reduce_sum3A_1282 : i1 to vector<16xi1>
      %reduce_sum3A_1284 = tpu.scan <sum>, %add3A_1281 masked %reduce_sum3A_1283 : vector<16xf32>, vector<16xi1> -> vector<16xf32>
      %reduce_sum3A_1285 = vector.extract %reduce_sum3A_1284[15] : f32 from vector<16xf32>
      %eq3A_1286 = arith.constant 15 : i32
      %eq3A_1287 = vector.broadcast %eq3A_1286 : i32 to vector<16xi32>
      %eq3A_1288 = arith.cmpi eq, %iota3A, %eq3A_1287 : vector<16xi32>
      %broadcast_in_dim3A_1289 = vector.broadcast %reduce_sum3A_1285 : f32 to vector<16xf32>
      %select_n3A_1290 = arith.select %eq3A_1288, %broadcast_in_dim3A_1289, %select_n3A_1223 : vector<16xi1>, vector<16xf32>
      %add3A_1291 = arith.addf %select_n3A_1290, %get3A_7 : vector<16xf32>
      %mul3A_1292 = arith.constant 16 : i32
      %mul3A_1293 = arith.muli %scan3A_221, %mul3A_1292 : i32
      %add3A_1294 = arith.constant 0 : i32
      %add3A_1295 = arith.addi %add3A_1294, %mul3A_1293 : i32
      %swap3A = arith.index_cast %add3A_1295 : i32 to index
      %swap3A_1296 = tpu.vector_load %arg15[%swap3A] {strides = array<i32>} : memref<512xf32, #tpu.memory_space<vmem>>, vector<16xf32>,
      tpu.vector_store %arg15[%swap3A], %add3A_1291 {strides = array<i32>} : memref<512xf32, #tpu.memory_space<vmem>>, vector<16xf32>,
    }
    %scan3A_82 = arith.constant 8 : i32
    %dma_start3A_83 = arith.constant 2 : i32
    %dma_start3A_84 = arith.constant 0 : i32
    %dma_start3A_85 = arith.constant 0 : i32
    %dma_start3A_86 = arith.constant 0 : i32
    %dma_start3A_87 = tpu.memref_slice %arg12[%dma_start3A_84, %dma_start3A_85, %dma_start3A_86] : memref<2x128x128xf32, #tpu.memory_space<vmem>> -> memref<1x128x128xf32, #tpu.memory_space<vmem>>
    %dma_start3A_88 = tpu.memref_squeeze %dma_start3A_87 : memref<1x128x128xf32, #tpu.memory_space<vmem>> -> memref<128x128xf32, #tpu.memory_space<vmem>>
    %dma_start3A_89 = arith.constant 0 : i32
    %dma_start3A_90 = tpu.memref_slice %arg9[%dma_start3A_83, %dma_start3A_89] : memref<4x128xi32, #tpu.memory_space<vmem>> -> memref<1x128xi32, #tpu.memory_space<vmem>>
    %dma_start3A_91 = tpu.memref_squeeze %dma_start3A_90 : memref<1x128xi32, #tpu.memory_space<vmem>> -> memref<128xi32, #tpu.memory_space<vmem>>
    %dma_start3A_92 = arith.constant 0 : i32
    %dma_start3A_93 = arith.constant 0 : i32
    %dma_start3A_94 = tpu.memref_slice %arg5[%dma_start3A_92, %dma_start3A_93] : memref<250880x128xf32, #tpu.memory_space<hbm>> -> memref<250880x128xf32, #tpu.memory_space<hbm>>
    tpu.enqueue_indirect_dma source(%dma_start3A_94 : memref<250880x128xf32, #tpu.memory_space<hbm>>) target(%dma_start3A_88 : memref<128x128xf32, #tpu.memory_space<vmem>>) offsets(%dma_start3A_91 : memref<128xi32, #tpu.memory_space<vmem>>) semaphore(%arg16 : memref<!tpu.dma_semaphore, #tpu.memory_space<semaphore_mem>>)
    %dma_start3A_95 = arith.constant 2 : i32
    %dma_start3A_96 = arith.constant 0 : i32
    %dma_start3A_97 = arith.constant 0 : i32
    %dma_start3A_98 = arith.constant 0 : i32
    %dma_start3A_99 = tpu.memref_slice %arg13[%dma_start3A_96, %dma_start3A_97, %dma_start3A_98] : memref<2x128x128xf32, #tpu.memory_space<vmem>> -> memref<1x128x128xf32, #tpu.memory_space<vmem>>
    %dma_start3A_100 = tpu.memref_squeeze %dma_start3A_99 : memref<1x128x128xf32, #tpu.memory_space<vmem>> -> memref<128x128xf32, #tpu.memory_space<vmem>>
    %dma_start3A_101 = arith.constant 0 : i32
    %dma_start3A_102 = tpu.memref_slice %arg10[%dma_start3A_95, %dma_start3A_101] : memref<4x128xi32, #tpu.memory_space<vmem>> -> memref<1x128xi32, #tpu.memory_space<vmem>>
    %dma_start3A_103 = tpu.memref_squeeze %dma_start3A_102 : memref<1x128xi32, #tpu.memory_space<vmem>> -> memref<128xi32, #tpu.memory_space<vmem>>
    %dma_start3A_104 = arith.constant 0 : i32
    %dma_start3A_105 = arith.constant 0 : i32
    %dma_start3A_106 = tpu.memref_slice %arg6[%dma_start3A_104, %dma_start3A_105] : memref<250880x128xf32, #tpu.memory_space<hbm>> -> memref<250880x128xf32, #tpu.memory_space<hbm>>
    tpu.enqueue_indirect_dma source(%dma_start3A_106 : memref<250880x128xf32, #tpu.memory_space<hbm>>) target(%dma_start3A_100 : memref<128x128xf32, #tpu.memory_space<vmem>>) offsets(%dma_start3A_103 : memref<128xi32, #tpu.memory_space<vmem>>) semaphore(%arg17 : memref<!tpu.dma_semaphore, #tpu.memory_space<semaphore_mem>>)
    %dma_wait3A_107 = arith.constant 1 : i32
    %dma_wait3A_108 = arith.constant 1 : i32
    %dma_wait3A_109 = arith.constant 0 : i32
    %dma_wait3A_110 = arith.constant 0 : i32
    %dma_wait3A_111 = tpu.memref_slice %arg12[%dma_wait3A_108, %dma_wait3A_109, %dma_wait3A_110] : memref<2x128x128xf32, #tpu.memory_space<vmem>> -> memref<1x128x128xf32, #tpu.memory_space<vmem>>
    %dma_wait3A_112 = tpu.memref_squeeze %dma_wait3A_111 : memref<1x128x128xf32, #tpu.memory_space<vmem>> -> memref<128x128xf32, #tpu.memory_space<vmem>>
    %dma_wait3A_113 = arith.constant 0 : i32
    %dma_wait3A_114 = tpu.memref_slice %arg9[%dma_wait3A_107, %dma_wait3A_113] : memref<4x128xi32, #tpu.memory_space<vmem>> -> memref<1x128xi32, #tpu.memory_space<vmem>>
    %dma_wait3A_115 = tpu.memref_squeeze %dma_wait3A_114 : memref<1x128xi32, #tpu.memory_space<vmem>> -> memref<128xi32, #tpu.memory_space<vmem>>
    %dma_wait3A_116 = arith.constant 0 : i32
    %dma_wait3A_117 = arith.constant 0 : i32
    %dma_wait3A_118 = tpu.memref_slice %arg5[%dma_wait3A_116, %dma_wait3A_117] : memref<250880x128xf32, #tpu.memory_space<hbm>> -> memref<250880x128xf32, #tpu.memory_space<hbm>>
    tpu.wait_indirect_dma semaphore(%arg16 : memref<!tpu.dma_semaphore, #tpu.memory_space<semaphore_mem>>) src(%dma_wait3A_118 : memref<250880x128xf32, #tpu.memory_space<hbm>>) dst(%dma_wait3A_112 : memref<128x128xf32, #tpu.memory_space<vmem>>)
    %dma_wait3A_119 = arith.constant 1 : i32
    %dma_wait3A_120 = arith.constant 1 : i32
    %dma_wait3A_121 = arith.constant 0 : i32
    %dma_wait3A_122 = arith.constant 0 : i32
    %dma_wait3A_123 = tpu.memref_slice %arg13[%dma_wait3A_120, %dma_wait3A_121, %dma_wait3A_122] : memref<2x128x128xf32, #tpu.memory_space<vmem>> -> memref<1x128x128xf32, #tpu.memory_space<vmem>>
    %dma_wait3A_124 = tpu.memref_squeeze %dma_wait3A_123 : memref<1x128x128xf32, #tpu.memory_space<vmem>> -> memref<128x128xf32, #tpu.memory_space<vmem>>
    %dma_wait3A_125 = arith.constant 0 : i32
    %dma_wait3A_126 = tpu.memref_slice %arg10[%dma_wait3A_119, %dma_wait3A_125] : memref<4x128xi32, #tpu.memory_space<vmem>> -> memref<1x128xi32, #tpu.memory_space<vmem>>
    %dma_wait3A_127 = tpu.memref_squeeze %dma_wait3A_126 : memref<1x128xi32, #tpu.memory_space<vmem>> -> memref<128xi32, #tpu.memory_space<vmem>>
    %dma_wait3A_128 = arith.constant 0 : i32
    %dma_wait3A_129 = arith.constant 0 : i32
    %dma_wait3A_130 = tpu.memref_slice %arg6[%dma_wait3A_128, %dma_wait3A_129] : memref<250880x128xf32, #tpu.memory_space<hbm>> -> memref<250880x128xf32, #tpu.memory_space<hbm>>
    tpu.wait_indirect_dma semaphore(%arg17 : memref<!tpu.dma_semaphore, #tpu.memory_space<semaphore_mem>>) src(%dma_wait3A_130 : memref<250880x128xf32, #tpu.memory_space<hbm>>) dst(%dma_wait3A_124 : memref<128x128xf32, #tpu.memory_space<vmem>>)
    %scan3A_131 = arith.constant 0 : i32
    %scan3A_132 = arith.constant 0 : i32
    %scan3A_133 = arith.constant 8 : i32
    %scan3A_134 = arith.addi %scan3A_132, %scan3A_133 : i32
    %scan3A_135 = arith.constant 1 : i32
    scf.for %scan3A_221 = %scan3A_132 to %scan3A_134 step %scan3A_135  : i32 {
      %mul3A_222 = arith.constant 16 : i32
      %mul3A_223 = arith.muli %scan3A_221, %mul3A_222 : i32
      %add3A_224 = arith.constant 128 : i32
      %add3A_225 = arith.addi %add3A_224, %mul3A_223 : i32
      %get3A_226 = arith.index_cast %add3A_225 : i32 to index
      %get3A_227 = tpu.vector_load %arg11[%get3A_226] {strides = array<i32>} : memref<512xi32, #tpu.memory_space<vmem>>, vector<16xi32>,
      %mul3A_228 = arith.constant 16 : i32
      %mul3A_229 = arith.muli %scan3A_221, %mul3A_228 : i32
      %add3A_230 = arith.constant 0 : i32
      %add3A_231 = arith.addi %mul3A_229, %add3A_230 : i32
      %slice3A = vector.extract_strided_slice %get3A_227 {offsets = [0], sizes = [1], strides = [1]} : vector<16xi32> to vector<1xi32>
      %squeeze3A = vector.extract %slice3A[0] : i32 from vector<1xi32>
      %rem3A = arith.constant 4 : i32
      %rem3A_232 = arith.remsi %squeeze3A, %rem3A : i32
      %mul3A_233 = arith.constant 32 : i32
      %mul3A_234 = arith.muli %rem3A_232, %mul3A_233 : i32
      %div3A = arith.constant 4 : i32
      %div3A_235 = arith.divsi %squeeze3A, %div3A : i32
      %mul3A_236 = arith.constant 32 : i32
      %mul3A_237 = arith.muli %div3A_235, %mul3A_236 : i32
      %broadcast_in_dim3A = vector.broadcast %add3A_231 : i32 to vector<16xi32>
      %add3A_238 = vector.broadcast %mul3A_234 : i32 to vector<16xi32>
      %add3A_239 = arith.addi %add3A_238, %iota3A : vector<16xi32>
      %gather3A = arith.constant 1 : i32
      %gather3A_240 = arith.constant 0 : i32
      %gather3A_241 = arith.constant 0 : i32
      %gather3A_242 = tpu.memref_slice %arg12[%gather3A, %gather3A_240, %gather3A_241] : memref<2x128x128xf32, #tpu.memory_space<vmem>> -> memref<1x128x128xf32, #tpu.memory_space<vmem>>
      %gather3A_243 = tpu.memref_squeeze %gather3A_242 : memref<1x128x128xf32, #tpu.memory_space<vmem>> -> memref<128x128xf32, #tpu.memory_space<vmem>>
      %gather3A_244 = tpu.vector_load_idx %gather3A_243[%broadcast_in_dim3A, %add3A_239] : memref<128x128xf32, #tpu.memory_space<vmem>>[vector<16xi32>, vector<16xi32>], vector<16xf32>,
      %add3A_245 = vector.broadcast %mul3A_234 : i32 to vector<16xi32>
      %add3A_246 = arith.addi %add3A_245, %iota3A : vector<16xi32>
      %add3A_247 = arith.constant 16 : i32
      %add3A_248 = vector.broadcast %add3A_247 : i32 to vector<16xi32>
      %add3A_249 = arith.addi %add3A_246, %add3A_248 : vector<16xi32>
      %gather3A_250 = arith.constant 1 : i32
      %gather3A_251 = arith.constant 0 : i32
      %gather3A_252 = arith.constant 0 : i32
      %gather3A_253 = tpu.memref_slice %arg12[%gather3A_250, %gather3A_251, %gather3A_252] : memref<2x128x128xf32, #tpu.memory_space<vmem>> -> memref<1x128x128xf32, #tpu.memory_space<vmem>>
      %gather3A_254 = tpu.memref_squeeze %gather3A_253 : memref<1x128x128xf32, #tpu.memory_space<vmem>> -> memref<128x128xf32, #tpu.memory_space<vmem>>
      %gather3A_255 = tpu.vector_load_idx %gather3A_254[%broadcast_in_dim3A, %add3A_249] : memref<128x128xf32, #tpu.memory_space<vmem>>[vector<16xi32>, vector<16xi32>], vector<16xf32>,
      %add3A_256 = vector.broadcast %mul3A_237 : i32 to vector<16xi32>
      %add3A_257 = arith.addi %add3A_256, %iota3A : vector<16xi32>
      %gather3A_258 = arith.constant 1 : i32
      %gather3A_259 = arith.constant 0 : i32
      %gather3A_260 = arith.constant 0 : i32
      %gather3A_261 = tpu.memref_slice %arg13[%gather3A_258, %gather3A_259, %gather3A_260] : memref<2x128x128xf32, #tpu.memory_space<vmem>> -> memref<1x128x128xf32, #tpu.memory_space<vmem>>
      %gather3A_262 = tpu.memref_squeeze %gather3A_261 : memref<1x128x128xf32, #tpu.memory_space<vmem>> -> memref<128x128xf32, #tpu.memory_space<vmem>>
      %gather3A_263 = tpu.vector_load_idx %gather3A_262[%broadcast_in_dim3A, %add3A_257] : memref<128x128xf32, #tpu.memory_space<vmem>>[vector<16xi32>, vector<16xi32>], vector<16xf32>,
      %add3A_264 = vector.broadcast %mul3A_237 : i32 to vector<16xi32>
      %add3A_265 = arith.addi %add3A_264, %iota3A : vector<16xi32>
      %add3A_266 = arith.constant 16 : i32
      %add3A_267 = vector.broadcast %add3A_266 : i32 to vector<16xi32>
      %add3A_268 = arith.addi %add3A_265, %add3A_267 : vector<16xi32>
      %gather3A_269 = arith.constant 1 : i32
      %gather3A_270 = arith.constant 0 : i32
      %gather3A_271 = arith.constant 0 : i32
      %gather3A_272 = tpu.memref_slice %arg13[%gather3A_269, %gather3A_270, %gather3A_271] : memref<2x128x128xf32, #tpu.memory_space<vmem>> -> memref<1x128x128xf32, #tpu.memory_space<vmem>>
      %gather3A_273 = tpu.memref_squeeze %gather3A_272 : memref<1x128x128xf32, #tpu.memory_space<vmem>> -> memref<128x128xf32, #tpu.memory_space<vmem>>
      %gather3A_274 = tpu.vector_load_idx %gather3A_273[%broadcast_in_dim3A, %add3A_268] : memref<128x128xf32, #tpu.memory_space<vmem>>[vector<16xi32>, vector<16xi32>], vector<16xf32>,
      %mul3A_275 = arith.mulf %gather3A_244, %gather3A_263 : vector<16xf32>
      %mul3A_276 = arith.mulf %mul3A_275, %get3A_3 : vector<16xf32>
      %mul3A_277 = arith.mulf %gather3A_255, %gather3A_274 : vector<16xf32>
      %mul3A_278 = arith.mulf %mul3A_277, %get3A_5 : vector<16xf32>
      %add3A_279 = arith.addf %mul3A_276, %mul3A_278 : vector<16xf32>
      %reduce_sum3A = arith.constant true
      %reduce_sum3A_280 = vector.broadcast %reduce_sum3A : i1 to vector<16xi1>
      %reduce_sum3A_281 = tpu.scan <sum>, %add3A_279 masked %reduce_sum3A_280 : vector<16xf32>, vector<16xi1> -> vector<16xf32>
      %reduce_sum3A_282 = vector.extract %reduce_sum3A_281[15] : f32 from vector<16xf32>
      %eq3A = arith.constant 0 : i32
      %eq3A_283 = vector.broadcast %eq3A : i32 to vector<16xi32>
      %eq3A_284 = arith.cmpi eq, %iota3A, %eq3A_283 : vector<16xi32>
      %broadcast_in_dim3A_285 = vector.broadcast %reduce_sum3A_282 : f32 to vector<16xf32>
      %select_n3A = arith.select %eq3A_284, %broadcast_in_dim3A_285, %get3A_7 : vector<16xi1>, vector<16xf32>
      %mul3A_286 = arith.constant 16 : i32
      %mul3A_287 = arith.muli %scan3A_221, %mul3A_286 : i32
      %add3A_288 = arith.constant 1 : i32
      %add3A_289 = arith.addi %mul3A_287, %add3A_288 : i32
      %slice3A_290 = vector.extract_strided_slice %get3A_227 {offsets = [1], sizes = [1], strides = [1]} : vector<16xi32> to vector<1xi32>
      %squeeze3A_291 = vector.extract %slice3A_290[0] : i32 from vector<1xi32>
      %rem3A_292 = arith.constant 4 : i32
      %rem3A_293 = arith.remsi %squeeze3A_291, %rem3A_292 : i32
      %mul3A_294 = arith.constant 32 : i32
      %mul3A_295 = arith.muli %rem3A_293, %mul3A_294 : i32
      %div3A_296 = arith.constant 4 : i32
      %div3A_297 = arith.divsi %squeeze3A_291, %div3A_296 : i32
      %mul3A_298 = arith.constant 32 : i32
      %mul3A_299 = arith.muli %div3A_297, %mul3A_298 : i32
      %broadcast_in_dim3A_300 = vector.broadcast %add3A_289 : i32 to vector<16xi32>
      %add3A_301 = vector.broadcast %mul3A_295 : i32 to vector<16xi32>
      %add3A_302 = arith.addi %add3A_301, %iota3A : vector<16xi32>
      %gather3A_303 = arith.constant 1 : i32
      %gather3A_304 = arith.constant 0 : i32
      %gather3A_305 = arith.constant 0 : i32
      %gather3A_306 = tpu.memref_slice %arg12[%gather3A_303, %gather3A_304, %gather3A_305] : memref<2x128x128xf32, #tpu.memory_space<vmem>> -> memref<1x128x128xf32, #tpu.memory_space<vmem>>
      %gather3A_307 = tpu.memref_squeeze %gather3A_306 : memref<1x128x128xf32, #tpu.memory_space<vmem>> -> memref<128x128xf32, #tpu.memory_space<vmem>>
      %gather3A_308 = tpu.vector_load_idx %gather3A_307[%broadcast_in_dim3A_300, %add3A_302] : memref<128x128xf32, #tpu.memory_space<vmem>>[vector<16xi32>, vector<16xi32>], vector<16xf32>,
      %add3A_309 = vector.broadcast %mul3A_295 : i32 to vector<16xi32>
      %add3A_310 = arith.addi %add3A_309, %iota3A : vector<16xi32>
      %add3A_311 = arith.constant 16 : i32
      %add3A_312 = vector.broadcast %add3A_311 : i32 to vector<16xi32>
      %add3A_313 = arith.addi %add3A_310, %add3A_312 : vector<16xi32>
      %gather3A_314 = arith.constant 1 : i32
      %gather3A_315 = arith.constant 0 : i32
      %gather3A_316 = arith.constant 0 : i32
      %gather3A_317 = tpu.memref_slice %arg12[%gather3A_314, %gather3A_315, %gather3A_316] : memref<2x128x128xf32, #tpu.memory_space<vmem>> -> memref<1x128x128xf32, #tpu.memory_space<vmem>>
      %gather3A_318 = tpu.memref_squeeze %gather3A_317 : memref<1x128x128xf32, #tpu.memory_space<vmem>> -> memref<128x128xf32, #tpu.memory_space<vmem>>
      %gather3A_319 = tpu.vector_load_idx %gather3A_318[%broadcast_in_dim3A_300, %add3A_313] : memref<128x128xf32, #tpu.memory_space<vmem>>[vector<16xi32>, vector<16xi32>], vector<16xf32>,
      %add3A_320 = vector.broadcast %mul3A_299 : i32 to vector<16xi32>
      %add3A_321 = arith.addi %add3A_320, %iota3A : vector<16xi32>
      %gather3A_322 = arith.constant 1 : i32
      %gather3A_323 = arith.constant 0 : i32
      %gather3A_324 = arith.constant 0 : i32
      %gather3A_325 = tpu.memref_slice %arg13[%gather3A_322, %gather3A_323, %gather3A_324] : memref<2x128x128xf32, #tpu.memory_space<vmem>> -> memref<1x128x128xf32, #tpu.memory_space<vmem>>
      %gather3A_326 = tpu.memref_squeeze %gather3A_325 : memref<1x128x128xf32, #tpu.memory_space<vmem>> -> memref<128x128xf32, #tpu.memory_space<vmem>>
      %gather3A_327 = tpu.vector_load_idx %gather3A_326[%broadcast_in_dim3A_300, %add3A_321] : memref<128x128xf32, #tpu.memory_space<vmem>>[vector<16xi32>, vector<16xi32>], vector<16xf32>,
      %add3A_328 = vector.broadcast %mul3A_299 : i32 to vector<16xi32>
      %add3A_329 = arith.addi %add3A_328, %iota3A : vector<16xi32>
      %add3A_330 = arith.constant 16 : i32
      %add3A_331 = vector.broadcast %add3A_330 : i32 to vector<16xi32>
      %add3A_332 = arith.addi %add3A_329, %add3A_331 : vector<16xi32>
      %gather3A_333 = arith.constant 1 : i32
      %gather3A_334 = arith.constant 0 : i32
      %gather3A_335 = arith.constant 0 : i32
      %gather3A_336 = tpu.memref_slice %arg13[%gather3A_333, %gather3A_334, %gather3A_335] : memref<2x128x128xf32, #tpu.memory_space<vmem>> -> memref<1x128x128xf32, #tpu.memory_space<vmem>>
      %gather3A_337 = tpu.memref_squeeze %gather3A_336 : memref<1x128x128xf32, #tpu.memory_space<vmem>> -> memref<128x128xf32, #tpu.memory_space<vmem>>
      %gather3A_338 = tpu.vector_load_idx %gather3A_337[%broadcast_in_dim3A_300, %add3A_332] : memref<128x128xf32, #tpu.memory_space<vmem>>[vector<16xi32>, vector<16xi32>], vector<16xf32>,
      %mul3A_339 = arith.mulf %gather3A_308, %gather3A_327 : vector<16xf32>
      %mul3A_340 = arith.mulf %mul3A_339, %get3A_3 : vector<16xf32>
      %mul3A_341 = arith.mulf %gather3A_319, %gather3A_338 : vector<16xf32>
      %mul3A_342 = arith.mulf %mul3A_341, %get3A_5 : vector<16xf32>
      %add3A_343 = arith.addf %mul3A_340, %mul3A_342 : vector<16xf32>
      %reduce_sum3A_344 = arith.constant true
      %reduce_sum3A_345 = vector.broadcast %reduce_sum3A_344 : i1 to vector<16xi1>
      %reduce_sum3A_346 = tpu.scan <sum>, %add3A_343 masked %reduce_sum3A_345 : vector<16xf32>, vector<16xi1> -> vector<16xf32>
      %reduce_sum3A_347 = vector.extract %reduce_sum3A_346[15] : f32 from vector<16xf32>
      %eq3A_348 = arith.constant 1 : i32
      %eq3A_349 = vector.broadcast %eq3A_348 : i32 to vector<16xi32>
      %eq3A_350 = arith.cmpi eq, %iota3A, %eq3A_349 : vector<16xi32>
      %broadcast_in_dim3A_351 = vector.broadcast %reduce_sum3A_347 : f32 to vector<16xf32>
      %select_n3A_352 = arith.select %eq3A_350, %broadcast_in_dim3A_351, %select_n3A : vector<16xi1>, vector<16xf32>
      %mul3A_353 = arith.constant 16 : i32
      %mul3A_354 = arith.muli %scan3A_221, %mul3A_353 : i32
      %add3A_355 = arith.constant 2 : i32
      %add3A_356 = arith.addi %mul3A_354, %add3A_355 : i32
      %slice3A_357 = vector.extract_strided_slice %get3A_227 {offsets = [2], sizes = [1], strides = [1]} : vector<16xi32> to vector<1xi32>
      %squeeze3A_358 = vector.extract %slice3A_357[0] : i32 from vector<1xi32>
      %rem3A_359 = arith.constant 4 : i32
      %rem3A_360 = arith.remsi %squeeze3A_358, %rem3A_359 : i32
      %mul3A_361 = arith.constant 32 : i32
      %mul3A_362 = arith.muli %rem3A_360, %mul3A_361 : i32
      %div3A_363 = arith.constant 4 : i32
      %div3A_364 = arith.divsi %squeeze3A_358, %div3A_363 : i32
      %mul3A_365 = arith.constant 32 : i32
      %mul3A_366 = arith.muli %div3A_364, %mul3A_365 : i32
      %broadcast_in_dim3A_367 = vector.broadcast %add3A_356 : i32 to vector<16xi32>
      %add3A_368 = vector.broadcast %mul3A_362 : i32 to vector<16xi32>
      %add3A_369 = arith.addi %add3A_368, %iota3A : vector<16xi32>
      %gather3A_370 = arith.constant 1 : i32
      %gather3A_371 = arith.constant 0 : i32
      %gather3A_372 = arith.constant 0 : i32
      %gather3A_373 = tpu.memref_slice %arg12[%gather3A_370, %gather3A_371, %gather3A_372] : memref<2x128x128xf32, #tpu.memory_space<vmem>> -> memref<1x128x128xf32, #tpu.memory_space<vmem>>
      %gather3A_374 = tpu.memref_squeeze %gather3A_373 : memref<1x128x128xf32, #tpu.memory_space<vmem>> -> memref<128x128xf32, #tpu.memory_space<vmem>>
      %gather3A_375 = tpu.vector_load_idx %gather3A_374[%broadcast_in_dim3A_367, %add3A_369] : memref<128x128xf32, #tpu.memory_space<vmem>>[vector<16xi32>, vector<16xi32>], vector<16xf32>,
      %add3A_376 = vector.broadcast %mul3A_362 : i32 to vector<16xi32>
      %add3A_377 = arith.addi %add3A_376, %iota3A : vector<16xi32>
      %add3A_378 = arith.constant 16 : i32
      %add3A_379 = vector.broadcast %add3A_378 : i32 to vector<16xi32>
      %add3A_380 = arith.addi %add3A_377, %add3A_379 : vector<16xi32>
      %gather3A_381 = arith.constant 1 : i32
      %gather3A_382 = arith.constant 0 : i32
      %gather3A_383 = arith.constant 0 : i32
      %gather3A_384 = tpu.memref_slice %arg12[%gather3A_381, %gather3A_382, %gather3A_383] : memref<2x128x128xf32, #tpu.memory_space<vmem>> -> memref<1x128x128xf32, #tpu.memory_space<vmem>>
      %gather3A_385 = tpu.memref_squeeze %gather3A_384 : memref<1x128x128xf32, #tpu.memory_space<vmem>> -> memref<128x128xf32, #tpu.memory_space<vmem>>
      %gather3A_386 = tpu.vector_load_idx %gather3A_385[%broadcast_in_dim3A_367, %add3A_380] : memref<128x128xf32, #tpu.memory_space<vmem>>[vector<16xi32>, vector<16xi32>], vector<16xf32>,
      %add3A_387 = vector.broadcast %mul3A_366 : i32 to vector<16xi32>
      %add3A_388 = arith.addi %add3A_387, %iota3A : vector<16xi32>
      %gather3A_389 = arith.constant 1 : i32
      %gather3A_390 = arith.constant 0 : i32
      %gather3A_391 = arith.constant 0 : i32
      %gather3A_392 = tpu.memref_slice %arg13[%gather3A_389, %gather3A_390, %gather3A_391] : memref<2x128x128xf32, #tpu.memory_space<vmem>> -> memref<1x128x128xf32, #tpu.memory_space<vmem>>
      %gather3A_393 = tpu.memref_squeeze %gather3A_392 : memref<1x128x128xf32, #tpu.memory_space<vmem>> -> memref<128x128xf32, #tpu.memory_space<vmem>>
      %gather3A_394 = tpu.vector_load_idx %gather3A_393[%broadcast_in_dim3A_367, %add3A_388] : memref<128x128xf32, #tpu.memory_space<vmem>>[vector<16xi32>, vector<16xi32>], vector<16xf32>,
      %add3A_395 = vector.broadcast %mul3A_366 : i32 to vector<16xi32>
      %add3A_396 = arith.addi %add3A_395, %iota3A : vector<16xi32>
      %add3A_397 = arith.constant 16 : i32
      %add3A_398 = vector.broadcast %add3A_397 : i32 to vector<16xi32>
      %add3A_399 = arith.addi %add3A_396, %add3A_398 : vector<16xi32>
      %gather3A_400 = arith.constant 1 : i32
      %gather3A_401 = arith.constant 0 : i32
      %gather3A_402 = arith.constant 0 : i32
      %gather3A_403 = tpu.memref_slice %arg13[%gather3A_400, %gather3A_401, %gather3A_402] : memref<2x128x128xf32, #tpu.memory_space<vmem>> -> memref<1x128x128xf32, #tpu.memory_space<vmem>>
      %gather3A_404 = tpu.memref_squeeze %gather3A_403 : memref<1x128x128xf32, #tpu.memory_space<vmem>> -> memref<128x128xf32, #tpu.memory_space<vmem>>
      %gather3A_405 = tpu.vector_load_idx %gather3A_404[%broadcast_in_dim3A_367, %add3A_399] : memref<128x128xf32, #tpu.memory_space<vmem>>[vector<16xi32>, vector<16xi32>], vector<16xf32>,
      %mul3A_406 = arith.mulf %gather3A_375, %gather3A_394 : vector<16xf32>
      %mul3A_407 = arith.mulf %mul3A_406, %get3A_3 : vector<16xf32>
      %mul3A_408 = arith.mulf %gather3A_386, %gather3A_405 : vector<16xf32>
      %mul3A_409 = arith.mulf %mul3A_408, %get3A_5 : vector<16xf32>
      %add3A_410 = arith.addf %mul3A_407, %mul3A_409 : vector<16xf32>
      %reduce_sum3A_411 = arith.constant true
      %reduce_sum3A_412 = vector.broadcast %reduce_sum3A_411 : i1 to vector<16xi1>
      %reduce_sum3A_413 = tpu.scan <sum>, %add3A_410 masked %reduce_sum3A_412 : vector<16xf32>, vector<16xi1> -> vector<16xf32>
      %reduce_sum3A_414 = vector.extract %reduce_sum3A_413[15] : f32 from vector<16xf32>
      %eq3A_415 = arith.constant 2 : i32
      %eq3A_416 = vector.broadcast %eq3A_415 : i32 to vector<16xi32>
      %eq3A_417 = arith.cmpi eq, %iota3A, %eq3A_416 : vector<16xi32>
      %broadcast_in_dim3A_418 = vector.broadcast %reduce_sum3A_414 : f32 to vector<16xf32>
      %select_n3A_419 = arith.select %eq3A_417, %broadcast_in_dim3A_418, %select_n3A_352 : vector<16xi1>, vector<16xf32>
      %mul3A_420 = arith.constant 16 : i32
      %mul3A_421 = arith.muli %scan3A_221, %mul3A_420 : i32
      %add3A_422 = arith.constant 3 : i32
      %add3A_423 = arith.addi %mul3A_421, %add3A_422 : i32
      %slice3A_424 = vector.extract_strided_slice %get3A_227 {offsets = [3], sizes = [1], strides = [1]} : vector<16xi32> to vector<1xi32>
      %squeeze3A_425 = vector.extract %slice3A_424[0] : i32 from vector<1xi32>
      %rem3A_426 = arith.constant 4 : i32
      %rem3A_427 = arith.remsi %squeeze3A_425, %rem3A_426 : i32
      %mul3A_428 = arith.constant 32 : i32
      %mul3A_429 = arith.muli %rem3A_427, %mul3A_428 : i32
      %div3A_430 = arith.constant 4 : i32
      %div3A_431 = arith.divsi %squeeze3A_425, %div3A_430 : i32
      %mul3A_432 = arith.constant 32 : i32
      %mul3A_433 = arith.muli %div3A_431, %mul3A_432 : i32
      %broadcast_in_dim3A_434 = vector.broadcast %add3A_423 : i32 to vector<16xi32>
      %add3A_435 = vector.broadcast %mul3A_429 : i32 to vector<16xi32>
      %add3A_436 = arith.addi %add3A_435, %iota3A : vector<16xi32>
      %gather3A_437 = arith.constant 1 : i32
      %gather3A_438 = arith.constant 0 : i32
      %gather3A_439 = arith.constant 0 : i32
      %gather3A_440 = tpu.memref_slice %arg12[%gather3A_437, %gather3A_438, %gather3A_439] : memref<2x128x128xf32, #tpu.memory_space<vmem>> -> memref<1x128x128xf32, #tpu.memory_space<vmem>>
      %gather3A_441 = tpu.memref_squeeze %gather3A_440 : memref<1x128x128xf32, #tpu.memory_space<vmem>> -> memref<128x128xf32, #tpu.memory_space<vmem>>
      %gather3A_442 = tpu.vector_load_idx %gather3A_441[%broadcast_in_dim3A_434, %add3A_436] : memref<128x128xf32, #tpu.memory_space<vmem>>[vector<16xi32>, vector<16xi32>], vector<16xf32>,
      %add3A_443 = vector.broadcast %mul3A_429 : i32 to vector<16xi32>
      %add3A_444 = arith.addi %add3A_443, %iota3A : vector<16xi32>
      %add3A_445 = arith.constant 16 : i32
      %add3A_446 = vector.broadcast %add3A_445 : i32 to vector<16xi32>
      %add3A_447 = arith.addi %add3A_444, %add3A_446 : vector<16xi32>
      %gather3A_448 = arith.constant 1 : i32
      %gather3A_449 = arith.constant 0 : i32
      %gather3A_450 = arith.constant 0 : i32
      %gather3A_451 = tpu.memref_slice %arg12[%gather3A_448, %gather3A_449, %gather3A_450] : memref<2x128x128xf32, #tpu.memory_space<vmem>> -> memref<1x128x128xf32, #tpu.memory_space<vmem>>
      %gather3A_452 = tpu.memref_squeeze %gather3A_451 : memref<1x128x128xf32, #tpu.memory_space<vmem>> -> memref<128x128xf32, #tpu.memory_space<vmem>>
      %gather3A_453 = tpu.vector_load_idx %gather3A_452[%broadcast_in_dim3A_434, %add3A_447] : memref<128x128xf32, #tpu.memory_space<vmem>>[vector<16xi32>, vector<16xi32>], vector<16xf32>,
      %add3A_454 = vector.broadcast %mul3A_433 : i32 to vector<16xi32>
      %add3A_455 = arith.addi %add3A_454, %iota3A : vector<16xi32>
      %gather3A_456 = arith.constant 1 : i32
      %gather3A_457 = arith.constant 0 : i32
      %gather3A_458 = arith.constant 0 : i32
      %gather3A_459 = tpu.memref_slice %arg13[%gather3A_456, %gather3A_457, %gather3A_458] : memref<2x128x128xf32, #tpu.memory_space<vmem>> -> memref<1x128x128xf32, #tpu.memory_space<vmem>>
      %gather3A_460 = tpu.memref_squeeze %gather3A_459 : memref<1x128x128xf32, #tpu.memory_space<vmem>> -> memref<128x128xf32, #tpu.memory_space<vmem>>
      %gather3A_461 = tpu.vector_load_idx %gather3A_460[%broadcast_in_dim3A_434, %add3A_455] : memref<128x128xf32, #tpu.memory_space<vmem>>[vector<16xi32>, vector<16xi32>], vector<16xf32>,
      %add3A_462 = vector.broadcast %mul3A_433 : i32 to vector<16xi32>
      %add3A_463 = arith.addi %add3A_462, %iota3A : vector<16xi32>
      %add3A_464 = arith.constant 16 : i32
      %add3A_465 = vector.broadcast %add3A_464 : i32 to vector<16xi32>
      %add3A_466 = arith.addi %add3A_463, %add3A_465 : vector<16xi32>
      %gather3A_467 = arith.constant 1 : i32
      %gather3A_468 = arith.constant 0 : i32
      %gather3A_469 = arith.constant 0 : i32
      %gather3A_470 = tpu.memref_slice %arg13[%gather3A_467, %gather3A_468, %gather3A_469] : memref<2x128x128xf32, #tpu.memory_space<vmem>> -> memref<1x128x128xf32, #tpu.memory_space<vmem>>
      %gather3A_471 = tpu.memref_squeeze %gather3A_470 : memref<1x128x128xf32, #tpu.memory_space<vmem>> -> memref<128x128xf32, #tpu.memory_space<vmem>>
      %gather3A_472 = tpu.vector_load_idx %gather3A_471[%broadcast_in_dim3A_434, %add3A_466] : memref<128x128xf32, #tpu.memory_space<vmem>>[vector<16xi32>, vector<16xi32>], vector<16xf32>,
      %mul3A_473 = arith.mulf %gather3A_442, %gather3A_461 : vector<16xf32>
      %mul3A_474 = arith.mulf %mul3A_473, %get3A_3 : vector<16xf32>
      %mul3A_475 = arith.mulf %gather3A_453, %gather3A_472 : vector<16xf32>
      %mul3A_476 = arith.mulf %mul3A_475, %get3A_5 : vector<16xf32>
      %add3A_477 = arith.addf %mul3A_474, %mul3A_476 : vector<16xf32>
      %reduce_sum3A_478 = arith.constant true
      %reduce_sum3A_479 = vector.broadcast %reduce_sum3A_478 : i1 to vector<16xi1>
      %reduce_sum3A_480 = tpu.scan <sum>, %add3A_477 masked %reduce_sum3A_479 : vector<16xf32>, vector<16xi1> -> vector<16xf32>
      %reduce_sum3A_481 = vector.extract %reduce_sum3A_480[15] : f32 from vector<16xf32>
      %eq3A_482 = arith.constant 3 : i32
      %eq3A_483 = vector.broadcast %eq3A_482 : i32 to vector<16xi32>
      %eq3A_484 = arith.cmpi eq, %iota3A, %eq3A_483 : vector<16xi32>
      %broadcast_in_dim3A_485 = vector.broadcast %reduce_sum3A_481 : f32 to vector<16xf32>
      %select_n3A_486 = arith.select %eq3A_484, %broadcast_in_dim3A_485, %select_n3A_419 : vector<16xi1>, vector<16xf32>
      %mul3A_487 = arith.constant 16 : i32
      %mul3A_488 = arith.muli %scan3A_221, %mul3A_487 : i32
      %add3A_489 = arith.constant 4 : i32
      %add3A_490 = arith.addi %mul3A_488, %add3A_489 : i32
      %slice3A_491 = vector.extract_strided_slice %get3A_227 {offsets = [4], sizes = [1], strides = [1]} : vector<16xi32> to vector<1xi32>
      %squeeze3A_492 = vector.extract %slice3A_491[0] : i32 from vector<1xi32>
      %rem3A_493 = arith.constant 4 : i32
      %rem3A_494 = arith.remsi %squeeze3A_492, %rem3A_493 : i32
      %mul3A_495 = arith.constant 32 : i32
      %mul3A_496 = arith.muli %rem3A_494, %mul3A_495 : i32
      %div3A_497 = arith.constant 4 : i32
      %div3A_498 = arith.divsi %squeeze3A_492, %div3A_497 : i32
      %mul3A_499 = arith.constant 32 : i32
      %mul3A_500 = arith.muli %div3A_498, %mul3A_499 : i32
      %broadcast_in_dim3A_501 = vector.broadcast %add3A_490 : i32 to vector<16xi32>
      %add3A_502 = vector.broadcast %mul3A_496 : i32 to vector<16xi32>
      %add3A_503 = arith.addi %add3A_502, %iota3A : vector<16xi32>
      %gather3A_504 = arith.constant 1 : i32
      %gather3A_505 = arith.constant 0 : i32
      %gather3A_506 = arith.constant 0 : i32
      %gather3A_507 = tpu.memref_slice %arg12[%gather3A_504, %gather3A_505, %gather3A_506] : memref<2x128x128xf32, #tpu.memory_space<vmem>> -> memref<1x128x128xf32, #tpu.memory_space<vmem>>
      %gather3A_508 = tpu.memref_squeeze %gather3A_507 : memref<1x128x128xf32, #tpu.memory_space<vmem>> -> memref<128x128xf32, #tpu.memory_space<vmem>>
      %gather3A_509 = tpu.vector_load_idx %gather3A_508[%broadcast_in_dim3A_501, %add3A_503] : memref<128x128xf32, #tpu.memory_space<vmem>>[vector<16xi32>, vector<16xi32>], vector<16xf32>,
      %add3A_510 = vector.broadcast %mul3A_496 : i32 to vector<16xi32>
      %add3A_511 = arith.addi %add3A_510, %iota3A : vector<16xi32>
      %add3A_512 = arith.constant 16 : i32
      %add3A_513 = vector.broadcast %add3A_512 : i32 to vector<16xi32>
      %add3A_514 = arith.addi %add3A_511, %add3A_513 : vector<16xi32>
      %gather3A_515 = arith.constant 1 : i32
      %gather3A_516 = arith.constant 0 : i32
      %gather3A_517 = arith.constant 0 : i32
      %gather3A_518 = tpu.memref_slice %arg12[%gather3A_515, %gather3A_516, %gather3A_517] : memref<2x128x128xf32, #tpu.memory_space<vmem>> -> memref<1x128x128xf32, #tpu.memory_space<vmem>>
      %gather3A_519 = tpu.memref_squeeze %gather3A_518 : memref<1x128x128xf32, #tpu.memory_space<vmem>> -> memref<128x128xf32, #tpu.memory_space<vmem>>
      %gather3A_520 = tpu.vector_load_idx %gather3A_519[%broadcast_in_dim3A_501, %add3A_514] : memref<128x128xf32, #tpu.memory_space<vmem>>[vector<16xi32>, vector<16xi32>], vector<16xf32>,
      %add3A_521 = vector.broadcast %mul3A_500 : i32 to vector<16xi32>
      %add3A_522 = arith.addi %add3A_521, %iota3A : vector<16xi32>
      %gather3A_523 = arith.constant 1 : i32
      %gather3A_524 = arith.constant 0 : i32
      %gather3A_525 = arith.constant 0 : i32
      %gather3A_526 = tpu.memref_slice %arg13[%gather3A_523, %gather3A_524, %gather3A_525] : memref<2x128x128xf32, #tpu.memory_space<vmem>> -> memref<1x128x128xf32, #tpu.memory_space<vmem>>
      %gather3A_527 = tpu.memref_squeeze %gather3A_526 : memref<1x128x128xf32, #tpu.memory_space<vmem>> -> memref<128x128xf32, #tpu.memory_space<vmem>>
      %gather3A_528 = tpu.vector_load_idx %gather3A_527[%broadcast_in_dim3A_501, %add3A_522] : memref<128x128xf32, #tpu.memory_space<vmem>>[vector<16xi32>, vector<16xi32>], vector<16xf32>,
      %add3A_529 = vector.broadcast %mul3A_500 : i32 to vector<16xi32>
      %add3A_530 = arith.addi %add3A_529, %iota3A : vector<16xi32>
      %add3A_531 = arith.constant 16 : i32
      %add3A_532 = vector.broadcast %add3A_531 : i32 to vector<16xi32>
      %add3A_533 = arith.addi %add3A_530, %add3A_532 : vector<16xi32>
      %gather3A_534 = arith.constant 1 : i32
      %gather3A_535 = arith.constant 0 : i32
      %gather3A_536 = arith.constant 0 : i32
      %gather3A_537 = tpu.memref_slice %arg13[%gather3A_534, %gather3A_535, %gather3A_536] : memref<2x128x128xf32, #tpu.memory_space<vmem>> -> memref<1x128x128xf32, #tpu.memory_space<vmem>>
      %gather3A_538 = tpu.memref_squeeze %gather3A_537 : memref<1x128x128xf32, #tpu.memory_space<vmem>> -> memref<128x128xf32, #tpu.memory_space<vmem>>
      %gather3A_539 = tpu.vector_load_idx %gather3A_538[%broadcast_in_dim3A_501, %add3A_533] : memref<128x128xf32, #tpu.memory_space<vmem>>[vector<16xi32>, vector<16xi32>], vector<16xf32>,
      %mul3A_540 = arith.mulf %gather3A_509, %gather3A_528 : vector<16xf32>
      %mul3A_541 = arith.mulf %mul3A_540, %get3A_3 : vector<16xf32>
      %mul3A_542 = arith.mulf %gather3A_520, %gather3A_539 : vector<16xf32>
      %mul3A_543 = arith.mulf %mul3A_542, %get3A_5 : vector<16xf32>
      %add3A_544 = arith.addf %mul3A_541, %mul3A_543 : vector<16xf32>
      %reduce_sum3A_545 = arith.constant true
      %reduce_sum3A_546 = vector.broadcast %reduce_sum3A_545 : i1 to vector<16xi1>
      %reduce_sum3A_547 = tpu.scan <sum>, %add3A_544 masked %reduce_sum3A_546 : vector<16xf32>, vector<16xi1> -> vector<16xf32>
      %reduce_sum3A_548 = vector.extract %reduce_sum3A_547[15] : f32 from vector<16xf32>
      %eq3A_549 = arith.constant 4 : i32
      %eq3A_550 = vector.broadcast %eq3A_549 : i32 to vector<16xi32>
      %eq3A_551 = arith.cmpi eq, %iota3A, %eq3A_550 : vector<16xi32>
      %broadcast_in_dim3A_552 = vector.broadcast %reduce_sum3A_548 : f32 to vector<16xf32>
      %select_n3A_553 = arith.select %eq3A_551, %broadcast_in_dim3A_552, %select_n3A_486 : vector<16xi1>, vector<16xf32>
      %mul3A_554 = arith.constant 16 : i32
      %mul3A_555 = arith.muli %scan3A_221, %mul3A_554 : i32
      %add3A_556 = arith.constant 5 : i32
      %add3A_557 = arith.addi %mul3A_555, %add3A_556 : i32
      %slice3A_558 = vector.extract_strided_slice %get3A_227 {offsets = [5], sizes = [1], strides = [1]} : vector<16xi32> to vector<1xi32>
      %squeeze3A_559 = vector.extract %slice3A_558[0] : i32 from vector<1xi32>
      %rem3A_560 = arith.constant 4 : i32
      %rem3A_561 = arith.remsi %squeeze3A_559, %rem3A_560 : i32
      %mul3A_562 = arith.constant 32 : i32
      %mul3A_563 = arith.muli %rem3A_561, %mul3A_562 : i32
      %div3A_564 = arith.constant 4 : i32
      %div3A_565 = arith.divsi %squeeze3A_559, %div3A_564 : i32
      %mul3A_566 = arith.constant 32 : i32
      %mul3A_567 = arith.muli %div3A_565, %mul3A_566 : i32
      %broadcast_in_dim3A_568 = vector.broadcast %add3A_557 : i32 to vector<16xi32>
      %add3A_569 = vector.broadcast %mul3A_563 : i32 to vector<16xi32>
      %add3A_570 = arith.addi %add3A_569, %iota3A : vector<16xi32>
      %gather3A_571 = arith.constant 1 : i32
      %gather3A_572 = arith.constant 0 : i32
      %gather3A_573 = arith.constant 0 : i32
      %gather3A_574 = tpu.memref_slice %arg12[%gather3A_571, %gather3A_572, %gather3A_573] : memref<2x128x128xf32, #tpu.memory_space<vmem>> -> memref<1x128x128xf32, #tpu.memory_space<vmem>>
      %gather3A_575 = tpu.memref_squeeze %gather3A_574 : memref<1x128x128xf32, #tpu.memory_space<vmem>> -> memref<128x128xf32, #tpu.memory_space<vmem>>
      %gather3A_576 = tpu.vector_load_idx %gather3A_575[%broadcast_in_dim3A_568, %add3A_570] : memref<128x128xf32, #tpu.memory_space<vmem>>[vector<16xi32>, vector<16xi32>], vector<16xf32>,
      %add3A_577 = vector.broadcast %mul3A_563 : i32 to vector<16xi32>
      %add3A_578 = arith.addi %add3A_577, %iota3A : vector<16xi32>
      %add3A_579 = arith.constant 16 : i32
      %add3A_580 = vector.broadcast %add3A_579 : i32 to vector<16xi32>
      %add3A_581 = arith.addi %add3A_578, %add3A_580 : vector<16xi32>
      %gather3A_582 = arith.constant 1 : i32
      %gather3A_583 = arith.constant 0 : i32
      %gather3A_584 = arith.constant 0 : i32
      %gather3A_585 = tpu.memref_slice %arg12[%gather3A_582, %gather3A_583, %gather3A_584] : memref<2x128x128xf32, #tpu.memory_space<vmem>> -> memref<1x128x128xf32, #tpu.memory_space<vmem>>
      %gather3A_586 = tpu.memref_squeeze %gather3A_585 : memref<1x128x128xf32, #tpu.memory_space<vmem>> -> memref<128x128xf32, #tpu.memory_space<vmem>>
      %gather3A_587 = tpu.vector_load_idx %gather3A_586[%broadcast_in_dim3A_568, %add3A_581] : memref<128x128xf32, #tpu.memory_space<vmem>>[vector<16xi32>, vector<16xi32>], vector<16xf32>,
      %add3A_588 = vector.broadcast %mul3A_567 : i32 to vector<16xi32>
      %add3A_589 = arith.addi %add3A_588, %iota3A : vector<16xi32>
      %gather3A_590 = arith.constant 1 : i32
      %gather3A_591 = arith.constant 0 : i32
      %gather3A_592 = arith.constant 0 : i32
      %gather3A_593 = tpu.memref_slice %arg13[%gather3A_590, %gather3A_591, %gather3A_592] : memref<2x128x128xf32, #tpu.memory_space<vmem>> -> memref<1x128x128xf32, #tpu.memory_space<vmem>>
      %gather3A_594 = tpu.memref_squeeze %gather3A_593 : memref<1x128x128xf32, #tpu.memory_space<vmem>> -> memref<128x128xf32, #tpu.memory_space<vmem>>
      %gather3A_595 = tpu.vector_load_idx %gather3A_594[%broadcast_in_dim3A_568, %add3A_589] : memref<128x128xf32, #tpu.memory_space<vmem>>[vector<16xi32>, vector<16xi32>], vector<16xf32>,
      %add3A_596 = vector.broadcast %mul3A_567 : i32 to vector<16xi32>
      %add3A_597 = arith.addi %add3A_596, %iota3A : vector<16xi32>
      %add3A_598 = arith.constant 16 : i32
      %add3A_599 = vector.broadcast %add3A_598 : i32 to vector<16xi32>
      %add3A_600 = arith.addi %add3A_597, %add3A_599 : vector<16xi32>
      %gather3A_601 = arith.constant 1 : i32
      %gather3A_602 = arith.constant 0 : i32
      %gather3A_603 = arith.constant 0 : i32
      %gather3A_604 = tpu.memref_slice %arg13[%gather3A_601, %gather3A_602, %gather3A_603] : memref<2x128x128xf32, #tpu.memory_space<vmem>> -> memref<1x128x128xf32, #tpu.memory_space<vmem>>
      %gather3A_605 = tpu.memref_squeeze %gather3A_604 : memref<1x128x128xf32, #tpu.memory_space<vmem>> -> memref<128x128xf32, #tpu.memory_space<vmem>>
      %gather3A_606 = tpu.vector_load_idx %gather3A_605[%broadcast_in_dim3A_568, %add3A_600] : memref<128x128xf32, #tpu.memory_space<vmem>>[vector<16xi32>, vector<16xi32>], vector<16xf32>,
      %mul3A_607 = arith.mulf %gather3A_576, %gather3A_595 : vector<16xf32>
      %mul3A_608 = arith.mulf %mul3A_607, %get3A_3 : vector<16xf32>
      %mul3A_609 = arith.mulf %gather3A_587, %gather3A_606 : vector<16xf32>
      %mul3A_610 = arith.mulf %mul3A_609, %get3A_5 : vector<16xf32>
      %add3A_611 = arith.addf %mul3A_608, %mul3A_610 : vector<16xf32>
      %reduce_sum3A_612 = arith.constant true
      %reduce_sum3A_613 = vector.broadcast %reduce_sum3A_612 : i1 to vector<16xi1>
      %reduce_sum3A_614 = tpu.scan <sum>, %add3A_611 masked %reduce_sum3A_613 : vector<16xf32>, vector<16xi1> -> vector<16xf32>
      %reduce_sum3A_615 = vector.extract %reduce_sum3A_614[15] : f32 from vector<16xf32>
      %eq3A_616 = arith.constant 5 : i32
      %eq3A_617 = vector.broadcast %eq3A_616 : i32 to vector<16xi32>
      %eq3A_618 = arith.cmpi eq, %iota3A, %eq3A_617 : vector<16xi32>
      %broadcast_in_dim3A_619 = vector.broadcast %reduce_sum3A_615 : f32 to vector<16xf32>
      %select_n3A_620 = arith.select %eq3A_618, %broadcast_in_dim3A_619, %select_n3A_553 : vector<16xi1>, vector<16xf32>
      %mul3A_621 = arith.constant 16 : i32
      %mul3A_622 = arith.muli %scan3A_221, %mul3A_621 : i32
      %add3A_623 = arith.constant 6 : i32
      %add3A_624 = arith.addi %mul3A_622, %add3A_623 : i32
      %slice3A_625 = vector.extract_strided_slice %get3A_227 {offsets = [6], sizes = [1], strides = [1]} : vector<16xi32> to vector<1xi32>
      %squeeze3A_626 = vector.extract %slice3A_625[0] : i32 from vector<1xi32>
      %rem3A_627 = arith.constant 4 : i32
      %rem3A_628 = arith.remsi %squeeze3A_626, %rem3A_627 : i32
      %mul3A_629 = arith.constant 32 : i32
      %mul3A_630 = arith.muli %rem3A_628, %mul3A_629 : i32
      %div3A_631 = arith.constant 4 : i32
      %div3A_632 = arith.divsi %squeeze3A_626, %div3A_631 : i32
      %mul3A_633 = arith.constant 32 : i32
      %mul3A_634 = arith.muli %div3A_632, %mul3A_633 : i32
      %broadcast_in_dim3A_635 = vector.broadcast %add3A_624 : i32 to vector<16xi32>
      %add3A_636 = vector.broadcast %mul3A_630 : i32 to vector<16xi32>
      %add3A_637 = arith.addi %add3A_636, %iota3A : vector<16xi32>
      %gather3A_638 = arith.constant 1 : i32
      %gather3A_639 = arith.constant 0 : i32
      %gather3A_640 = arith.constant 0 : i32
      %gather3A_641 = tpu.memref_slice %arg12[%gather3A_638, %gather3A_639, %gather3A_640] : memref<2x128x128xf32, #tpu.memory_space<vmem>> -> memref<1x128x128xf32, #tpu.memory_space<vmem>>
      %gather3A_642 = tpu.memref_squeeze %gather3A_641 : memref<1x128x128xf32, #tpu.memory_space<vmem>> -> memref<128x128xf32, #tpu.memory_space<vmem>>
      %gather3A_643 = tpu.vector_load_idx %gather3A_642[%broadcast_in_dim3A_635, %add3A_637] : memref<128x128xf32, #tpu.memory_space<vmem>>[vector<16xi32>, vector<16xi32>], vector<16xf32>,
      %add3A_644 = vector.broadcast %mul3A_630 : i32 to vector<16xi32>
      %add3A_645 = arith.addi %add3A_644, %iota3A : vector<16xi32>
      %add3A_646 = arith.constant 16 : i32
      %add3A_647 = vector.broadcast %add3A_646 : i32 to vector<16xi32>
      %add3A_648 = arith.addi %add3A_645, %add3A_647 : vector<16xi32>
      %gather3A_649 = arith.constant 1 : i32
      %gather3A_650 = arith.constant 0 : i32
      %gather3A_651 = arith.constant 0 : i32
      %gather3A_652 = tpu.memref_slice %arg12[%gather3A_649, %gather3A_650, %gather3A_651] : memref<2x128x128xf32, #tpu.memory_space<vmem>> -> memref<1x128x128xf32, #tpu.memory_space<vmem>>
      %gather3A_653 = tpu.memref_squeeze %gather3A_652 : memref<1x128x128xf32, #tpu.memory_space<vmem>> -> memref<128x128xf32, #tpu.memory_space<vmem>>
      %gather3A_654 = tpu.vector_load_idx %gather3A_653[%broadcast_in_dim3A_635, %add3A_648] : memref<128x128xf32, #tpu.memory_space<vmem>>[vector<16xi32>, vector<16xi32>], vector<16xf32>,
      %add3A_655 = vector.broadcast %mul3A_634 : i32 to vector<16xi32>
      %add3A_656 = arith.addi %add3A_655, %iota3A : vector<16xi32>
      %gather3A_657 = arith.constant 1 : i32
      %gather3A_658 = arith.constant 0 : i32
      %gather3A_659 = arith.constant 0 : i32
      %gather3A_660 = tpu.memref_slice %arg13[%gather3A_657, %gather3A_658, %gather3A_659] : memref<2x128x128xf32, #tpu.memory_space<vmem>> -> memref<1x128x128xf32, #tpu.memory_space<vmem>>
      %gather3A_661 = tpu.memref_squeeze %gather3A_660 : memref<1x128x128xf32, #tpu.memory_space<vmem>> -> memref<128x128xf32, #tpu.memory_space<vmem>>
      %gather3A_662 = tpu.vector_load_idx %gather3A_661[%broadcast_in_dim3A_635, %add3A_656] : memref<128x128xf32, #tpu.memory_space<vmem>>[vector<16xi32>, vector<16xi32>], vector<16xf32>,
      %add3A_663 = vector.broadcast %mul3A_634 : i32 to vector<16xi32>
      %add3A_664 = arith.addi %add3A_663, %iota3A : vector<16xi32>
      %add3A_665 = arith.constant 16 : i32
      %add3A_666 = vector.broadcast %add3A_665 : i32 to vector<16xi32>
      %add3A_667 = arith.addi %add3A_664, %add3A_666 : vector<16xi32>
      %gather3A_668 = arith.constant 1 : i32
      %gather3A_669 = arith.constant 0 : i32
      %gather3A_670 = arith.constant 0 : i32
      %gather3A_671 = tpu.memref_slice %arg13[%gather3A_668, %gather3A_669, %gather3A_670] : memref<2x128x128xf32, #tpu.memory_space<vmem>> -> memref<1x128x128xf32, #tpu.memory_space<vmem>>
      %gather3A_672 = tpu.memref_squeeze %gather3A_671 : memref<1x128x128xf32, #tpu.memory_space<vmem>> -> memref<128x128xf32, #tpu.memory_space<vmem>>
      %gather3A_673 = tpu.vector_load_idx %gather3A_672[%broadcast_in_dim3A_635, %add3A_667] : memref<128x128xf32, #tpu.memory_space<vmem>>[vector<16xi32>, vector<16xi32>], vector<16xf32>,
      %mul3A_674 = arith.mulf %gather3A_643, %gather3A_662 : vector<16xf32>
      %mul3A_675 = arith.mulf %mul3A_674, %get3A_3 : vector<16xf32>
      %mul3A_676 = arith.mulf %gather3A_654, %gather3A_673 : vector<16xf32>
      %mul3A_677 = arith.mulf %mul3A_676, %get3A_5 : vector<16xf32>
      %add3A_678 = arith.addf %mul3A_675, %mul3A_677 : vector<16xf32>
      %reduce_sum3A_679 = arith.constant true
      %reduce_sum3A_680 = vector.broadcast %reduce_sum3A_679 : i1 to vector<16xi1>
      %reduce_sum3A_681 = tpu.scan <sum>, %add3A_678 masked %reduce_sum3A_680 : vector<16xf32>, vector<16xi1> -> vector<16xf32>
      %reduce_sum3A_682 = vector.extract %reduce_sum3A_681[15] : f32 from vector<16xf32>
      %eq3A_683 = arith.constant 6 : i32
      %eq3A_684 = vector.broadcast %eq3A_683 : i32 to vector<16xi32>
      %eq3A_685 = arith.cmpi eq, %iota3A, %eq3A_684 : vector<16xi32>
      %broadcast_in_dim3A_686 = vector.broadcast %reduce_sum3A_682 : f32 to vector<16xf32>
      %select_n3A_687 = arith.select %eq3A_685, %broadcast_in_dim3A_686, %select_n3A_620 : vector<16xi1>, vector<16xf32>
      %mul3A_688 = arith.constant 16 : i32
      %mul3A_689 = arith.muli %scan3A_221, %mul3A_688 : i32
      %add3A_690 = arith.constant 7 : i32
      %add3A_691 = arith.addi %mul3A_689, %add3A_690 : i32
      %slice3A_692 = vector.extract_strided_slice %get3A_227 {offsets = [7], sizes = [1], strides = [1]} : vector<16xi32> to vector<1xi32>
      %squeeze3A_693 = vector.extract %slice3A_692[0] : i32 from vector<1xi32>
      %rem3A_694 = arith.constant 4 : i32
      %rem3A_695 = arith.remsi %squeeze3A_693, %rem3A_694 : i32
      %mul3A_696 = arith.constant 32 : i32
      %mul3A_697 = arith.muli %rem3A_695, %mul3A_696 : i32
      %div3A_698 = arith.constant 4 : i32
      %div3A_699 = arith.divsi %squeeze3A_693, %div3A_698 : i32
      %mul3A_700 = arith.constant 32 : i32
      %mul3A_701 = arith.muli %div3A_699, %mul3A_700 : i32
      %broadcast_in_dim3A_702 = vector.broadcast %add3A_691 : i32 to vector<16xi32>
      %add3A_703 = vector.broadcast %mul3A_697 : i32 to vector<16xi32>
      %add3A_704 = arith.addi %add3A_703, %iota3A : vector<16xi32>
      %gather3A_705 = arith.constant 1 : i32
      %gather3A_706 = arith.constant 0 : i32
      %gather3A_707 = arith.constant 0 : i32
      %gather3A_708 = tpu.memref_slice %arg12[%gather3A_705, %gather3A_706, %gather3A_707] : memref<2x128x128xf32, #tpu.memory_space<vmem>> -> memref<1x128x128xf32, #tpu.memory_space<vmem>>
      %gather3A_709 = tpu.memref_squeeze %gather3A_708 : memref<1x128x128xf32, #tpu.memory_space<vmem>> -> memref<128x128xf32, #tpu.memory_space<vmem>>
      %gather3A_710 = tpu.vector_load_idx %gather3A_709[%broadcast_in_dim3A_702, %add3A_704] : memref<128x128xf32, #tpu.memory_space<vmem>>[vector<16xi32>, vector<16xi32>], vector<16xf32>,
      %add3A_711 = vector.broadcast %mul3A_697 : i32 to vector<16xi32>
      %add3A_712 = arith.addi %add3A_711, %iota3A : vector<16xi32>
      %add3A_713 = arith.constant 16 : i32
      %add3A_714 = vector.broadcast %add3A_713 : i32 to vector<16xi32>
      %add3A_715 = arith.addi %add3A_712, %add3A_714 : vector<16xi32>
      %gather3A_716 = arith.constant 1 : i32
      %gather3A_717 = arith.constant 0 : i32
      %gather3A_718 = arith.constant 0 : i32
      %gather3A_719 = tpu.memref_slice %arg12[%gather3A_716, %gather3A_717, %gather3A_718] : memref<2x128x128xf32, #tpu.memory_space<vmem>> -> memref<1x128x128xf32, #tpu.memory_space<vmem>>
      %gather3A_720 = tpu.memref_squeeze %gather3A_719 : memref<1x128x128xf32, #tpu.memory_space<vmem>> -> memref<128x128xf32, #tpu.memory_space<vmem>>
      %gather3A_721 = tpu.vector_load_idx %gather3A_720[%broadcast_in_dim3A_702, %add3A_715] : memref<128x128xf32, #tpu.memory_space<vmem>>[vector<16xi32>, vector<16xi32>], vector<16xf32>,
      %add3A_722 = vector.broadcast %mul3A_701 : i32 to vector<16xi32>
      %add3A_723 = arith.addi %add3A_722, %iota3A : vector<16xi32>
      %gather3A_724 = arith.constant 1 : i32
      %gather3A_725 = arith.constant 0 : i32
      %gather3A_726 = arith.constant 0 : i32
      %gather3A_727 = tpu.memref_slice %arg13[%gather3A_724, %gather3A_725, %gather3A_726] : memref<2x128x128xf32, #tpu.memory_space<vmem>> -> memref<1x128x128xf32, #tpu.memory_space<vmem>>
      %gather3A_728 = tpu.memref_squeeze %gather3A_727 : memref<1x128x128xf32, #tpu.memory_space<vmem>> -> memref<128x128xf32, #tpu.memory_space<vmem>>
      %gather3A_729 = tpu.vector_load_idx %gather3A_728[%broadcast_in_dim3A_702, %add3A_723] : memref<128x128xf32, #tpu.memory_space<vmem>>[vector<16xi32>, vector<16xi32>], vector<16xf32>,
      %add3A_730 = vector.broadcast %mul3A_701 : i32 to vector<16xi32>
      %add3A_731 = arith.addi %add3A_730, %iota3A : vector<16xi32>
      %add3A_732 = arith.constant 16 : i32
      %add3A_733 = vector.broadcast %add3A_732 : i32 to vector<16xi32>
      %add3A_734 = arith.addi %add3A_731, %add3A_733 : vector<16xi32>
      %gather3A_735 = arith.constant 1 : i32
      %gather3A_736 = arith.constant 0 : i32
      %gather3A_737 = arith.constant 0 : i32
      %gather3A_738 = tpu.memref_slice %arg13[%gather3A_735, %gather3A_736, %gather3A_737] : memref<2x128x128xf32, #tpu.memory_space<vmem>> -> memref<1x128x128xf32, #tpu.memory_space<vmem>>
      %gather3A_739 = tpu.memref_squeeze %gather3A_738 : memref<1x128x128xf32, #tpu.memory_space<vmem>> -> memref<128x128xf32, #tpu.memory_space<vmem>>
      %gather3A_740 = tpu.vector_load_idx %gather3A_739[%broadcast_in_dim3A_702, %add3A_734] : memref<128x128xf32, #tpu.memory_space<vmem>>[vector<16xi32>, vector<16xi32>], vector<16xf32>,
      %mul3A_741 = arith.mulf %gather3A_710, %gather3A_729 : vector<16xf32>
      %mul3A_742 = arith.mulf %mul3A_741, %get3A_3 : vector<16xf32>
      %mul3A_743 = arith.mulf %gather3A_721, %gather3A_740 : vector<16xf32>
      %mul3A_744 = arith.mulf %mul3A_743, %get3A_5 : vector<16xf32>
      %add3A_745 = arith.addf %mul3A_742, %mul3A_744 : vector<16xf32>
      %reduce_sum3A_746 = arith.constant true
      %reduce_sum3A_747 = vector.broadcast %reduce_sum3A_746 : i1 to vector<16xi1>
      %reduce_sum3A_748 = tpu.scan <sum>, %add3A_745 masked %reduce_sum3A_747 : vector<16xf32>, vector<16xi1> -> vector<16xf32>
      %reduce_sum3A_749 = vector.extract %reduce_sum3A_748[15] : f32 from vector<16xf32>
      %eq3A_750 = arith.constant 7 : i32
      %eq3A_751 = vector.broadcast %eq3A_750 : i32 to vector<16xi32>
      %eq3A_752 = arith.cmpi eq, %iota3A, %eq3A_751 : vector<16xi32>
      %broadcast_in_dim3A_753 = vector.broadcast %reduce_sum3A_749 : f32 to vector<16xf32>
      %select_n3A_754 = arith.select %eq3A_752, %broadcast_in_dim3A_753, %select_n3A_687 : vector<16xi1>, vector<16xf32>
      %mul3A_755 = arith.constant 16 : i32
      %mul3A_756 = arith.muli %scan3A_221, %mul3A_755 : i32
      %add3A_757 = arith.constant 8 : i32
      %add3A_758 = arith.addi %mul3A_756, %add3A_757 : i32
      %slice3A_759 = vector.extract_strided_slice %get3A_227 {offsets = [8], sizes = [1], strides = [1]} : vector<16xi32> to vector<1xi32>
      %squeeze3A_760 = vector.extract %slice3A_759[0] : i32 from vector<1xi32>
      %rem3A_761 = arith.constant 4 : i32
      %rem3A_762 = arith.remsi %squeeze3A_760, %rem3A_761 : i32
      %mul3A_763 = arith.constant 32 : i32
      %mul3A_764 = arith.muli %rem3A_762, %mul3A_763 : i32
      %div3A_765 = arith.constant 4 : i32
      %div3A_766 = arith.divsi %squeeze3A_760, %div3A_765 : i32
      %mul3A_767 = arith.constant 32 : i32
      %mul3A_768 = arith.muli %div3A_766, %mul3A_767 : i32
      %broadcast_in_dim3A_769 = vector.broadcast %add3A_758 : i32 to vector<16xi32>
      %add3A_770 = vector.broadcast %mul3A_764 : i32 to vector<16xi32>
      %add3A_771 = arith.addi %add3A_770, %iota3A : vector<16xi32>
      %gather3A_772 = arith.constant 1 : i32
      %gather3A_773 = arith.constant 0 : i32
      %gather3A_774 = arith.constant 0 : i32
      %gather3A_775 = tpu.memref_slice %arg12[%gather3A_772, %gather3A_773, %gather3A_774] : memref<2x128x128xf32, #tpu.memory_space<vmem>> -> memref<1x128x128xf32, #tpu.memory_space<vmem>>
      %gather3A_776 = tpu.memref_squeeze %gather3A_775 : memref<1x128x128xf32, #tpu.memory_space<vmem>> -> memref<128x128xf32, #tpu.memory_space<vmem>>
      %gather3A_777 = tpu.vector_load_idx %gather3A_776[%broadcast_in_dim3A_769, %add3A_771] : memref<128x128xf32, #tpu.memory_space<vmem>>[vector<16xi32>, vector<16xi32>], vector<16xf32>,
      %add3A_778 = vector.broadcast %mul3A_764 : i32 to vector<16xi32>
      %add3A_779 = arith.addi %add3A_778, %iota3A : vector<16xi32>
      %add3A_780 = arith.constant 16 : i32
      %add3A_781 = vector.broadcast %add3A_780 : i32 to vector<16xi32>
      %add3A_782 = arith.addi %add3A_779, %add3A_781 : vector<16xi32>
      %gather3A_783 = arith.constant 1 : i32
      %gather3A_784 = arith.constant 0 : i32
      %gather3A_785 = arith.constant 0 : i32
      %gather3A_786 = tpu.memref_slice %arg12[%gather3A_783, %gather3A_784, %gather3A_785] : memref<2x128x128xf32, #tpu.memory_space<vmem>> -> memref<1x128x128xf32, #tpu.memory_space<vmem>>
      %gather3A_787 = tpu.memref_squeeze %gather3A_786 : memref<1x128x128xf32, #tpu.memory_space<vmem>> -> memref<128x128xf32, #tpu.memory_space<vmem>>
      %gather3A_788 = tpu.vector_load_idx %gather3A_787[%broadcast_in_dim3A_769, %add3A_782] : memref<128x128xf32, #tpu.memory_space<vmem>>[vector<16xi32>, vector<16xi32>], vector<16xf32>,
      %add3A_789 = vector.broadcast %mul3A_768 : i32 to vector<16xi32>
      %add3A_790 = arith.addi %add3A_789, %iota3A : vector<16xi32>
      %gather3A_791 = arith.constant 1 : i32
      %gather3A_792 = arith.constant 0 : i32
      %gather3A_793 = arith.constant 0 : i32
      %gather3A_794 = tpu.memref_slice %arg13[%gather3A_791, %gather3A_792, %gather3A_793] : memref<2x128x128xf32, #tpu.memory_space<vmem>> -> memref<1x128x128xf32, #tpu.memory_space<vmem>>
      %gather3A_795 = tpu.memref_squeeze %gather3A_794 : memref<1x128x128xf32, #tpu.memory_space<vmem>> -> memref<128x128xf32, #tpu.memory_space<vmem>>
      %gather3A_796 = tpu.vector_load_idx %gather3A_795[%broadcast_in_dim3A_769, %add3A_790] : memref<128x128xf32, #tpu.memory_space<vmem>>[vector<16xi32>, vector<16xi32>], vector<16xf32>,
      %add3A_797 = vector.broadcast %mul3A_768 : i32 to vector<16xi32>
      %add3A_798 = arith.addi %add3A_797, %iota3A : vector<16xi32>
      %add3A_799 = arith.constant 16 : i32
      %add3A_800 = vector.broadcast %add3A_799 : i32 to vector<16xi32>
      %add3A_801 = arith.addi %add3A_798, %add3A_800 : vector<16xi32>
      %gather3A_802 = arith.constant 1 : i32
      %gather3A_803 = arith.constant 0 : i32
      %gather3A_804 = arith.constant 0 : i32
      %gather3A_805 = tpu.memref_slice %arg13[%gather3A_802, %gather3A_803, %gather3A_804] : memref<2x128x128xf32, #tpu.memory_space<vmem>> -> memref<1x128x128xf32, #tpu.memory_space<vmem>>
      %gather3A_806 = tpu.memref_squeeze %gather3A_805 : memref<1x128x128xf32, #tpu.memory_space<vmem>> -> memref<128x128xf32, #tpu.memory_space<vmem>>
      %gather3A_807 = tpu.vector_load_idx %gather3A_806[%broadcast_in_dim3A_769, %add3A_801] : memref<128x128xf32, #tpu.memory_space<vmem>>[vector<16xi32>, vector<16xi32>], vector<16xf32>,
      %mul3A_808 = arith.mulf %gather3A_777, %gather3A_796 : vector<16xf32>
      %mul3A_809 = arith.mulf %mul3A_808, %get3A_3 : vector<16xf32>
      %mul3A_810 = arith.mulf %gather3A_788, %gather3A_807 : vector<16xf32>
      %mul3A_811 = arith.mulf %mul3A_810, %get3A_5 : vector<16xf32>
      %add3A_812 = arith.addf %mul3A_809, %mul3A_811 : vector<16xf32>
      %reduce_sum3A_813 = arith.constant true
      %reduce_sum3A_814 = vector.broadcast %reduce_sum3A_813 : i1 to vector<16xi1>
      %reduce_sum3A_815 = tpu.scan <sum>, %add3A_812 masked %reduce_sum3A_814 : vector<16xf32>, vector<16xi1> -> vector<16xf32>
      %reduce_sum3A_816 = vector.extract %reduce_sum3A_815[15] : f32 from vector<16xf32>
      %eq3A_817 = arith.constant 8 : i32
      %eq3A_818 = vector.broadcast %eq3A_817 : i32 to vector<16xi32>
      %eq3A_819 = arith.cmpi eq, %iota3A, %eq3A_818 : vector<16xi32>
      %broadcast_in_dim3A_820 = vector.broadcast %reduce_sum3A_816 : f32 to vector<16xf32>
      %select_n3A_821 = arith.select %eq3A_819, %broadcast_in_dim3A_820, %select_n3A_754 : vector<16xi1>, vector<16xf32>
      %mul3A_822 = arith.constant 16 : i32
      %mul3A_823 = arith.muli %scan3A_221, %mul3A_822 : i32
      %add3A_824 = arith.constant 9 : i32
      %add3A_825 = arith.addi %mul3A_823, %add3A_824 : i32
      %slice3A_826 = vector.extract_strided_slice %get3A_227 {offsets = [9], sizes = [1], strides = [1]} : vector<16xi32> to vector<1xi32>
      %squeeze3A_827 = vector.extract %slice3A_826[0] : i32 from vector<1xi32>
      %rem3A_828 = arith.constant 4 : i32
      %rem3A_829 = arith.remsi %squeeze3A_827, %rem3A_828 : i32
      %mul3A_830 = arith.constant 32 : i32
      %mul3A_831 = arith.muli %rem3A_829, %mul3A_830 : i32
      %div3A_832 = arith.constant 4 : i32
      %div3A_833 = arith.divsi %squeeze3A_827, %div3A_832 : i32
      %mul3A_834 = arith.constant 32 : i32
      %mul3A_835 = arith.muli %div3A_833, %mul3A_834 : i32
      %broadcast_in_dim3A_836 = vector.broadcast %add3A_825 : i32 to vector<16xi32>
      %add3A_837 = vector.broadcast %mul3A_831 : i32 to vector<16xi32>
      %add3A_838 = arith.addi %add3A_837, %iota3A : vector<16xi32>
      %gather3A_839 = arith.constant 1 : i32
      %gather3A_840 = arith.constant 0 : i32
      %gather3A_841 = arith.constant 0 : i32
      %gather3A_842 = tpu.memref_slice %arg12[%gather3A_839, %gather3A_840, %gather3A_841] : memref<2x128x128xf32, #tpu.memory_space<vmem>> -> memref<1x128x128xf32, #tpu.memory_space<vmem>>
      %gather3A_843 = tpu.memref_squeeze %gather3A_842 : memref<1x128x128xf32, #tpu.memory_space<vmem>> -> memref<128x128xf32, #tpu.memory_space<vmem>>
      %gather3A_844 = tpu.vector_load_idx %gather3A_843[%broadcast_in_dim3A_836, %add3A_838] : memref<128x128xf32, #tpu.memory_space<vmem>>[vector<16xi32>, vector<16xi32>], vector<16xf32>,
      %add3A_845 = vector.broadcast %mul3A_831 : i32 to vector<16xi32>
      %add3A_846 = arith.addi %add3A_845, %iota3A : vector<16xi32>
      %add3A_847 = arith.constant 16 : i32
      %add3A_848 = vector.broadcast %add3A_847 : i32 to vector<16xi32>
      %add3A_849 = arith.addi %add3A_846, %add3A_848 : vector<16xi32>
      %gather3A_850 = arith.constant 1 : i32
      %gather3A_851 = arith.constant 0 : i32
      %gather3A_852 = arith.constant 0 : i32
      %gather3A_853 = tpu.memref_slice %arg12[%gather3A_850, %gather3A_851, %gather3A_852] : memref<2x128x128xf32, #tpu.memory_space<vmem>> -> memref<1x128x128xf32, #tpu.memory_space<vmem>>
      %gather3A_854 = tpu.memref_squeeze %gather3A_853 : memref<1x128x128xf32, #tpu.memory_space<vmem>> -> memref<128x128xf32, #tpu.memory_space<vmem>>
      %gather3A_855 = tpu.vector_load_idx %gather3A_854[%broadcast_in_dim3A_836, %add3A_849] : memref<128x128xf32, #tpu.memory_space<vmem>>[vector<16xi32>, vector<16xi32>], vector<16xf32>,
      %add3A_856 = vector.broadcast %mul3A_835 : i32 to vector<16xi32>
      %add3A_857 = arith.addi %add3A_856, %iota3A : vector<16xi32>
      %gather3A_858 = arith.constant 1 : i32
      %gather3A_859 = arith.constant 0 : i32
      %gather3A_860 = arith.constant 0 : i32
      %gather3A_861 = tpu.memref_slice %arg13[%gather3A_858, %gather3A_859, %gather3A_860] : memref<2x128x128xf32, #tpu.memory_space<vmem>> -> memref<1x128x128xf32, #tpu.memory_space<vmem>>
      %gather3A_862 = tpu.memref_squeeze %gather3A_861 : memref<1x128x128xf32, #tpu.memory_space<vmem>> -> memref<128x128xf32, #tpu.memory_space<vmem>>
      %gather3A_863 = tpu.vector_load_idx %gather3A_862[%broadcast_in_dim3A_836, %add3A_857] : memref<128x128xf32, #tpu.memory_space<vmem>>[vector<16xi32>, vector<16xi32>], vector<16xf32>,
      %add3A_864 = vector.broadcast %mul3A_835 : i32 to vector<16xi32>
      %add3A_865 = arith.addi %add3A_864, %iota3A : vector<16xi32>
      %add3A_866 = arith.constant 16 : i32
      %add3A_867 = vector.broadcast %add3A_866 : i32 to vector<16xi32>
      %add3A_868 = arith.addi %add3A_865, %add3A_867 : vector<16xi32>
      %gather3A_869 = arith.constant 1 : i32
      %gather3A_870 = arith.constant 0 : i32
      %gather3A_871 = arith.constant 0 : i32
      %gather3A_872 = tpu.memref_slice %arg13[%gather3A_869, %gather3A_870, %gather3A_871] : memref<2x128x128xf32, #tpu.memory_space<vmem>> -> memref<1x128x128xf32, #tpu.memory_space<vmem>>
      %gather3A_873 = tpu.memref_squeeze %gather3A_872 : memref<1x128x128xf32, #tpu.memory_space<vmem>> -> memref<128x128xf32, #tpu.memory_space<vmem>>
      %gather3A_874 = tpu.vector_load_idx %gather3A_873[%broadcast_in_dim3A_836, %add3A_868] : memref<128x128xf32, #tpu.memory_space<vmem>>[vector<16xi32>, vector<16xi32>], vector<16xf32>,
      %mul3A_875 = arith.mulf %gather3A_844, %gather3A_863 : vector<16xf32>
      %mul3A_876 = arith.mulf %mul3A_875, %get3A_3 : vector<16xf32>
      %mul3A_877 = arith.mulf %gather3A_855, %gather3A_874 : vector<16xf32>
      %mul3A_878 = arith.mulf %mul3A_877, %get3A_5 : vector<16xf32>
      %add3A_879 = arith.addf %mul3A_876, %mul3A_878 : vector<16xf32>
      %reduce_sum3A_880 = arith.constant true
      %reduce_sum3A_881 = vector.broadcast %reduce_sum3A_880 : i1 to vector<16xi1>
      %reduce_sum3A_882 = tpu.scan <sum>, %add3A_879 masked %reduce_sum3A_881 : vector<16xf32>, vector<16xi1> -> vector<16xf32>
      %reduce_sum3A_883 = vector.extract %reduce_sum3A_882[15] : f32 from vector<16xf32>
      %eq3A_884 = arith.constant 9 : i32
      %eq3A_885 = vector.broadcast %eq3A_884 : i32 to vector<16xi32>
      %eq3A_886 = arith.cmpi eq, %iota3A, %eq3A_885 : vector<16xi32>
      %broadcast_in_dim3A_887 = vector.broadcast %reduce_sum3A_883 : f32 to vector<16xf32>
      %select_n3A_888 = arith.select %eq3A_886, %broadcast_in_dim3A_887, %select_n3A_821 : vector<16xi1>, vector<16xf32>
      %mul3A_889 = arith.constant 16 : i32
      %mul3A_890 = arith.muli %scan3A_221, %mul3A_889 : i32
      %add3A_891 = arith.constant 10 : i32
      %add3A_892 = arith.addi %mul3A_890, %add3A_891 : i32
      %slice3A_893 = vector.extract_strided_slice %get3A_227 {offsets = [10], sizes = [1], strides = [1]} : vector<16xi32> to vector<1xi32>
      %squeeze3A_894 = vector.extract %slice3A_893[0] : i32 from vector<1xi32>
      %rem3A_895 = arith.constant 4 : i32
      %rem3A_896 = arith.remsi %squeeze3A_894, %rem3A_895 : i32
      %mul3A_897 = arith.constant 32 : i32
      %mul3A_898 = arith.muli %rem3A_896, %mul3A_897 : i32
      %div3A_899 = arith.constant 4 : i32
      %div3A_900 = arith.divsi %squeeze3A_894, %div3A_899 : i32
      %mul3A_901 = arith.constant 32 : i32
      %mul3A_902 = arith.muli %div3A_900, %mul3A_901 : i32
      %broadcast_in_dim3A_903 = vector.broadcast %add3A_892 : i32 to vector<16xi32>
      %add3A_904 = vector.broadcast %mul3A_898 : i32 to vector<16xi32>
      %add3A_905 = arith.addi %add3A_904, %iota3A : vector<16xi32>
      %gather3A_906 = arith.constant 1 : i32
      %gather3A_907 = arith.constant 0 : i32
      %gather3A_908 = arith.constant 0 : i32
      %gather3A_909 = tpu.memref_slice %arg12[%gather3A_906, %gather3A_907, %gather3A_908] : memref<2x128x128xf32, #tpu.memory_space<vmem>> -> memref<1x128x128xf32, #tpu.memory_space<vmem>>
      %gather3A_910 = tpu.memref_squeeze %gather3A_909 : memref<1x128x128xf32, #tpu.memory_space<vmem>> -> memref<128x128xf32, #tpu.memory_space<vmem>>
      %gather3A_911 = tpu.vector_load_idx %gather3A_910[%broadcast_in_dim3A_903, %add3A_905] : memref<128x128xf32, #tpu.memory_space<vmem>>[vector<16xi32>, vector<16xi32>], vector<16xf32>,
      %add3A_912 = vector.broadcast %mul3A_898 : i32 to vector<16xi32>
      %add3A_913 = arith.addi %add3A_912, %iota3A : vector<16xi32>
      %add3A_914 = arith.constant 16 : i32
      %add3A_915 = vector.broadcast %add3A_914 : i32 to vector<16xi32>
      %add3A_916 = arith.addi %add3A_913, %add3A_915 : vector<16xi32>
      %gather3A_917 = arith.constant 1 : i32
      %gather3A_918 = arith.constant 0 : i32
      %gather3A_919 = arith.constant 0 : i32
      %gather3A_920 = tpu.memref_slice %arg12[%gather3A_917, %gather3A_918, %gather3A_919] : memref<2x128x128xf32, #tpu.memory_space<vmem>> -> memref<1x128x128xf32, #tpu.memory_space<vmem>>
      %gather3A_921 = tpu.memref_squeeze %gather3A_920 : memref<1x128x128xf32, #tpu.memory_space<vmem>> -> memref<128x128xf32, #tpu.memory_space<vmem>>
      %gather3A_922 = tpu.vector_load_idx %gather3A_921[%broadcast_in_dim3A_903, %add3A_916] : memref<128x128xf32, #tpu.memory_space<vmem>>[vector<16xi32>, vector<16xi32>], vector<16xf32>,
      %add3A_923 = vector.broadcast %mul3A_902 : i32 to vector<16xi32>
      %add3A_924 = arith.addi %add3A_923, %iota3A : vector<16xi32>
      %gather3A_925 = arith.constant 1 : i32
      %gather3A_926 = arith.constant 0 : i32
      %gather3A_927 = arith.constant 0 : i32
      %gather3A_928 = tpu.memref_slice %arg13[%gather3A_925, %gather3A_926, %gather3A_927] : memref<2x128x128xf32, #tpu.memory_space<vmem>> -> memref<1x128x128xf32, #tpu.memory_space<vmem>>
      %gather3A_929 = tpu.memref_squeeze %gather3A_928 : memref<1x128x128xf32, #tpu.memory_space<vmem>> -> memref<128x128xf32, #tpu.memory_space<vmem>>
      %gather3A_930 = tpu.vector_load_idx %gather3A_929[%broadcast_in_dim3A_903, %add3A_924] : memref<128x128xf32, #tpu.memory_space<vmem>>[vector<16xi32>, vector<16xi32>], vector<16xf32>,
      %add3A_931 = vector.broadcast %mul3A_902 : i32 to vector<16xi32>
      %add3A_932 = arith.addi %add3A_931, %iota3A : vector<16xi32>
      %add3A_933 = arith.constant 16 : i32
      %add3A_934 = vector.broadcast %add3A_933 : i32 to vector<16xi32>
      %add3A_935 = arith.addi %add3A_932, %add3A_934 : vector<16xi32>
      %gather3A_936 = arith.constant 1 : i32
      %gather3A_937 = arith.constant 0 : i32
      %gather3A_938 = arith.constant 0 : i32
      %gather3A_939 = tpu.memref_slice %arg13[%gather3A_936, %gather3A_937, %gather3A_938] : memref<2x128x128xf32, #tpu.memory_space<vmem>> -> memref<1x128x128xf32, #tpu.memory_space<vmem>>
      %gather3A_940 = tpu.memref_squeeze %gather3A_939 : memref<1x128x128xf32, #tpu.memory_space<vmem>> -> memref<128x128xf32, #tpu.memory_space<vmem>>
      %gather3A_941 = tpu.vector_load_idx %gather3A_940[%broadcast_in_dim3A_903, %add3A_935] : memref<128x128xf32, #tpu.memory_space<vmem>>[vector<16xi32>, vector<16xi32>], vector<16xf32>,
      %mul3A_942 = arith.mulf %gather3A_911, %gather3A_930 : vector<16xf32>
      %mul3A_943 = arith.mulf %mul3A_942, %get3A_3 : vector<16xf32>
      %mul3A_944 = arith.mulf %gather3A_922, %gather3A_941 : vector<16xf32>
      %mul3A_945 = arith.mulf %mul3A_944, %get3A_5 : vector<16xf32>
      %add3A_946 = arith.addf %mul3A_943, %mul3A_945 : vector<16xf32>
      %reduce_sum3A_947 = arith.constant true
      %reduce_sum3A_948 = vector.broadcast %reduce_sum3A_947 : i1 to vector<16xi1>
      %reduce_sum3A_949 = tpu.scan <sum>, %add3A_946 masked %reduce_sum3A_948 : vector<16xf32>, vector<16xi1> -> vector<16xf32>
      %reduce_sum3A_950 = vector.extract %reduce_sum3A_949[15] : f32 from vector<16xf32>
      %eq3A_951 = arith.constant 10 : i32
      %eq3A_952 = vector.broadcast %eq3A_951 : i32 to vector<16xi32>
      %eq3A_953 = arith.cmpi eq, %iota3A, %eq3A_952 : vector<16xi32>
      %broadcast_in_dim3A_954 = vector.broadcast %reduce_sum3A_950 : f32 to vector<16xf32>
      %select_n3A_955 = arith.select %eq3A_953, %broadcast_in_dim3A_954, %select_n3A_888 : vector<16xi1>, vector<16xf32>
      %mul3A_956 = arith.constant 16 : i32
      %mul3A_957 = arith.muli %scan3A_221, %mul3A_956 : i32
      %add3A_958 = arith.constant 11 : i32
      %add3A_959 = arith.addi %mul3A_957, %add3A_958 : i32
      %slice3A_960 = vector.extract_strided_slice %get3A_227 {offsets = [11], sizes = [1], strides = [1]} : vector<16xi32> to vector<1xi32>
      %squeeze3A_961 = vector.extract %slice3A_960[0] : i32 from vector<1xi32>
      %rem3A_962 = arith.constant 4 : i32
      %rem3A_963 = arith.remsi %squeeze3A_961, %rem3A_962 : i32
      %mul3A_964 = arith.constant 32 : i32
      %mul3A_965 = arith.muli %rem3A_963, %mul3A_964 : i32
      %div3A_966 = arith.constant 4 : i32
      %div3A_967 = arith.divsi %squeeze3A_961, %div3A_966 : i32
      %mul3A_968 = arith.constant 32 : i32
      %mul3A_969 = arith.muli %div3A_967, %mul3A_968 : i32
      %broadcast_in_dim3A_970 = vector.broadcast %add3A_959 : i32 to vector<16xi32>
      %add3A_971 = vector.broadcast %mul3A_965 : i32 to vector<16xi32>
      %add3A_972 = arith.addi %add3A_971, %iota3A : vector<16xi32>
      %gather3A_973 = arith.constant 1 : i32
      %gather3A_974 = arith.constant 0 : i32
      %gather3A_975 = arith.constant 0 : i32
      %gather3A_976 = tpu.memref_slice %arg12[%gather3A_973, %gather3A_974, %gather3A_975] : memref<2x128x128xf32, #tpu.memory_space<vmem>> -> memref<1x128x128xf32, #tpu.memory_space<vmem>>
      %gather3A_977 = tpu.memref_squeeze %gather3A_976 : memref<1x128x128xf32, #tpu.memory_space<vmem>> -> memref<128x128xf32, #tpu.memory_space<vmem>>
      %gather3A_978 = tpu.vector_load_idx %gather3A_977[%broadcast_in_dim3A_970, %add3A_972] : memref<128x128xf32, #tpu.memory_space<vmem>>[vector<16xi32>, vector<16xi32>], vector<16xf32>,
      %add3A_979 = vector.broadcast %mul3A_965 : i32 to vector<16xi32>
      %add3A_980 = arith.addi %add3A_979, %iota3A : vector<16xi32>
      %add3A_981 = arith.constant 16 : i32
      %add3A_982 = vector.broadcast %add3A_981 : i32 to vector<16xi32>
      %add3A_983 = arith.addi %add3A_980, %add3A_982 : vector<16xi32>
      %gather3A_984 = arith.constant 1 : i32
      %gather3A_985 = arith.constant 0 : i32
      %gather3A_986 = arith.constant 0 : i32
      %gather3A_987 = tpu.memref_slice %arg12[%gather3A_984, %gather3A_985, %gather3A_986] : memref<2x128x128xf32, #tpu.memory_space<vmem>> -> memref<1x128x128xf32, #tpu.memory_space<vmem>>
      %gather3A_988 = tpu.memref_squeeze %gather3A_987 : memref<1x128x128xf32, #tpu.memory_space<vmem>> -> memref<128x128xf32, #tpu.memory_space<vmem>>
      %gather3A_989 = tpu.vector_load_idx %gather3A_988[%broadcast_in_dim3A_970, %add3A_983] : memref<128x128xf32, #tpu.memory_space<vmem>>[vector<16xi32>, vector<16xi32>], vector<16xf32>,
      %add3A_990 = vector.broadcast %mul3A_969 : i32 to vector<16xi32>
      %add3A_991 = arith.addi %add3A_990, %iota3A : vector<16xi32>
      %gather3A_992 = arith.constant 1 : i32
      %gather3A_993 = arith.constant 0 : i32
      %gather3A_994 = arith.constant 0 : i32
      %gather3A_995 = tpu.memref_slice %arg13[%gather3A_992, %gather3A_993, %gather3A_994] : memref<2x128x128xf32, #tpu.memory_space<vmem>> -> memref<1x128x128xf32, #tpu.memory_space<vmem>>
      %gather3A_996 = tpu.memref_squeeze %gather3A_995 : memref<1x128x128xf32, #tpu.memory_space<vmem>> -> memref<128x128xf32, #tpu.memory_space<vmem>>
      %gather3A_997 = tpu.vector_load_idx %gather3A_996[%broadcast_in_dim3A_970, %add3A_991] : memref<128x128xf32, #tpu.memory_space<vmem>>[vector<16xi32>, vector<16xi32>], vector<16xf32>,
      %add3A_998 = vector.broadcast %mul3A_969 : i32 to vector<16xi32>
      %add3A_999 = arith.addi %add3A_998, %iota3A : vector<16xi32>
      %add3A_1000 = arith.constant 16 : i32
      %add3A_1001 = vector.broadcast %add3A_1000 : i32 to vector<16xi32>
      %add3A_1002 = arith.addi %add3A_999, %add3A_1001 : vector<16xi32>
      %gather3A_1003 = arith.constant 1 : i32
      %gather3A_1004 = arith.constant 0 : i32
      %gather3A_1005 = arith.constant 0 : i32
      %gather3A_1006 = tpu.memref_slice %arg13[%gather3A_1003, %gather3A_1004, %gather3A_1005] : memref<2x128x128xf32, #tpu.memory_space<vmem>> -> memref<1x128x128xf32, #tpu.memory_space<vmem>>
      %gather3A_1007 = tpu.memref_squeeze %gather3A_1006 : memref<1x128x128xf32, #tpu.memory_space<vmem>> -> memref<128x128xf32, #tpu.memory_space<vmem>>
      %gather3A_1008 = tpu.vector_load_idx %gather3A_1007[%broadcast_in_dim3A_970, %add3A_1002] : memref<128x128xf32, #tpu.memory_space<vmem>>[vector<16xi32>, vector<16xi32>], vector<16xf32>,
      %mul3A_1009 = arith.mulf %gather3A_978, %gather3A_997 : vector<16xf32>
      %mul3A_1010 = arith.mulf %mul3A_1009, %get3A_3 : vector<16xf32>
      %mul3A_1011 = arith.mulf %gather3A_989, %gather3A_1008 : vector<16xf32>
      %mul3A_1012 = arith.mulf %mul3A_1011, %get3A_5 : vector<16xf32>
      %add3A_1013 = arith.addf %mul3A_1010, %mul3A_1012 : vector<16xf32>
      %reduce_sum3A_1014 = arith.constant true
      %reduce_sum3A_1015 = vector.broadcast %reduce_sum3A_1014 : i1 to vector<16xi1>
      %reduce_sum3A_1016 = tpu.scan <sum>, %add3A_1013 masked %reduce_sum3A_1015 : vector<16xf32>, vector<16xi1> -> vector<16xf32>
      %reduce_sum3A_1017 = vector.extract %reduce_sum3A_1016[15] : f32 from vector<16xf32>
      %eq3A_1018 = arith.constant 11 : i32
      %eq3A_1019 = vector.broadcast %eq3A_1018 : i32 to vector<16xi32>
      %eq3A_1020 = arith.cmpi eq, %iota3A, %eq3A_1019 : vector<16xi32>
      %broadcast_in_dim3A_1021 = vector.broadcast %reduce_sum3A_1017 : f32 to vector<16xf32>
      %select_n3A_1022 = arith.select %eq3A_1020, %broadcast_in_dim3A_1021, %select_n3A_955 : vector<16xi1>, vector<16xf32>
      %mul3A_1023 = arith.constant 16 : i32
      %mul3A_1024 = arith.muli %scan3A_221, %mul3A_1023 : i32
      %add3A_1025 = arith.constant 12 : i32
      %add3A_1026 = arith.addi %mul3A_1024, %add3A_1025 : i32
      %slice3A_1027 = vector.extract_strided_slice %get3A_227 {offsets = [12], sizes = [1], strides = [1]} : vector<16xi32> to vector<1xi32>
      %squeeze3A_1028 = vector.extract %slice3A_1027[0] : i32 from vector<1xi32>
      %rem3A_1029 = arith.constant 4 : i32
      %rem3A_1030 = arith.remsi %squeeze3A_1028, %rem3A_1029 : i32
      %mul3A_1031 = arith.constant 32 : i32
      %mul3A_1032 = arith.muli %rem3A_1030, %mul3A_1031 : i32
      %div3A_1033 = arith.constant 4 : i32
      %div3A_1034 = arith.divsi %squeeze3A_1028, %div3A_1033 : i32
      %mul3A_1035 = arith.constant 32 : i32
      %mul3A_1036 = arith.muli %div3A_1034, %mul3A_1035 : i32
      %broadcast_in_dim3A_1037 = vector.broadcast %add3A_1026 : i32 to vector<16xi32>
      %add3A_1038 = vector.broadcast %mul3A_1032 : i32 to vector<16xi32>
      %add3A_1039 = arith.addi %add3A_1038, %iota3A : vector<16xi32>
      %gather3A_1040 = arith.constant 1 : i32
      %gather3A_1041 = arith.constant 0 : i32
      %gather3A_1042 = arith.constant 0 : i32
      %gather3A_1043 = tpu.memref_slice %arg12[%gather3A_1040, %gather3A_1041, %gather3A_1042] : memref<2x128x128xf32, #tpu.memory_space<vmem>> -> memref<1x128x128xf32, #tpu.memory_space<vmem>>
      %gather3A_1044 = tpu.memref_squeeze %gather3A_1043 : memref<1x128x128xf32, #tpu.memory_space<vmem>> -> memref<128x128xf32, #tpu.memory_space<vmem>>
      %gather3A_1045 = tpu.vector_load_idx %gather3A_1044[%broadcast_in_dim3A_1037, %add3A_1039] : memref<128x128xf32, #tpu.memory_space<vmem>>[vector<16xi32>, vector<16xi32>], vector<16xf32>,
      %add3A_1046 = vector.broadcast %mul3A_1032 : i32 to vector<16xi32>
      %add3A_1047 = arith.addi %add3A_1046, %iota3A : vector<16xi32>
      %add3A_1048 = arith.constant 16 : i32
      %add3A_1049 = vector.broadcast %add3A_1048 : i32 to vector<16xi32>
      %add3A_1050 = arith.addi %add3A_1047, %add3A_1049 : vector<16xi32>
      %gather3A_1051 = arith.constant 1 : i32
      %gather3A_1052 = arith.constant 0 : i32
      %gather3A_1053 = arith.constant 0 : i32
      %gather3A_1054 = tpu.memref_slice %arg12[%gather3A_1051, %gather3A_1052, %gather3A_1053] : memref<2x128x128xf32, #tpu.memory_space<vmem>> -> memref<1x128x128xf32, #tpu.memory_space<vmem>>
      %gather3A_1055 = tpu.memref_squeeze %gather3A_1054 : memref<1x128x128xf32, #tpu.memory_space<vmem>> -> memref<128x128xf32, #tpu.memory_space<vmem>>
      %gather3A_1056 = tpu.vector_load_idx %gather3A_1055[%broadcast_in_dim3A_1037, %add3A_1050] : memref<128x128xf32, #tpu.memory_space<vmem>>[vector<16xi32>, vector<16xi32>], vector<16xf32>,
      %add3A_1057 = vector.broadcast %mul3A_1036 : i32 to vector<16xi32>
      %add3A_1058 = arith.addi %add3A_1057, %iota3A : vector<16xi32>
      %gather3A_1059 = arith.constant 1 : i32
      %gather3A_1060 = arith.constant 0 : i32
      %gather3A_1061 = arith.constant 0 : i32
      %gather3A_1062 = tpu.memref_slice %arg13[%gather3A_1059, %gather3A_1060, %gather3A_1061] : memref<2x128x128xf32, #tpu.memory_space<vmem>> -> memref<1x128x128xf32, #tpu.memory_space<vmem>>
      %gather3A_1063 = tpu.memref_squeeze %gather3A_1062 : memref<1x128x128xf32, #tpu.memory_space<vmem>> -> memref<128x128xf32, #tpu.memory_space<vmem>>
      %gather3A_1064 = tpu.vector_load_idx %gather3A_1063[%broadcast_in_dim3A_1037, %add3A_1058] : memref<128x128xf32, #tpu.memory_space<vmem>>[vector<16xi32>, vector<16xi32>], vector<16xf32>,
      %add3A_1065 = vector.broadcast %mul3A_1036 : i32 to vector<16xi32>
      %add3A_1066 = arith.addi %add3A_1065, %iota3A : vector<16xi32>
      %add3A_1067 = arith.constant 16 : i32
      %add3A_1068 = vector.broadcast %add3A_1067 : i32 to vector<16xi32>
      %add3A_1069 = arith.addi %add3A_1066, %add3A_1068 : vector<16xi32>
      %gather3A_1070 = arith.constant 1 : i32
      %gather3A_1071 = arith.constant 0 : i32
      %gather3A_1072 = arith.constant 0 : i32
      %gather3A_1073 = tpu.memref_slice %arg13[%gather3A_1070, %gather3A_1071, %gather3A_1072] : memref<2x128x128xf32, #tpu.memory_space<vmem>> -> memref<1x128x128xf32, #tpu.memory_space<vmem>>
      %gather3A_1074 = tpu.memref_squeeze %gather3A_1073 : memref<1x128x128xf32, #tpu.memory_space<vmem>> -> memref<128x128xf32, #tpu.memory_space<vmem>>
      %gather3A_1075 = tpu.vector_load_idx %gather3A_1074[%broadcast_in_dim3A_1037, %add3A_1069] : memref<128x128xf32, #tpu.memory_space<vmem>>[vector<16xi32>, vector<16xi32>], vector<16xf32>,
      %mul3A_1076 = arith.mulf %gather3A_1045, %gather3A_1064 : vector<16xf32>
      %mul3A_1077 = arith.mulf %mul3A_1076, %get3A_3 : vector<16xf32>
      %mul3A_1078 = arith.mulf %gather3A_1056, %gather3A_1075 : vector<16xf32>
      %mul3A_1079 = arith.mulf %mul3A_1078, %get3A_5 : vector<16xf32>
      %add3A_1080 = arith.addf %mul3A_1077, %mul3A_1079 : vector<16xf32>
      %reduce_sum3A_1081 = arith.constant true
      %reduce_sum3A_1082 = vector.broadcast %reduce_sum3A_1081 : i1 to vector<16xi1>
      %reduce_sum3A_1083 = tpu.scan <sum>, %add3A_1080 masked %reduce_sum3A_1082 : vector<16xf32>, vector<16xi1> -> vector<16xf32>
      %reduce_sum3A_1084 = vector.extract %reduce_sum3A_1083[15] : f32 from vector<16xf32>
      %eq3A_1085 = arith.constant 12 : i32
      %eq3A_1086 = vector.broadcast %eq3A_1085 : i32 to vector<16xi32>
      %eq3A_1087 = arith.cmpi eq, %iota3A, %eq3A_1086 : vector<16xi32>
      %broadcast_in_dim3A_1088 = vector.broadcast %reduce_sum3A_1084 : f32 to vector<16xf32>
      %select_n3A_1089 = arith.select %eq3A_1087, %broadcast_in_dim3A_1088, %select_n3A_1022 : vector<16xi1>, vector<16xf32>
      %mul3A_1090 = arith.constant 16 : i32
      %mul3A_1091 = arith.muli %scan3A_221, %mul3A_1090 : i32
      %add3A_1092 = arith.constant 13 : i32
      %add3A_1093 = arith.addi %mul3A_1091, %add3A_1092 : i32
      %slice3A_1094 = vector.extract_strided_slice %get3A_227 {offsets = [13], sizes = [1], strides = [1]} : vector<16xi32> to vector<1xi32>
      %squeeze3A_1095 = vector.extract %slice3A_1094[0] : i32 from vector<1xi32>
      %rem3A_1096 = arith.constant 4 : i32
      %rem3A_1097 = arith.remsi %squeeze3A_1095, %rem3A_1096 : i32
      %mul3A_1098 = arith.constant 32 : i32
      %mul3A_1099 = arith.muli %rem3A_1097, %mul3A_1098 : i32
      %div3A_1100 = arith.constant 4 : i32
      %div3A_1101 = arith.divsi %squeeze3A_1095, %div3A_1100 : i32
      %mul3A_1102 = arith.constant 32 : i32
      %mul3A_1103 = arith.muli %div3A_1101, %mul3A_1102 : i32
      %broadcast_in_dim3A_1104 = vector.broadcast %add3A_1093 : i32 to vector<16xi32>
      %add3A_1105 = vector.broadcast %mul3A_1099 : i32 to vector<16xi32>
      %add3A_1106 = arith.addi %add3A_1105, %iota3A : vector<16xi32>
      %gather3A_1107 = arith.constant 1 : i32
      %gather3A_1108 = arith.constant 0 : i32
      %gather3A_1109 = arith.constant 0 : i32
      %gather3A_1110 = tpu.memref_slice %arg12[%gather3A_1107, %gather3A_1108, %gather3A_1109] : memref<2x128x128xf32, #tpu.memory_space<vmem>> -> memref<1x128x128xf32, #tpu.memory_space<vmem>>
      %gather3A_1111 = tpu.memref_squeeze %gather3A_1110 : memref<1x128x128xf32, #tpu.memory_space<vmem>> -> memref<128x128xf32, #tpu.memory_space<vmem>>
      %gather3A_1112 = tpu.vector_load_idx %gather3A_1111[%broadcast_in_dim3A_1104, %add3A_1106] : memref<128x128xf32, #tpu.memory_space<vmem>>[vector<16xi32>, vector<16xi32>], vector<16xf32>,
      %add3A_1113 = vector.broadcast %mul3A_1099 : i32 to vector<16xi32>
      %add3A_1114 = arith.addi %add3A_1113, %iota3A : vector<16xi32>
      %add3A_1115 = arith.constant 16 : i32
      %add3A_1116 = vector.broadcast %add3A_1115 : i32 to vector<16xi32>
      %add3A_1117 = arith.addi %add3A_1114, %add3A_1116 : vector<16xi32>
      %gather3A_1118 = arith.constant 1 : i32
      %gather3A_1119 = arith.constant 0 : i32
      %gather3A_1120 = arith.constant 0 : i32
      %gather3A_1121 = tpu.memref_slice %arg12[%gather3A_1118, %gather3A_1119, %gather3A_1120] : memref<2x128x128xf32, #tpu.memory_space<vmem>> -> memref<1x128x128xf32, #tpu.memory_space<vmem>>
      %gather3A_1122 = tpu.memref_squeeze %gather3A_1121 : memref<1x128x128xf32, #tpu.memory_space<vmem>> -> memref<128x128xf32, #tpu.memory_space<vmem>>
      %gather3A_1123 = tpu.vector_load_idx %gather3A_1122[%broadcast_in_dim3A_1104, %add3A_1117] : memref<128x128xf32, #tpu.memory_space<vmem>>[vector<16xi32>, vector<16xi32>], vector<16xf32>,
      %add3A_1124 = vector.broadcast %mul3A_1103 : i32 to vector<16xi32>
      %add3A_1125 = arith.addi %add3A_1124, %iota3A : vector<16xi32>
      %gather3A_1126 = arith.constant 1 : i32
      %gather3A_1127 = arith.constant 0 : i32
      %gather3A_1128 = arith.constant 0 : i32
      %gather3A_1129 = tpu.memref_slice %arg13[%gather3A_1126, %gather3A_1127, %gather3A_1128] : memref<2x128x128xf32, #tpu.memory_space<vmem>> -> memref<1x128x128xf32, #tpu.memory_space<vmem>>
      %gather3A_1130 = tpu.memref_squeeze %gather3A_1129 : memref<1x128x128xf32, #tpu.memory_space<vmem>> -> memref<128x128xf32, #tpu.memory_space<vmem>>
      %gather3A_1131 = tpu.vector_load_idx %gather3A_1130[%broadcast_in_dim3A_1104, %add3A_1125] : memref<128x128xf32, #tpu.memory_space<vmem>>[vector<16xi32>, vector<16xi32>], vector<16xf32>,
      %add3A_1132 = vector.broadcast %mul3A_1103 : i32 to vector<16xi32>
      %add3A_1133 = arith.addi %add3A_1132, %iota3A : vector<16xi32>
      %add3A_1134 = arith.constant 16 : i32
      %add3A_1135 = vector.broadcast %add3A_1134 : i32 to vector<16xi32>
      %add3A_1136 = arith.addi %add3A_1133, %add3A_1135 : vector<16xi32>
      %gather3A_1137 = arith.constant 1 : i32
      %gather3A_1138 = arith.constant 0 : i32
      %gather3A_1139 = arith.constant 0 : i32
      %gather3A_1140 = tpu.memref_slice %arg13[%gather3A_1137, %gather3A_1138, %gather3A_1139] : memref<2x128x128xf32, #tpu.memory_space<vmem>> -> memref<1x128x128xf32, #tpu.memory_space<vmem>>
      %gather3A_1141 = tpu.memref_squeeze %gather3A_1140 : memref<1x128x128xf32, #tpu.memory_space<vmem>> -> memref<128x128xf32, #tpu.memory_space<vmem>>
      %gather3A_1142 = tpu.vector_load_idx %gather3A_1141[%broadcast_in_dim3A_1104, %add3A_1136] : memref<128x128xf32, #tpu.memory_space<vmem>>[vector<16xi32>, vector<16xi32>], vector<16xf32>,
      %mul3A_1143 = arith.mulf %gather3A_1112, %gather3A_1131 : vector<16xf32>
      %mul3A_1144 = arith.mulf %mul3A_1143, %get3A_3 : vector<16xf32>
      %mul3A_1145 = arith.mulf %gather3A_1123, %gather3A_1142 : vector<16xf32>
      %mul3A_1146 = arith.mulf %mul3A_1145, %get3A_5 : vector<16xf32>
      %add3A_1147 = arith.addf %mul3A_1144, %mul3A_1146 : vector<16xf32>
      %reduce_sum3A_1148 = arith.constant true
      %reduce_sum3A_1149 = vector.broadcast %reduce_sum3A_1148 : i1 to vector<16xi1>
      %reduce_sum3A_1150 = tpu.scan <sum>, %add3A_1147 masked %reduce_sum3A_1149 : vector<16xf32>, vector<16xi1> -> vector<16xf32>
      %reduce_sum3A_1151 = vector.extract %reduce_sum3A_1150[15] : f32 from vector<16xf32>
      %eq3A_1152 = arith.constant 13 : i32
      %eq3A_1153 = vector.broadcast %eq3A_1152 : i32 to vector<16xi32>
      %eq3A_1154 = arith.cmpi eq, %iota3A, %eq3A_1153 : vector<16xi32>
      %broadcast_in_dim3A_1155 = vector.broadcast %reduce_sum3A_1151 : f32 to vector<16xf32>
      %select_n3A_1156 = arith.select %eq3A_1154, %broadcast_in_dim3A_1155, %select_n3A_1089 : vector<16xi1>, vector<16xf32>
      %mul3A_1157 = arith.constant 16 : i32
      %mul3A_1158 = arith.muli %scan3A_221, %mul3A_1157 : i32
      %add3A_1159 = arith.constant 14 : i32
      %add3A_1160 = arith.addi %mul3A_1158, %add3A_1159 : i32
      %slice3A_1161 = vector.extract_strided_slice %get3A_227 {offsets = [14], sizes = [1], strides = [1]} : vector<16xi32> to vector<1xi32>
      %squeeze3A_1162 = vector.extract %slice3A_1161[0] : i32 from vector<1xi32>
      %rem3A_1163 = arith.constant 4 : i32
      %rem3A_1164 = arith.remsi %squeeze3A_1162, %rem3A_1163 : i32
      %mul3A_1165 = arith.constant 32 : i32
      %mul3A_1166 = arith.muli %rem3A_1164, %mul3A_1165 : i32
      %div3A_1167 = arith.constant 4 : i32
      %div3A_1168 = arith.divsi %squeeze3A_1162, %div3A_1167 : i32
      %mul3A_1169 = arith.constant 32 : i32
      %mul3A_1170 = arith.muli %div3A_1168, %mul3A_1169 : i32
      %broadcast_in_dim3A_1171 = vector.broadcast %add3A_1160 : i32 to vector<16xi32>
      %add3A_1172 = vector.broadcast %mul3A_1166 : i32 to vector<16xi32>
      %add3A_1173 = arith.addi %add3A_1172, %iota3A : vector<16xi32>
      %gather3A_1174 = arith.constant 1 : i32
      %gather3A_1175 = arith.constant 0 : i32
      %gather3A_1176 = arith.constant 0 : i32
      %gather3A_1177 = tpu.memref_slice %arg12[%gather3A_1174, %gather3A_1175, %gather3A_1176] : memref<2x128x128xf32, #tpu.memory_space<vmem>> -> memref<1x128x128xf32, #tpu.memory_space<vmem>>
      %gather3A_1178 = tpu.memref_squeeze %gather3A_1177 : memref<1x128x128xf32, #tpu.memory_space<vmem>> -> memref<128x128xf32, #tpu.memory_space<vmem>>
      %gather3A_1179 = tpu.vector_load_idx %gather3A_1178[%broadcast_in_dim3A_1171, %add3A_1173] : memref<128x128xf32, #tpu.memory_space<vmem>>[vector<16xi32>, vector<16xi32>], vector<16xf32>,
      %add3A_1180 = vector.broadcast %mul3A_1166 : i32 to vector<16xi32>
      %add3A_1181 = arith.addi %add3A_1180, %iota3A : vector<16xi32>
      %add3A_1182 = arith.constant 16 : i32
      %add3A_1183 = vector.broadcast %add3A_1182 : i32 to vector<16xi32>
      %add3A_1184 = arith.addi %add3A_1181, %add3A_1183 : vector<16xi32>
      %gather3A_1185 = arith.constant 1 : i32
      %gather3A_1186 = arith.constant 0 : i32
      %gather3A_1187 = arith.constant 0 : i32
      %gather3A_1188 = tpu.memref_slice %arg12[%gather3A_1185, %gather3A_1186, %gather3A_1187] : memref<2x128x128xf32, #tpu.memory_space<vmem>> -> memref<1x128x128xf32, #tpu.memory_space<vmem>>
      %gather3A_1189 = tpu.memref_squeeze %gather3A_1188 : memref<1x128x128xf32, #tpu.memory_space<vmem>> -> memref<128x128xf32, #tpu.memory_space<vmem>>
      %gather3A_1190 = tpu.vector_load_idx %gather3A_1189[%broadcast_in_dim3A_1171, %add3A_1184] : memref<128x128xf32, #tpu.memory_space<vmem>>[vector<16xi32>, vector<16xi32>], vector<16xf32>,
      %add3A_1191 = vector.broadcast %mul3A_1170 : i32 to vector<16xi32>
      %add3A_1192 = arith.addi %add3A_1191, %iota3A : vector<16xi32>
      %gather3A_1193 = arith.constant 1 : i32
      %gather3A_1194 = arith.constant 0 : i32
      %gather3A_1195 = arith.constant 0 : i32
      %gather3A_1196 = tpu.memref_slice %arg13[%gather3A_1193, %gather3A_1194, %gather3A_1195] : memref<2x128x128xf32, #tpu.memory_space<vmem>> -> memref<1x128x128xf32, #tpu.memory_space<vmem>>
      %gather3A_1197 = tpu.memref_squeeze %gather3A_1196 : memref<1x128x128xf32, #tpu.memory_space<vmem>> -> memref<128x128xf32, #tpu.memory_space<vmem>>
      %gather3A_1198 = tpu.vector_load_idx %gather3A_1197[%broadcast_in_dim3A_1171, %add3A_1192] : memref<128x128xf32, #tpu.memory_space<vmem>>[vector<16xi32>, vector<16xi32>], vector<16xf32>,
      %add3A_1199 = vector.broadcast %mul3A_1170 : i32 to vector<16xi32>
      %add3A_1200 = arith.addi %add3A_1199, %iota3A : vector<16xi32>
      %add3A_1201 = arith.constant 16 : i32
      %add3A_1202 = vector.broadcast %add3A_1201 : i32 to vector<16xi32>
      %add3A_1203 = arith.addi %add3A_1200, %add3A_1202 : vector<16xi32>
      %gather3A_1204 = arith.constant 1 : i32
      %gather3A_1205 = arith.constant 0 : i32
      %gather3A_1206 = arith.constant 0 : i32
      %gather3A_1207 = tpu.memref_slice %arg13[%gather3A_1204, %gather3A_1205, %gather3A_1206] : memref<2x128x128xf32, #tpu.memory_space<vmem>> -> memref<1x128x128xf32, #tpu.memory_space<vmem>>
      %gather3A_1208 = tpu.memref_squeeze %gather3A_1207 : memref<1x128x128xf32, #tpu.memory_space<vmem>> -> memref<128x128xf32, #tpu.memory_space<vmem>>
      %gather3A_1209 = tpu.vector_load_idx %gather3A_1208[%broadcast_in_dim3A_1171, %add3A_1203] : memref<128x128xf32, #tpu.memory_space<vmem>>[vector<16xi32>, vector<16xi32>], vector<16xf32>,
      %mul3A_1210 = arith.mulf %gather3A_1179, %gather3A_1198 : vector<16xf32>
      %mul3A_1211 = arith.mulf %mul3A_1210, %get3A_3 : vector<16xf32>
      %mul3A_1212 = arith.mulf %gather3A_1190, %gather3A_1209 : vector<16xf32>
      %mul3A_1213 = arith.mulf %mul3A_1212, %get3A_5 : vector<16xf32>
      %add3A_1214 = arith.addf %mul3A_1211, %mul3A_1213 : vector<16xf32>
      %reduce_sum3A_1215 = arith.constant true
      %reduce_sum3A_1216 = vector.broadcast %reduce_sum3A_1215 : i1 to vector<16xi1>
      %reduce_sum3A_1217 = tpu.scan <sum>, %add3A_1214 masked %reduce_sum3A_1216 : vector<16xf32>, vector<16xi1> -> vector<16xf32>
      %reduce_sum3A_1218 = vector.extract %reduce_sum3A_1217[15] : f32 from vector<16xf32>
      %eq3A_1219 = arith.constant 14 : i32
      %eq3A_1220 = vector.broadcast %eq3A_1219 : i32 to vector<16xi32>
      %eq3A_1221 = arith.cmpi eq, %iota3A, %eq3A_1220 : vector<16xi32>
      %broadcast_in_dim3A_1222 = vector.broadcast %reduce_sum3A_1218 : f32 to vector<16xf32>
      %select_n3A_1223 = arith.select %eq3A_1221, %broadcast_in_dim3A_1222, %select_n3A_1156 : vector<16xi1>, vector<16xf32>
      %mul3A_1224 = arith.constant 16 : i32
      %mul3A_1225 = arith.muli %scan3A_221, %mul3A_1224 : i32
      %add3A_1226 = arith.constant 15 : i32
      %add3A_1227 = arith.addi %mul3A_1225, %add3A_1226 : i32
      %slice3A_1228 = vector.extract_strided_slice %get3A_227 {offsets = [15], sizes = [1], strides = [1]} : vector<16xi32> to vector<1xi32>
      %squeeze3A_1229 = vector.extract %slice3A_1228[0] : i32 from vector<1xi32>
      %rem3A_1230 = arith.constant 4 : i32
      %rem3A_1231 = arith.remsi %squeeze3A_1229, %rem3A_1230 : i32
      %mul3A_1232 = arith.constant 32 : i32
      %mul3A_1233 = arith.muli %rem3A_1231, %mul3A_1232 : i32
      %div3A_1234 = arith.constant 4 : i32
      %div3A_1235 = arith.divsi %squeeze3A_1229, %div3A_1234 : i32
      %mul3A_1236 = arith.constant 32 : i32
      %mul3A_1237 = arith.muli %div3A_1235, %mul3A_1236 : i32
      %broadcast_in_dim3A_1238 = vector.broadcast %add3A_1227 : i32 to vector<16xi32>
      %add3A_1239 = vector.broadcast %mul3A_1233 : i32 to vector<16xi32>
      %add3A_1240 = arith.addi %add3A_1239, %iota3A : vector<16xi32>
      %gather3A_1241 = arith.constant 1 : i32
      %gather3A_1242 = arith.constant 0 : i32
      %gather3A_1243 = arith.constant 0 : i32
      %gather3A_1244 = tpu.memref_slice %arg12[%gather3A_1241, %gather3A_1242, %gather3A_1243] : memref<2x128x128xf32, #tpu.memory_space<vmem>> -> memref<1x128x128xf32, #tpu.memory_space<vmem>>
      %gather3A_1245 = tpu.memref_squeeze %gather3A_1244 : memref<1x128x128xf32, #tpu.memory_space<vmem>> -> memref<128x128xf32, #tpu.memory_space<vmem>>
      %gather3A_1246 = tpu.vector_load_idx %gather3A_1245[%broadcast_in_dim3A_1238, %add3A_1240] : memref<128x128xf32, #tpu.memory_space<vmem>>[vector<16xi32>, vector<16xi32>], vector<16xf32>,
      %add3A_1247 = vector.broadcast %mul3A_1233 : i32 to vector<16xi32>
      %add3A_1248 = arith.addi %add3A_1247, %iota3A : vector<16xi32>
      %add3A_1249 = arith.constant 16 : i32
      %add3A_1250 = vector.broadcast %add3A_1249 : i32 to vector<16xi32>
      %add3A_1251 = arith.addi %add3A_1248, %add3A_1250 : vector<16xi32>
      %gather3A_1252 = arith.constant 1 : i32
      %gather3A_1253 = arith.constant 0 : i32
      %gather3A_1254 = arith.constant 0 : i32
      %gather3A_1255 = tpu.memref_slice %arg12[%gather3A_1252, %gather3A_1253, %gather3A_1254] : memref<2x128x128xf32, #tpu.memory_space<vmem>> -> memref<1x128x128xf32, #tpu.memory_space<vmem>>
      %gather3A_1256 = tpu.memref_squeeze %gather3A_1255 : memref<1x128x128xf32, #tpu.memory_space<vmem>> -> memref<128x128xf32, #tpu.memory_space<vmem>>
      %gather3A_1257 = tpu.vector_load_idx %gather3A_1256[%broadcast_in_dim3A_1238, %add3A_1251] : memref<128x128xf32, #tpu.memory_space<vmem>>[vector<16xi32>, vector<16xi32>], vector<16xf32>,
      %add3A_1258 = vector.broadcast %mul3A_1237 : i32 to vector<16xi32>
      %add3A_1259 = arith.addi %add3A_1258, %iota3A : vector<16xi32>
      %gather3A_1260 = arith.constant 1 : i32
      %gather3A_1261 = arith.constant 0 : i32
      %gather3A_1262 = arith.constant 0 : i32
      %gather3A_1263 = tpu.memref_slice %arg13[%gather3A_1260, %gather3A_1261, %gather3A_1262] : memref<2x128x128xf32, #tpu.memory_space<vmem>> -> memref<1x128x128xf32, #tpu.memory_space<vmem>>
      %gather3A_1264 = tpu.memref_squeeze %gather3A_1263 : memref<1x128x128xf32, #tpu.memory_space<vmem>> -> memref<128x128xf32, #tpu.memory_space<vmem>>
      %gather3A_1265 = tpu.vector_load_idx %gather3A_1264[%broadcast_in_dim3A_1238, %add3A_1259] : memref<128x128xf32, #tpu.memory_space<vmem>>[vector<16xi32>, vector<16xi32>], vector<16xf32>,
      %add3A_1266 = vector.broadcast %mul3A_1237 : i32 to vector<16xi32>
      %add3A_1267 = arith.addi %add3A_1266, %iota3A : vector<16xi32>
      %add3A_1268 = arith.constant 16 : i32
      %add3A_1269 = vector.broadcast %add3A_1268 : i32 to vector<16xi32>
      %add3A_1270 = arith.addi %add3A_1267, %add3A_1269 : vector<16xi32>
      %gather3A_1271 = arith.constant 1 : i32
      %gather3A_1272 = arith.constant 0 : i32
      %gather3A_1273 = arith.constant 0 : i32
      %gather3A_1274 = tpu.memref_slice %arg13[%gather3A_1271, %gather3A_1272, %gather3A_1273] : memref<2x128x128xf32, #tpu.memory_space<vmem>> -> memref<1x128x128xf32, #tpu.memory_space<vmem>>
      %gather3A_1275 = tpu.memref_squeeze %gather3A_1274 : memref<1x128x128xf32, #tpu.memory_space<vmem>> -> memref<128x128xf32, #tpu.memory_space<vmem>>
      %gather3A_1276 = tpu.vector_load_idx %gather3A_1275[%broadcast_in_dim3A_1238, %add3A_1270] : memref<128x128xf32, #tpu.memory_space<vmem>>[vector<16xi32>, vector<16xi32>], vector<16xf32>,
      %mul3A_1277 = arith.mulf %gather3A_1246, %gather3A_1265 : vector<16xf32>
      %mul3A_1278 = arith.mulf %mul3A_1277, %get3A_3 : vector<16xf32>
      %mul3A_1279 = arith.mulf %gather3A_1257, %gather3A_1276 : vector<16xf32>
      %mul3A_1280 = arith.mulf %mul3A_1279, %get3A_5 : vector<16xf32>
      %add3A_1281 = arith.addf %mul3A_1278, %mul3A_1280 : vector<16xf32>
      %reduce_sum3A_1282 = arith.constant true
      %reduce_sum3A_1283 = vector.broadcast %reduce_sum3A_1282 : i1 to vector<16xi1>
      %reduce_sum3A_1284 = tpu.scan <sum>, %add3A_1281 masked %reduce_sum3A_1283 : vector<16xf32>, vector<16xi1> -> vector<16xf32>
      %reduce_sum3A_1285 = vector.extract %reduce_sum3A_1284[15] : f32 from vector<16xf32>
      %eq3A_1286 = arith.constant 15 : i32
      %eq3A_1287 = vector.broadcast %eq3A_1286 : i32 to vector<16xi32>
      %eq3A_1288 = arith.cmpi eq, %iota3A, %eq3A_1287 : vector<16xi32>
      %broadcast_in_dim3A_1289 = vector.broadcast %reduce_sum3A_1285 : f32 to vector<16xf32>
      %select_n3A_1290 = arith.select %eq3A_1288, %broadcast_in_dim3A_1289, %select_n3A_1223 : vector<16xi1>, vector<16xf32>
      %add3A_1291 = arith.addf %select_n3A_1290, %get3A_7 : vector<16xf32>
      %mul3A_1292 = arith.constant 16 : i32
      %mul3A_1293 = arith.muli %scan3A_221, %mul3A_1292 : i32
      %add3A_1294 = arith.constant 128 : i32
      %add3A_1295 = arith.addi %add3A_1294, %mul3A_1293 : i32
      %swap3A = arith.index_cast %add3A_1295 : i32 to index
      %swap3A_1296 = tpu.vector_load %arg15[%swap3A] {strides = array<i32>} : memref<512xf32, #tpu.memory_space<vmem>>, vector<16xf32>,
      tpu.vector_store %arg15[%swap3A], %add3A_1291 {strides = array<i32>} : memref<512xf32, #tpu.memory_space<vmem>>, vector<16xf32>,
    }
    %scan3A_136 = arith.constant 8 : i32
    %dma_start3A_137 = arith.constant 3 : i32
    %dma_start3A_138 = arith.constant 1 : i32
    %dma_start3A_139 = arith.constant 0 : i32
    %dma_start3A_140 = arith.constant 0 : i32
    %dma_start3A_141 = tpu.memref_slice %arg12[%dma_start3A_138, %dma_start3A_139, %dma_start3A_140] : memref<2x128x128xf32, #tpu.memory_space<vmem>> -> memref<1x128x128xf32, #tpu.memory_space<vmem>>
    %dma_start3A_142 = tpu.memref_squeeze %dma_start3A_141 : memref<1x128x128xf32, #tpu.memory_space<vmem>> -> memref<128x128xf32, #tpu.memory_space<vmem>>
    %dma_start3A_143 = arith.constant 0 : i32
    %dma_start3A_144 = tpu.memref_slice %arg9[%dma_start3A_137, %dma_start3A_143] : memref<4x128xi32, #tpu.memory_space<vmem>> -> memref<1x128xi32, #tpu.memory_space<vmem>>
    %dma_start3A_145 = tpu.memref_squeeze %dma_start3A_144 : memref<1x128xi32, #tpu.memory_space<vmem>> -> memref<128xi32, #tpu.memory_space<vmem>>
    %dma_start3A_146 = arith.constant 0 : i32
    %dma_start3A_147 = arith.constant 0 : i32
    %dma_start3A_148 = tpu.memref_slice %arg5[%dma_start3A_146, %dma_start3A_147] : memref<250880x128xf32, #tpu.memory_space<hbm>> -> memref<250880x128xf32, #tpu.memory_space<hbm>>
    tpu.enqueue_indirect_dma source(%dma_start3A_148 : memref<250880x128xf32, #tpu.memory_space<hbm>>) target(%dma_start3A_142 : memref<128x128xf32, #tpu.memory_space<vmem>>) offsets(%dma_start3A_145 : memref<128xi32, #tpu.memory_space<vmem>>) semaphore(%arg16 : memref<!tpu.dma_semaphore, #tpu.memory_space<semaphore_mem>>)
    %dma_start3A_149 = arith.constant 3 : i32
    %dma_start3A_150 = arith.constant 1 : i32
    %dma_start3A_151 = arith.constant 0 : i32
    %dma_start3A_152 = arith.constant 0 : i32
    %dma_start3A_153 = tpu.memref_slice %arg13[%dma_start3A_150, %dma_start3A_151, %dma_start3A_152] : memref<2x128x128xf32, #tpu.memory_space<vmem>> -> memref<1x128x128xf32, #tpu.memory_space<vmem>>
    %dma_start3A_154 = tpu.memref_squeeze %dma_start3A_153 : memref<1x128x128xf32, #tpu.memory_space<vmem>> -> memref<128x128xf32, #tpu.memory_space<vmem>>
    %dma_start3A_155 = arith.constant 0 : i32
    %dma_start3A_156 = tpu.memref_slice %arg10[%dma_start3A_149, %dma_start3A_155] : memref<4x128xi32, #tpu.memory_space<vmem>> -> memref<1x128xi32, #tpu.memory_space<vmem>>
    %dma_start3A_157 = tpu.memref_squeeze %dma_start3A_156 : memref<1x128xi32, #tpu.memory_space<vmem>> -> memref<128xi32, #tpu.memory_space<vmem>>
    %dma_start3A_158 = arith.constant 0 : i32
    %dma_start3A_159 = arith.constant 0 : i32
    %dma_start3A_160 = tpu.memref_slice %arg6[%dma_start3A_158, %dma_start3A_159] : memref<250880x128xf32, #tpu.memory_space<hbm>> -> memref<250880x128xf32, #tpu.memory_space<hbm>>
    tpu.enqueue_indirect_dma source(%dma_start3A_160 : memref<250880x128xf32, #tpu.memory_space<hbm>>) target(%dma_start3A_154 : memref<128x128xf32, #tpu.memory_space<vmem>>) offsets(%dma_start3A_157 : memref<128xi32, #tpu.memory_space<vmem>>) semaphore(%arg17 : memref<!tpu.dma_semaphore, #tpu.memory_space<semaphore_mem>>)
    %dma_wait3A_161 = arith.constant 2 : i32
    %dma_wait3A_162 = arith.constant 0 : i32
    %dma_wait3A_163 = arith.constant 0 : i32
    %dma_wait3A_164 = arith.constant 0 : i32
    %dma_wait3A_165 = tpu.memref_slice %arg12[%dma_wait3A_162, %dma_wait3A_163, %dma_wait3A_164] : memref<2x128x128xf32, #tpu.memory_space<vmem>> -> memref<1x128x128xf32, #tpu.memory_space<vmem>>
    %dma_wait3A_166 = tpu.memref_squeeze %dma_wait3A_165 : memref<1x128x128xf32, #tpu.memory_space<vmem>> -> memref<128x128xf32, #tpu.memory_space<vmem>>
    %dma_wait3A_167 = arith.constant 0 : i32
    %dma_wait3A_168 = tpu.memref_slice %arg9[%dma_wait3A_161, %dma_wait3A_167] : memref<4x128xi32, #tpu.memory_space<vmem>> -> memref<1x128xi32, #tpu.memory_space<vmem>>
    %dma_wait3A_169 = tpu.memref_squeeze %dma_wait3A_168 : memref<1x128xi32, #tpu.memory_space<vmem>> -> memref<128xi32, #tpu.memory_space<vmem>>
    %dma_wait3A_170 = arith.constant 0 : i32
    %dma_wait3A_171 = arith.constant 0 : i32
    %dma_wait3A_172 = tpu.memref_slice %arg5[%dma_wait3A_170, %dma_wait3A_171] : memref<250880x128xf32, #tpu.memory_space<hbm>> -> memref<250880x128xf32, #tpu.memory_space<hbm>>
    tpu.wait_indirect_dma semaphore(%arg16 : memref<!tpu.dma_semaphore, #tpu.memory_space<semaphore_mem>>) src(%dma_wait3A_172 : memref<250880x128xf32, #tpu.memory_space<hbm>>) dst(%dma_wait3A_166 : memref<128x128xf32, #tpu.memory_space<vmem>>)
    %dma_wait3A_173 = arith.constant 2 : i32
    %dma_wait3A_174 = arith.constant 0 : i32
    %dma_wait3A_175 = arith.constant 0 : i32
    %dma_wait3A_176 = arith.constant 0 : i32
    %dma_wait3A_177 = tpu.memref_slice %arg13[%dma_wait3A_174, %dma_wait3A_175, %dma_wait3A_176] : memref<2x128x128xf32, #tpu.memory_space<vmem>> -> memref<1x128x128xf32, #tpu.memory_space<vmem>>
    %dma_wait3A_178 = tpu.memref_squeeze %dma_wait3A_177 : memref<1x128x128xf32, #tpu.memory_space<vmem>> -> memref<128x128xf32, #tpu.memory_space<vmem>>
    %dma_wait3A_179 = arith.constant 0 : i32
    %dma_wait3A_180 = tpu.memref_slice %arg10[%dma_wait3A_173, %dma_wait3A_179] : memref<4x128xi32, #tpu.memory_space<vmem>> -> memref<1x128xi32, #tpu.memory_space<vmem>>
    %dma_wait3A_181 = tpu.memref_squeeze %dma_wait3A_180 : memref<1x128xi32, #tpu.memory_space<vmem>> -> memref<128xi32, #tpu.memory_space<vmem>>
    %dma_wait3A_182 = arith.constant 0 : i32
    %dma_wait3A_183 = arith.constant 0 : i32
    %dma_wait3A_184 = tpu.memref_slice %arg6[%dma_wait3A_182, %dma_wait3A_183] : memref<250880x128xf32, #tpu.memory_space<hbm>> -> memref<250880x128xf32, #tpu.memory_space<hbm>>
    tpu.wait_indirect_dma semaphore(%arg17 : memref<!tpu.dma_semaphore, #tpu.memory_space<semaphore_mem>>) src(%dma_wait3A_184 : memref<250880x128xf32, #tpu.memory_space<hbm>>) dst(%dma_wait3A_178 : memref<128x128xf32, #tpu.memory_space<vmem>>)
    %scan3A_185 = arith.constant 0 : i32
    %scan3A_186 = arith.constant 0 : i32
    %scan3A_187 = arith.constant 8 : i32
    %scan3A_188 = arith.addi %scan3A_186, %scan3A_187 : i32
    %scan3A_189 = arith.constant 1 : i32
    scf.for %scan3A_221 = %scan3A_186 to %scan3A_188 step %scan3A_189  : i32 {
      %mul3A_222 = arith.constant 16 : i32
      %mul3A_223 = arith.muli %scan3A_221, %mul3A_222 : i32
      %add3A_224 = arith.constant 256 : i32
      %add3A_225 = arith.addi %add3A_224, %mul3A_223 : i32
      %get3A_226 = arith.index_cast %add3A_225 : i32 to index
      %get3A_227 = tpu.vector_load %arg11[%get3A_226] {strides = array<i32>} : memref<512xi32, #tpu.memory_space<vmem>>, vector<16xi32>,
      %mul3A_228 = arith.constant 16 : i32
      %mul3A_229 = arith.muli %scan3A_221, %mul3A_228 : i32
      %add3A_230 = arith.constant 0 : i32
      %add3A_231 = arith.addi %mul3A_229, %add3A_230 : i32
      %slice3A = vector.extract_strided_slice %get3A_227 {offsets = [0], sizes = [1], strides = [1]} : vector<16xi32> to vector<1xi32>
      %squeeze3A = vector.extract %slice3A[0] : i32 from vector<1xi32>
      %rem3A = arith.constant 4 : i32
      %rem3A_232 = arith.remsi %squeeze3A, %rem3A : i32
      %mul3A_233 = arith.constant 32 : i32
      %mul3A_234 = arith.muli %rem3A_232, %mul3A_233 : i32
      %div3A = arith.constant 4 : i32
      %div3A_235 = arith.divsi %squeeze3A, %div3A : i32
      %mul3A_236 = arith.constant 32 : i32
      %mul3A_237 = arith.muli %div3A_235, %mul3A_236 : i32
      %broadcast_in_dim3A = vector.broadcast %add3A_231 : i32 to vector<16xi32>
      %add3A_238 = vector.broadcast %mul3A_234 : i32 to vector<16xi32>
      %add3A_239 = arith.addi %add3A_238, %iota3A : vector<16xi32>
      %gather3A = arith.constant 0 : i32
      %gather3A_240 = arith.constant 0 : i32
      %gather3A_241 = arith.constant 0 : i32
      %gather3A_242 = tpu.memref_slice %arg12[%gather3A, %gather3A_240, %gather3A_241] : memref<2x128x128xf32, #tpu.memory_space<vmem>> -> memref<1x128x128xf32, #tpu.memory_space<vmem>>
      %gather3A_243 = tpu.memref_squeeze %gather3A_242 : memref<1x128x128xf32, #tpu.memory_space<vmem>> -> memref<128x128xf32, #tpu.memory_space<vmem>>
      %gather3A_244 = tpu.vector_load_idx %gather3A_243[%broadcast_in_dim3A, %add3A_239] : memref<128x128xf32, #tpu.memory_space<vmem>>[vector<16xi32>, vector<16xi32>], vector<16xf32>,
      %add3A_245 = vector.broadcast %mul3A_234 : i32 to vector<16xi32>
      %add3A_246 = arith.addi %add3A_245, %iota3A : vector<16xi32>
      %add3A_247 = arith.constant 16 : i32
      %add3A_248 = vector.broadcast %add3A_247 : i32 to vector<16xi32>
      %add3A_249 = arith.addi %add3A_246, %add3A_248 : vector<16xi32>
      %gather3A_250 = arith.constant 0 : i32
      %gather3A_251 = arith.constant 0 : i32
      %gather3A_252 = arith.constant 0 : i32
      %gather3A_253 = tpu.memref_slice %arg12[%gather3A_250, %gather3A_251, %gather3A_252] : memref<2x128x128xf32, #tpu.memory_space<vmem>> -> memref<1x128x128xf32, #tpu.memory_space<vmem>>
      %gather3A_254 = tpu.memref_squeeze %gather3A_253 : memref<1x128x128xf32, #tpu.memory_space<vmem>> -> memref<128x128xf32, #tpu.memory_space<vmem>>
      %gather3A_255 = tpu.vector_load_idx %gather3A_254[%broadcast_in_dim3A, %add3A_249] : memref<128x128xf32, #tpu.memory_space<vmem>>[vector<16xi32>, vector<16xi32>], vector<16xf32>,
      %add3A_256 = vector.broadcast %mul3A_237 : i32 to vector<16xi32>
      %add3A_257 = arith.addi %add3A_256, %iota3A : vector<16xi32>
      %gather3A_258 = arith.constant 0 : i32
      %gather3A_259 = arith.constant 0 : i32
      %gather3A_260 = arith.constant 0 : i32
      %gather3A_261 = tpu.memref_slice %arg13[%gather3A_258, %gather3A_259, %gather3A_260] : memref<2x128x128xf32, #tpu.memory_space<vmem>> -> memref<1x128x128xf32, #tpu.memory_space<vmem>>
      %gather3A_262 = tpu.memref_squeeze %gather3A_261 : memref<1x128x128xf32, #tpu.memory_space<vmem>> -> memref<128x128xf32, #tpu.memory_space<vmem>>
      %gather3A_263 = tpu.vector_load_idx %gather3A_262[%broadcast_in_dim3A, %add3A_257] : memref<128x128xf32, #tpu.memory_space<vmem>>[vector<16xi32>, vector<16xi32>], vector<16xf32>,
      %add3A_264 = vector.broadcast %mul3A_237 : i32 to vector<16xi32>
      %add3A_265 = arith.addi %add3A_264, %iota3A : vector<16xi32>
      %add3A_266 = arith.constant 16 : i32
      %add3A_267 = vector.broadcast %add3A_266 : i32 to vector<16xi32>
      %add3A_268 = arith.addi %add3A_265, %add3A_267 : vector<16xi32>
      %gather3A_269 = arith.constant 0 : i32
      %gather3A_270 = arith.constant 0 : i32
      %gather3A_271 = arith.constant 0 : i32
      %gather3A_272 = tpu.memref_slice %arg13[%gather3A_269, %gather3A_270, %gather3A_271] : memref<2x128x128xf32, #tpu.memory_space<vmem>> -> memref<1x128x128xf32, #tpu.memory_space<vmem>>
      %gather3A_273 = tpu.memref_squeeze %gather3A_272 : memref<1x128x128xf32, #tpu.memory_space<vmem>> -> memref<128x128xf32, #tpu.memory_space<vmem>>
      %gather3A_274 = tpu.vector_load_idx %gather3A_273[%broadcast_in_dim3A, %add3A_268] : memref<128x128xf32, #tpu.memory_space<vmem>>[vector<16xi32>, vector<16xi32>], vector<16xf32>,
      %mul3A_275 = arith.mulf %gather3A_244, %gather3A_263 : vector<16xf32>
      %mul3A_276 = arith.mulf %mul3A_275, %get3A_3 : vector<16xf32>
      %mul3A_277 = arith.mulf %gather3A_255, %gather3A_274 : vector<16xf32>
      %mul3A_278 = arith.mulf %mul3A_277, %get3A_5 : vector<16xf32>
      %add3A_279 = arith.addf %mul3A_276, %mul3A_278 : vector<16xf32>
      %reduce_sum3A = arith.constant true
      %reduce_sum3A_280 = vector.broadcast %reduce_sum3A : i1 to vector<16xi1>
      %reduce_sum3A_281 = tpu.scan <sum>, %add3A_279 masked %reduce_sum3A_280 : vector<16xf32>, vector<16xi1> -> vector<16xf32>
      %reduce_sum3A_282 = vector.extract %reduce_sum3A_281[15] : f32 from vector<16xf32>
      %eq3A = arith.constant 0 : i32
      %eq3A_283 = vector.broadcast %eq3A : i32 to vector<16xi32>
      %eq3A_284 = arith.cmpi eq, %iota3A, %eq3A_283 : vector<16xi32>
      %broadcast_in_dim3A_285 = vector.broadcast %reduce_sum3A_282 : f32 to vector<16xf32>
      %select_n3A = arith.select %eq3A_284, %broadcast_in_dim3A_285, %get3A_7 : vector<16xi1>, vector<16xf32>
      %mul3A_286 = arith.constant 16 : i32
      %mul3A_287 = arith.muli %scan3A_221, %mul3A_286 : i32
      %add3A_288 = arith.constant 1 : i32
      %add3A_289 = arith.addi %mul3A_287, %add3A_288 : i32
      %slice3A_290 = vector.extract_strided_slice %get3A_227 {offsets = [1], sizes = [1], strides = [1]} : vector<16xi32> to vector<1xi32>
      %squeeze3A_291 = vector.extract %slice3A_290[0] : i32 from vector<1xi32>
      %rem3A_292 = arith.constant 4 : i32
      %rem3A_293 = arith.remsi %squeeze3A_291, %rem3A_292 : i32
      %mul3A_294 = arith.constant 32 : i32
      %mul3A_295 = arith.muli %rem3A_293, %mul3A_294 : i32
      %div3A_296 = arith.constant 4 : i32
      %div3A_297 = arith.divsi %squeeze3A_291, %div3A_296 : i32
      %mul3A_298 = arith.constant 32 : i32
      %mul3A_299 = arith.muli %div3A_297, %mul3A_298 : i32
      %broadcast_in_dim3A_300 = vector.broadcast %add3A_289 : i32 to vector<16xi32>
      %add3A_301 = vector.broadcast %mul3A_295 : i32 to vector<16xi32>
      %add3A_302 = arith.addi %add3A_301, %iota3A : vector<16xi32>
      %gather3A_303 = arith.constant 0 : i32
      %gather3A_304 = arith.constant 0 : i32
      %gather3A_305 = arith.constant 0 : i32
      %gather3A_306 = tpu.memref_slice %arg12[%gather3A_303, %gather3A_304, %gather3A_305] : memref<2x128x128xf32, #tpu.memory_space<vmem>> -> memref<1x128x128xf32, #tpu.memory_space<vmem>>
      %gather3A_307 = tpu.memref_squeeze %gather3A_306 : memref<1x128x128xf32, #tpu.memory_space<vmem>> -> memref<128x128xf32, #tpu.memory_space<vmem>>
      %gather3A_308 = tpu.vector_load_idx %gather3A_307[%broadcast_in_dim3A_300, %add3A_302] : memref<128x128xf32, #tpu.memory_space<vmem>>[vector<16xi32>, vector<16xi32>], vector<16xf32>,
      %add3A_309 = vector.broadcast %mul3A_295 : i32 to vector<16xi32>
      %add3A_310 = arith.addi %add3A_309, %iota3A : vector<16xi32>
      %add3A_311 = arith.constant 16 : i32
      %add3A_312 = vector.broadcast %add3A_311 : i32 to vector<16xi32>
      %add3A_313 = arith.addi %add3A_310, %add3A_312 : vector<16xi32>
      %gather3A_314 = arith.constant 0 : i32
      %gather3A_315 = arith.constant 0 : i32
      %gather3A_316 = arith.constant 0 : i32
      %gather3A_317 = tpu.memref_slice %arg12[%gather3A_314, %gather3A_315, %gather3A_316] : memref<2x128x128xf32, #tpu.memory_space<vmem>> -> memref<1x128x128xf32, #tpu.memory_space<vmem>>
      %gather3A_318 = tpu.memref_squeeze %gather3A_317 : memref<1x128x128xf32, #tpu.memory_space<vmem>> -> memref<128x128xf32, #tpu.memory_space<vmem>>
      %gather3A_319 = tpu.vector_load_idx %gather3A_318[%broadcast_in_dim3A_300, %add3A_313] : memref<128x128xf32, #tpu.memory_space<vmem>>[vector<16xi32>, vector<16xi32>], vector<16xf32>,
      %add3A_320 = vector.broadcast %mul3A_299 : i32 to vector<16xi32>
      %add3A_321 = arith.addi %add3A_320, %iota3A : vector<16xi32>
      %gather3A_322 = arith.constant 0 : i32
      %gather3A_323 = arith.constant 0 : i32
      %gather3A_324 = arith.constant 0 : i32
      %gather3A_325 = tpu.memref_slice %arg13[%gather3A_322, %gather3A_323, %gather3A_324] : memref<2x128x128xf32, #tpu.memory_space<vmem>> -> memref<1x128x128xf32, #tpu.memory_space<vmem>>
      %gather3A_326 = tpu.memref_squeeze %gather3A_325 : memref<1x128x128xf32, #tpu.memory_space<vmem>> -> memref<128x128xf32, #tpu.memory_space<vmem>>
      %gather3A_327 = tpu.vector_load_idx %gather3A_326[%broadcast_in_dim3A_300, %add3A_321] : memref<128x128xf32, #tpu.memory_space<vmem>>[vector<16xi32>, vector<16xi32>], vector<16xf32>,
      %add3A_328 = vector.broadcast %mul3A_299 : i32 to vector<16xi32>
      %add3A_329 = arith.addi %add3A_328, %iota3A : vector<16xi32>
      %add3A_330 = arith.constant 16 : i32
      %add3A_331 = vector.broadcast %add3A_330 : i32 to vector<16xi32>
      %add3A_332 = arith.addi %add3A_329, %add3A_331 : vector<16xi32>
      %gather3A_333 = arith.constant 0 : i32
      %gather3A_334 = arith.constant 0 : i32
      %gather3A_335 = arith.constant 0 : i32
      %gather3A_336 = tpu.memref_slice %arg13[%gather3A_333, %gather3A_334, %gather3A_335] : memref<2x128x128xf32, #tpu.memory_space<vmem>> -> memref<1x128x128xf32, #tpu.memory_space<vmem>>
      %gather3A_337 = tpu.memref_squeeze %gather3A_336 : memref<1x128x128xf32, #tpu.memory_space<vmem>> -> memref<128x128xf32, #tpu.memory_space<vmem>>
      %gather3A_338 = tpu.vector_load_idx %gather3A_337[%broadcast_in_dim3A_300, %add3A_332] : memref<128x128xf32, #tpu.memory_space<vmem>>[vector<16xi32>, vector<16xi32>], vector<16xf32>,
      %mul3A_339 = arith.mulf %gather3A_308, %gather3A_327 : vector<16xf32>
      %mul3A_340 = arith.mulf %mul3A_339, %get3A_3 : vector<16xf32>
      %mul3A_341 = arith.mulf %gather3A_319, %gather3A_338 : vector<16xf32>
      %mul3A_342 = arith.mulf %mul3A_341, %get3A_5 : vector<16xf32>
      %add3A_343 = arith.addf %mul3A_340, %mul3A_342 : vector<16xf32>
      %reduce_sum3A_344 = arith.constant true
      %reduce_sum3A_345 = vector.broadcast %reduce_sum3A_344 : i1 to vector<16xi1>
      %reduce_sum3A_346 = tpu.scan <sum>, %add3A_343 masked %reduce_sum3A_345 : vector<16xf32>, vector<16xi1> -> vector<16xf32>
      %reduce_sum3A_347 = vector.extract %reduce_sum3A_346[15] : f32 from vector<16xf32>
      %eq3A_348 = arith.constant 1 : i32
      %eq3A_349 = vector.broadcast %eq3A_348 : i32 to vector<16xi32>
      %eq3A_350 = arith.cmpi eq, %iota3A, %eq3A_349 : vector<16xi32>
      %broadcast_in_dim3A_351 = vector.broadcast %reduce_sum3A_347 : f32 to vector<16xf32>
      %select_n3A_352 = arith.select %eq3A_350, %broadcast_in_dim3A_351, %select_n3A : vector<16xi1>, vector<16xf32>
      %mul3A_353 = arith.constant 16 : i32
      %mul3A_354 = arith.muli %scan3A_221, %mul3A_353 : i32
      %add3A_355 = arith.constant 2 : i32
      %add3A_356 = arith.addi %mul3A_354, %add3A_355 : i32
      %slice3A_357 = vector.extract_strided_slice %get3A_227 {offsets = [2], sizes = [1], strides = [1]} : vector<16xi32> to vector<1xi32>
      %squeeze3A_358 = vector.extract %slice3A_357[0] : i32 from vector<1xi32>
      %rem3A_359 = arith.constant 4 : i32
      %rem3A_360 = arith.remsi %squeeze3A_358, %rem3A_359 : i32
      %mul3A_361 = arith.constant 32 : i32
      %mul3A_362 = arith.muli %rem3A_360, %mul3A_361 : i32
      %div3A_363 = arith.constant 4 : i32
      %div3A_364 = arith.divsi %squeeze3A_358, %div3A_363 : i32
      %mul3A_365 = arith.constant 32 : i32
      %mul3A_366 = arith.muli %div3A_364, %mul3A_365 : i32
      %broadcast_in_dim3A_367 = vector.broadcast %add3A_356 : i32 to vector<16xi32>
      %add3A_368 = vector.broadcast %mul3A_362 : i32 to vector<16xi32>
      %add3A_369 = arith.addi %add3A_368, %iota3A : vector<16xi32>
      %gather3A_370 = arith.constant 0 : i32
      %gather3A_371 = arith.constant 0 : i32
      %gather3A_372 = arith.constant 0 : i32
      %gather3A_373 = tpu.memref_slice %arg12[%gather3A_370, %gather3A_371, %gather3A_372] : memref<2x128x128xf32, #tpu.memory_space<vmem>> -> memref<1x128x128xf32, #tpu.memory_space<vmem>>
      %gather3A_374 = tpu.memref_squeeze %gather3A_373 : memref<1x128x128xf32, #tpu.memory_space<vmem>> -> memref<128x128xf32, #tpu.memory_space<vmem>>
      %gather3A_375 = tpu.vector_load_idx %gather3A_374[%broadcast_in_dim3A_367, %add3A_369] : memref<128x128xf32, #tpu.memory_space<vmem>>[vector<16xi32>, vector<16xi32>], vector<16xf32>,
      %add3A_376 = vector.broadcast %mul3A_362 : i32 to vector<16xi32>
      %add3A_377 = arith.addi %add3A_376, %iota3A : vector<16xi32>
      %add3A_378 = arith.constant 16 : i32
      %add3A_379 = vector.broadcast %add3A_378 : i32 to vector<16xi32>
      %add3A_380 = arith.addi %add3A_377, %add3A_379 : vector<16xi32>
      %gather3A_381 = arith.constant 0 : i32
      %gather3A_382 = arith.constant 0 : i32
      %gather3A_383 = arith.constant 0 : i32
      %gather3A_384 = tpu.memref_slice %arg12[%gather3A_381, %gather3A_382, %gather3A_383] : memref<2x128x128xf32, #tpu.memory_space<vmem>> -> memref<1x128x128xf32, #tpu.memory_space<vmem>>
      %gather3A_385 = tpu.memref_squeeze %gather3A_384 : memref<1x128x128xf32, #tpu.memory_space<vmem>> -> memref<128x128xf32, #tpu.memory_space<vmem>>
      %gather3A_386 = tpu.vector_load_idx %gather3A_385[%broadcast_in_dim3A_367, %add3A_380] : memref<128x128xf32, #tpu.memory_space<vmem>>[vector<16xi32>, vector<16xi32>], vector<16xf32>,
      %add3A_387 = vector.broadcast %mul3A_366 : i32 to vector<16xi32>
      %add3A_388 = arith.addi %add3A_387, %iota3A : vector<16xi32>
      %gather3A_389 = arith.constant 0 : i32
      %gather3A_390 = arith.constant 0 : i32
      %gather3A_391 = arith.constant 0 : i32
      %gather3A_392 = tpu.memref_slice %arg13[%gather3A_389, %gather3A_390, %gather3A_391] : memref<2x128x128xf32, #tpu.memory_space<vmem>> -> memref<1x128x128xf32, #tpu.memory_space<vmem>>
      %gather3A_393 = tpu.memref_squeeze %gather3A_392 : memref<1x128x128xf32, #tpu.memory_space<vmem>> -> memref<128x128xf32, #tpu.memory_space<vmem>>
      %gather3A_394 = tpu.vector_load_idx %gather3A_393[%broadcast_in_dim3A_367, %add3A_388] : memref<128x128xf32, #tpu.memory_space<vmem>>[vector<16xi32>, vector<16xi32>], vector<16xf32>,
      %add3A_395 = vector.broadcast %mul3A_366 : i32 to vector<16xi32>
      %add3A_396 = arith.addi %add3A_395, %iota3A : vector<16xi32>
      %add3A_397 = arith.constant 16 : i32
      %add3A_398 = vector.broadcast %add3A_397 : i32 to vector<16xi32>
      %add3A_399 = arith.addi %add3A_396, %add3A_398 : vector<16xi32>
      %gather3A_400 = arith.constant 0 : i32
      %gather3A_401 = arith.constant 0 : i32
      %gather3A_402 = arith.constant 0 : i32
      %gather3A_403 = tpu.memref_slice %arg13[%gather3A_400, %gather3A_401, %gather3A_402] : memref<2x128x128xf32, #tpu.memory_space<vmem>> -> memref<1x128x128xf32, #tpu.memory_space<vmem>>
      %gather3A_404 = tpu.memref_squeeze %gather3A_403 : memref<1x128x128xf32, #tpu.memory_space<vmem>> -> memref<128x128xf32, #tpu.memory_space<vmem>>
      %gather3A_405 = tpu.vector_load_idx %gather3A_404[%broadcast_in_dim3A_367, %add3A_399] : memref<128x128xf32, #tpu.memory_space<vmem>>[vector<16xi32>, vector<16xi32>], vector<16xf32>,
      %mul3A_406 = arith.mulf %gather3A_375, %gather3A_394 : vector<16xf32>
      %mul3A_407 = arith.mulf %mul3A_406, %get3A_3 : vector<16xf32>
      %mul3A_408 = arith.mulf %gather3A_386, %gather3A_405 : vector<16xf32>
      %mul3A_409 = arith.mulf %mul3A_408, %get3A_5 : vector<16xf32>
      %add3A_410 = arith.addf %mul3A_407, %mul3A_409 : vector<16xf32>
      %reduce_sum3A_411 = arith.constant true
      %reduce_sum3A_412 = vector.broadcast %reduce_sum3A_411 : i1 to vector<16xi1>
      %reduce_sum3A_413 = tpu.scan <sum>, %add3A_410 masked %reduce_sum3A_412 : vector<16xf32>, vector<16xi1> -> vector<16xf32>
      %reduce_sum3A_414 = vector.extract %reduce_sum3A_413[15] : f32 from vector<16xf32>
      %eq3A_415 = arith.constant 2 : i32
      %eq3A_416 = vector.broadcast %eq3A_415 : i32 to vector<16xi32>
      %eq3A_417 = arith.cmpi eq, %iota3A, %eq3A_416 : vector<16xi32>
      %broadcast_in_dim3A_418 = vector.broadcast %reduce_sum3A_414 : f32 to vector<16xf32>
      %select_n3A_419 = arith.select %eq3A_417, %broadcast_in_dim3A_418, %select_n3A_352 : vector<16xi1>, vector<16xf32>
      %mul3A_420 = arith.constant 16 : i32
      %mul3A_421 = arith.muli %scan3A_221, %mul3A_420 : i32
      %add3A_422 = arith.constant 3 : i32
      %add3A_423 = arith.addi %mul3A_421, %add3A_422 : i32
      %slice3A_424 = vector.extract_strided_slice %get3A_227 {offsets = [3], sizes = [1], strides = [1]} : vector<16xi32> to vector<1xi32>
      %squeeze3A_425 = vector.extract %slice3A_424[0] : i32 from vector<1xi32>
      %rem3A_426 = arith.constant 4 : i32
      %rem3A_427 = arith.remsi %squeeze3A_425, %rem3A_426 : i32
      %mul3A_428 = arith.constant 32 : i32
      %mul3A_429 = arith.muli %rem3A_427, %mul3A_428 : i32
      %div3A_430 = arith.constant 4 : i32
      %div3A_431 = arith.divsi %squeeze3A_425, %div3A_430 : i32
      %mul3A_432 = arith.constant 32 : i32
      %mul3A_433 = arith.muli %div3A_431, %mul3A_432 : i32
      %broadcast_in_dim3A_434 = vector.broadcast %add3A_423 : i32 to vector<16xi32>
      %add3A_435 = vector.broadcast %mul3A_429 : i32 to vector<16xi32>
      %add3A_436 = arith.addi %add3A_435, %iota3A : vector<16xi32>
      %gather3A_437 = arith.constant 0 : i32
      %gather3A_438 = arith.constant 0 : i32
      %gather3A_439 = arith.constant 0 : i32
      %gather3A_440 = tpu.memref_slice %arg12[%gather3A_437, %gather3A_438, %gather3A_439] : memref<2x128x128xf32, #tpu.memory_space<vmem>> -> memref<1x128x128xf32, #tpu.memory_space<vmem>>
      %gather3A_441 = tpu.memref_squeeze %gather3A_440 : memref<1x128x128xf32, #tpu.memory_space<vmem>> -> memref<128x128xf32, #tpu.memory_space<vmem>>
      %gather3A_442 = tpu.vector_load_idx %gather3A_441[%broadcast_in_dim3A_434, %add3A_436] : memref<128x128xf32, #tpu.memory_space<vmem>>[vector<16xi32>, vector<16xi32>], vector<16xf32>,
      %add3A_443 = vector.broadcast %mul3A_429 : i32 to vector<16xi32>
      %add3A_444 = arith.addi %add3A_443, %iota3A : vector<16xi32>
      %add3A_445 = arith.constant 16 : i32
      %add3A_446 = vector.broadcast %add3A_445 : i32 to vector<16xi32>
      %add3A_447 = arith.addi %add3A_444, %add3A_446 : vector<16xi32>
      %gather3A_448 = arith.constant 0 : i32
      %gather3A_449 = arith.constant 0 : i32
      %gather3A_450 = arith.constant 0 : i32
      %gather3A_451 = tpu.memref_slice %arg12[%gather3A_448, %gather3A_449, %gather3A_450] : memref<2x128x128xf32, #tpu.memory_space<vmem>> -> memref<1x128x128xf32, #tpu.memory_space<vmem>>
      %gather3A_452 = tpu.memref_squeeze %gather3A_451 : memref<1x128x128xf32, #tpu.memory_space<vmem>> -> memref<128x128xf32, #tpu.memory_space<vmem>>
      %gather3A_453 = tpu.vector_load_idx %gather3A_452[%broadcast_in_dim3A_434, %add3A_447] : memref<128x128xf32, #tpu.memory_space<vmem>>[vector<16xi32>, vector<16xi32>], vector<16xf32>,
      %add3A_454 = vector.broadcast %mul3A_433 : i32 to vector<16xi32>
      %add3A_455 = arith.addi %add3A_454, %iota3A : vector<16xi32>
      %gather3A_456 = arith.constant 0 : i32
      %gather3A_457 = arith.constant 0 : i32
      %gather3A_458 = arith.constant 0 : i32
      %gather3A_459 = tpu.memref_slice %arg13[%gather3A_456, %gather3A_457, %gather3A_458] : memref<2x128x128xf32, #tpu.memory_space<vmem>> -> memref<1x128x128xf32, #tpu.memory_space<vmem>>
      %gather3A_460 = tpu.memref_squeeze %gather3A_459 : memref<1x128x128xf32, #tpu.memory_space<vmem>> -> memref<128x128xf32, #tpu.memory_space<vmem>>
      %gather3A_461 = tpu.vector_load_idx %gather3A_460[%broadcast_in_dim3A_434, %add3A_455] : memref<128x128xf32, #tpu.memory_space<vmem>>[vector<16xi32>, vector<16xi32>], vector<16xf32>,
      %add3A_462 = vector.broadcast %mul3A_433 : i32 to vector<16xi32>
      %add3A_463 = arith.addi %add3A_462, %iota3A : vector<16xi32>
      %add3A_464 = arith.constant 16 : i32
      %add3A_465 = vector.broadcast %add3A_464 : i32 to vector<16xi32>
      %add3A_466 = arith.addi %add3A_463, %add3A_465 : vector<16xi32>
      %gather3A_467 = arith.constant 0 : i32
      %gather3A_468 = arith.constant 0 : i32
      %gather3A_469 = arith.constant 0 : i32
      %gather3A_470 = tpu.memref_slice %arg13[%gather3A_467, %gather3A_468, %gather3A_469] : memref<2x128x128xf32, #tpu.memory_space<vmem>> -> memref<1x128x128xf32, #tpu.memory_space<vmem>>
      %gather3A_471 = tpu.memref_squeeze %gather3A_470 : memref<1x128x128xf32, #tpu.memory_space<vmem>> -> memref<128x128xf32, #tpu.memory_space<vmem>>
      %gather3A_472 = tpu.vector_load_idx %gather3A_471[%broadcast_in_dim3A_434, %add3A_466] : memref<128x128xf32, #tpu.memory_space<vmem>>[vector<16xi32>, vector<16xi32>], vector<16xf32>,
      %mul3A_473 = arith.mulf %gather3A_442, %gather3A_461 : vector<16xf32>
      %mul3A_474 = arith.mulf %mul3A_473, %get3A_3 : vector<16xf32>
      %mul3A_475 = arith.mulf %gather3A_453, %gather3A_472 : vector<16xf32>
      %mul3A_476 = arith.mulf %mul3A_475, %get3A_5 : vector<16xf32>
      %add3A_477 = arith.addf %mul3A_474, %mul3A_476 : vector<16xf32>
      %reduce_sum3A_478 = arith.constant true
      %reduce_sum3A_479 = vector.broadcast %reduce_sum3A_478 : i1 to vector<16xi1>
      %reduce_sum3A_480 = tpu.scan <sum>, %add3A_477 masked %reduce_sum3A_479 : vector<16xf32>, vector<16xi1> -> vector<16xf32>
      %reduce_sum3A_481 = vector.extract %reduce_sum3A_480[15] : f32 from vector<16xf32>
      %eq3A_482 = arith.constant 3 : i32
      %eq3A_483 = vector.broadcast %eq3A_482 : i32 to vector<16xi32>
      %eq3A_484 = arith.cmpi eq, %iota3A, %eq3A_483 : vector<16xi32>
      %broadcast_in_dim3A_485 = vector.broadcast %reduce_sum3A_481 : f32 to vector<16xf32>
      %select_n3A_486 = arith.select %eq3A_484, %broadcast_in_dim3A_485, %select_n3A_419 : vector<16xi1>, vector<16xf32>
      %mul3A_487 = arith.constant 16 : i32
      %mul3A_488 = arith.muli %scan3A_221, %mul3A_487 : i32
      %add3A_489 = arith.constant 4 : i32
      %add3A_490 = arith.addi %mul3A_488, %add3A_489 : i32
      %slice3A_491 = vector.extract_strided_slice %get3A_227 {offsets = [4], sizes = [1], strides = [1]} : vector<16xi32> to vector<1xi32>
      %squeeze3A_492 = vector.extract %slice3A_491[0] : i32 from vector<1xi32>
      %rem3A_493 = arith.constant 4 : i32
      %rem3A_494 = arith.remsi %squeeze3A_492, %rem3A_493 : i32
      %mul3A_495 = arith.constant 32 : i32
      %mul3A_496 = arith.muli %rem3A_494, %mul3A_495 : i32
      %div3A_497 = arith.constant 4 : i32
      %div3A_498 = arith.divsi %squeeze3A_492, %div3A_497 : i32
      %mul3A_499 = arith.constant 32 : i32
      %mul3A_500 = arith.muli %div3A_498, %mul3A_499 : i32
      %broadcast_in_dim3A_501 = vector.broadcast %add3A_490 : i32 to vector<16xi32>
      %add3A_502 = vector.broadcast %mul3A_496 : i32 to vector<16xi32>
      %add3A_503 = arith.addi %add3A_502, %iota3A : vector<16xi32>
      %gather3A_504 = arith.constant 0 : i32
      %gather3A_505 = arith.constant 0 : i32
      %gather3A_506 = arith.constant 0 : i32
      %gather3A_507 = tpu.memref_slice %arg12[%gather3A_504, %gather3A_505, %gather3A_506] : memref<2x128x128xf32, #tpu.memory_space<vmem>> -> memref<1x128x128xf32, #tpu.memory_space<vmem>>
      %gather3A_508 = tpu.memref_squeeze %gather3A_507 : memref<1x128x128xf32, #tpu.memory_space<vmem>> -> memref<128x128xf32, #tpu.memory_space<vmem>>
      %gather3A_509 = tpu.vector_load_idx %gather3A_508[%broadcast_in_dim3A_501, %add3A_503] : memref<128x128xf32, #tpu.memory_space<vmem>>[vector<16xi32>, vector<16xi32>], vector<16xf32>,
      %add3A_510 = vector.broadcast %mul3A_496 : i32 to vector<16xi32>
      %add3A_511 = arith.addi %add3A_510, %iota3A : vector<16xi32>
      %add3A_512 = arith.constant 16 : i32
      %add3A_513 = vector.broadcast %add3A_512 : i32 to vector<16xi32>
      %add3A_514 = arith.addi %add3A_511, %add3A_513 : vector<16xi32>
      %gather3A_515 = arith.constant 0 : i32
      %gather3A_516 = arith.constant 0 : i32
      %gather3A_517 = arith.constant 0 : i32
      %gather3A_518 = tpu.memref_slice %arg12[%gather3A_515, %gather3A_516, %gather3A_517] : memref<2x128x128xf32, #tpu.memory_space<vmem>> -> memref<1x128x128xf32, #tpu.memory_space<vmem>>
      %gather3A_519 = tpu.memref_squeeze %gather3A_518 : memref<1x128x128xf32, #tpu.memory_space<vmem>> -> memref<128x128xf32, #tpu.memory_space<vmem>>
      %gather3A_520 = tpu.vector_load_idx %gather3A_519[%broadcast_in_dim3A_501, %add3A_514] : memref<128x128xf32, #tpu.memory_space<vmem>>[vector<16xi32>, vector<16xi32>], vector<16xf32>,
      %add3A_521 = vector.broadcast %mul3A_500 : i32 to vector<16xi32>
      %add3A_522 = arith.addi %add3A_521, %iota3A : vector<16xi32>
      %gather3A_523 = arith.constant 0 : i32
      %gather3A_524 = arith.constant 0 : i32
      %gather3A_525 = arith.constant 0 : i32
      %gather3A_526 = tpu.memref_slice %arg13[%gather3A_523, %gather3A_524, %gather3A_525] : memref<2x128x128xf32, #tpu.memory_space<vmem>> -> memref<1x128x128xf32, #tpu.memory_space<vmem>>
      %gather3A_527 = tpu.memref_squeeze %gather3A_526 : memref<1x128x128xf32, #tpu.memory_space<vmem>> -> memref<128x128xf32, #tpu.memory_space<vmem>>
      %gather3A_528 = tpu.vector_load_idx %gather3A_527[%broadcast_in_dim3A_501, %add3A_522] : memref<128x128xf32, #tpu.memory_space<vmem>>[vector<16xi32>, vector<16xi32>], vector<16xf32>,
      %add3A_529 = vector.broadcast %mul3A_500 : i32 to vector<16xi32>
      %add3A_530 = arith.addi %add3A_529, %iota3A : vector<16xi32>
      %add3A_531 = arith.constant 16 : i32
      %add3A_532 = vector.broadcast %add3A_531 : i32 to vector<16xi32>
      %add3A_533 = arith.addi %add3A_530, %add3A_532 : vector<16xi32>
      %gather3A_534 = arith.constant 0 : i32
      %gather3A_535 = arith.constant 0 : i32
      %gather3A_536 = arith.constant 0 : i32
      %gather3A_537 = tpu.memref_slice %arg13[%gather3A_534, %gather3A_535, %gather3A_536] : memref<2x128x128xf32, #tpu.memory_space<vmem>> -> memref<1x128x128xf32, #tpu.memory_space<vmem>>
      %gather3A_538 = tpu.memref_squeeze %gather3A_537 : memref<1x128x128xf32, #tpu.memory_space<vmem>> -> memref<128x128xf32, #tpu.memory_space<vmem>>
      %gather3A_539 = tpu.vector_load_idx %gather3A_538[%broadcast_in_dim3A_501, %add3A_533] : memref<128x128xf32, #tpu.memory_space<vmem>>[vector<16xi32>, vector<16xi32>], vector<16xf32>,
      %mul3A_540 = arith.mulf %gather3A_509, %gather3A_528 : vector<16xf32>
      %mul3A_541 = arith.mulf %mul3A_540, %get3A_3 : vector<16xf32>
      %mul3A_542 = arith.mulf %gather3A_520, %gather3A_539 : vector<16xf32>
      %mul3A_543 = arith.mulf %mul3A_542, %get3A_5 : vector<16xf32>
      %add3A_544 = arith.addf %mul3A_541, %mul3A_543 : vector<16xf32>
      %reduce_sum3A_545 = arith.constant true
      %reduce_sum3A_546 = vector.broadcast %reduce_sum3A_545 : i1 to vector<16xi1>
      %reduce_sum3A_547 = tpu.scan <sum>, %add3A_544 masked %reduce_sum3A_546 : vector<16xf32>, vector<16xi1> -> vector<16xf32>
      %reduce_sum3A_548 = vector.extract %reduce_sum3A_547[15] : f32 from vector<16xf32>
      %eq3A_549 = arith.constant 4 : i32
      %eq3A_550 = vector.broadcast %eq3A_549 : i32 to vector<16xi32>
      %eq3A_551 = arith.cmpi eq, %iota3A, %eq3A_550 : vector<16xi32>
      %broadcast_in_dim3A_552 = vector.broadcast %reduce_sum3A_548 : f32 to vector<16xf32>
      %select_n3A_553 = arith.select %eq3A_551, %broadcast_in_dim3A_552, %select_n3A_486 : vector<16xi1>, vector<16xf32>
      %mul3A_554 = arith.constant 16 : i32
      %mul3A_555 = arith.muli %scan3A_221, %mul3A_554 : i32
      %add3A_556 = arith.constant 5 : i32
      %add3A_557 = arith.addi %mul3A_555, %add3A_556 : i32
      %slice3A_558 = vector.extract_strided_slice %get3A_227 {offsets = [5], sizes = [1], strides = [1]} : vector<16xi32> to vector<1xi32>
      %squeeze3A_559 = vector.extract %slice3A_558[0] : i32 from vector<1xi32>
      %rem3A_560 = arith.constant 4 : i32
      %rem3A_561 = arith.remsi %squeeze3A_559, %rem3A_560 : i32
      %mul3A_562 = arith.constant 32 : i32
      %mul3A_563 = arith.muli %rem3A_561, %mul3A_562 : i32
      %div3A_564 = arith.constant 4 : i32
      %div3A_565 = arith.divsi %squeeze3A_559, %div3A_564 : i32
      %mul3A_566 = arith.constant 32 : i32
      %mul3A_567 = arith.muli %div3A_565, %mul3A_566 : i32
      %broadcast_in_dim3A_568 = vector.broadcast %add3A_557 : i32 to vector<16xi32>
      %add3A_569 = vector.broadcast %mul3A_563 : i32 to vector<16xi32>
      %add3A_570 = arith.addi %add3A_569, %iota3A : vector<16xi32>
      %gather3A_571 = arith.constant 0 : i32
      %gather3A_572 = arith.constant 0 : i32
      %gather3A_573 = arith.constant 0 : i32
      %gather3A_574 = tpu.memref_slice %arg12[%gather3A_571, %gather3A_572, %gather3A_573] : memref<2x128x128xf32, #tpu.memory_space<vmem>> -> memref<1x128x128xf32, #tpu.memory_space<vmem>>
      %gather3A_575 = tpu.memref_squeeze %gather3A_574 : memref<1x128x128xf32, #tpu.memory_space<vmem>> -> memref<128x128xf32, #tpu.memory_space<vmem>>
      %gather3A_576 = tpu.vector_load_idx %gather3A_575[%broadcast_in_dim3A_568, %add3A_570] : memref<128x128xf32, #tpu.memory_space<vmem>>[vector<16xi32>, vector<16xi32>], vector<16xf32>,
      %add3A_577 = vector.broadcast %mul3A_563 : i32 to vector<16xi32>
      %add3A_578 = arith.addi %add3A_577, %iota3A : vector<16xi32>
      %add3A_579 = arith.constant 16 : i32
      %add3A_580 = vector.broadcast %add3A_579 : i32 to vector<16xi32>
      %add3A_581 = arith.addi %add3A_578, %add3A_580 : vector<16xi32>
      %gather3A_582 = arith.constant 0 : i32
      %gather3A_583 = arith.constant 0 : i32
      %gather3A_584 = arith.constant 0 : i32
      %gather3A_585 = tpu.memref_slice %arg12[%gather3A_582, %gather3A_583, %gather3A_584] : memref<2x128x128xf32, #tpu.memory_space<vmem>> -> memref<1x128x128xf32, #tpu.memory_space<vmem>>
      %gather3A_586 = tpu.memref_squeeze %gather3A_585 : memref<1x128x128xf32, #tpu.memory_space<vmem>> -> memref<128x128xf32, #tpu.memory_space<vmem>>
      %gather3A_587 = tpu.vector_load_idx %gather3A_586[%broadcast_in_dim3A_568, %add3A_581] : memref<128x128xf32, #tpu.memory_space<vmem>>[vector<16xi32>, vector<16xi32>], vector<16xf32>,
      %add3A_588 = vector.broadcast %mul3A_567 : i32 to vector<16xi32>
      %add3A_589 = arith.addi %add3A_588, %iota3A : vector<16xi32>
      %gather3A_590 = arith.constant 0 : i32
      %gather3A_591 = arith.constant 0 : i32
      %gather3A_592 = arith.constant 0 : i32
      %gather3A_593 = tpu.memref_slice %arg13[%gather3A_590, %gather3A_591, %gather3A_592] : memref<2x128x128xf32, #tpu.memory_space<vmem>> -> memref<1x128x128xf32, #tpu.memory_space<vmem>>
      %gather3A_594 = tpu.memref_squeeze %gather3A_593 : memref<1x128x128xf32, #tpu.memory_space<vmem>> -> memref<128x128xf32, #tpu.memory_space<vmem>>
      %gather3A_595 = tpu.vector_load_idx %gather3A_594[%broadcast_in_dim3A_568, %add3A_589] : memref<128x128xf32, #tpu.memory_space<vmem>>[vector<16xi32>, vector<16xi32>], vector<16xf32>,
      %add3A_596 = vector.broadcast %mul3A_567 : i32 to vector<16xi32>
      %add3A_597 = arith.addi %add3A_596, %iota3A : vector<16xi32>
      %add3A_598 = arith.constant 16 : i32
      %add3A_599 = vector.broadcast %add3A_598 : i32 to vector<16xi32>
      %add3A_600 = arith.addi %add3A_597, %add3A_599 : vector<16xi32>
      %gather3A_601 = arith.constant 0 : i32
      %gather3A_602 = arith.constant 0 : i32
      %gather3A_603 = arith.constant 0 : i32
      %gather3A_604 = tpu.memref_slice %arg13[%gather3A_601, %gather3A_602, %gather3A_603] : memref<2x128x128xf32, #tpu.memory_space<vmem>> -> memref<1x128x128xf32, #tpu.memory_space<vmem>>
      %gather3A_605 = tpu.memref_squeeze %gather3A_604 : memref<1x128x128xf32, #tpu.memory_space<vmem>> -> memref<128x128xf32, #tpu.memory_space<vmem>>
      %gather3A_606 = tpu.vector_load_idx %gather3A_605[%broadcast_in_dim3A_568, %add3A_600] : memref<128x128xf32, #tpu.memory_space<vmem>>[vector<16xi32>, vector<16xi32>], vector<16xf32>,
      %mul3A_607 = arith.mulf %gather3A_576, %gather3A_595 : vector<16xf32>
      %mul3A_608 = arith.mulf %mul3A_607, %get3A_3 : vector<16xf32>
      %mul3A_609 = arith.mulf %gather3A_587, %gather3A_606 : vector<16xf32>
      %mul3A_610 = arith.mulf %mul3A_609, %get3A_5 : vector<16xf32>
      %add3A_611 = arith.addf %mul3A_608, %mul3A_610 : vector<16xf32>
      %reduce_sum3A_612 = arith.constant true
      %reduce_sum3A_613 = vector.broadcast %reduce_sum3A_612 : i1 to vector<16xi1>
      %reduce_sum3A_614 = tpu.scan <sum>, %add3A_611 masked %reduce_sum3A_613 : vector<16xf32>, vector<16xi1> -> vector<16xf32>
      %reduce_sum3A_615 = vector.extract %reduce_sum3A_614[15] : f32 from vector<16xf32>
      %eq3A_616 = arith.constant 5 : i32
      %eq3A_617 = vector.broadcast %eq3A_616 : i32 to vector<16xi32>
      %eq3A_618 = arith.cmpi eq, %iota3A, %eq3A_617 : vector<16xi32>
      %broadcast_in_dim3A_619 = vector.broadcast %reduce_sum3A_615 : f32 to vector<16xf32>
      %select_n3A_620 = arith.select %eq3A_618, %broadcast_in_dim3A_619, %select_n3A_553 : vector<16xi1>, vector<16xf32>
      %mul3A_621 = arith.constant 16 : i32
      %mul3A_622 = arith.muli %scan3A_221, %mul3A_621 : i32
      %add3A_623 = arith.constant 6 : i32
      %add3A_624 = arith.addi %mul3A_622, %add3A_623 : i32
      %slice3A_625 = vector.extract_strided_slice %get3A_227 {offsets = [6], sizes = [1], strides = [1]} : vector<16xi32> to vector<1xi32>
      %squeeze3A_626 = vector.extract %slice3A_625[0] : i32 from vector<1xi32>
      %rem3A_627 = arith.constant 4 : i32
      %rem3A_628 = arith.remsi %squeeze3A_626, %rem3A_627 : i32
      %mul3A_629 = arith.constant 32 : i32
      %mul3A_630 = arith.muli %rem3A_628, %mul3A_629 : i32
      %div3A_631 = arith.constant 4 : i32
      %div3A_632 = arith.divsi %squeeze3A_626, %div3A_631 : i32
      %mul3A_633 = arith.constant 32 : i32
      %mul3A_634 = arith.muli %div3A_632, %mul3A_633 : i32
      %broadcast_in_dim3A_635 = vector.broadcast %add3A_624 : i32 to vector<16xi32>
      %add3A_636 = vector.broadcast %mul3A_630 : i32 to vector<16xi32>
      %add3A_637 = arith.addi %add3A_636, %iota3A : vector<16xi32>
      %gather3A_638 = arith.constant 0 : i32
      %gather3A_639 = arith.constant 0 : i32
      %gather3A_640 = arith.constant 0 : i32
      %gather3A_641 = tpu.memref_slice %arg12[%gather3A_638, %gather3A_639, %gather3A_640] : memref<2x128x128xf32, #tpu.memory_space<vmem>> -> memref<1x128x128xf32, #tpu.memory_space<vmem>>
      %gather3A_642 = tpu.memref_squeeze %gather3A_641 : memref<1x128x128xf32, #tpu.memory_space<vmem>> -> memref<128x128xf32, #tpu.memory_space<vmem>>
      %gather3A_643 = tpu.vector_load_idx %gather3A_642[%broadcast_in_dim3A_635, %add3A_637] : memref<128x128xf32, #tpu.memory_space<vmem>>[vector<16xi32>, vector<16xi32>], vector<16xf32>,
      %add3A_644 = vector.broadcast %mul3A_630 : i32 to vector<16xi32>
      %add3A_645 = arith.addi %add3A_644, %iota3A : vector<16xi32>
      %add3A_646 = arith.constant 16 : i32
      %add3A_647 = vector.broadcast %add3A_646 : i32 to vector<16xi32>
      %add3A_648 = arith.addi %add3A_645, %add3A_647 : vector<16xi32>
      %gather3A_649 = arith.constant 0 : i32
      %gather3A_650 = arith.constant 0 : i32
      %gather3A_651 = arith.constant 0 : i32
      %gather3A_652 = tpu.memref_slice %arg12[%gather3A_649, %gather3A_650, %gather3A_651] : memref<2x128x128xf32, #tpu.memory_space<vmem>> -> memref<1x128x128xf32, #tpu.memory_space<vmem>>
      %gather3A_653 = tpu.memref_squeeze %gather3A_652 : memref<1x128x128xf32, #tpu.memory_space<vmem>> -> memref<128x128xf32, #tpu.memory_space<vmem>>
      %gather3A_654 = tpu.vector_load_idx %gather3A_653[%broadcast_in_dim3A_635, %add3A_648] : memref<128x128xf32, #tpu.memory_space<vmem>>[vector<16xi32>, vector<16xi32>], vector<16xf32>,
      %add3A_655 = vector.broadcast %mul3A_634 : i32 to vector<16xi32>
      %add3A_656 = arith.addi %add3A_655, %iota3A : vector<16xi32>
      %gather3A_657 = arith.constant 0 : i32
      %gather3A_658 = arith.constant 0 : i32
      %gather3A_659 = arith.constant 0 : i32
      %gather3A_660 = tpu.memref_slice %arg13[%gather3A_657, %gather3A_658, %gather3A_659] : memref<2x128x128xf32, #tpu.memory_space<vmem>> -> memref<1x128x128xf32, #tpu.memory_space<vmem>>
      %gather3A_661 = tpu.memref_squeeze %gather3A_660 : memref<1x128x128xf32, #tpu.memory_space<vmem>> -> memref<128x128xf32, #tpu.memory_space<vmem>>
      %gather3A_662 = tpu.vector_load_idx %gather3A_661[%broadcast_in_dim3A_635, %add3A_656] : memref<128x128xf32, #tpu.memory_space<vmem>>[vector<16xi32>, vector<16xi32>], vector<16xf32>,
      %add3A_663 = vector.broadcast %mul3A_634 : i32 to vector<16xi32>
      %add3A_664 = arith.addi %add3A_663, %iota3A : vector<16xi32>
      %add3A_665 = arith.constant 16 : i32
      %add3A_666 = vector.broadcast %add3A_665 : i32 to vector<16xi32>
      %add3A_667 = arith.addi %add3A_664, %add3A_666 : vector<16xi32>
      %gather3A_668 = arith.constant 0 : i32
      %gather3A_669 = arith.constant 0 : i32
      %gather3A_670 = arith.constant 0 : i32
      %gather3A_671 = tpu.memref_slice %arg13[%gather3A_668, %gather3A_669, %gather3A_670] : memref<2x128x128xf32, #tpu.memory_space<vmem>> -> memref<1x128x128xf32, #tpu.memory_space<vmem>>
      %gather3A_672 = tpu.memref_squeeze %gather3A_671 : memref<1x128x128xf32, #tpu.memory_space<vmem>> -> memref<128x128xf32, #tpu.memory_space<vmem>>
      %gather3A_673 = tpu.vector_load_idx %gather3A_672[%broadcast_in_dim3A_635, %add3A_667] : memref<128x128xf32, #tpu.memory_space<vmem>>[vector<16xi32>, vector<16xi32>], vector<16xf32>,
      %mul3A_674 = arith.mulf %gather3A_643, %gather3A_662 : vector<16xf32>
      %mul3A_675 = arith.mulf %mul3A_674, %get3A_3 : vector<16xf32>
      %mul3A_676 = arith.mulf %gather3A_654, %gather3A_673 : vector<16xf32>
      %mul3A_677 = arith.mulf %mul3A_676, %get3A_5 : vector<16xf32>
      %add3A_678 = arith.addf %mul3A_675, %mul3A_677 : vector<16xf32>
      %reduce_sum3A_679 = arith.constant true
      %reduce_sum3A_680 = vector.broadcast %reduce_sum3A_679 : i1 to vector<16xi1>
      %reduce_sum3A_681 = tpu.scan <sum>, %add3A_678 masked %reduce_sum3A_680 : vector<16xf32>, vector<16xi1> -> vector<16xf32>
      %reduce_sum3A_682 = vector.extract %reduce_sum3A_681[15] : f32 from vector<16xf32>
      %eq3A_683 = arith.constant 6 : i32
      %eq3A_684 = vector.broadcast %eq3A_683 : i32 to vector<16xi32>
      %eq3A_685 = arith.cmpi eq, %iota3A, %eq3A_684 : vector<16xi32>
      %broadcast_in_dim3A_686 = vector.broadcast %reduce_sum3A_682 : f32 to vector<16xf32>
      %select_n3A_687 = arith.select %eq3A_685, %broadcast_in_dim3A_686, %select_n3A_620 : vector<16xi1>, vector<16xf32>
      %mul3A_688 = arith.constant 16 : i32
      %mul3A_689 = arith.muli %scan3A_221, %mul3A_688 : i32
      %add3A_690 = arith.constant 7 : i32
      %add3A_691 = arith.addi %mul3A_689, %add3A_690 : i32
      %slice3A_692 = vector.extract_strided_slice %get3A_227 {offsets = [7], sizes = [1], strides = [1]} : vector<16xi32> to vector<1xi32>
      %squeeze3A_693 = vector.extract %slice3A_692[0] : i32 from vector<1xi32>
      %rem3A_694 = arith.constant 4 : i32
      %rem3A_695 = arith.remsi %squeeze3A_693, %rem3A_694 : i32
      %mul3A_696 = arith.constant 32 : i32
      %mul3A_697 = arith.muli %rem3A_695, %mul3A_696 : i32
      %div3A_698 = arith.constant 4 : i32
      %div3A_699 = arith.divsi %squeeze3A_693, %div3A_698 : i32
      %mul3A_700 = arith.constant 32 : i32
      %mul3A_701 = arith.muli %div3A_699, %mul3A_700 : i32
      %broadcast_in_dim3A_702 = vector.broadcast %add3A_691 : i32 to vector<16xi32>
      %add3A_703 = vector.broadcast %mul3A_697 : i32 to vector<16xi32>
      %add3A_704 = arith.addi %add3A_703, %iota3A : vector<16xi32>
      %gather3A_705 = arith.constant 0 : i32
      %gather3A_706 = arith.constant 0 : i32
      %gather3A_707 = arith.constant 0 : i32
      %gather3A_708 = tpu.memref_slice %arg12[%gather3A_705, %gather3A_706, %gather3A_707] : memref<2x128x128xf32, #tpu.memory_space<vmem>> -> memref<1x128x128xf32, #tpu.memory_space<vmem>>
      %gather3A_709 = tpu.memref_squeeze %gather3A_708 : memref<1x128x128xf32, #tpu.memory_space<vmem>> -> memref<128x128xf32, #tpu.memory_space<vmem>>
      %gather3A_710 = tpu.vector_load_idx %gather3A_709[%broadcast_in_dim3A_702, %add3A_704] : memref<128x128xf32, #tpu.memory_space<vmem>>[vector<16xi32>, vector<16xi32>], vector<16xf32>,
      %add3A_711 = vector.broadcast %mul3A_697 : i32 to vector<16xi32>
      %add3A_712 = arith.addi %add3A_711, %iota3A : vector<16xi32>
      %add3A_713 = arith.constant 16 : i32
      %add3A_714 = vector.broadcast %add3A_713 : i32 to vector<16xi32>
      %add3A_715 = arith.addi %add3A_712, %add3A_714 : vector<16xi32>
      %gather3A_716 = arith.constant 0 : i32
      %gather3A_717 = arith.constant 0 : i32
      %gather3A_718 = arith.constant 0 : i32
      %gather3A_719 = tpu.memref_slice %arg12[%gather3A_716, %gather3A_717, %gather3A_718] : memref<2x128x128xf32, #tpu.memory_space<vmem>> -> memref<1x128x128xf32, #tpu.memory_space<vmem>>
      %gather3A_720 = tpu.memref_squeeze %gather3A_719 : memref<1x128x128xf32, #tpu.memory_space<vmem>> -> memref<128x128xf32, #tpu.memory_space<vmem>>
      %gather3A_721 = tpu.vector_load_idx %gather3A_720[%broadcast_in_dim3A_702, %add3A_715] : memref<128x128xf32, #tpu.memory_space<vmem>>[vector<16xi32>, vector<16xi32>], vector<16xf32>,
      %add3A_722 = vector.broadcast %mul3A_701 : i32 to vector<16xi32>
      %add3A_723 = arith.addi %add3A_722, %iota3A : vector<16xi32>
      %gather3A_724 = arith.constant 0 : i32
      %gather3A_725 = arith.constant 0 : i32
      %gather3A_726 = arith.constant 0 : i32
      %gather3A_727 = tpu.memref_slice %arg13[%gather3A_724, %gather3A_725, %gather3A_726] : memref<2x128x128xf32, #tpu.memory_space<vmem>> -> memref<1x128x128xf32, #tpu.memory_space<vmem>>
      %gather3A_728 = tpu.memref_squeeze %gather3A_727 : memref<1x128x128xf32, #tpu.memory_space<vmem>> -> memref<128x128xf32, #tpu.memory_space<vmem>>
      %gather3A_729 = tpu.vector_load_idx %gather3A_728[%broadcast_in_dim3A_702, %add3A_723] : memref<128x128xf32, #tpu.memory_space<vmem>>[vector<16xi32>, vector<16xi32>], vector<16xf32>,
      %add3A_730 = vector.broadcast %mul3A_701 : i32 to vector<16xi32>
      %add3A_731 = arith.addi %add3A_730, %iota3A : vector<16xi32>
      %add3A_732 = arith.constant 16 : i32
      %add3A_733 = vector.broadcast %add3A_732 : i32 to vector<16xi32>
      %add3A_734 = arith.addi %add3A_731, %add3A_733 : vector<16xi32>
      %gather3A_735 = arith.constant 0 : i32
      %gather3A_736 = arith.constant 0 : i32
      %gather3A_737 = arith.constant 0 : i32
      %gather3A_738 = tpu.memref_slice %arg13[%gather3A_735, %gather3A_736, %gather3A_737] : memref<2x128x128xf32, #tpu.memory_space<vmem>> -> memref<1x128x128xf32, #tpu.memory_space<vmem>>
      %gather3A_739 = tpu.memref_squeeze %gather3A_738 : memref<1x128x128xf32, #tpu.memory_space<vmem>> -> memref<128x128xf32, #tpu.memory_space<vmem>>
      %gather3A_740 = tpu.vector_load_idx %gather3A_739[%broadcast_in_dim3A_702, %add3A_734] : memref<128x128xf32, #tpu.memory_space<vmem>>[vector<16xi32>, vector<16xi32>], vector<16xf32>,
      %mul3A_741 = arith.mulf %gather3A_710, %gather3A_729 : vector<16xf32>
      %mul3A_742 = arith.mulf %mul3A_741, %get3A_3 : vector<16xf32>
      %mul3A_743 = arith.mulf %gather3A_721, %gather3A_740 : vector<16xf32>
      %mul3A_744 = arith.mulf %mul3A_743, %get3A_5 : vector<16xf32>
      %add3A_745 = arith.addf %mul3A_742, %mul3A_744 : vector<16xf32>
      %reduce_sum3A_746 = arith.constant true
      %reduce_sum3A_747 = vector.broadcast %reduce_sum3A_746 : i1 to vector<16xi1>
      %reduce_sum3A_748 = tpu.scan <sum>, %add3A_745 masked %reduce_sum3A_747 : vector<16xf32>, vector<16xi1> -> vector<16xf32>
      %reduce_sum3A_749 = vector.extract %reduce_sum3A_748[15] : f32 from vector<16xf32>
      %eq3A_750 = arith.constant 7 : i32
      %eq3A_751 = vector.broadcast %eq3A_750 : i32 to vector<16xi32>
      %eq3A_752 = arith.cmpi eq, %iota3A, %eq3A_751 : vector<16xi32>
      %broadcast_in_dim3A_753 = vector.broadcast %reduce_sum3A_749 : f32 to vector<16xf32>
      %select_n3A_754 = arith.select %eq3A_752, %broadcast_in_dim3A_753, %select_n3A_687 : vector<16xi1>, vector<16xf32>
      %mul3A_755 = arith.constant 16 : i32
      %mul3A_756 = arith.muli %scan3A_221, %mul3A_755 : i32
      %add3A_757 = arith.constant 8 : i32
      %add3A_758 = arith.addi %mul3A_756, %add3A_757 : i32
      %slice3A_759 = vector.extract_strided_slice %get3A_227 {offsets = [8], sizes = [1], strides = [1]} : vector<16xi32> to vector<1xi32>
      %squeeze3A_760 = vector.extract %slice3A_759[0] : i32 from vector<1xi32>
      %rem3A_761 = arith.constant 4 : i32
      %rem3A_762 = arith.remsi %squeeze3A_760, %rem3A_761 : i32
      %mul3A_763 = arith.constant 32 : i32
      %mul3A_764 = arith.muli %rem3A_762, %mul3A_763 : i32
      %div3A_765 = arith.constant 4 : i32
      %div3A_766 = arith.divsi %squeeze3A_760, %div3A_765 : i32
      %mul3A_767 = arith.constant 32 : i32
      %mul3A_768 = arith.muli %div3A_766, %mul3A_767 : i32
      %broadcast_in_dim3A_769 = vector.broadcast %add3A_758 : i32 to vector<16xi32>
      %add3A_770 = vector.broadcast %mul3A_764 : i32 to vector<16xi32>
      %add3A_771 = arith.addi %add3A_770, %iota3A : vector<16xi32>
      %gather3A_772 = arith.constant 0 : i32
      %gather3A_773 = arith.constant 0 : i32
      %gather3A_774 = arith.constant 0 : i32
      %gather3A_775 = tpu.memref_slice %arg12[%gather3A_772, %gather3A_773, %gather3A_774] : memref<2x128x128xf32, #tpu.memory_space<vmem>> -> memref<1x128x128xf32, #tpu.memory_space<vmem>>
      %gather3A_776 = tpu.memref_squeeze %gather3A_775 : memref<1x128x128xf32, #tpu.memory_space<vmem>> -> memref<128x128xf32, #tpu.memory_space<vmem>>
      %gather3A_777 = tpu.vector_load_idx %gather3A_776[%broadcast_in_dim3A_769, %add3A_771] : memref<128x128xf32, #tpu.memory_space<vmem>>[vector<16xi32>, vector<16xi32>], vector<16xf32>,
      %add3A_778 = vector.broadcast %mul3A_764 : i32 to vector<16xi32>
      %add3A_779 = arith.addi %add3A_778, %iota3A : vector<16xi32>
      %add3A_780 = arith.constant 16 : i32
      %add3A_781 = vector.broadcast %add3A_780 : i32 to vector<16xi32>
      %add3A_782 = arith.addi %add3A_779, %add3A_781 : vector<16xi32>
      %gather3A_783 = arith.constant 0 : i32
      %gather3A_784 = arith.constant 0 : i32
      %gather3A_785 = arith.constant 0 : i32
      %gather3A_786 = tpu.memref_slice %arg12[%gather3A_783, %gather3A_784, %gather3A_785] : memref<2x128x128xf32, #tpu.memory_space<vmem>> -> memref<1x128x128xf32, #tpu.memory_space<vmem>>
      %gather3A_787 = tpu.memref_squeeze %gather3A_786 : memref<1x128x128xf32, #tpu.memory_space<vmem>> -> memref<128x128xf32, #tpu.memory_space<vmem>>
      %gather3A_788 = tpu.vector_load_idx %gather3A_787[%broadcast_in_dim3A_769, %add3A_782] : memref<128x128xf32, #tpu.memory_space<vmem>>[vector<16xi32>, vector<16xi32>], vector<16xf32>,
      %add3A_789 = vector.broadcast %mul3A_768 : i32 to vector<16xi32>
      %add3A_790 = arith.addi %add3A_789, %iota3A : vector<16xi32>
      %gather3A_791 = arith.constant 0 : i32
      %gather3A_792 = arith.constant 0 : i32
      %gather3A_793 = arith.constant 0 : i32
      %gather3A_794 = tpu.memref_slice %arg13[%gather3A_791, %gather3A_792, %gather3A_793] : memref<2x128x128xf32, #tpu.memory_space<vmem>> -> memref<1x128x128xf32, #tpu.memory_space<vmem>>
      %gather3A_795 = tpu.memref_squeeze %gather3A_794 : memref<1x128x128xf32, #tpu.memory_space<vmem>> -> memref<128x128xf32, #tpu.memory_space<vmem>>
      %gather3A_796 = tpu.vector_load_idx %gather3A_795[%broadcast_in_dim3A_769, %add3A_790] : memref<128x128xf32, #tpu.memory_space<vmem>>[vector<16xi32>, vector<16xi32>], vector<16xf32>,
      %add3A_797 = vector.broadcast %mul3A_768 : i32 to vector<16xi32>
      %add3A_798 = arith.addi %add3A_797, %iota3A : vector<16xi32>
      %add3A_799 = arith.constant 16 : i32
      %add3A_800 = vector.broadcast %add3A_799 : i32 to vector<16xi32>
      %add3A_801 = arith.addi %add3A_798, %add3A_800 : vector<16xi32>
      %gather3A_802 = arith.constant 0 : i32
      %gather3A_803 = arith.constant 0 : i32
      %gather3A_804 = arith.constant 0 : i32
      %gather3A_805 = tpu.memref_slice %arg13[%gather3A_802, %gather3A_803, %gather3A_804] : memref<2x128x128xf32, #tpu.memory_space<vmem>> -> memref<1x128x128xf32, #tpu.memory_space<vmem>>
      %gather3A_806 = tpu.memref_squeeze %gather3A_805 : memref<1x128x128xf32, #tpu.memory_space<vmem>> -> memref<128x128xf32, #tpu.memory_space<vmem>>
      %gather3A_807 = tpu.vector_load_idx %gather3A_806[%broadcast_in_dim3A_769, %add3A_801] : memref<128x128xf32, #tpu.memory_space<vmem>>[vector<16xi32>, vector<16xi32>], vector<16xf32>,
      %mul3A_808 = arith.mulf %gather3A_777, %gather3A_796 : vector<16xf32>
      %mul3A_809 = arith.mulf %mul3A_808, %get3A_3 : vector<16xf32>
      %mul3A_810 = arith.mulf %gather3A_788, %gather3A_807 : vector<16xf32>
      %mul3A_811 = arith.mulf %mul3A_810, %get3A_5 : vector<16xf32>
      %add3A_812 = arith.addf %mul3A_809, %mul3A_811 : vector<16xf32>
      %reduce_sum3A_813 = arith.constant true
      %reduce_sum3A_814 = vector.broadcast %reduce_sum3A_813 : i1 to vector<16xi1>
      %reduce_sum3A_815 = tpu.scan <sum>, %add3A_812 masked %reduce_sum3A_814 : vector<16xf32>, vector<16xi1> -> vector<16xf32>
      %reduce_sum3A_816 = vector.extract %reduce_sum3A_815[15] : f32 from vector<16xf32>
      %eq3A_817 = arith.constant 8 : i32
      %eq3A_818 = vector.broadcast %eq3A_817 : i32 to vector<16xi32>
      %eq3A_819 = arith.cmpi eq, %iota3A, %eq3A_818 : vector<16xi32>
      %broadcast_in_dim3A_820 = vector.broadcast %reduce_sum3A_816 : f32 to vector<16xf32>
      %select_n3A_821 = arith.select %eq3A_819, %broadcast_in_dim3A_820, %select_n3A_754 : vector<16xi1>, vector<16xf32>
      %mul3A_822 = arith.constant 16 : i32
      %mul3A_823 = arith.muli %scan3A_221, %mul3A_822 : i32
      %add3A_824 = arith.constant 9 : i32
      %add3A_825 = arith.addi %mul3A_823, %add3A_824 : i32
      %slice3A_826 = vector.extract_strided_slice %get3A_227 {offsets = [9], sizes = [1], strides = [1]} : vector<16xi32> to vector<1xi32>
      %squeeze3A_827 = vector.extract %slice3A_826[0] : i32 from vector<1xi32>
      %rem3A_828 = arith.constant 4 : i32
      %rem3A_829 = arith.remsi %squeeze3A_827, %rem3A_828 : i32
      %mul3A_830 = arith.constant 32 : i32
      %mul3A_831 = arith.muli %rem3A_829, %mul3A_830 : i32
      %div3A_832 = arith.constant 4 : i32
      %div3A_833 = arith.divsi %squeeze3A_827, %div3A_832 : i32
      %mul3A_834 = arith.constant 32 : i32
      %mul3A_835 = arith.muli %div3A_833, %mul3A_834 : i32
      %broadcast_in_dim3A_836 = vector.broadcast %add3A_825 : i32 to vector<16xi32>
      %add3A_837 = vector.broadcast %mul3A_831 : i32 to vector<16xi32>
      %add3A_838 = arith.addi %add3A_837, %iota3A : vector<16xi32>
      %gather3A_839 = arith.constant 0 : i32
      %gather3A_840 = arith.constant 0 : i32
      %gather3A_841 = arith.constant 0 : i32
      %gather3A_842 = tpu.memref_slice %arg12[%gather3A_839, %gather3A_840, %gather3A_841] : memref<2x128x128xf32, #tpu.memory_space<vmem>> -> memref<1x128x128xf32, #tpu.memory_space<vmem>>
      %gather3A_843 = tpu.memref_squeeze %gather3A_842 : memref<1x128x128xf32, #tpu.memory_space<vmem>> -> memref<128x128xf32, #tpu.memory_space<vmem>>
      %gather3A_844 = tpu.vector_load_idx %gather3A_843[%broadcast_in_dim3A_836, %add3A_838] : memref<128x128xf32, #tpu.memory_space<vmem>>[vector<16xi32>, vector<16xi32>], vector<16xf32>,
      %add3A_845 = vector.broadcast %mul3A_831 : i32 to vector<16xi32>
      %add3A_846 = arith.addi %add3A_845, %iota3A : vector<16xi32>
      %add3A_847 = arith.constant 16 : i32
      %add3A_848 = vector.broadcast %add3A_847 : i32 to vector<16xi32>
      %add3A_849 = arith.addi %add3A_846, %add3A_848 : vector<16xi32>
      %gather3A_850 = arith.constant 0 : i32
      %gather3A_851 = arith.constant 0 : i32
      %gather3A_852 = arith.constant 0 : i32
      %gather3A_853 = tpu.memref_slice %arg12[%gather3A_850, %gather3A_851, %gather3A_852] : memref<2x128x128xf32, #tpu.memory_space<vmem>> -> memref<1x128x128xf32, #tpu.memory_space<vmem>>
      %gather3A_854 = tpu.memref_squeeze %gather3A_853 : memref<1x128x128xf32, #tpu.memory_space<vmem>> -> memref<128x128xf32, #tpu.memory_space<vmem>>
      %gather3A_855 = tpu.vector_load_idx %gather3A_854[%broadcast_in_dim3A_836, %add3A_849] : memref<128x128xf32, #tpu.memory_space<vmem>>[vector<16xi32>, vector<16xi32>], vector<16xf32>,
      %add3A_856 = vector.broadcast %mul3A_835 : i32 to vector<16xi32>
      %add3A_857 = arith.addi %add3A_856, %iota3A : vector<16xi32>
      %gather3A_858 = arith.constant 0 : i32
      %gather3A_859 = arith.constant 0 : i32
      %gather3A_860 = arith.constant 0 : i32
      %gather3A_861 = tpu.memref_slice %arg13[%gather3A_858, %gather3A_859, %gather3A_860] : memref<2x128x128xf32, #tpu.memory_space<vmem>> -> memref<1x128x128xf32, #tpu.memory_space<vmem>>
      %gather3A_862 = tpu.memref_squeeze %gather3A_861 : memref<1x128x128xf32, #tpu.memory_space<vmem>> -> memref<128x128xf32, #tpu.memory_space<vmem>>
      %gather3A_863 = tpu.vector_load_idx %gather3A_862[%broadcast_in_dim3A_836, %add3A_857] : memref<128x128xf32, #tpu.memory_space<vmem>>[vector<16xi32>, vector<16xi32>], vector<16xf32>,
      %add3A_864 = vector.broadcast %mul3A_835 : i32 to vector<16xi32>
      %add3A_865 = arith.addi %add3A_864, %iota3A : vector<16xi32>
      %add3A_866 = arith.constant 16 : i32
      %add3A_867 = vector.broadcast %add3A_866 : i32 to vector<16xi32>
      %add3A_868 = arith.addi %add3A_865, %add3A_867 : vector<16xi32>
      %gather3A_869 = arith.constant 0 : i32
      %gather3A_870 = arith.constant 0 : i32
      %gather3A_871 = arith.constant 0 : i32
      %gather3A_872 = tpu.memref_slice %arg13[%gather3A_869, %gather3A_870, %gather3A_871] : memref<2x128x128xf32, #tpu.memory_space<vmem>> -> memref<1x128x128xf32, #tpu.memory_space<vmem>>
      %gather3A_873 = tpu.memref_squeeze %gather3A_872 : memref<1x128x128xf32, #tpu.memory_space<vmem>> -> memref<128x128xf32, #tpu.memory_space<vmem>>
      %gather3A_874 = tpu.vector_load_idx %gather3A_873[%broadcast_in_dim3A_836, %add3A_868] : memref<128x128xf32, #tpu.memory_space<vmem>>[vector<16xi32>, vector<16xi32>], vector<16xf32>,
      %mul3A_875 = arith.mulf %gather3A_844, %gather3A_863 : vector<16xf32>
      %mul3A_876 = arith.mulf %mul3A_875, %get3A_3 : vector<16xf32>
      %mul3A_877 = arith.mulf %gather3A_855, %gather3A_874 : vector<16xf32>
      %mul3A_878 = arith.mulf %mul3A_877, %get3A_5 : vector<16xf32>
      %add3A_879 = arith.addf %mul3A_876, %mul3A_878 : vector<16xf32>
      %reduce_sum3A_880 = arith.constant true
      %reduce_sum3A_881 = vector.broadcast %reduce_sum3A_880 : i1 to vector<16xi1>
      %reduce_sum3A_882 = tpu.scan <sum>, %add3A_879 masked %reduce_sum3A_881 : vector<16xf32>, vector<16xi1> -> vector<16xf32>
      %reduce_sum3A_883 = vector.extract %reduce_sum3A_882[15] : f32 from vector<16xf32>
      %eq3A_884 = arith.constant 9 : i32
      %eq3A_885 = vector.broadcast %eq3A_884 : i32 to vector<16xi32>
      %eq3A_886 = arith.cmpi eq, %iota3A, %eq3A_885 : vector<16xi32>
      %broadcast_in_dim3A_887 = vector.broadcast %reduce_sum3A_883 : f32 to vector<16xf32>
      %select_n3A_888 = arith.select %eq3A_886, %broadcast_in_dim3A_887, %select_n3A_821 : vector<16xi1>, vector<16xf32>
      %mul3A_889 = arith.constant 16 : i32
      %mul3A_890 = arith.muli %scan3A_221, %mul3A_889 : i32
      %add3A_891 = arith.constant 10 : i32
      %add3A_892 = arith.addi %mul3A_890, %add3A_891 : i32
      %slice3A_893 = vector.extract_strided_slice %get3A_227 {offsets = [10], sizes = [1], strides = [1]} : vector<16xi32> to vector<1xi32>
      %squeeze3A_894 = vector.extract %slice3A_893[0] : i32 from vector<1xi32>
      %rem3A_895 = arith.constant 4 : i32
      %rem3A_896 = arith.remsi %squeeze3A_894, %rem3A_895 : i32
      %mul3A_897 = arith.constant 32 : i32
      %mul3A_898 = arith.muli %rem3A_896, %mul3A_897 : i32
      %div3A_899 = arith.constant 4 : i32
      %div3A_900 = arith.divsi %squeeze3A_894, %div3A_899 : i32
      %mul3A_901 = arith.constant 32 : i32
      %mul3A_902 = arith.muli %div3A_900, %mul3A_901 : i32
      %broadcast_in_dim3A_903 = vector.broadcast %add3A_892 : i32 to vector<16xi32>
      %add3A_904 = vector.broadcast %mul3A_898 : i32 to vector<16xi32>
      %add3A_905 = arith.addi %add3A_904, %iota3A : vector<16xi32>
      %gather3A_906 = arith.constant 0 : i32
      %gather3A_907 = arith.constant 0 : i32
      %gather3A_908 = arith.constant 0 : i32
      %gather3A_909 = tpu.memref_slice %arg12[%gather3A_906, %gather3A_907, %gather3A_908] : memref<2x128x128xf32, #tpu.memory_space<vmem>> -> memref<1x128x128xf32, #tpu.memory_space<vmem>>
      %gather3A_910 = tpu.memref_squeeze %gather3A_909 : memref<1x128x128xf32, #tpu.memory_space<vmem>> -> memref<128x128xf32, #tpu.memory_space<vmem>>
      %gather3A_911 = tpu.vector_load_idx %gather3A_910[%broadcast_in_dim3A_903, %add3A_905] : memref<128x128xf32, #tpu.memory_space<vmem>>[vector<16xi32>, vector<16xi32>], vector<16xf32>,
      %add3A_912 = vector.broadcast %mul3A_898 : i32 to vector<16xi32>
      %add3A_913 = arith.addi %add3A_912, %iota3A : vector<16xi32>
      %add3A_914 = arith.constant 16 : i32
      %add3A_915 = vector.broadcast %add3A_914 : i32 to vector<16xi32>
      %add3A_916 = arith.addi %add3A_913, %add3A_915 : vector<16xi32>
      %gather3A_917 = arith.constant 0 : i32
      %gather3A_918 = arith.constant 0 : i32
      %gather3A_919 = arith.constant 0 : i32
      %gather3A_920 = tpu.memref_slice %arg12[%gather3A_917, %gather3A_918, %gather3A_919] : memref<2x128x128xf32, #tpu.memory_space<vmem>> -> memref<1x128x128xf32, #tpu.memory_space<vmem>>
      %gather3A_921 = tpu.memref_squeeze %gather3A_920 : memref<1x128x128xf32, #tpu.memory_space<vmem>> -> memref<128x128xf32, #tpu.memory_space<vmem>>
      %gather3A_922 = tpu.vector_load_idx %gather3A_921[%broadcast_in_dim3A_903, %add3A_916] : memref<128x128xf32, #tpu.memory_space<vmem>>[vector<16xi32>, vector<16xi32>], vector<16xf32>,
      %add3A_923 = vector.broadcast %mul3A_902 : i32 to vector<16xi32>
      %add3A_924 = arith.addi %add3A_923, %iota3A : vector<16xi32>
      %gather3A_925 = arith.constant 0 : i32
      %gather3A_926 = arith.constant 0 : i32
      %gather3A_927 = arith.constant 0 : i32
      %gather3A_928 = tpu.memref_slice %arg13[%gather3A_925, %gather3A_926, %gather3A_927] : memref<2x128x128xf32, #tpu.memory_space<vmem>> -> memref<1x128x128xf32, #tpu.memory_space<vmem>>
      %gather3A_929 = tpu.memref_squeeze %gather3A_928 : memref<1x128x128xf32, #tpu.memory_space<vmem>> -> memref<128x128xf32, #tpu.memory_space<vmem>>
      %gather3A_930 = tpu.vector_load_idx %gather3A_929[%broadcast_in_dim3A_903, %add3A_924] : memref<128x128xf32, #tpu.memory_space<vmem>>[vector<16xi32>, vector<16xi32>], vector<16xf32>,
      %add3A_931 = vector.broadcast %mul3A_902 : i32 to vector<16xi32>
      %add3A_932 = arith.addi %add3A_931, %iota3A : vector<16xi32>
      %add3A_933 = arith.constant 16 : i32
      %add3A_934 = vector.broadcast %add3A_933 : i32 to vector<16xi32>
      %add3A_935 = arith.addi %add3A_932, %add3A_934 : vector<16xi32>
      %gather3A_936 = arith.constant 0 : i32
      %gather3A_937 = arith.constant 0 : i32
      %gather3A_938 = arith.constant 0 : i32
      %gather3A_939 = tpu.memref_slice %arg13[%gather3A_936, %gather3A_937, %gather3A_938] : memref<2x128x128xf32, #tpu.memory_space<vmem>> -> memref<1x128x128xf32, #tpu.memory_space<vmem>>
      %gather3A_940 = tpu.memref_squeeze %gather3A_939 : memref<1x128x128xf32, #tpu.memory_space<vmem>> -> memref<128x128xf32, #tpu.memory_space<vmem>>
      %gather3A_941 = tpu.vector_load_idx %gather3A_940[%broadcast_in_dim3A_903, %add3A_935] : memref<128x128xf32, #tpu.memory_space<vmem>>[vector<16xi32>, vector<16xi32>], vector<16xf32>,
      %mul3A_942 = arith.mulf %gather3A_911, %gather3A_930 : vector<16xf32>
      %mul3A_943 = arith.mulf %mul3A_942, %get3A_3 : vector<16xf32>
      %mul3A_944 = arith.mulf %gather3A_922, %gather3A_941 : vector<16xf32>
      %mul3A_945 = arith.mulf %mul3A_944, %get3A_5 : vector<16xf32>
      %add3A_946 = arith.addf %mul3A_943, %mul3A_945 : vector<16xf32>
      %reduce_sum3A_947 = arith.constant true
      %reduce_sum3A_948 = vector.broadcast %reduce_sum3A_947 : i1 to vector<16xi1>
      %reduce_sum3A_949 = tpu.scan <sum>, %add3A_946 masked %reduce_sum3A_948 : vector<16xf32>, vector<16xi1> -> vector<16xf32>
      %reduce_sum3A_950 = vector.extract %reduce_sum3A_949[15] : f32 from vector<16xf32>
      %eq3A_951 = arith.constant 10 : i32
      %eq3A_952 = vector.broadcast %eq3A_951 : i32 to vector<16xi32>
      %eq3A_953 = arith.cmpi eq, %iota3A, %eq3A_952 : vector<16xi32>
      %broadcast_in_dim3A_954 = vector.broadcast %reduce_sum3A_950 : f32 to vector<16xf32>
      %select_n3A_955 = arith.select %eq3A_953, %broadcast_in_dim3A_954, %select_n3A_888 : vector<16xi1>, vector<16xf32>
      %mul3A_956 = arith.constant 16 : i32
      %mul3A_957 = arith.muli %scan3A_221, %mul3A_956 : i32
      %add3A_958 = arith.constant 11 : i32
      %add3A_959 = arith.addi %mul3A_957, %add3A_958 : i32
      %slice3A_960 = vector.extract_strided_slice %get3A_227 {offsets = [11], sizes = [1], strides = [1]} : vector<16xi32> to vector<1xi32>
      %squeeze3A_961 = vector.extract %slice3A_960[0] : i32 from vector<1xi32>
      %rem3A_962 = arith.constant 4 : i32
      %rem3A_963 = arith.remsi %squeeze3A_961, %rem3A_962 : i32
      %mul3A_964 = arith.constant 32 : i32
      %mul3A_965 = arith.muli %rem3A_963, %mul3A_964 : i32
      %div3A_966 = arith.constant 4 : i32
      %div3A_967 = arith.divsi %squeeze3A_961, %div3A_966 : i32
      %mul3A_968 = arith.constant 32 : i32
      %mul3A_969 = arith.muli %div3A_967, %mul3A_968 : i32
      %broadcast_in_dim3A_970 = vector.broadcast %add3A_959 : i32 to vector<16xi32>
      %add3A_971 = vector.broadcast %mul3A_965 : i32 to vector<16xi32>
      %add3A_972 = arith.addi %add3A_971, %iota3A : vector<16xi32>
      %gather3A_973 = arith.constant 0 : i32
      %gather3A_974 = arith.constant 0 : i32
      %gather3A_975 = arith.constant 0 : i32
      %gather3A_976 = tpu.memref_slice %arg12[%gather3A_973, %gather3A_974, %gather3A_975] : memref<2x128x128xf32, #tpu.memory_space<vmem>> -> memref<1x128x128xf32, #tpu.memory_space<vmem>>
      %gather3A_977 = tpu.memref_squeeze %gather3A_976 : memref<1x128x128xf32, #tpu.memory_space<vmem>> -> memref<128x128xf32, #tpu.memory_space<vmem>>
      %gather3A_978 = tpu.vector_load_idx %gather3A_977[%broadcast_in_dim3A_970, %add3A_972] : memref<128x128xf32, #tpu.memory_space<vmem>>[vector<16xi32>, vector<16xi32>], vector<16xf32>,
      %add3A_979 = vector.broadcast %mul3A_965 : i32 to vector<16xi32>
      %add3A_980 = arith.addi %add3A_979, %iota3A : vector<16xi32>
      %add3A_981 = arith.constant 16 : i32
      %add3A_982 = vector.broadcast %add3A_981 : i32 to vector<16xi32>
      %add3A_983 = arith.addi %add3A_980, %add3A_982 : vector<16xi32>
      %gather3A_984 = arith.constant 0 : i32
      %gather3A_985 = arith.constant 0 : i32
      %gather3A_986 = arith.constant 0 : i32
      %gather3A_987 = tpu.memref_slice %arg12[%gather3A_984, %gather3A_985, %gather3A_986] : memref<2x128x128xf32, #tpu.memory_space<vmem>> -> memref<1x128x128xf32, #tpu.memory_space<vmem>>
      %gather3A_988 = tpu.memref_squeeze %gather3A_987 : memref<1x128x128xf32, #tpu.memory_space<vmem>> -> memref<128x128xf32, #tpu.memory_space<vmem>>
      %gather3A_989 = tpu.vector_load_idx %gather3A_988[%broadcast_in_dim3A_970, %add3A_983] : memref<128x128xf32, #tpu.memory_space<vmem>>[vector<16xi32>, vector<16xi32>], vector<16xf32>,
      %add3A_990 = vector.broadcast %mul3A_969 : i32 to vector<16xi32>
      %add3A_991 = arith.addi %add3A_990, %iota3A : vector<16xi32>
      %gather3A_992 = arith.constant 0 : i32
      %gather3A_993 = arith.constant 0 : i32
      %gather3A_994 = arith.constant 0 : i32
      %gather3A_995 = tpu.memref_slice %arg13[%gather3A_992, %gather3A_993, %gather3A_994] : memref<2x128x128xf32, #tpu.memory_space<vmem>> -> memref<1x128x128xf32, #tpu.memory_space<vmem>>
      %gather3A_996 = tpu.memref_squeeze %gather3A_995 : memref<1x128x128xf32, #tpu.memory_space<vmem>> -> memref<128x128xf32, #tpu.memory_space<vmem>>
      %gather3A_997 = tpu.vector_load_idx %gather3A_996[%broadcast_in_dim3A_970, %add3A_991] : memref<128x128xf32, #tpu.memory_space<vmem>>[vector<16xi32>, vector<16xi32>], vector<16xf32>,
      %add3A_998 = vector.broadcast %mul3A_969 : i32 to vector<16xi32>
      %add3A_999 = arith.addi %add3A_998, %iota3A : vector<16xi32>
      %add3A_1000 = arith.constant 16 : i32
      %add3A_1001 = vector.broadcast %add3A_1000 : i32 to vector<16xi32>
      %add3A_1002 = arith.addi %add3A_999, %add3A_1001 : vector<16xi32>
      %gather3A_1003 = arith.constant 0 : i32
      %gather3A_1004 = arith.constant 0 : i32
      %gather3A_1005 = arith.constant 0 : i32
      %gather3A_1006 = tpu.memref_slice %arg13[%gather3A_1003, %gather3A_1004, %gather3A_1005] : memref<2x128x128xf32, #tpu.memory_space<vmem>> -> memref<1x128x128xf32, #tpu.memory_space<vmem>>
      %gather3A_1007 = tpu.memref_squeeze %gather3A_1006 : memref<1x128x128xf32, #tpu.memory_space<vmem>> -> memref<128x128xf32, #tpu.memory_space<vmem>>
      %gather3A_1008 = tpu.vector_load_idx %gather3A_1007[%broadcast_in_dim3A_970, %add3A_1002] : memref<128x128xf32, #tpu.memory_space<vmem>>[vector<16xi32>, vector<16xi32>], vector<16xf32>,
      %mul3A_1009 = arith.mulf %gather3A_978, %gather3A_997 : vector<16xf32>
      %mul3A_1010 = arith.mulf %mul3A_1009, %get3A_3 : vector<16xf32>
      %mul3A_1011 = arith.mulf %gather3A_989, %gather3A_1008 : vector<16xf32>
      %mul3A_1012 = arith.mulf %mul3A_1011, %get3A_5 : vector<16xf32>
      %add3A_1013 = arith.addf %mul3A_1010, %mul3A_1012 : vector<16xf32>
      %reduce_sum3A_1014 = arith.constant true
      %reduce_sum3A_1015 = vector.broadcast %reduce_sum3A_1014 : i1 to vector<16xi1>
      %reduce_sum3A_1016 = tpu.scan <sum>, %add3A_1013 masked %reduce_sum3A_1015 : vector<16xf32>, vector<16xi1> -> vector<16xf32>
      %reduce_sum3A_1017 = vector.extract %reduce_sum3A_1016[15] : f32 from vector<16xf32>
      %eq3A_1018 = arith.constant 11 : i32
      %eq3A_1019 = vector.broadcast %eq3A_1018 : i32 to vector<16xi32>
      %eq3A_1020 = arith.cmpi eq, %iota3A, %eq3A_1019 : vector<16xi32>
      %broadcast_in_dim3A_1021 = vector.broadcast %reduce_sum3A_1017 : f32 to vector<16xf32>
      %select_n3A_1022 = arith.select %eq3A_1020, %broadcast_in_dim3A_1021, %select_n3A_955 : vector<16xi1>, vector<16xf32>
      %mul3A_1023 = arith.constant 16 : i32
      %mul3A_1024 = arith.muli %scan3A_221, %mul3A_1023 : i32
      %add3A_1025 = arith.constant 12 : i32
      %add3A_1026 = arith.addi %mul3A_1024, %add3A_1025 : i32
      %slice3A_1027 = vector.extract_strided_slice %get3A_227 {offsets = [12], sizes = [1], strides = [1]} : vector<16xi32> to vector<1xi32>
      %squeeze3A_1028 = vector.extract %slice3A_1027[0] : i32 from vector<1xi32>
      %rem3A_1029 = arith.constant 4 : i32
      %rem3A_1030 = arith.remsi %squeeze3A_1028, %rem3A_1029 : i32
      %mul3A_1031 = arith.constant 32 : i32
      %mul3A_1032 = arith.muli %rem3A_1030, %mul3A_1031 : i32
      %div3A_1033 = arith.constant 4 : i32
      %div3A_1034 = arith.divsi %squeeze3A_1028, %div3A_1033 : i32
      %mul3A_1035 = arith.constant 32 : i32
      %mul3A_1036 = arith.muli %div3A_1034, %mul3A_1035 : i32
      %broadcast_in_dim3A_1037 = vector.broadcast %add3A_1026 : i32 to vector<16xi32>
      %add3A_1038 = vector.broadcast %mul3A_1032 : i32 to vector<16xi32>
      %add3A_1039 = arith.addi %add3A_1038, %iota3A : vector<16xi32>
      %gather3A_1040 = arith.constant 0 : i32
      %gather3A_1041 = arith.constant 0 : i32
      %gather3A_1042 = arith.constant 0 : i32
      %gather3A_1043 = tpu.memref_slice %arg12[%gather3A_1040, %gather3A_1041, %gather3A_1042] : memref<2x128x128xf32, #tpu.memory_space<vmem>> -> memref<1x128x128xf32, #tpu.memory_space<vmem>>
      %gather3A_1044 = tpu.memref_squeeze %gather3A_1043 : memref<1x128x128xf32, #tpu.memory_space<vmem>> -> memref<128x128xf32, #tpu.memory_space<vmem>>
      %gather3A_1045 = tpu.vector_load_idx %gather3A_1044[%broadcast_in_dim3A_1037, %add3A_1039] : memref<128x128xf32, #tpu.memory_space<vmem>>[vector<16xi32>, vector<16xi32>], vector<16xf32>,
      %add3A_1046 = vector.broadcast %mul3A_1032 : i32 to vector<16xi32>
      %add3A_1047 = arith.addi %add3A_1046, %iota3A : vector<16xi32>
      %add3A_1048 = arith.constant 16 : i32
      %add3A_1049 = vector.broadcast %add3A_1048 : i32 to vector<16xi32>
      %add3A_1050 = arith.addi %add3A_1047, %add3A_1049 : vector<16xi32>
      %gather3A_1051 = arith.constant 0 : i32
      %gather3A_1052 = arith.constant 0 : i32
      %gather3A_1053 = arith.constant 0 : i32
      %gather3A_1054 = tpu.memref_slice %arg12[%gather3A_1051, %gather3A_1052, %gather3A_1053] : memref<2x128x128xf32, #tpu.memory_space<vmem>> -> memref<1x128x128xf32, #tpu.memory_space<vmem>>
      %gather3A_1055 = tpu.memref_squeeze %gather3A_1054 : memref<1x128x128xf32, #tpu.memory_space<vmem>> -> memref<128x128xf32, #tpu.memory_space<vmem>>
      %gather3A_1056 = tpu.vector_load_idx %gather3A_1055[%broadcast_in_dim3A_1037, %add3A_1050] : memref<128x128xf32, #tpu.memory_space<vmem>>[vector<16xi32>, vector<16xi32>], vector<16xf32>,
      %add3A_1057 = vector.broadcast %mul3A_1036 : i32 to vector<16xi32>
      %add3A_1058 = arith.addi %add3A_1057, %iota3A : vector<16xi32>
      %gather3A_1059 = arith.constant 0 : i32
      %gather3A_1060 = arith.constant 0 : i32
      %gather3A_1061 = arith.constant 0 : i32
      %gather3A_1062 = tpu.memref_slice %arg13[%gather3A_1059, %gather3A_1060, %gather3A_1061] : memref<2x128x128xf32, #tpu.memory_space<vmem>> -> memref<1x128x128xf32, #tpu.memory_space<vmem>>
      %gather3A_1063 = tpu.memref_squeeze %gather3A_1062 : memref<1x128x128xf32, #tpu.memory_space<vmem>> -> memref<128x128xf32, #tpu.memory_space<vmem>>
      %gather3A_1064 = tpu.vector_load_idx %gather3A_1063[%broadcast_in_dim3A_1037, %add3A_1058] : memref<128x128xf32, #tpu.memory_space<vmem>>[vector<16xi32>, vector<16xi32>], vector<16xf32>,
      %add3A_1065 = vector.broadcast %mul3A_1036 : i32 to vector<16xi32>
      %add3A_1066 = arith.addi %add3A_1065, %iota3A : vector<16xi32>
      %add3A_1067 = arith.constant 16 : i32
      %add3A_1068 = vector.broadcast %add3A_1067 : i32 to vector<16xi32>
      %add3A_1069 = arith.addi %add3A_1066, %add3A_1068 : vector<16xi32>
      %gather3A_1070 = arith.constant 0 : i32
      %gather3A_1071 = arith.constant 0 : i32
      %gather3A_1072 = arith.constant 0 : i32
      %gather3A_1073 = tpu.memref_slice %arg13[%gather3A_1070, %gather3A_1071, %gather3A_1072] : memref<2x128x128xf32, #tpu.memory_space<vmem>> -> memref<1x128x128xf32, #tpu.memory_space<vmem>>
      %gather3A_1074 = tpu.memref_squeeze %gather3A_1073 : memref<1x128x128xf32, #tpu.memory_space<vmem>> -> memref<128x128xf32, #tpu.memory_space<vmem>>
      %gather3A_1075 = tpu.vector_load_idx %gather3A_1074[%broadcast_in_dim3A_1037, %add3A_1069] : memref<128x128xf32, #tpu.memory_space<vmem>>[vector<16xi32>, vector<16xi32>], vector<16xf32>,
      %mul3A_1076 = arith.mulf %gather3A_1045, %gather3A_1064 : vector<16xf32>
      %mul3A_1077 = arith.mulf %mul3A_1076, %get3A_3 : vector<16xf32>
      %mul3A_1078 = arith.mulf %gather3A_1056, %gather3A_1075 : vector<16xf32>
      %mul3A_1079 = arith.mulf %mul3A_1078, %get3A_5 : vector<16xf32>
      %add3A_1080 = arith.addf %mul3A_1077, %mul3A_1079 : vector<16xf32>
      %reduce_sum3A_1081 = arith.constant true
      %reduce_sum3A_1082 = vector.broadcast %reduce_sum3A_1081 : i1 to vector<16xi1>
      %reduce_sum3A_1083 = tpu.scan <sum>, %add3A_1080 masked %reduce_sum3A_1082 : vector<16xf32>, vector<16xi1> -> vector<16xf32>
      %reduce_sum3A_1084 = vector.extract %reduce_sum3A_1083[15] : f32 from vector<16xf32>
      %eq3A_1085 = arith.constant 12 : i32
      %eq3A_1086 = vector.broadcast %eq3A_1085 : i32 to vector<16xi32>
      %eq3A_1087 = arith.cmpi eq, %iota3A, %eq3A_1086 : vector<16xi32>
      %broadcast_in_dim3A_1088 = vector.broadcast %reduce_sum3A_1084 : f32 to vector<16xf32>
      %select_n3A_1089 = arith.select %eq3A_1087, %broadcast_in_dim3A_1088, %select_n3A_1022 : vector<16xi1>, vector<16xf32>
      %mul3A_1090 = arith.constant 16 : i32
      %mul3A_1091 = arith.muli %scan3A_221, %mul3A_1090 : i32
      %add3A_1092 = arith.constant 13 : i32
      %add3A_1093 = arith.addi %mul3A_1091, %add3A_1092 : i32
      %slice3A_1094 = vector.extract_strided_slice %get3A_227 {offsets = [13], sizes = [1], strides = [1]} : vector<16xi32> to vector<1xi32>
      %squeeze3A_1095 = vector.extract %slice3A_1094[0] : i32 from vector<1xi32>
      %rem3A_1096 = arith.constant 4 : i32
      %rem3A_1097 = arith.remsi %squeeze3A_1095, %rem3A_1096 : i32
      %mul3A_1098 = arith.constant 32 : i32
      %mul3A_1099 = arith.muli %rem3A_1097, %mul3A_1098 : i32
      %div3A_1100 = arith.constant 4 : i32
      %div3A_1101 = arith.divsi %squeeze3A_1095, %div3A_1100 : i32
      %mul3A_1102 = arith.constant 32 : i32
      %mul3A_1103 = arith.muli %div3A_1101, %mul3A_1102 : i32
      %broadcast_in_dim3A_1104 = vector.broadcast %add3A_1093 : i32 to vector<16xi32>
      %add3A_1105 = vector.broadcast %mul3A_1099 : i32 to vector<16xi32>
      %add3A_1106 = arith.addi %add3A_1105, %iota3A : vector<16xi32>
      %gather3A_1107 = arith.constant 0 : i32
      %gather3A_1108 = arith.constant 0 : i32
      %gather3A_1109 = arith.constant 0 : i32
      %gather3A_1110 = tpu.memref_slice %arg12[%gather3A_1107, %gather3A_1108, %gather3A_1109] : memref<2x128x128xf32, #tpu.memory_space<vmem>> -> memref<1x128x128xf32, #tpu.memory_space<vmem>>
      %gather3A_1111 = tpu.memref_squeeze %gather3A_1110 : memref<1x128x128xf32, #tpu.memory_space<vmem>> -> memref<128x128xf32, #tpu.memory_space<vmem>>
      %gather3A_1112 = tpu.vector_load_idx %gather3A_1111[%broadcast_in_dim3A_1104, %add3A_1106] : memref<128x128xf32, #tpu.memory_space<vmem>>[vector<16xi32>, vector<16xi32>], vector<16xf32>,
      %add3A_1113 = vector.broadcast %mul3A_1099 : i32 to vector<16xi32>
      %add3A_1114 = arith.addi %add3A_1113, %iota3A : vector<16xi32>
      %add3A_1115 = arith.constant 16 : i32
      %add3A_1116 = vector.broadcast %add3A_1115 : i32 to vector<16xi32>
      %add3A_1117 = arith.addi %add3A_1114, %add3A_1116 : vector<16xi32>
      %gather3A_1118 = arith.constant 0 : i32
      %gather3A_1119 = arith.constant 0 : i32
      %gather3A_1120 = arith.constant 0 : i32
      %gather3A_1121 = tpu.memref_slice %arg12[%gather3A_1118, %gather3A_1119, %gather3A_1120] : memref<2x128x128xf32, #tpu.memory_space<vmem>> -> memref<1x128x128xf32, #tpu.memory_space<vmem>>
      %gather3A_1122 = tpu.memref_squeeze %gather3A_1121 : memref<1x128x128xf32, #tpu.memory_space<vmem>> -> memref<128x128xf32, #tpu.memory_space<vmem>>
      %gather3A_1123 = tpu.vector_load_idx %gather3A_1122[%broadcast_in_dim3A_1104, %add3A_1117] : memref<128x128xf32, #tpu.memory_space<vmem>>[vector<16xi32>, vector<16xi32>], vector<16xf32>,
      %add3A_1124 = vector.broadcast %mul3A_1103 : i32 to vector<16xi32>
      %add3A_1125 = arith.addi %add3A_1124, %iota3A : vector<16xi32>
      %gather3A_1126 = arith.constant 0 : i32
      %gather3A_1127 = arith.constant 0 : i32
      %gather3A_1128 = arith.constant 0 : i32
      %gather3A_1129 = tpu.memref_slice %arg13[%gather3A_1126, %gather3A_1127, %gather3A_1128] : memref<2x128x128xf32, #tpu.memory_space<vmem>> -> memref<1x128x128xf32, #tpu.memory_space<vmem>>
      %gather3A_1130 = tpu.memref_squeeze %gather3A_1129 : memref<1x128x128xf32, #tpu.memory_space<vmem>> -> memref<128x128xf32, #tpu.memory_space<vmem>>
      %gather3A_1131 = tpu.vector_load_idx %gather3A_1130[%broadcast_in_dim3A_1104, %add3A_1125] : memref<128x128xf32, #tpu.memory_space<vmem>>[vector<16xi32>, vector<16xi32>], vector<16xf32>,
      %add3A_1132 = vector.broadcast %mul3A_1103 : i32 to vector<16xi32>
      %add3A_1133 = arith.addi %add3A_1132, %iota3A : vector<16xi32>
      %add3A_1134 = arith.constant 16 : i32
      %add3A_1135 = vector.broadcast %add3A_1134 : i32 to vector<16xi32>
      %add3A_1136 = arith.addi %add3A_1133, %add3A_1135 : vector<16xi32>
      %gather3A_1137 = arith.constant 0 : i32
      %gather3A_1138 = arith.constant 0 : i32
      %gather3A_1139 = arith.constant 0 : i32
      %gather3A_1140 = tpu.memref_slice %arg13[%gather3A_1137, %gather3A_1138, %gather3A_1139] : memref<2x128x128xf32, #tpu.memory_space<vmem>> -> memref<1x128x128xf32, #tpu.memory_space<vmem>>
      %gather3A_1141 = tpu.memref_squeeze %gather3A_1140 : memref<1x128x128xf32, #tpu.memory_space<vmem>> -> memref<128x128xf32, #tpu.memory_space<vmem>>
      %gather3A_1142 = tpu.vector_load_idx %gather3A_1141[%broadcast_in_dim3A_1104, %add3A_1136] : memref<128x128xf32, #tpu.memory_space<vmem>>[vector<16xi32>, vector<16xi32>], vector<16xf32>,
      %mul3A_1143 = arith.mulf %gather3A_1112, %gather3A_1131 : vector<16xf32>
      %mul3A_1144 = arith.mulf %mul3A_1143, %get3A_3 : vector<16xf32>
      %mul3A_1145 = arith.mulf %gather3A_1123, %gather3A_1142 : vector<16xf32>
      %mul3A_1146 = arith.mulf %mul3A_1145, %get3A_5 : vector<16xf32>
      %add3A_1147 = arith.addf %mul3A_1144, %mul3A_1146 : vector<16xf32>
      %reduce_sum3A_1148 = arith.constant true
      %reduce_sum3A_1149 = vector.broadcast %reduce_sum3A_1148 : i1 to vector<16xi1>
      %reduce_sum3A_1150 = tpu.scan <sum>, %add3A_1147 masked %reduce_sum3A_1149 : vector<16xf32>, vector<16xi1> -> vector<16xf32>
      %reduce_sum3A_1151 = vector.extract %reduce_sum3A_1150[15] : f32 from vector<16xf32>
      %eq3A_1152 = arith.constant 13 : i32
      %eq3A_1153 = vector.broadcast %eq3A_1152 : i32 to vector<16xi32>
      %eq3A_1154 = arith.cmpi eq, %iota3A, %eq3A_1153 : vector<16xi32>
      %broadcast_in_dim3A_1155 = vector.broadcast %reduce_sum3A_1151 : f32 to vector<16xf32>
      %select_n3A_1156 = arith.select %eq3A_1154, %broadcast_in_dim3A_1155, %select_n3A_1089 : vector<16xi1>, vector<16xf32>
      %mul3A_1157 = arith.constant 16 : i32
      %mul3A_1158 = arith.muli %scan3A_221, %mul3A_1157 : i32
      %add3A_1159 = arith.constant 14 : i32
      %add3A_1160 = arith.addi %mul3A_1158, %add3A_1159 : i32
      %slice3A_1161 = vector.extract_strided_slice %get3A_227 {offsets = [14], sizes = [1], strides = [1]} : vector<16xi32> to vector<1xi32>
      %squeeze3A_1162 = vector.extract %slice3A_1161[0] : i32 from vector<1xi32>
      %rem3A_1163 = arith.constant 4 : i32
      %rem3A_1164 = arith.remsi %squeeze3A_1162, %rem3A_1163 : i32
      %mul3A_1165 = arith.constant 32 : i32
      %mul3A_1166 = arith.muli %rem3A_1164, %mul3A_1165 : i32
      %div3A_1167 = arith.constant 4 : i32
      %div3A_1168 = arith.divsi %squeeze3A_1162, %div3A_1167 : i32
      %mul3A_1169 = arith.constant 32 : i32
      %mul3A_1170 = arith.muli %div3A_1168, %mul3A_1169 : i32
      %broadcast_in_dim3A_1171 = vector.broadcast %add3A_1160 : i32 to vector<16xi32>
      %add3A_1172 = vector.broadcast %mul3A_1166 : i32 to vector<16xi32>
      %add3A_1173 = arith.addi %add3A_1172, %iota3A : vector<16xi32>
      %gather3A_1174 = arith.constant 0 : i32
      %gather3A_1175 = arith.constant 0 : i32
      %gather3A_1176 = arith.constant 0 : i32
      %gather3A_1177 = tpu.memref_slice %arg12[%gather3A_1174, %gather3A_1175, %gather3A_1176] : memref<2x128x128xf32, #tpu.memory_space<vmem>> -> memref<1x128x128xf32, #tpu.memory_space<vmem>>
      %gather3A_1178 = tpu.memref_squeeze %gather3A_1177 : memref<1x128x128xf32, #tpu.memory_space<vmem>> -> memref<128x128xf32, #tpu.memory_space<vmem>>
      %gather3A_1179 = tpu.vector_load_idx %gather3A_1178[%broadcast_in_dim3A_1171, %add3A_1173] : memref<128x128xf32, #tpu.memory_space<vmem>>[vector<16xi32>, vector<16xi32>], vector<16xf32>,
      %add3A_1180 = vector.broadcast %mul3A_1166 : i32 to vector<16xi32>
      %add3A_1181 = arith.addi %add3A_1180, %iota3A : vector<16xi32>
      %add3A_1182 = arith.constant 16 : i32
      %add3A_1183 = vector.broadcast %add3A_1182 : i32 to vector<16xi32>
      %add3A_1184 = arith.addi %add3A_1181, %add3A_1183 : vector<16xi32>
      %gather3A_1185 = arith.constant 0 : i32
      %gather3A_1186 = arith.constant 0 : i32
      %gather3A_1187 = arith.constant 0 : i32
      %gather3A_1188 = tpu.memref_slice %arg12[%gather3A_1185, %gather3A_1186, %gather3A_1187] : memref<2x128x128xf32, #tpu.memory_space<vmem>> -> memref<1x128x128xf32, #tpu.memory_space<vmem>>
      %gather3A_1189 = tpu.memref_squeeze %gather3A_1188 : memref<1x128x128xf32, #tpu.memory_space<vmem>> -> memref<128x128xf32, #tpu.memory_space<vmem>>
      %gather3A_1190 = tpu.vector_load_idx %gather3A_1189[%broadcast_in_dim3A_1171, %add3A_1184] : memref<128x128xf32, #tpu.memory_space<vmem>>[vector<16xi32>, vector<16xi32>], vector<16xf32>,
      %add3A_1191 = vector.broadcast %mul3A_1170 : i32 to vector<16xi32>
      %add3A_1192 = arith.addi %add3A_1191, %iota3A : vector<16xi32>
      %gather3A_1193 = arith.constant 0 : i32
      %gather3A_1194 = arith.constant 0 : i32
      %gather3A_1195 = arith.constant 0 : i32
      %gather3A_1196 = tpu.memref_slice %arg13[%gather3A_1193, %gather3A_1194, %gather3A_1195] : memref<2x128x128xf32, #tpu.memory_space<vmem>> -> memref<1x128x128xf32, #tpu.memory_space<vmem>>
      %gather3A_1197 = tpu.memref_squeeze %gather3A_1196 : memref<1x128x128xf32, #tpu.memory_space<vmem>> -> memref<128x128xf32, #tpu.memory_space<vmem>>
      %gather3A_1198 = tpu.vector_load_idx %gather3A_1197[%broadcast_in_dim3A_1171, %add3A_1192] : memref<128x128xf32, #tpu.memory_space<vmem>>[vector<16xi32>, vector<16xi32>], vector<16xf32>,
      %add3A_1199 = vector.broadcast %mul3A_1170 : i32 to vector<16xi32>
      %add3A_1200 = arith.addi %add3A_1199, %iota3A : vector<16xi32>
      %add3A_1201 = arith.constant 16 : i32
      %add3A_1202 = vector.broadcast %add3A_1201 : i32 to vector<16xi32>
      %add3A_1203 = arith.addi %add3A_1200, %add3A_1202 : vector<16xi32>
      %gather3A_1204 = arith.constant 0 : i32
      %gather3A_1205 = arith.constant 0 : i32
      %gather3A_1206 = arith.constant 0 : i32
      %gather3A_1207 = tpu.memref_slice %arg13[%gather3A_1204, %gather3A_1205, %gather3A_1206] : memref<2x128x128xf32, #tpu.memory_space<vmem>> -> memref<1x128x128xf32, #tpu.memory_space<vmem>>
      %gather3A_1208 = tpu.memref_squeeze %gather3A_1207 : memref<1x128x128xf32, #tpu.memory_space<vmem>> -> memref<128x128xf32, #tpu.memory_space<vmem>>
      %gather3A_1209 = tpu.vector_load_idx %gather3A_1208[%broadcast_in_dim3A_1171, %add3A_1203] : memref<128x128xf32, #tpu.memory_space<vmem>>[vector<16xi32>, vector<16xi32>], vector<16xf32>,
      %mul3A_1210 = arith.mulf %gather3A_1179, %gather3A_1198 : vector<16xf32>
      %mul3A_1211 = arith.mulf %mul3A_1210, %get3A_3 : vector<16xf32>
      %mul3A_1212 = arith.mulf %gather3A_1190, %gather3A_1209 : vector<16xf32>
      %mul3A_1213 = arith.mulf %mul3A_1212, %get3A_5 : vector<16xf32>
      %add3A_1214 = arith.addf %mul3A_1211, %mul3A_1213 : vector<16xf32>
      %reduce_sum3A_1215 = arith.constant true
      %reduce_sum3A_1216 = vector.broadcast %reduce_sum3A_1215 : i1 to vector<16xi1>
      %reduce_sum3A_1217 = tpu.scan <sum>, %add3A_1214 masked %reduce_sum3A_1216 : vector<16xf32>, vector<16xi1> -> vector<16xf32>
      %reduce_sum3A_1218 = vector.extract %reduce_sum3A_1217[15] : f32 from vector<16xf32>
      %eq3A_1219 = arith.constant 14 : i32
      %eq3A_1220 = vector.broadcast %eq3A_1219 : i32 to vector<16xi32>
      %eq3A_1221 = arith.cmpi eq, %iota3A, %eq3A_1220 : vector<16xi32>
      %broadcast_in_dim3A_1222 = vector.broadcast %reduce_sum3A_1218 : f32 to vector<16xf32>
      %select_n3A_1223 = arith.select %eq3A_1221, %broadcast_in_dim3A_1222, %select_n3A_1156 : vector<16xi1>, vector<16xf32>
      %mul3A_1224 = arith.constant 16 : i32
      %mul3A_1225 = arith.muli %scan3A_221, %mul3A_1224 : i32
      %add3A_1226 = arith.constant 15 : i32
      %add3A_1227 = arith.addi %mul3A_1225, %add3A_1226 : i32
      %slice3A_1228 = vector.extract_strided_slice %get3A_227 {offsets = [15], sizes = [1], strides = [1]} : vector<16xi32> to vector<1xi32>
      %squeeze3A_1229 = vector.extract %slice3A_1228[0] : i32 from vector<1xi32>
      %rem3A_1230 = arith.constant 4 : i32
      %rem3A_1231 = arith.remsi %squeeze3A_1229, %rem3A_1230 : i32
      %mul3A_1232 = arith.constant 32 : i32
      %mul3A_1233 = arith.muli %rem3A_1231, %mul3A_1232 : i32
      %div3A_1234 = arith.constant 4 : i32
      %div3A_1235 = arith.divsi %squeeze3A_1229, %div3A_1234 : i32
      %mul3A_1236 = arith.constant 32 : i32
      %mul3A_1237 = arith.muli %div3A_1235, %mul3A_1236 : i32
      %broadcast_in_dim3A_1238 = vector.broadcast %add3A_1227 : i32 to vector<16xi32>
      %add3A_1239 = vector.broadcast %mul3A_1233 : i32 to vector<16xi32>
      %add3A_1240 = arith.addi %add3A_1239, %iota3A : vector<16xi32>
      %gather3A_1241 = arith.constant 0 : i32
      %gather3A_1242 = arith.constant 0 : i32
      %gather3A_1243 = arith.constant 0 : i32
      %gather3A_1244 = tpu.memref_slice %arg12[%gather3A_1241, %gather3A_1242, %gather3A_1243] : memref<2x128x128xf32, #tpu.memory_space<vmem>> -> memref<1x128x128xf32, #tpu.memory_space<vmem>>
      %gather3A_1245 = tpu.memref_squeeze %gather3A_1244 : memref<1x128x128xf32, #tpu.memory_space<vmem>> -> memref<128x128xf32, #tpu.memory_space<vmem>>
      %gather3A_1246 = tpu.vector_load_idx %gather3A_1245[%broadcast_in_dim3A_1238, %add3A_1240] : memref<128x128xf32, #tpu.memory_space<vmem>>[vector<16xi32>, vector<16xi32>], vector<16xf32>,
      %add3A_1247 = vector.broadcast %mul3A_1233 : i32 to vector<16xi32>
      %add3A_1248 = arith.addi %add3A_1247, %iota3A : vector<16xi32>
      %add3A_1249 = arith.constant 16 : i32
      %add3A_1250 = vector.broadcast %add3A_1249 : i32 to vector<16xi32>
      %add3A_1251 = arith.addi %add3A_1248, %add3A_1250 : vector<16xi32>
      %gather3A_1252 = arith.constant 0 : i32
      %gather3A_1253 = arith.constant 0 : i32
      %gather3A_1254 = arith.constant 0 : i32
      %gather3A_1255 = tpu.memref_slice %arg12[%gather3A_1252, %gather3A_1253, %gather3A_1254] : memref<2x128x128xf32, #tpu.memory_space<vmem>> -> memref<1x128x128xf32, #tpu.memory_space<vmem>>
      %gather3A_1256 = tpu.memref_squeeze %gather3A_1255 : memref<1x128x128xf32, #tpu.memory_space<vmem>> -> memref<128x128xf32, #tpu.memory_space<vmem>>
      %gather3A_1257 = tpu.vector_load_idx %gather3A_1256[%broadcast_in_dim3A_1238, %add3A_1251] : memref<128x128xf32, #tpu.memory_space<vmem>>[vector<16xi32>, vector<16xi32>], vector<16xf32>,
      %add3A_1258 = vector.broadcast %mul3A_1237 : i32 to vector<16xi32>
      %add3A_1259 = arith.addi %add3A_1258, %iota3A : vector<16xi32>
      %gather3A_1260 = arith.constant 0 : i32
      %gather3A_1261 = arith.constant 0 : i32
      %gather3A_1262 = arith.constant 0 : i32
      %gather3A_1263 = tpu.memref_slice %arg13[%gather3A_1260, %gather3A_1261, %gather3A_1262] : memref<2x128x128xf32, #tpu.memory_space<vmem>> -> memref<1x128x128xf32, #tpu.memory_space<vmem>>
      %gather3A_1264 = tpu.memref_squeeze %gather3A_1263 : memref<1x128x128xf32, #tpu.memory_space<vmem>> -> memref<128x128xf32, #tpu.memory_space<vmem>>
      %gather3A_1265 = tpu.vector_load_idx %gather3A_1264[%broadcast_in_dim3A_1238, %add3A_1259] : memref<128x128xf32, #tpu.memory_space<vmem>>[vector<16xi32>, vector<16xi32>], vector<16xf32>,
      %add3A_1266 = vector.broadcast %mul3A_1237 : i32 to vector<16xi32>
      %add3A_1267 = arith.addi %add3A_1266, %iota3A : vector<16xi32>
      %add3A_1268 = arith.constant 16 : i32
      %add3A_1269 = vector.broadcast %add3A_1268 : i32 to vector<16xi32>
      %add3A_1270 = arith.addi %add3A_1267, %add3A_1269 : vector<16xi32>
      %gather3A_1271 = arith.constant 0 : i32
      %gather3A_1272 = arith.constant 0 : i32
      %gather3A_1273 = arith.constant 0 : i32
      %gather3A_1274 = tpu.memref_slice %arg13[%gather3A_1271, %gather3A_1272, %gather3A_1273] : memref<2x128x128xf32, #tpu.memory_space<vmem>> -> memref<1x128x128xf32, #tpu.memory_space<vmem>>
      %gather3A_1275 = tpu.memref_squeeze %gather3A_1274 : memref<1x128x128xf32, #tpu.memory_space<vmem>> -> memref<128x128xf32, #tpu.memory_space<vmem>>
      %gather3A_1276 = tpu.vector_load_idx %gather3A_1275[%broadcast_in_dim3A_1238, %add3A_1270] : memref<128x128xf32, #tpu.memory_space<vmem>>[vector<16xi32>, vector<16xi32>], vector<16xf32>,
      %mul3A_1277 = arith.mulf %gather3A_1246, %gather3A_1265 : vector<16xf32>
      %mul3A_1278 = arith.mulf %mul3A_1277, %get3A_3 : vector<16xf32>
      %mul3A_1279 = arith.mulf %gather3A_1257, %gather3A_1276 : vector<16xf32>
      %mul3A_1280 = arith.mulf %mul3A_1279, %get3A_5 : vector<16xf32>
      %add3A_1281 = arith.addf %mul3A_1278, %mul3A_1280 : vector<16xf32>
      %reduce_sum3A_1282 = arith.constant true
      %reduce_sum3A_1283 = vector.broadcast %reduce_sum3A_1282 : i1 to vector<16xi1>
      %reduce_sum3A_1284 = tpu.scan <sum>, %add3A_1281 masked %reduce_sum3A_1283 : vector<16xf32>, vector<16xi1> -> vector<16xf32>
      %reduce_sum3A_1285 = vector.extract %reduce_sum3A_1284[15] : f32 from vector<16xf32>
      %eq3A_1286 = arith.constant 15 : i32
      %eq3A_1287 = vector.broadcast %eq3A_1286 : i32 to vector<16xi32>
      %eq3A_1288 = arith.cmpi eq, %iota3A, %eq3A_1287 : vector<16xi32>
      %broadcast_in_dim3A_1289 = vector.broadcast %reduce_sum3A_1285 : f32 to vector<16xf32>
      %select_n3A_1290 = arith.select %eq3A_1288, %broadcast_in_dim3A_1289, %select_n3A_1223 : vector<16xi1>, vector<16xf32>
      %add3A_1291 = arith.addf %select_n3A_1290, %get3A_7 : vector<16xf32>
      %mul3A_1292 = arith.constant 16 : i32
      %mul3A_1293 = arith.muli %scan3A_221, %mul3A_1292 : i32
      %add3A_1294 = arith.constant 256 : i32
      %add3A_1295 = arith.addi %add3A_1294, %mul3A_1293 : i32
      %swap3A = arith.index_cast %add3A_1295 : i32 to index
      %swap3A_1296 = tpu.vector_load %arg15[%swap3A] {strides = array<i32>} : memref<512xf32, #tpu.memory_space<vmem>>, vector<16xf32>,
      tpu.vector_store %arg15[%swap3A], %add3A_1291 {strides = array<i32>} : memref<512xf32, #tpu.memory_space<vmem>>, vector<16xf32>,
    }
    %scan3A_190 = arith.constant 8 : i32
    %dma_wait3A_191 = arith.constant 3 : i32
    %dma_wait3A_192 = arith.constant 1 : i32
    %dma_wait3A_193 = arith.constant 0 : i32
    %dma_wait3A_194 = arith.constant 0 : i32
    %dma_wait3A_195 = tpu.memref_slice %arg12[%dma_wait3A_192, %dma_wait3A_193, %dma_wait3A_194] : memref<2x128x128xf32, #tpu.memory_space<vmem>> -> memref<1x128x128xf32, #tpu.memory_space<vmem>>
    %dma_wait3A_196 = tpu.memref_squeeze %dma_wait3A_195 : memref<1x128x128xf32, #tpu.memory_space<vmem>> -> memref<128x128xf32, #tpu.memory_space<vmem>>
    %dma_wait3A_197 = arith.constant 0 : i32
    %dma_wait3A_198 = tpu.memref_slice %arg9[%dma_wait3A_191, %dma_wait3A_197] : memref<4x128xi32, #tpu.memory_space<vmem>> -> memref<1x128xi32, #tpu.memory_space<vmem>>
    %dma_wait3A_199 = tpu.memref_squeeze %dma_wait3A_198 : memref<1x128xi32, #tpu.memory_space<vmem>> -> memref<128xi32, #tpu.memory_space<vmem>>
    %dma_wait3A_200 = arith.constant 0 : i32
    %dma_wait3A_201 = arith.constant 0 : i32
    %dma_wait3A_202 = tpu.memref_slice %arg5[%dma_wait3A_200, %dma_wait3A_201] : memref<250880x128xf32, #tpu.memory_space<hbm>> -> memref<250880x128xf32, #tpu.memory_space<hbm>>
    tpu.wait_indirect_dma semaphore(%arg16 : memref<!tpu.dma_semaphore, #tpu.memory_space<semaphore_mem>>) src(%dma_wait3A_202 : memref<250880x128xf32, #tpu.memory_space<hbm>>) dst(%dma_wait3A_196 : memref<128x128xf32, #tpu.memory_space<vmem>>)
    %dma_wait3A_203 = arith.constant 3 : i32
    %dma_wait3A_204 = arith.constant 1 : i32
    %dma_wait3A_205 = arith.constant 0 : i32
    %dma_wait3A_206 = arith.constant 0 : i32
    %dma_wait3A_207 = tpu.memref_slice %arg13[%dma_wait3A_204, %dma_wait3A_205, %dma_wait3A_206] : memref<2x128x128xf32, #tpu.memory_space<vmem>> -> memref<1x128x128xf32, #tpu.memory_space<vmem>>
    %dma_wait3A_208 = tpu.memref_squeeze %dma_wait3A_207 : memref<1x128x128xf32, #tpu.memory_space<vmem>> -> memref<128x128xf32, #tpu.memory_space<vmem>>
    %dma_wait3A_209 = arith.constant 0 : i32
    %dma_wait3A_210 = tpu.memref_slice %arg10[%dma_wait3A_203, %dma_wait3A_209] : memref<4x128xi32, #tpu.memory_space<vmem>> -> memref<1x128xi32, #tpu.memory_space<vmem>>
    %dma_wait3A_211 = tpu.memref_squeeze %dma_wait3A_210 : memref<1x128xi32, #tpu.memory_space<vmem>> -> memref<128xi32, #tpu.memory_space<vmem>>
    %dma_wait3A_212 = arith.constant 0 : i32
    %dma_wait3A_213 = arith.constant 0 : i32
    %dma_wait3A_214 = tpu.memref_slice %arg6[%dma_wait3A_212, %dma_wait3A_213] : memref<250880x128xf32, #tpu.memory_space<hbm>> -> memref<250880x128xf32, #tpu.memory_space<hbm>>
    tpu.wait_indirect_dma semaphore(%arg17 : memref<!tpu.dma_semaphore, #tpu.memory_space<semaphore_mem>>) src(%dma_wait3A_214 : memref<250880x128xf32, #tpu.memory_space<hbm>>) dst(%dma_wait3A_208 : memref<128x128xf32, #tpu.memory_space<vmem>>)
    %scan3A_215 = arith.constant 0 : i32
    %scan3A_216 = arith.constant 0 : i32
    %scan3A_217 = arith.constant 8 : i32
    %scan3A_218 = arith.addi %scan3A_216, %scan3A_217 : i32
    %scan3A_219 = arith.constant 1 : i32
    scf.for %scan3A_221 = %scan3A_216 to %scan3A_218 step %scan3A_219  : i32 {
      %mul3A_222 = arith.constant 16 : i32
      %mul3A_223 = arith.muli %scan3A_221, %mul3A_222 : i32
      %add3A_224 = arith.constant 384 : i32
      %add3A_225 = arith.addi %add3A_224, %mul3A_223 : i32
      %get3A_226 = arith.index_cast %add3A_225 : i32 to index
      %get3A_227 = tpu.vector_load %arg11[%get3A_226] {strides = array<i32>} : memref<512xi32, #tpu.memory_space<vmem>>, vector<16xi32>,
      %mul3A_228 = arith.constant 16 : i32
      %mul3A_229 = arith.muli %scan3A_221, %mul3A_228 : i32
      %add3A_230 = arith.constant 0 : i32
      %add3A_231 = arith.addi %mul3A_229, %add3A_230 : i32
      %slice3A = vector.extract_strided_slice %get3A_227 {offsets = [0], sizes = [1], strides = [1]} : vector<16xi32> to vector<1xi32>
      %squeeze3A = vector.extract %slice3A[0] : i32 from vector<1xi32>
      %rem3A = arith.constant 4 : i32
      %rem3A_232 = arith.remsi %squeeze3A, %rem3A : i32
      %mul3A_233 = arith.constant 32 : i32
      %mul3A_234 = arith.muli %rem3A_232, %mul3A_233 : i32
      %div3A = arith.constant 4 : i32
      %div3A_235 = arith.divsi %squeeze3A, %div3A : i32
      %mul3A_236 = arith.constant 32 : i32
      %mul3A_237 = arith.muli %div3A_235, %mul3A_236 : i32
      %broadcast_in_dim3A = vector.broadcast %add3A_231 : i32 to vector<16xi32>
      %add3A_238 = vector.broadcast %mul3A_234 : i32 to vector<16xi32>
      %add3A_239 = arith.addi %add3A_238, %iota3A : vector<16xi32>
      %gather3A = arith.constant 1 : i32
      %gather3A_240 = arith.constant 0 : i32
      %gather3A_241 = arith.constant 0 : i32
      %gather3A_242 = tpu.memref_slice %arg12[%gather3A, %gather3A_240, %gather3A_241] : memref<2x128x128xf32, #tpu.memory_space<vmem>> -> memref<1x128x128xf32, #tpu.memory_space<vmem>>
      %gather3A_243 = tpu.memref_squeeze %gather3A_242 : memref<1x128x128xf32, #tpu.memory_space<vmem>> -> memref<128x128xf32, #tpu.memory_space<vmem>>
      %gather3A_244 = tpu.vector_load_idx %gather3A_243[%broadcast_in_dim3A, %add3A_239] : memref<128x128xf32, #tpu.memory_space<vmem>>[vector<16xi32>, vector<16xi32>], vector<16xf32>,
      %add3A_245 = vector.broadcast %mul3A_234 : i32 to vector<16xi32>
      %add3A_246 = arith.addi %add3A_245, %iota3A : vector<16xi32>
      %add3A_247 = arith.constant 16 : i32
      %add3A_248 = vector.broadcast %add3A_247 : i32 to vector<16xi32>
      %add3A_249 = arith.addi %add3A_246, %add3A_248 : vector<16xi32>
      %gather3A_250 = arith.constant 1 : i32
      %gather3A_251 = arith.constant 0 : i32
      %gather3A_252 = arith.constant 0 : i32
      %gather3A_253 = tpu.memref_slice %arg12[%gather3A_250, %gather3A_251, %gather3A_252] : memref<2x128x128xf32, #tpu.memory_space<vmem>> -> memref<1x128x128xf32, #tpu.memory_space<vmem>>
      %gather3A_254 = tpu.memref_squeeze %gather3A_253 : memref<1x128x128xf32, #tpu.memory_space<vmem>> -> memref<128x128xf32, #tpu.memory_space<vmem>>
      %gather3A_255 = tpu.vector_load_idx %gather3A_254[%broadcast_in_dim3A, %add3A_249] : memref<128x128xf32, #tpu.memory_space<vmem>>[vector<16xi32>, vector<16xi32>], vector<16xf32>,
      %add3A_256 = vector.broadcast %mul3A_237 : i32 to vector<16xi32>
      %add3A_257 = arith.addi %add3A_256, %iota3A : vector<16xi32>
      %gather3A_258 = arith.constant 1 : i32
      %gather3A_259 = arith.constant 0 : i32
      %gather3A_260 = arith.constant 0 : i32
      %gather3A_261 = tpu.memref_slice %arg13[%gather3A_258, %gather3A_259, %gather3A_260] : memref<2x128x128xf32, #tpu.memory_space<vmem>> -> memref<1x128x128xf32, #tpu.memory_space<vmem>>
      %gather3A_262 = tpu.memref_squeeze %gather3A_261 : memref<1x128x128xf32, #tpu.memory_space<vmem>> -> memref<128x128xf32, #tpu.memory_space<vmem>>
      %gather3A_263 = tpu.vector_load_idx %gather3A_262[%broadcast_in_dim3A, %add3A_257] : memref<128x128xf32, #tpu.memory_space<vmem>>[vector<16xi32>, vector<16xi32>], vector<16xf32>,
      %add3A_264 = vector.broadcast %mul3A_237 : i32 to vector<16xi32>
      %add3A_265 = arith.addi %add3A_264, %iota3A : vector<16xi32>
      %add3A_266 = arith.constant 16 : i32
      %add3A_267 = vector.broadcast %add3A_266 : i32 to vector<16xi32>
      %add3A_268 = arith.addi %add3A_265, %add3A_267 : vector<16xi32>
      %gather3A_269 = arith.constant 1 : i32
      %gather3A_270 = arith.constant 0 : i32
      %gather3A_271 = arith.constant 0 : i32
      %gather3A_272 = tpu.memref_slice %arg13[%gather3A_269, %gather3A_270, %gather3A_271] : memref<2x128x128xf32, #tpu.memory_space<vmem>> -> memref<1x128x128xf32, #tpu.memory_space<vmem>>
      %gather3A_273 = tpu.memref_squeeze %gather3A_272 : memref<1x128x128xf32, #tpu.memory_space<vmem>> -> memref<128x128xf32, #tpu.memory_space<vmem>>
      %gather3A_274 = tpu.vector_load_idx %gather3A_273[%broadcast_in_dim3A, %add3A_268] : memref<128x128xf32, #tpu.memory_space<vmem>>[vector<16xi32>, vector<16xi32>], vector<16xf32>,
      %mul3A_275 = arith.mulf %gather3A_244, %gather3A_263 : vector<16xf32>
      %mul3A_276 = arith.mulf %mul3A_275, %get3A_3 : vector<16xf32>
      %mul3A_277 = arith.mulf %gather3A_255, %gather3A_274 : vector<16xf32>
      %mul3A_278 = arith.mulf %mul3A_277, %get3A_5 : vector<16xf32>
      %add3A_279 = arith.addf %mul3A_276, %mul3A_278 : vector<16xf32>
      %reduce_sum3A = arith.constant true
      %reduce_sum3A_280 = vector.broadcast %reduce_sum3A : i1 to vector<16xi1>
      %reduce_sum3A_281 = tpu.scan <sum>, %add3A_279 masked %reduce_sum3A_280 : vector<16xf32>, vector<16xi1> -> vector<16xf32>
      %reduce_sum3A_282 = vector.extract %reduce_sum3A_281[15] : f32 from vector<16xf32>
      %eq3A = arith.constant 0 : i32
      %eq3A_283 = vector.broadcast %eq3A : i32 to vector<16xi32>
      %eq3A_284 = arith.cmpi eq, %iota3A, %eq3A_283 : vector<16xi32>
      %broadcast_in_dim3A_285 = vector.broadcast %reduce_sum3A_282 : f32 to vector<16xf32>
      %select_n3A = arith.select %eq3A_284, %broadcast_in_dim3A_285, %get3A_7 : vector<16xi1>, vector<16xf32>
      %mul3A_286 = arith.constant 16 : i32
      %mul3A_287 = arith.muli %scan3A_221, %mul3A_286 : i32
      %add3A_288 = arith.constant 1 : i32
      %add3A_289 = arith.addi %mul3A_287, %add3A_288 : i32
      %slice3A_290 = vector.extract_strided_slice %get3A_227 {offsets = [1], sizes = [1], strides = [1]} : vector<16xi32> to vector<1xi32>
      %squeeze3A_291 = vector.extract %slice3A_290[0] : i32 from vector<1xi32>
      %rem3A_292 = arith.constant 4 : i32
      %rem3A_293 = arith.remsi %squeeze3A_291, %rem3A_292 : i32
      %mul3A_294 = arith.constant 32 : i32
      %mul3A_295 = arith.muli %rem3A_293, %mul3A_294 : i32
      %div3A_296 = arith.constant 4 : i32
      %div3A_297 = arith.divsi %squeeze3A_291, %div3A_296 : i32
      %mul3A_298 = arith.constant 32 : i32
      %mul3A_299 = arith.muli %div3A_297, %mul3A_298 : i32
      %broadcast_in_dim3A_300 = vector.broadcast %add3A_289 : i32 to vector<16xi32>
      %add3A_301 = vector.broadcast %mul3A_295 : i32 to vector<16xi32>
      %add3A_302 = arith.addi %add3A_301, %iota3A : vector<16xi32>
      %gather3A_303 = arith.constant 1 : i32
      %gather3A_304 = arith.constant 0 : i32
      %gather3A_305 = arith.constant 0 : i32
      %gather3A_306 = tpu.memref_slice %arg12[%gather3A_303, %gather3A_304, %gather3A_305] : memref<2x128x128xf32, #tpu.memory_space<vmem>> -> memref<1x128x128xf32, #tpu.memory_space<vmem>>
      %gather3A_307 = tpu.memref_squeeze %gather3A_306 : memref<1x128x128xf32, #tpu.memory_space<vmem>> -> memref<128x128xf32, #tpu.memory_space<vmem>>
      %gather3A_308 = tpu.vector_load_idx %gather3A_307[%broadcast_in_dim3A_300, %add3A_302] : memref<128x128xf32, #tpu.memory_space<vmem>>[vector<16xi32>, vector<16xi32>], vector<16xf32>,
      %add3A_309 = vector.broadcast %mul3A_295 : i32 to vector<16xi32>
      %add3A_310 = arith.addi %add3A_309, %iota3A : vector<16xi32>
      %add3A_311 = arith.constant 16 : i32
      %add3A_312 = vector.broadcast %add3A_311 : i32 to vector<16xi32>
      %add3A_313 = arith.addi %add3A_310, %add3A_312 : vector<16xi32>
      %gather3A_314 = arith.constant 1 : i32
      %gather3A_315 = arith.constant 0 : i32
      %gather3A_316 = arith.constant 0 : i32
      %gather3A_317 = tpu.memref_slice %arg12[%gather3A_314, %gather3A_315, %gather3A_316] : memref<2x128x128xf32, #tpu.memory_space<vmem>> -> memref<1x128x128xf32, #tpu.memory_space<vmem>>
      %gather3A_318 = tpu.memref_squeeze %gather3A_317 : memref<1x128x128xf32, #tpu.memory_space<vmem>> -> memref<128x128xf32, #tpu.memory_space<vmem>>
      %gather3A_319 = tpu.vector_load_idx %gather3A_318[%broadcast_in_dim3A_300, %add3A_313] : memref<128x128xf32, #tpu.memory_space<vmem>>[vector<16xi32>, vector<16xi32>], vector<16xf32>,
      %add3A_320 = vector.broadcast %mul3A_299 : i32 to vector<16xi32>
      %add3A_321 = arith.addi %add3A_320, %iota3A : vector<16xi32>
      %gather3A_322 = arith.constant 1 : i32
      %gather3A_323 = arith.constant 0 : i32
      %gather3A_324 = arith.constant 0 : i32
      %gather3A_325 = tpu.memref_slice %arg13[%gather3A_322, %gather3A_323, %gather3A_324] : memref<2x128x128xf32, #tpu.memory_space<vmem>> -> memref<1x128x128xf32, #tpu.memory_space<vmem>>
      %gather3A_326 = tpu.memref_squeeze %gather3A_325 : memref<1x128x128xf32, #tpu.memory_space<vmem>> -> memref<128x128xf32, #tpu.memory_space<vmem>>
      %gather3A_327 = tpu.vector_load_idx %gather3A_326[%broadcast_in_dim3A_300, %add3A_321] : memref<128x128xf32, #tpu.memory_space<vmem>>[vector<16xi32>, vector<16xi32>], vector<16xf32>,
      %add3A_328 = vector.broadcast %mul3A_299 : i32 to vector<16xi32>
      %add3A_329 = arith.addi %add3A_328, %iota3A : vector<16xi32>
      %add3A_330 = arith.constant 16 : i32
      %add3A_331 = vector.broadcast %add3A_330 : i32 to vector<16xi32>
      %add3A_332 = arith.addi %add3A_329, %add3A_331 : vector<16xi32>
      %gather3A_333 = arith.constant 1 : i32
      %gather3A_334 = arith.constant 0 : i32
      %gather3A_335 = arith.constant 0 : i32
      %gather3A_336 = tpu.memref_slice %arg13[%gather3A_333, %gather3A_334, %gather3A_335] : memref<2x128x128xf32, #tpu.memory_space<vmem>> -> memref<1x128x128xf32, #tpu.memory_space<vmem>>
      %gather3A_337 = tpu.memref_squeeze %gather3A_336 : memref<1x128x128xf32, #tpu.memory_space<vmem>> -> memref<128x128xf32, #tpu.memory_space<vmem>>
      %gather3A_338 = tpu.vector_load_idx %gather3A_337[%broadcast_in_dim3A_300, %add3A_332] : memref<128x128xf32, #tpu.memory_space<vmem>>[vector<16xi32>, vector<16xi32>], vector<16xf32>,
      %mul3A_339 = arith.mulf %gather3A_308, %gather3A_327 : vector<16xf32>
      %mul3A_340 = arith.mulf %mul3A_339, %get3A_3 : vector<16xf32>
      %mul3A_341 = arith.mulf %gather3A_319, %gather3A_338 : vector<16xf32>
      %mul3A_342 = arith.mulf %mul3A_341, %get3A_5 : vector<16xf32>
      %add3A_343 = arith.addf %mul3A_340, %mul3A_342 : vector<16xf32>
      %reduce_sum3A_344 = arith.constant true
      %reduce_sum3A_345 = vector.broadcast %reduce_sum3A_344 : i1 to vector<16xi1>
      %reduce_sum3A_346 = tpu.scan <sum>, %add3A_343 masked %reduce_sum3A_345 : vector<16xf32>, vector<16xi1> -> vector<16xf32>
      %reduce_sum3A_347 = vector.extract %reduce_sum3A_346[15] : f32 from vector<16xf32>
      %eq3A_348 = arith.constant 1 : i32
      %eq3A_349 = vector.broadcast %eq3A_348 : i32 to vector<16xi32>
      %eq3A_350 = arith.cmpi eq, %iota3A, %eq3A_349 : vector<16xi32>
      %broadcast_in_dim3A_351 = vector.broadcast %reduce_sum3A_347 : f32 to vector<16xf32>
      %select_n3A_352 = arith.select %eq3A_350, %broadcast_in_dim3A_351, %select_n3A : vector<16xi1>, vector<16xf32>
      %mul3A_353 = arith.constant 16 : i32
      %mul3A_354 = arith.muli %scan3A_221, %mul3A_353 : i32
      %add3A_355 = arith.constant 2 : i32
      %add3A_356 = arith.addi %mul3A_354, %add3A_355 : i32
      %slice3A_357 = vector.extract_strided_slice %get3A_227 {offsets = [2], sizes = [1], strides = [1]} : vector<16xi32> to vector<1xi32>
      %squeeze3A_358 = vector.extract %slice3A_357[0] : i32 from vector<1xi32>
      %rem3A_359 = arith.constant 4 : i32
      %rem3A_360 = arith.remsi %squeeze3A_358, %rem3A_359 : i32
      %mul3A_361 = arith.constant 32 : i32
      %mul3A_362 = arith.muli %rem3A_360, %mul3A_361 : i32
      %div3A_363 = arith.constant 4 : i32
      %div3A_364 = arith.divsi %squeeze3A_358, %div3A_363 : i32
      %mul3A_365 = arith.constant 32 : i32
      %mul3A_366 = arith.muli %div3A_364, %mul3A_365 : i32
      %broadcast_in_dim3A_367 = vector.broadcast %add3A_356 : i32 to vector<16xi32>
      %add3A_368 = vector.broadcast %mul3A_362 : i32 to vector<16xi32>
      %add3A_369 = arith.addi %add3A_368, %iota3A : vector<16xi32>
      %gather3A_370 = arith.constant 1 : i32
      %gather3A_371 = arith.constant 0 : i32
      %gather3A_372 = arith.constant 0 : i32
      %gather3A_373 = tpu.memref_slice %arg12[%gather3A_370, %gather3A_371, %gather3A_372] : memref<2x128x128xf32, #tpu.memory_space<vmem>> -> memref<1x128x128xf32, #tpu.memory_space<vmem>>
      %gather3A_374 = tpu.memref_squeeze %gather3A_373 : memref<1x128x128xf32, #tpu.memory_space<vmem>> -> memref<128x128xf32, #tpu.memory_space<vmem>>
      %gather3A_375 = tpu.vector_load_idx %gather3A_374[%broadcast_in_dim3A_367, %add3A_369] : memref<128x128xf32, #tpu.memory_space<vmem>>[vector<16xi32>, vector<16xi32>], vector<16xf32>,
      %add3A_376 = vector.broadcast %mul3A_362 : i32 to vector<16xi32>
      %add3A_377 = arith.addi %add3A_376, %iota3A : vector<16xi32>
      %add3A_378 = arith.constant 16 : i32
      %add3A_379 = vector.broadcast %add3A_378 : i32 to vector<16xi32>
      %add3A_380 = arith.addi %add3A_377, %add3A_379 : vector<16xi32>
      %gather3A_381 = arith.constant 1 : i32
      %gather3A_382 = arith.constant 0 : i32
      %gather3A_383 = arith.constant 0 : i32
      %gather3A_384 = tpu.memref_slice %arg12[%gather3A_381, %gather3A_382, %gather3A_383] : memref<2x128x128xf32, #tpu.memory_space<vmem>> -> memref<1x128x128xf32, #tpu.memory_space<vmem>>
      %gather3A_385 = tpu.memref_squeeze %gather3A_384 : memref<1x128x128xf32, #tpu.memory_space<vmem>> -> memref<128x128xf32, #tpu.memory_space<vmem>>
      %gather3A_386 = tpu.vector_load_idx %gather3A_385[%broadcast_in_dim3A_367, %add3A_380] : memref<128x128xf32, #tpu.memory_space<vmem>>[vector<16xi32>, vector<16xi32>], vector<16xf32>,
      %add3A_387 = vector.broadcast %mul3A_366 : i32 to vector<16xi32>
      %add3A_388 = arith.addi %add3A_387, %iota3A : vector<16xi32>
      %gather3A_389 = arith.constant 1 : i32
      %gather3A_390 = arith.constant 0 : i32
      %gather3A_391 = arith.constant 0 : i32
      %gather3A_392 = tpu.memref_slice %arg13[%gather3A_389, %gather3A_390, %gather3A_391] : memref<2x128x128xf32, #tpu.memory_space<vmem>> -> memref<1x128x128xf32, #tpu.memory_space<vmem>>
      %gather3A_393 = tpu.memref_squeeze %gather3A_392 : memref<1x128x128xf32, #tpu.memory_space<vmem>> -> memref<128x128xf32, #tpu.memory_space<vmem>>
      %gather3A_394 = tpu.vector_load_idx %gather3A_393[%broadcast_in_dim3A_367, %add3A_388] : memref<128x128xf32, #tpu.memory_space<vmem>>[vector<16xi32>, vector<16xi32>], vector<16xf32>,
      %add3A_395 = vector.broadcast %mul3A_366 : i32 to vector<16xi32>
      %add3A_396 = arith.addi %add3A_395, %iota3A : vector<16xi32>
      %add3A_397 = arith.constant 16 : i32
      %add3A_398 = vector.broadcast %add3A_397 : i32 to vector<16xi32>
      %add3A_399 = arith.addi %add3A_396, %add3A_398 : vector<16xi32>
      %gather3A_400 = arith.constant 1 : i32
      %gather3A_401 = arith.constant 0 : i32
      %gather3A_402 = arith.constant 0 : i32
      %gather3A_403 = tpu.memref_slice %arg13[%gather3A_400, %gather3A_401, %gather3A_402] : memref<2x128x128xf32, #tpu.memory_space<vmem>> -> memref<1x128x128xf32, #tpu.memory_space<vmem>>
      %gather3A_404 = tpu.memref_squeeze %gather3A_403 : memref<1x128x128xf32, #tpu.memory_space<vmem>> -> memref<128x128xf32, #tpu.memory_space<vmem>>
      %gather3A_405 = tpu.vector_load_idx %gather3A_404[%broadcast_in_dim3A_367, %add3A_399] : memref<128x128xf32, #tpu.memory_space<vmem>>[vector<16xi32>, vector<16xi32>], vector<16xf32>,
      %mul3A_406 = arith.mulf %gather3A_375, %gather3A_394 : vector<16xf32>
      %mul3A_407 = arith.mulf %mul3A_406, %get3A_3 : vector<16xf32>
      %mul3A_408 = arith.mulf %gather3A_386, %gather3A_405 : vector<16xf32>
      %mul3A_409 = arith.mulf %mul3A_408, %get3A_5 : vector<16xf32>
      %add3A_410 = arith.addf %mul3A_407, %mul3A_409 : vector<16xf32>
      %reduce_sum3A_411 = arith.constant true
      %reduce_sum3A_412 = vector.broadcast %reduce_sum3A_411 : i1 to vector<16xi1>
      %reduce_sum3A_413 = tpu.scan <sum>, %add3A_410 masked %reduce_sum3A_412 : vector<16xf32>, vector<16xi1> -> vector<16xf32>
      %reduce_sum3A_414 = vector.extract %reduce_sum3A_413[15] : f32 from vector<16xf32>
      %eq3A_415 = arith.constant 2 : i32
      %eq3A_416 = vector.broadcast %eq3A_415 : i32 to vector<16xi32>
      %eq3A_417 = arith.cmpi eq, %iota3A, %eq3A_416 : vector<16xi32>
      %broadcast_in_dim3A_418 = vector.broadcast %reduce_sum3A_414 : f32 to vector<16xf32>
      %select_n3A_419 = arith.select %eq3A_417, %broadcast_in_dim3A_418, %select_n3A_352 : vector<16xi1>, vector<16xf32>
      %mul3A_420 = arith.constant 16 : i32
      %mul3A_421 = arith.muli %scan3A_221, %mul3A_420 : i32
      %add3A_422 = arith.constant 3 : i32
      %add3A_423 = arith.addi %mul3A_421, %add3A_422 : i32
      %slice3A_424 = vector.extract_strided_slice %get3A_227 {offsets = [3], sizes = [1], strides = [1]} : vector<16xi32> to vector<1xi32>
      %squeeze3A_425 = vector.extract %slice3A_424[0] : i32 from vector<1xi32>
      %rem3A_426 = arith.constant 4 : i32
      %rem3A_427 = arith.remsi %squeeze3A_425, %rem3A_426 : i32
      %mul3A_428 = arith.constant 32 : i32
      %mul3A_429 = arith.muli %rem3A_427, %mul3A_428 : i32
      %div3A_430 = arith.constant 4 : i32
      %div3A_431 = arith.divsi %squeeze3A_425, %div3A_430 : i32
      %mul3A_432 = arith.constant 32 : i32
      %mul3A_433 = arith.muli %div3A_431, %mul3A_432 : i32
      %broadcast_in_dim3A_434 = vector.broadcast %add3A_423 : i32 to vector<16xi32>
      %add3A_435 = vector.broadcast %mul3A_429 : i32 to vector<16xi32>
      %add3A_436 = arith.addi %add3A_435, %iota3A : vector<16xi32>
      %gather3A_437 = arith.constant 1 : i32
      %gather3A_438 = arith.constant 0 : i32
      %gather3A_439 = arith.constant 0 : i32
      %gather3A_440 = tpu.memref_slice %arg12[%gather3A_437, %gather3A_438, %gather3A_439] : memref<2x128x128xf32, #tpu.memory_space<vmem>> -> memref<1x128x128xf32, #tpu.memory_space<vmem>>
      %gather3A_441 = tpu.memref_squeeze %gather3A_440 : memref<1x128x128xf32, #tpu.memory_space<vmem>> -> memref<128x128xf32, #tpu.memory_space<vmem>>
      %gather3A_442 = tpu.vector_load_idx %gather3A_441[%broadcast_in_dim3A_434, %add3A_436] : memref<128x128xf32, #tpu.memory_space<vmem>>[vector<16xi32>, vector<16xi32>], vector<16xf32>,
      %add3A_443 = vector.broadcast %mul3A_429 : i32 to vector<16xi32>
      %add3A_444 = arith.addi %add3A_443, %iota3A : vector<16xi32>
      %add3A_445 = arith.constant 16 : i32
      %add3A_446 = vector.broadcast %add3A_445 : i32 to vector<16xi32>
      %add3A_447 = arith.addi %add3A_444, %add3A_446 : vector<16xi32>
      %gather3A_448 = arith.constant 1 : i32
      %gather3A_449 = arith.constant 0 : i32
      %gather3A_450 = arith.constant 0 : i32
      %gather3A_451 = tpu.memref_slice %arg12[%gather3A_448, %gather3A_449, %gather3A_450] : memref<2x128x128xf32, #tpu.memory_space<vmem>> -> memref<1x128x128xf32, #tpu.memory_space<vmem>>
      %gather3A_452 = tpu.memref_squeeze %gather3A_451 : memref<1x128x128xf32, #tpu.memory_space<vmem>> -> memref<128x128xf32, #tpu.memory_space<vmem>>
      %gather3A_453 = tpu.vector_load_idx %gather3A_452[%broadcast_in_dim3A_434, %add3A_447] : memref<128x128xf32, #tpu.memory_space<vmem>>[vector<16xi32>, vector<16xi32>], vector<16xf32>,
      %add3A_454 = vector.broadcast %mul3A_433 : i32 to vector<16xi32>
      %add3A_455 = arith.addi %add3A_454, %iota3A : vector<16xi32>
      %gather3A_456 = arith.constant 1 : i32
      %gather3A_457 = arith.constant 0 : i32
      %gather3A_458 = arith.constant 0 : i32
      %gather3A_459 = tpu.memref_slice %arg13[%gather3A_456, %gather3A_457, %gather3A_458] : memref<2x128x128xf32, #tpu.memory_space<vmem>> -> memref<1x128x128xf32, #tpu.memory_space<vmem>>
      %gather3A_460 = tpu.memref_squeeze %gather3A_459 : memref<1x128x128xf32, #tpu.memory_space<vmem>> -> memref<128x128xf32, #tpu.memory_space<vmem>>
      %gather3A_461 = tpu.vector_load_idx %gather3A_460[%broadcast_in_dim3A_434, %add3A_455] : memref<128x128xf32, #tpu.memory_space<vmem>>[vector<16xi32>, vector<16xi32>], vector<16xf32>,
      %add3A_462 = vector.broadcast %mul3A_433 : i32 to vector<16xi32>
      %add3A_463 = arith.addi %add3A_462, %iota3A : vector<16xi32>
      %add3A_464 = arith.constant 16 : i32
      %add3A_465 = vector.broadcast %add3A_464 : i32 to vector<16xi32>
      %add3A_466 = arith.addi %add3A_463, %add3A_465 : vector<16xi32>
      %gather3A_467 = arith.constant 1 : i32
      %gather3A_468 = arith.constant 0 : i32
      %gather3A_469 = arith.constant 0 : i32
      %gather3A_470 = tpu.memref_slice %arg13[%gather3A_467, %gather3A_468, %gather3A_469] : memref<2x128x128xf32, #tpu.memory_space<vmem>> -> memref<1x128x128xf32, #tpu.memory_space<vmem>>
      %gather3A_471 = tpu.memref_squeeze %gather3A_470 : memref<1x128x128xf32, #tpu.memory_space<vmem>> -> memref<128x128xf32, #tpu.memory_space<vmem>>
      %gather3A_472 = tpu.vector_load_idx %gather3A_471[%broadcast_in_dim3A_434, %add3A_466] : memref<128x128xf32, #tpu.memory_space<vmem>>[vector<16xi32>, vector<16xi32>], vector<16xf32>,
      %mul3A_473 = arith.mulf %gather3A_442, %gather3A_461 : vector<16xf32>
      %mul3A_474 = arith.mulf %mul3A_473, %get3A_3 : vector<16xf32>
      %mul3A_475 = arith.mulf %gather3A_453, %gather3A_472 : vector<16xf32>
      %mul3A_476 = arith.mulf %mul3A_475, %get3A_5 : vector<16xf32>
      %add3A_477 = arith.addf %mul3A_474, %mul3A_476 : vector<16xf32>
      %reduce_sum3A_478 = arith.constant true
      %reduce_sum3A_479 = vector.broadcast %reduce_sum3A_478 : i1 to vector<16xi1>
      %reduce_sum3A_480 = tpu.scan <sum>, %add3A_477 masked %reduce_sum3A_479 : vector<16xf32>, vector<16xi1> -> vector<16xf32>
      %reduce_sum3A_481 = vector.extract %reduce_sum3A_480[15] : f32 from vector<16xf32>
      %eq3A_482 = arith.constant 3 : i32
      %eq3A_483 = vector.broadcast %eq3A_482 : i32 to vector<16xi32>
      %eq3A_484 = arith.cmpi eq, %iota3A, %eq3A_483 : vector<16xi32>
      %broadcast_in_dim3A_485 = vector.broadcast %reduce_sum3A_481 : f32 to vector<16xf32>
      %select_n3A_486 = arith.select %eq3A_484, %broadcast_in_dim3A_485, %select_n3A_419 : vector<16xi1>, vector<16xf32>
      %mul3A_487 = arith.constant 16 : i32
      %mul3A_488 = arith.muli %scan3A_221, %mul3A_487 : i32
      %add3A_489 = arith.constant 4 : i32
      %add3A_490 = arith.addi %mul3A_488, %add3A_489 : i32
      %slice3A_491 = vector.extract_strided_slice %get3A_227 {offsets = [4], sizes = [1], strides = [1]} : vector<16xi32> to vector<1xi32>
      %squeeze3A_492 = vector.extract %slice3A_491[0] : i32 from vector<1xi32>
      %rem3A_493 = arith.constant 4 : i32
      %rem3A_494 = arith.remsi %squeeze3A_492, %rem3A_493 : i32
      %mul3A_495 = arith.constant 32 : i32
      %mul3A_496 = arith.muli %rem3A_494, %mul3A_495 : i32
      %div3A_497 = arith.constant 4 : i32
      %div3A_498 = arith.divsi %squeeze3A_492, %div3A_497 : i32
      %mul3A_499 = arith.constant 32 : i32
      %mul3A_500 = arith.muli %div3A_498, %mul3A_499 : i32
      %broadcast_in_dim3A_501 = vector.broadcast %add3A_490 : i32 to vector<16xi32>
      %add3A_502 = vector.broadcast %mul3A_496 : i32 to vector<16xi32>
      %add3A_503 = arith.addi %add3A_502, %iota3A : vector<16xi32>
      %gather3A_504 = arith.constant 1 : i32
      %gather3A_505 = arith.constant 0 : i32
      %gather3A_506 = arith.constant 0 : i32
      %gather3A_507 = tpu.memref_slice %arg12[%gather3A_504, %gather3A_505, %gather3A_506] : memref<2x128x128xf32, #tpu.memory_space<vmem>> -> memref<1x128x128xf32, #tpu.memory_space<vmem>>
      %gather3A_508 = tpu.memref_squeeze %gather3A_507 : memref<1x128x128xf32, #tpu.memory_space<vmem>> -> memref<128x128xf32, #tpu.memory_space<vmem>>
      %gather3A_509 = tpu.vector_load_idx %gather3A_508[%broadcast_in_dim3A_501, %add3A_503] : memref<128x128xf32, #tpu.memory_space<vmem>>[vector<16xi32>, vector<16xi32>], vector<16xf32>,
      %add3A_510 = vector.broadcast %mul3A_496 : i32 to vector<16xi32>
      %add3A_511 = arith.addi %add3A_510, %iota3A : vector<16xi32>
      %add3A_512 = arith.constant 16 : i32
      %add3A_513 = vector.broadcast %add3A_512 : i32 to vector<16xi32>
      %add3A_514 = arith.addi %add3A_511, %add3A_513 : vector<16xi32>
      %gather3A_515 = arith.constant 1 : i32
      %gather3A_516 = arith.constant 0 : i32
      %gather3A_517 = arith.constant 0 : i32
      %gather3A_518 = tpu.memref_slice %arg12[%gather3A_515, %gather3A_516, %gather3A_517] : memref<2x128x128xf32, #tpu.memory_space<vmem>> -> memref<1x128x128xf32, #tpu.memory_space<vmem>>
      %gather3A_519 = tpu.memref_squeeze %gather3A_518 : memref<1x128x128xf32, #tpu.memory_space<vmem>> -> memref<128x128xf32, #tpu.memory_space<vmem>>
      %gather3A_520 = tpu.vector_load_idx %gather3A_519[%broadcast_in_dim3A_501, %add3A_514] : memref<128x128xf32, #tpu.memory_space<vmem>>[vector<16xi32>, vector<16xi32>], vector<16xf32>,
      %add3A_521 = vector.broadcast %mul3A_500 : i32 to vector<16xi32>
      %add3A_522 = arith.addi %add3A_521, %iota3A : vector<16xi32>
      %gather3A_523 = arith.constant 1 : i32
      %gather3A_524 = arith.constant 0 : i32
      %gather3A_525 = arith.constant 0 : i32
      %gather3A_526 = tpu.memref_slice %arg13[%gather3A_523, %gather3A_524, %gather3A_525] : memref<2x128x128xf32, #tpu.memory_space<vmem>> -> memref<1x128x128xf32, #tpu.memory_space<vmem>>
      %gather3A_527 = tpu.memref_squeeze %gather3A_526 : memref<1x128x128xf32, #tpu.memory_space<vmem>> -> memref<128x128xf32, #tpu.memory_space<vmem>>
      %gather3A_528 = tpu.vector_load_idx %gather3A_527[%broadcast_in_dim3A_501, %add3A_522] : memref<128x128xf32, #tpu.memory_space<vmem>>[vector<16xi32>, vector<16xi32>], vector<16xf32>,
      %add3A_529 = vector.broadcast %mul3A_500 : i32 to vector<16xi32>
      %add3A_530 = arith.addi %add3A_529, %iota3A : vector<16xi32>
      %add3A_531 = arith.constant 16 : i32
      %add3A_532 = vector.broadcast %add3A_531 : i32 to vector<16xi32>
      %add3A_533 = arith.addi %add3A_530, %add3A_532 : vector<16xi32>
      %gather3A_534 = arith.constant 1 : i32
      %gather3A_535 = arith.constant 0 : i32
      %gather3A_536 = arith.constant 0 : i32
      %gather3A_537 = tpu.memref_slice %arg13[%gather3A_534, %gather3A_535, %gather3A_536] : memref<2x128x128xf32, #tpu.memory_space<vmem>> -> memref<1x128x128xf32, #tpu.memory_space<vmem>>
      %gather3A_538 = tpu.memref_squeeze %gather3A_537 : memref<1x128x128xf32, #tpu.memory_space<vmem>> -> memref<128x128xf32, #tpu.memory_space<vmem>>
      %gather3A_539 = tpu.vector_load_idx %gather3A_538[%broadcast_in_dim3A_501, %add3A_533] : memref<128x128xf32, #tpu.memory_space<vmem>>[vector<16xi32>, vector<16xi32>], vector<16xf32>,
      %mul3A_540 = arith.mulf %gather3A_509, %gather3A_528 : vector<16xf32>
      %mul3A_541 = arith.mulf %mul3A_540, %get3A_3 : vector<16xf32>
      %mul3A_542 = arith.mulf %gather3A_520, %gather3A_539 : vector<16xf32>
      %mul3A_543 = arith.mulf %mul3A_542, %get3A_5 : vector<16xf32>
      %add3A_544 = arith.addf %mul3A_541, %mul3A_543 : vector<16xf32>
      %reduce_sum3A_545 = arith.constant true
      %reduce_sum3A_546 = vector.broadcast %reduce_sum3A_545 : i1 to vector<16xi1>
      %reduce_sum3A_547 = tpu.scan <sum>, %add3A_544 masked %reduce_sum3A_546 : vector<16xf32>, vector<16xi1> -> vector<16xf32>
      %reduce_sum3A_548 = vector.extract %reduce_sum3A_547[15] : f32 from vector<16xf32>
      %eq3A_549 = arith.constant 4 : i32
      %eq3A_550 = vector.broadcast %eq3A_549 : i32 to vector<16xi32>
      %eq3A_551 = arith.cmpi eq, %iota3A, %eq3A_550 : vector<16xi32>
      %broadcast_in_dim3A_552 = vector.broadcast %reduce_sum3A_548 : f32 to vector<16xf32>
      %select_n3A_553 = arith.select %eq3A_551, %broadcast_in_dim3A_552, %select_n3A_486 : vector<16xi1>, vector<16xf32>
      %mul3A_554 = arith.constant 16 : i32
      %mul3A_555 = arith.muli %scan3A_221, %mul3A_554 : i32
      %add3A_556 = arith.constant 5 : i32
      %add3A_557 = arith.addi %mul3A_555, %add3A_556 : i32
      %slice3A_558 = vector.extract_strided_slice %get3A_227 {offsets = [5], sizes = [1], strides = [1]} : vector<16xi32> to vector<1xi32>
      %squeeze3A_559 = vector.extract %slice3A_558[0] : i32 from vector<1xi32>
      %rem3A_560 = arith.constant 4 : i32
      %rem3A_561 = arith.remsi %squeeze3A_559, %rem3A_560 : i32
      %mul3A_562 = arith.constant 32 : i32
      %mul3A_563 = arith.muli %rem3A_561, %mul3A_562 : i32
      %div3A_564 = arith.constant 4 : i32
      %div3A_565 = arith.divsi %squeeze3A_559, %div3A_564 : i32
      %mul3A_566 = arith.constant 32 : i32
      %mul3A_567 = arith.muli %div3A_565, %mul3A_566 : i32
      %broadcast_in_dim3A_568 = vector.broadcast %add3A_557 : i32 to vector<16xi32>
      %add3A_569 = vector.broadcast %mul3A_563 : i32 to vector<16xi32>
      %add3A_570 = arith.addi %add3A_569, %iota3A : vector<16xi32>
      %gather3A_571 = arith.constant 1 : i32
      %gather3A_572 = arith.constant 0 : i32
      %gather3A_573 = arith.constant 0 : i32
      %gather3A_574 = tpu.memref_slice %arg12[%gather3A_571, %gather3A_572, %gather3A_573] : memref<2x128x128xf32, #tpu.memory_space<vmem>> -> memref<1x128x128xf32, #tpu.memory_space<vmem>>
      %gather3A_575 = tpu.memref_squeeze %gather3A_574 : memref<1x128x128xf32, #tpu.memory_space<vmem>> -> memref<128x128xf32, #tpu.memory_space<vmem>>
      %gather3A_576 = tpu.vector_load_idx %gather3A_575[%broadcast_in_dim3A_568, %add3A_570] : memref<128x128xf32, #tpu.memory_space<vmem>>[vector<16xi32>, vector<16xi32>], vector<16xf32>,
      %add3A_577 = vector.broadcast %mul3A_563 : i32 to vector<16xi32>
      %add3A_578 = arith.addi %add3A_577, %iota3A : vector<16xi32>
      %add3A_579 = arith.constant 16 : i32
      %add3A_580 = vector.broadcast %add3A_579 : i32 to vector<16xi32>
      %add3A_581 = arith.addi %add3A_578, %add3A_580 : vector<16xi32>
      %gather3A_582 = arith.constant 1 : i32
      %gather3A_583 = arith.constant 0 : i32
      %gather3A_584 = arith.constant 0 : i32
      %gather3A_585 = tpu.memref_slice %arg12[%gather3A_582, %gather3A_583, %gather3A_584] : memref<2x128x128xf32, #tpu.memory_space<vmem>> -> memref<1x128x128xf32, #tpu.memory_space<vmem>>
      %gather3A_586 = tpu.memref_squeeze %gather3A_585 : memref<1x128x128xf32, #tpu.memory_space<vmem>> -> memref<128x128xf32, #tpu.memory_space<vmem>>
      %gather3A_587 = tpu.vector_load_idx %gather3A_586[%broadcast_in_dim3A_568, %add3A_581] : memref<128x128xf32, #tpu.memory_space<vmem>>[vector<16xi32>, vector<16xi32>], vector<16xf32>,
      %add3A_588 = vector.broadcast %mul3A_567 : i32 to vector<16xi32>
      %add3A_589 = arith.addi %add3A_588, %iota3A : vector<16xi32>
      %gather3A_590 = arith.constant 1 : i32
      %gather3A_591 = arith.constant 0 : i32
      %gather3A_592 = arith.constant 0 : i32
      %gather3A_593 = tpu.memref_slice %arg13[%gather3A_590, %gather3A_591, %gather3A_592] : memref<2x128x128xf32, #tpu.memory_space<vmem>> -> memref<1x128x128xf32, #tpu.memory_space<vmem>>
      %gather3A_594 = tpu.memref_squeeze %gather3A_593 : memref<1x128x128xf32, #tpu.memory_space<vmem>> -> memref<128x128xf32, #tpu.memory_space<vmem>>
      %gather3A_595 = tpu.vector_load_idx %gather3A_594[%broadcast_in_dim3A_568, %add3A_589] : memref<128x128xf32, #tpu.memory_space<vmem>>[vector<16xi32>, vector<16xi32>], vector<16xf32>,
      %add3A_596 = vector.broadcast %mul3A_567 : i32 to vector<16xi32>
      %add3A_597 = arith.addi %add3A_596, %iota3A : vector<16xi32>
      %add3A_598 = arith.constant 16 : i32
      %add3A_599 = vector.broadcast %add3A_598 : i32 to vector<16xi32>
      %add3A_600 = arith.addi %add3A_597, %add3A_599 : vector<16xi32>
      %gather3A_601 = arith.constant 1 : i32
      %gather3A_602 = arith.constant 0 : i32
      %gather3A_603 = arith.constant 0 : i32
      %gather3A_604 = tpu.memref_slice %arg13[%gather3A_601, %gather3A_602, %gather3A_603] : memref<2x128x128xf32, #tpu.memory_space<vmem>> -> memref<1x128x128xf32, #tpu.memory_space<vmem>>
      %gather3A_605 = tpu.memref_squeeze %gather3A_604 : memref<1x128x128xf32, #tpu.memory_space<vmem>> -> memref<128x128xf32, #tpu.memory_space<vmem>>
      %gather3A_606 = tpu.vector_load_idx %gather3A_605[%broadcast_in_dim3A_568, %add3A_600] : memref<128x128xf32, #tpu.memory_space<vmem>>[vector<16xi32>, vector<16xi32>], vector<16xf32>,
      %mul3A_607 = arith.mulf %gather3A_576, %gather3A_595 : vector<16xf32>
      %mul3A_608 = arith.mulf %mul3A_607, %get3A_3 : vector<16xf32>
      %mul3A_609 = arith.mulf %gather3A_587, %gather3A_606 : vector<16xf32>
      %mul3A_610 = arith.mulf %mul3A_609, %get3A_5 : vector<16xf32>
      %add3A_611 = arith.addf %mul3A_608, %mul3A_610 : vector<16xf32>
      %reduce_sum3A_612 = arith.constant true
      %reduce_sum3A_613 = vector.broadcast %reduce_sum3A_612 : i1 to vector<16xi1>
      %reduce_sum3A_614 = tpu.scan <sum>, %add3A_611 masked %reduce_sum3A_613 : vector<16xf32>, vector<16xi1> -> vector<16xf32>
      %reduce_sum3A_615 = vector.extract %reduce_sum3A_614[15] : f32 from vector<16xf32>
      %eq3A_616 = arith.constant 5 : i32
      %eq3A_617 = vector.broadcast %eq3A_616 : i32 to vector<16xi32>
      %eq3A_618 = arith.cmpi eq, %iota3A, %eq3A_617 : vector<16xi32>
      %broadcast_in_dim3A_619 = vector.broadcast %reduce_sum3A_615 : f32 to vector<16xf32>
      %select_n3A_620 = arith.select %eq3A_618, %broadcast_in_dim3A_619, %select_n3A_553 : vector<16xi1>, vector<16xf32>
      %mul3A_621 = arith.constant 16 : i32
      %mul3A_622 = arith.muli %scan3A_221, %mul3A_621 : i32
      %add3A_623 = arith.constant 6 : i32
      %add3A_624 = arith.addi %mul3A_622, %add3A_623 : i32
      %slice3A_625 = vector.extract_strided_slice %get3A_227 {offsets = [6], sizes = [1], strides = [1]} : vector<16xi32> to vector<1xi32>
      %squeeze3A_626 = vector.extract %slice3A_625[0] : i32 from vector<1xi32>
      %rem3A_627 = arith.constant 4 : i32
      %rem3A_628 = arith.remsi %squeeze3A_626, %rem3A_627 : i32
      %mul3A_629 = arith.constant 32 : i32
      %mul3A_630 = arith.muli %rem3A_628, %mul3A_629 : i32
      %div3A_631 = arith.constant 4 : i32
      %div3A_632 = arith.divsi %squeeze3A_626, %div3A_631 : i32
      %mul3A_633 = arith.constant 32 : i32
      %mul3A_634 = arith.muli %div3A_632, %mul3A_633 : i32
      %broadcast_in_dim3A_635 = vector.broadcast %add3A_624 : i32 to vector<16xi32>
      %add3A_636 = vector.broadcast %mul3A_630 : i32 to vector<16xi32>
      %add3A_637 = arith.addi %add3A_636, %iota3A : vector<16xi32>
      %gather3A_638 = arith.constant 1 : i32
      %gather3A_639 = arith.constant 0 : i32
      %gather3A_640 = arith.constant 0 : i32
      %gather3A_641 = tpu.memref_slice %arg12[%gather3A_638, %gather3A_639, %gather3A_640] : memref<2x128x128xf32, #tpu.memory_space<vmem>> -> memref<1x128x128xf32, #tpu.memory_space<vmem>>
      %gather3A_642 = tpu.memref_squeeze %gather3A_641 : memref<1x128x128xf32, #tpu.memory_space<vmem>> -> memref<128x128xf32, #tpu.memory_space<vmem>>
      %gather3A_643 = tpu.vector_load_idx %gather3A_642[%broadcast_in_dim3A_635, %add3A_637] : memref<128x128xf32, #tpu.memory_space<vmem>>[vector<16xi32>, vector<16xi32>], vector<16xf32>,
      %add3A_644 = vector.broadcast %mul3A_630 : i32 to vector<16xi32>
      %add3A_645 = arith.addi %add3A_644, %iota3A : vector<16xi32>
      %add3A_646 = arith.constant 16 : i32
      %add3A_647 = vector.broadcast %add3A_646 : i32 to vector<16xi32>
      %add3A_648 = arith.addi %add3A_645, %add3A_647 : vector<16xi32>
      %gather3A_649 = arith.constant 1 : i32
      %gather3A_650 = arith.constant 0 : i32
      %gather3A_651 = arith.constant 0 : i32
      %gather3A_652 = tpu.memref_slice %arg12[%gather3A_649, %gather3A_650, %gather3A_651] : memref<2x128x128xf32, #tpu.memory_space<vmem>> -> memref<1x128x128xf32, #tpu.memory_space<vmem>>
      %gather3A_653 = tpu.memref_squeeze %gather3A_652 : memref<1x128x128xf32, #tpu.memory_space<vmem>> -> memref<128x128xf32, #tpu.memory_space<vmem>>
      %gather3A_654 = tpu.vector_load_idx %gather3A_653[%broadcast_in_dim3A_635, %add3A_648] : memref<128x128xf32, #tpu.memory_space<vmem>>[vector<16xi32>, vector<16xi32>], vector<16xf32>,
      %add3A_655 = vector.broadcast %mul3A_634 : i32 to vector<16xi32>
      %add3A_656 = arith.addi %add3A_655, %iota3A : vector<16xi32>
      %gather3A_657 = arith.constant 1 : i32
      %gather3A_658 = arith.constant 0 : i32
      %gather3A_659 = arith.constant 0 : i32
      %gather3A_660 = tpu.memref_slice %arg13[%gather3A_657, %gather3A_658, %gather3A_659] : memref<2x128x128xf32, #tpu.memory_space<vmem>> -> memref<1x128x128xf32, #tpu.memory_space<vmem>>
      %gather3A_661 = tpu.memref_squeeze %gather3A_660 : memref<1x128x128xf32, #tpu.memory_space<vmem>> -> memref<128x128xf32, #tpu.memory_space<vmem>>
      %gather3A_662 = tpu.vector_load_idx %gather3A_661[%broadcast_in_dim3A_635, %add3A_656] : memref<128x128xf32, #tpu.memory_space<vmem>>[vector<16xi32>, vector<16xi32>], vector<16xf32>,
      %add3A_663 = vector.broadcast %mul3A_634 : i32 to vector<16xi32>
      %add3A_664 = arith.addi %add3A_663, %iota3A : vector<16xi32>
      %add3A_665 = arith.constant 16 : i32
      %add3A_666 = vector.broadcast %add3A_665 : i32 to vector<16xi32>
      %add3A_667 = arith.addi %add3A_664, %add3A_666 : vector<16xi32>
      %gather3A_668 = arith.constant 1 : i32
      %gather3A_669 = arith.constant 0 : i32
      %gather3A_670 = arith.constant 0 : i32
      %gather3A_671 = tpu.memref_slice %arg13[%gather3A_668, %gather3A_669, %gather3A_670] : memref<2x128x128xf32, #tpu.memory_space<vmem>> -> memref<1x128x128xf32, #tpu.memory_space<vmem>>
      %gather3A_672 = tpu.memref_squeeze %gather3A_671 : memref<1x128x128xf32, #tpu.memory_space<vmem>> -> memref<128x128xf32, #tpu.memory_space<vmem>>
      %gather3A_673 = tpu.vector_load_idx %gather3A_672[%broadcast_in_dim3A_635, %add3A_667] : memref<128x128xf32, #tpu.memory_space<vmem>>[vector<16xi32>, vector<16xi32>], vector<16xf32>,
      %mul3A_674 = arith.mulf %gather3A_643, %gather3A_662 : vector<16xf32>
      %mul3A_675 = arith.mulf %mul3A_674, %get3A_3 : vector<16xf32>
      %mul3A_676 = arith.mulf %gather3A_654, %gather3A_673 : vector<16xf32>
      %mul3A_677 = arith.mulf %mul3A_676, %get3A_5 : vector<16xf32>
      %add3A_678 = arith.addf %mul3A_675, %mul3A_677 : vector<16xf32>
      %reduce_sum3A_679 = arith.constant true
      %reduce_sum3A_680 = vector.broadcast %reduce_sum3A_679 : i1 to vector<16xi1>
      %reduce_sum3A_681 = tpu.scan <sum>, %add3A_678 masked %reduce_sum3A_680 : vector<16xf32>, vector<16xi1> -> vector<16xf32>
      %reduce_sum3A_682 = vector.extract %reduce_sum3A_681[15] : f32 from vector<16xf32>
      %eq3A_683 = arith.constant 6 : i32
      %eq3A_684 = vector.broadcast %eq3A_683 : i32 to vector<16xi32>
      %eq3A_685 = arith.cmpi eq, %iota3A, %eq3A_684 : vector<16xi32>
      %broadcast_in_dim3A_686 = vector.broadcast %reduce_sum3A_682 : f32 to vector<16xf32>
      %select_n3A_687 = arith.select %eq3A_685, %broadcast_in_dim3A_686, %select_n3A_620 : vector<16xi1>, vector<16xf32>
      %mul3A_688 = arith.constant 16 : i32
      %mul3A_689 = arith.muli %scan3A_221, %mul3A_688 : i32
      %add3A_690 = arith.constant 7 : i32
      %add3A_691 = arith.addi %mul3A_689, %add3A_690 : i32
      %slice3A_692 = vector.extract_strided_slice %get3A_227 {offsets = [7], sizes = [1], strides = [1]} : vector<16xi32> to vector<1xi32>
      %squeeze3A_693 = vector.extract %slice3A_692[0] : i32 from vector<1xi32>
      %rem3A_694 = arith.constant 4 : i32
      %rem3A_695 = arith.remsi %squeeze3A_693, %rem3A_694 : i32
      %mul3A_696 = arith.constant 32 : i32
      %mul3A_697 = arith.muli %rem3A_695, %mul3A_696 : i32
      %div3A_698 = arith.constant 4 : i32
      %div3A_699 = arith.divsi %squeeze3A_693, %div3A_698 : i32
      %mul3A_700 = arith.constant 32 : i32
      %mul3A_701 = arith.muli %div3A_699, %mul3A_700 : i32
      %broadcast_in_dim3A_702 = vector.broadcast %add3A_691 : i32 to vector<16xi32>
      %add3A_703 = vector.broadcast %mul3A_697 : i32 to vector<16xi32>
      %add3A_704 = arith.addi %add3A_703, %iota3A : vector<16xi32>
      %gather3A_705 = arith.constant 1 : i32
      %gather3A_706 = arith.constant 0 : i32
      %gather3A_707 = arith.constant 0 : i32
      %gather3A_708 = tpu.memref_slice %arg12[%gather3A_705, %gather3A_706, %gather3A_707] : memref<2x128x128xf32, #tpu.memory_space<vmem>> -> memref<1x128x128xf32, #tpu.memory_space<vmem>>
      %gather3A_709 = tpu.memref_squeeze %gather3A_708 : memref<1x128x128xf32, #tpu.memory_space<vmem>> -> memref<128x128xf32, #tpu.memory_space<vmem>>
      %gather3A_710 = tpu.vector_load_idx %gather3A_709[%broadcast_in_dim3A_702, %add3A_704] : memref<128x128xf32, #tpu.memory_space<vmem>>[vector<16xi32>, vector<16xi32>], vector<16xf32>,
      %add3A_711 = vector.broadcast %mul3A_697 : i32 to vector<16xi32>
      %add3A_712 = arith.addi %add3A_711, %iota3A : vector<16xi32>
      %add3A_713 = arith.constant 16 : i32
      %add3A_714 = vector.broadcast %add3A_713 : i32 to vector<16xi32>
      %add3A_715 = arith.addi %add3A_712, %add3A_714 : vector<16xi32>
      %gather3A_716 = arith.constant 1 : i32
      %gather3A_717 = arith.constant 0 : i32
      %gather3A_718 = arith.constant 0 : i32
      %gather3A_719 = tpu.memref_slice %arg12[%gather3A_716, %gather3A_717, %gather3A_718] : memref<2x128x128xf32, #tpu.memory_space<vmem>> -> memref<1x128x128xf32, #tpu.memory_space<vmem>>
      %gather3A_720 = tpu.memref_squeeze %gather3A_719 : memref<1x128x128xf32, #tpu.memory_space<vmem>> -> memref<128x128xf32, #tpu.memory_space<vmem>>
      %gather3A_721 = tpu.vector_load_idx %gather3A_720[%broadcast_in_dim3A_702, %add3A_715] : memref<128x128xf32, #tpu.memory_space<vmem>>[vector<16xi32>, vector<16xi32>], vector<16xf32>,
      %add3A_722 = vector.broadcast %mul3A_701 : i32 to vector<16xi32>
      %add3A_723 = arith.addi %add3A_722, %iota3A : vector<16xi32>
      %gather3A_724 = arith.constant 1 : i32
      %gather3A_725 = arith.constant 0 : i32
      %gather3A_726 = arith.constant 0 : i32
      %gather3A_727 = tpu.memref_slice %arg13[%gather3A_724, %gather3A_725, %gather3A_726] : memref<2x128x128xf32, #tpu.memory_space<vmem>> -> memref<1x128x128xf32, #tpu.memory_space<vmem>>
      %gather3A_728 = tpu.memref_squeeze %gather3A_727 : memref<1x128x128xf32, #tpu.memory_space<vmem>> -> memref<128x128xf32, #tpu.memory_space<vmem>>
      %gather3A_729 = tpu.vector_load_idx %gather3A_728[%broadcast_in_dim3A_702, %add3A_723] : memref<128x128xf32, #tpu.memory_space<vmem>>[vector<16xi32>, vector<16xi32>], vector<16xf32>,
      %add3A_730 = vector.broadcast %mul3A_701 : i32 to vector<16xi32>
      %add3A_731 = arith.addi %add3A_730, %iota3A : vector<16xi32>
      %add3A_732 = arith.constant 16 : i32
      %add3A_733 = vector.broadcast %add3A_732 : i32 to vector<16xi32>
      %add3A_734 = arith.addi %add3A_731, %add3A_733 : vector<16xi32>
      %gather3A_735 = arith.constant 1 : i32
      %gather3A_736 = arith.constant 0 : i32
      %gather3A_737 = arith.constant 0 : i32
      %gather3A_738 = tpu.memref_slice %arg13[%gather3A_735, %gather3A_736, %gather3A_737] : memref<2x128x128xf32, #tpu.memory_space<vmem>> -> memref<1x128x128xf32, #tpu.memory_space<vmem>>
      %gather3A_739 = tpu.memref_squeeze %gather3A_738 : memref<1x128x128xf32, #tpu.memory_space<vmem>> -> memref<128x128xf32, #tpu.memory_space<vmem>>
      %gather3A_740 = tpu.vector_load_idx %gather3A_739[%broadcast_in_dim3A_702, %add3A_734] : memref<128x128xf32, #tpu.memory_space<vmem>>[vector<16xi32>, vector<16xi32>], vector<16xf32>,
      %mul3A_741 = arith.mulf %gather3A_710, %gather3A_729 : vector<16xf32>
      %mul3A_742 = arith.mulf %mul3A_741, %get3A_3 : vector<16xf32>
      %mul3A_743 = arith.mulf %gather3A_721, %gather3A_740 : vector<16xf32>
      %mul3A_744 = arith.mulf %mul3A_743, %get3A_5 : vector<16xf32>
      %add3A_745 = arith.addf %mul3A_742, %mul3A_744 : vector<16xf32>
      %reduce_sum3A_746 = arith.constant true
      %reduce_sum3A_747 = vector.broadcast %reduce_sum3A_746 : i1 to vector<16xi1>
      %reduce_sum3A_748 = tpu.scan <sum>, %add3A_745 masked %reduce_sum3A_747 : vector<16xf32>, vector<16xi1> -> vector<16xf32>
      %reduce_sum3A_749 = vector.extract %reduce_sum3A_748[15] : f32 from vector<16xf32>
      %eq3A_750 = arith.constant 7 : i32
      %eq3A_751 = vector.broadcast %eq3A_750 : i32 to vector<16xi32>
      %eq3A_752 = arith.cmpi eq, %iota3A, %eq3A_751 : vector<16xi32>
      %broadcast_in_dim3A_753 = vector.broadcast %reduce_sum3A_749 : f32 to vector<16xf32>
      %select_n3A_754 = arith.select %eq3A_752, %broadcast_in_dim3A_753, %select_n3A_687 : vector<16xi1>, vector<16xf32>
      %mul3A_755 = arith.constant 16 : i32
      %mul3A_756 = arith.muli %scan3A_221, %mul3A_755 : i32
      %add3A_757 = arith.constant 8 : i32
      %add3A_758 = arith.addi %mul3A_756, %add3A_757 : i32
      %slice3A_759 = vector.extract_strided_slice %get3A_227 {offsets = [8], sizes = [1], strides = [1]} : vector<16xi32> to vector<1xi32>
      %squeeze3A_760 = vector.extract %slice3A_759[0] : i32 from vector<1xi32>
      %rem3A_761 = arith.constant 4 : i32
      %rem3A_762 = arith.remsi %squeeze3A_760, %rem3A_761 : i32
      %mul3A_763 = arith.constant 32 : i32
      %mul3A_764 = arith.muli %rem3A_762, %mul3A_763 : i32
      %div3A_765 = arith.constant 4 : i32
      %div3A_766 = arith.divsi %squeeze3A_760, %div3A_765 : i32
      %mul3A_767 = arith.constant 32 : i32
      %mul3A_768 = arith.muli %div3A_766, %mul3A_767 : i32
      %broadcast_in_dim3A_769 = vector.broadcast %add3A_758 : i32 to vector<16xi32>
      %add3A_770 = vector.broadcast %mul3A_764 : i32 to vector<16xi32>
      %add3A_771 = arith.addi %add3A_770, %iota3A : vector<16xi32>
      %gather3A_772 = arith.constant 1 : i32
      %gather3A_773 = arith.constant 0 : i32
      %gather3A_774 = arith.constant 0 : i32
      %gather3A_775 = tpu.memref_slice %arg12[%gather3A_772, %gather3A_773, %gather3A_774] : memref<2x128x128xf32, #tpu.memory_space<vmem>> -> memref<1x128x128xf32, #tpu.memory_space<vmem>>
      %gather3A_776 = tpu.memref_squeeze %gather3A_775 : memref<1x128x128xf32, #tpu.memory_space<vmem>> -> memref<128x128xf32, #tpu.memory_space<vmem>>
      %gather3A_777 = tpu.vector_load_idx %gather3A_776[%broadcast_in_dim3A_769, %add3A_771] : memref<128x128xf32, #tpu.memory_space<vmem>>[vector<16xi32>, vector<16xi32>], vector<16xf32>,
      %add3A_778 = vector.broadcast %mul3A_764 : i32 to vector<16xi32>
      %add3A_779 = arith.addi %add3A_778, %iota3A : vector<16xi32>
      %add3A_780 = arith.constant 16 : i32
      %add3A_781 = vector.broadcast %add3A_780 : i32 to vector<16xi32>
      %add3A_782 = arith.addi %add3A_779, %add3A_781 : vector<16xi32>
      %gather3A_783 = arith.constant 1 : i32
      %gather3A_784 = arith.constant 0 : i32
      %gather3A_785 = arith.constant 0 : i32
      %gather3A_786 = tpu.memref_slice %arg12[%gather3A_783, %gather3A_784, %gather3A_785] : memref<2x128x128xf32, #tpu.memory_space<vmem>> -> memref<1x128x128xf32, #tpu.memory_space<vmem>>
      %gather3A_787 = tpu.memref_squeeze %gather3A_786 : memref<1x128x128xf32, #tpu.memory_space<vmem>> -> memref<128x128xf32, #tpu.memory_space<vmem>>
      %gather3A_788 = tpu.vector_load_idx %gather3A_787[%broadcast_in_dim3A_769, %add3A_782] : memref<128x128xf32, #tpu.memory_space<vmem>>[vector<16xi32>, vector<16xi32>], vector<16xf32>,
      %add3A_789 = vector.broadcast %mul3A_768 : i32 to vector<16xi32>
      %add3A_790 = arith.addi %add3A_789, %iota3A : vector<16xi32>
      %gather3A_791 = arith.constant 1 : i32
      %gather3A_792 = arith.constant 0 : i32
      %gather3A_793 = arith.constant 0 : i32
      %gather3A_794 = tpu.memref_slice %arg13[%gather3A_791, %gather3A_792, %gather3A_793] : memref<2x128x128xf32, #tpu.memory_space<vmem>> -> memref<1x128x128xf32, #tpu.memory_space<vmem>>
      %gather3A_795 = tpu.memref_squeeze %gather3A_794 : memref<1x128x128xf32, #tpu.memory_space<vmem>> -> memref<128x128xf32, #tpu.memory_space<vmem>>
      %gather3A_796 = tpu.vector_load_idx %gather3A_795[%broadcast_in_dim3A_769, %add3A_790] : memref<128x128xf32, #tpu.memory_space<vmem>>[vector<16xi32>, vector<16xi32>], vector<16xf32>,
      %add3A_797 = vector.broadcast %mul3A_768 : i32 to vector<16xi32>
      %add3A_798 = arith.addi %add3A_797, %iota3A : vector<16xi32>
      %add3A_799 = arith.constant 16 : i32
      %add3A_800 = vector.broadcast %add3A_799 : i32 to vector<16xi32>
      %add3A_801 = arith.addi %add3A_798, %add3A_800 : vector<16xi32>
      %gather3A_802 = arith.constant 1 : i32
      %gather3A_803 = arith.constant 0 : i32
      %gather3A_804 = arith.constant 0 : i32
      %gather3A_805 = tpu.memref_slice %arg13[%gather3A_802, %gather3A_803, %gather3A_804] : memref<2x128x128xf32, #tpu.memory_space<vmem>> -> memref<1x128x128xf32, #tpu.memory_space<vmem>>
      %gather3A_806 = tpu.memref_squeeze %gather3A_805 : memref<1x128x128xf32, #tpu.memory_space<vmem>> -> memref<128x128xf32, #tpu.memory_space<vmem>>
      %gather3A_807 = tpu.vector_load_idx %gather3A_806[%broadcast_in_dim3A_769, %add3A_801] : memref<128x128xf32, #tpu.memory_space<vmem>>[vector<16xi32>, vector<16xi32>], vector<16xf32>,
      %mul3A_808 = arith.mulf %gather3A_777, %gather3A_796 : vector<16xf32>
      %mul3A_809 = arith.mulf %mul3A_808, %get3A_3 : vector<16xf32>
      %mul3A_810 = arith.mulf %gather3A_788, %gather3A_807 : vector<16xf32>
      %mul3A_811 = arith.mulf %mul3A_810, %get3A_5 : vector<16xf32>
      %add3A_812 = arith.addf %mul3A_809, %mul3A_811 : vector<16xf32>
      %reduce_sum3A_813 = arith.constant true
      %reduce_sum3A_814 = vector.broadcast %reduce_sum3A_813 : i1 to vector<16xi1>
      %reduce_sum3A_815 = tpu.scan <sum>, %add3A_812 masked %reduce_sum3A_814 : vector<16xf32>, vector<16xi1> -> vector<16xf32>
      %reduce_sum3A_816 = vector.extract %reduce_sum3A_815[15] : f32 from vector<16xf32>
      %eq3A_817 = arith.constant 8 : i32
      %eq3A_818 = vector.broadcast %eq3A_817 : i32 to vector<16xi32>
      %eq3A_819 = arith.cmpi eq, %iota3A, %eq3A_818 : vector<16xi32>
      %broadcast_in_dim3A_820 = vector.broadcast %reduce_sum3A_816 : f32 to vector<16xf32>
      %select_n3A_821 = arith.select %eq3A_819, %broadcast_in_dim3A_820, %select_n3A_754 : vector<16xi1>, vector<16xf32>
      %mul3A_822 = arith.constant 16 : i32
      %mul3A_823 = arith.muli %scan3A_221, %mul3A_822 : i32
      %add3A_824 = arith.constant 9 : i32
      %add3A_825 = arith.addi %mul3A_823, %add3A_824 : i32
      %slice3A_826 = vector.extract_strided_slice %get3A_227 {offsets = [9], sizes = [1], strides = [1]} : vector<16xi32> to vector<1xi32>
      %squeeze3A_827 = vector.extract %slice3A_826[0] : i32 from vector<1xi32>
      %rem3A_828 = arith.constant 4 : i32
      %rem3A_829 = arith.remsi %squeeze3A_827, %rem3A_828 : i32
      %mul3A_830 = arith.constant 32 : i32
      %mul3A_831 = arith.muli %rem3A_829, %mul3A_830 : i32
      %div3A_832 = arith.constant 4 : i32
      %div3A_833 = arith.divsi %squeeze3A_827, %div3A_832 : i32
      %mul3A_834 = arith.constant 32 : i32
      %mul3A_835 = arith.muli %div3A_833, %mul3A_834 : i32
      %broadcast_in_dim3A_836 = vector.broadcast %add3A_825 : i32 to vector<16xi32>
      %add3A_837 = vector.broadcast %mul3A_831 : i32 to vector<16xi32>
      %add3A_838 = arith.addi %add3A_837, %iota3A : vector<16xi32>
      %gather3A_839 = arith.constant 1 : i32
      %gather3A_840 = arith.constant 0 : i32
      %gather3A_841 = arith.constant 0 : i32
      %gather3A_842 = tpu.memref_slice %arg12[%gather3A_839, %gather3A_840, %gather3A_841] : memref<2x128x128xf32, #tpu.memory_space<vmem>> -> memref<1x128x128xf32, #tpu.memory_space<vmem>>
      %gather3A_843 = tpu.memref_squeeze %gather3A_842 : memref<1x128x128xf32, #tpu.memory_space<vmem>> -> memref<128x128xf32, #tpu.memory_space<vmem>>
      %gather3A_844 = tpu.vector_load_idx %gather3A_843[%broadcast_in_dim3A_836, %add3A_838] : memref<128x128xf32, #tpu.memory_space<vmem>>[vector<16xi32>, vector<16xi32>], vector<16xf32>,
      %add3A_845 = vector.broadcast %mul3A_831 : i32 to vector<16xi32>
      %add3A_846 = arith.addi %add3A_845, %iota3A : vector<16xi32>
      %add3A_847 = arith.constant 16 : i32
      %add3A_848 = vector.broadcast %add3A_847 : i32 to vector<16xi32>
      %add3A_849 = arith.addi %add3A_846, %add3A_848 : vector<16xi32>
      %gather3A_850 = arith.constant 1 : i32
      %gather3A_851 = arith.constant 0 : i32
      %gather3A_852 = arith.constant 0 : i32
      %gather3A_853 = tpu.memref_slice %arg12[%gather3A_850, %gather3A_851, %gather3A_852] : memref<2x128x128xf32, #tpu.memory_space<vmem>> -> memref<1x128x128xf32, #tpu.memory_space<vmem>>
      %gather3A_854 = tpu.memref_squeeze %gather3A_853 : memref<1x128x128xf32, #tpu.memory_space<vmem>> -> memref<128x128xf32, #tpu.memory_space<vmem>>
      %gather3A_855 = tpu.vector_load_idx %gather3A_854[%broadcast_in_dim3A_836, %add3A_849] : memref<128x128xf32, #tpu.memory_space<vmem>>[vector<16xi32>, vector<16xi32>], vector<16xf32>,
      %add3A_856 = vector.broadcast %mul3A_835 : i32 to vector<16xi32>
      %add3A_857 = arith.addi %add3A_856, %iota3A : vector<16xi32>
      %gather3A_858 = arith.constant 1 : i32
      %gather3A_859 = arith.constant 0 : i32
      %gather3A_860 = arith.constant 0 : i32
      %gather3A_861 = tpu.memref_slice %arg13[%gather3A_858, %gather3A_859, %gather3A_860] : memref<2x128x128xf32, #tpu.memory_space<vmem>> -> memref<1x128x128xf32, #tpu.memory_space<vmem>>
      %gather3A_862 = tpu.memref_squeeze %gather3A_861 : memref<1x128x128xf32, #tpu.memory_space<vmem>> -> memref<128x128xf32, #tpu.memory_space<vmem>>
      %gather3A_863 = tpu.vector_load_idx %gather3A_862[%broadcast_in_dim3A_836, %add3A_857] : memref<128x128xf32, #tpu.memory_space<vmem>>[vector<16xi32>, vector<16xi32>], vector<16xf32>,
      %add3A_864 = vector.broadcast %mul3A_835 : i32 to vector<16xi32>
      %add3A_865 = arith.addi %add3A_864, %iota3A : vector<16xi32>
      %add3A_866 = arith.constant 16 : i32
      %add3A_867 = vector.broadcast %add3A_866 : i32 to vector<16xi32>
      %add3A_868 = arith.addi %add3A_865, %add3A_867 : vector<16xi32>
      %gather3A_869 = arith.constant 1 : i32
      %gather3A_870 = arith.constant 0 : i32
      %gather3A_871 = arith.constant 0 : i32
      %gather3A_872 = tpu.memref_slice %arg13[%gather3A_869, %gather3A_870, %gather3A_871] : memref<2x128x128xf32, #tpu.memory_space<vmem>> -> memref<1x128x128xf32, #tpu.memory_space<vmem>>
      %gather3A_873 = tpu.memref_squeeze %gather3A_872 : memref<1x128x128xf32, #tpu.memory_space<vmem>> -> memref<128x128xf32, #tpu.memory_space<vmem>>
      %gather3A_874 = tpu.vector_load_idx %gather3A_873[%broadcast_in_dim3A_836, %add3A_868] : memref<128x128xf32, #tpu.memory_space<vmem>>[vector<16xi32>, vector<16xi32>], vector<16xf32>,
      %mul3A_875 = arith.mulf %gather3A_844, %gather3A_863 : vector<16xf32>
      %mul3A_876 = arith.mulf %mul3A_875, %get3A_3 : vector<16xf32>
      %mul3A_877 = arith.mulf %gather3A_855, %gather3A_874 : vector<16xf32>
      %mul3A_878 = arith.mulf %mul3A_877, %get3A_5 : vector<16xf32>
      %add3A_879 = arith.addf %mul3A_876, %mul3A_878 : vector<16xf32>
      %reduce_sum3A_880 = arith.constant true
      %reduce_sum3A_881 = vector.broadcast %reduce_sum3A_880 : i1 to vector<16xi1>
      %reduce_sum3A_882 = tpu.scan <sum>, %add3A_879 masked %reduce_sum3A_881 : vector<16xf32>, vector<16xi1> -> vector<16xf32>
      %reduce_sum3A_883 = vector.extract %reduce_sum3A_882[15] : f32 from vector<16xf32>
      %eq3A_884 = arith.constant 9 : i32
      %eq3A_885 = vector.broadcast %eq3A_884 : i32 to vector<16xi32>
      %eq3A_886 = arith.cmpi eq, %iota3A, %eq3A_885 : vector<16xi32>
      %broadcast_in_dim3A_887 = vector.broadcast %reduce_sum3A_883 : f32 to vector<16xf32>
      %select_n3A_888 = arith.select %eq3A_886, %broadcast_in_dim3A_887, %select_n3A_821 : vector<16xi1>, vector<16xf32>
      %mul3A_889 = arith.constant 16 : i32
      %mul3A_890 = arith.muli %scan3A_221, %mul3A_889 : i32
      %add3A_891 = arith.constant 10 : i32
      %add3A_892 = arith.addi %mul3A_890, %add3A_891 : i32
      %slice3A_893 = vector.extract_strided_slice %get3A_227 {offsets = [10], sizes = [1], strides = [1]} : vector<16xi32> to vector<1xi32>
      %squeeze3A_894 = vector.extract %slice3A_893[0] : i32 from vector<1xi32>
      %rem3A_895 = arith.constant 4 : i32
      %rem3A_896 = arith.remsi %squeeze3A_894, %rem3A_895 : i32
      %mul3A_897 = arith.constant 32 : i32
      %mul3A_898 = arith.muli %rem3A_896, %mul3A_897 : i32
      %div3A_899 = arith.constant 4 : i32
      %div3A_900 = arith.divsi %squeeze3A_894, %div3A_899 : i32
      %mul3A_901 = arith.constant 32 : i32
      %mul3A_902 = arith.muli %div3A_900, %mul3A_901 : i32
      %broadcast_in_dim3A_903 = vector.broadcast %add3A_892 : i32 to vector<16xi32>
      %add3A_904 = vector.broadcast %mul3A_898 : i32 to vector<16xi32>
      %add3A_905 = arith.addi %add3A_904, %iota3A : vector<16xi32>
      %gather3A_906 = arith.constant 1 : i32
      %gather3A_907 = arith.constant 0 : i32
      %gather3A_908 = arith.constant 0 : i32
      %gather3A_909 = tpu.memref_slice %arg12[%gather3A_906, %gather3A_907, %gather3A_908] : memref<2x128x128xf32, #tpu.memory_space<vmem>> -> memref<1x128x128xf32, #tpu.memory_space<vmem>>
      %gather3A_910 = tpu.memref_squeeze %gather3A_909 : memref<1x128x128xf32, #tpu.memory_space<vmem>> -> memref<128x128xf32, #tpu.memory_space<vmem>>
      %gather3A_911 = tpu.vector_load_idx %gather3A_910[%broadcast_in_dim3A_903, %add3A_905] : memref<128x128xf32, #tpu.memory_space<vmem>>[vector<16xi32>, vector<16xi32>], vector<16xf32>,
      %add3A_912 = vector.broadcast %mul3A_898 : i32 to vector<16xi32>
      %add3A_913 = arith.addi %add3A_912, %iota3A : vector<16xi32>
      %add3A_914 = arith.constant 16 : i32
      %add3A_915 = vector.broadcast %add3A_914 : i32 to vector<16xi32>
      %add3A_916 = arith.addi %add3A_913, %add3A_915 : vector<16xi32>
      %gather3A_917 = arith.constant 1 : i32
      %gather3A_918 = arith.constant 0 : i32
      %gather3A_919 = arith.constant 0 : i32
      %gather3A_920 = tpu.memref_slice %arg12[%gather3A_917, %gather3A_918, %gather3A_919] : memref<2x128x128xf32, #tpu.memory_space<vmem>> -> memref<1x128x128xf32, #tpu.memory_space<vmem>>
      %gather3A_921 = tpu.memref_squeeze %gather3A_920 : memref<1x128x128xf32, #tpu.memory_space<vmem>> -> memref<128x128xf32, #tpu.memory_space<vmem>>
      %gather3A_922 = tpu.vector_load_idx %gather3A_921[%broadcast_in_dim3A_903, %add3A_916] : memref<128x128xf32, #tpu.memory_space<vmem>>[vector<16xi32>, vector<16xi32>], vector<16xf32>,
      %add3A_923 = vector.broadcast %mul3A_902 : i32 to vector<16xi32>
      %add3A_924 = arith.addi %add3A_923, %iota3A : vector<16xi32>
      %gather3A_925 = arith.constant 1 : i32
      %gather3A_926 = arith.constant 0 : i32
      %gather3A_927 = arith.constant 0 : i32
      %gather3A_928 = tpu.memref_slice %arg13[%gather3A_925, %gather3A_926, %gather3A_927] : memref<2x128x128xf32, #tpu.memory_space<vmem>> -> memref<1x128x128xf32, #tpu.memory_space<vmem>>
      %gather3A_929 = tpu.memref_squeeze %gather3A_928 : memref<1x128x128xf32, #tpu.memory_space<vmem>> -> memref<128x128xf32, #tpu.memory_space<vmem>>
      %gather3A_930 = tpu.vector_load_idx %gather3A_929[%broadcast_in_dim3A_903, %add3A_924] : memref<128x128xf32, #tpu.memory_space<vmem>>[vector<16xi32>, vector<16xi32>], vector<16xf32>,
      %add3A_931 = vector.broadcast %mul3A_902 : i32 to vector<16xi32>
      %add3A_932 = arith.addi %add3A_931, %iota3A : vector<16xi32>
      %add3A_933 = arith.constant 16 : i32
      %add3A_934 = vector.broadcast %add3A_933 : i32 to vector<16xi32>
      %add3A_935 = arith.addi %add3A_932, %add3A_934 : vector<16xi32>
      %gather3A_936 = arith.constant 1 : i32
      %gather3A_937 = arith.constant 0 : i32
      %gather3A_938 = arith.constant 0 : i32
      %gather3A_939 = tpu.memref_slice %arg13[%gather3A_936, %gather3A_937, %gather3A_938] : memref<2x128x128xf32, #tpu.memory_space<vmem>> -> memref<1x128x128xf32, #tpu.memory_space<vmem>>
      %gather3A_940 = tpu.memref_squeeze %gather3A_939 : memref<1x128x128xf32, #tpu.memory_space<vmem>> -> memref<128x128xf32, #tpu.memory_space<vmem>>
      %gather3A_941 = tpu.vector_load_idx %gather3A_940[%broadcast_in_dim3A_903, %add3A_935] : memref<128x128xf32, #tpu.memory_space<vmem>>[vector<16xi32>, vector<16xi32>], vector<16xf32>,
      %mul3A_942 = arith.mulf %gather3A_911, %gather3A_930 : vector<16xf32>
      %mul3A_943 = arith.mulf %mul3A_942, %get3A_3 : vector<16xf32>
      %mul3A_944 = arith.mulf %gather3A_922, %gather3A_941 : vector<16xf32>
      %mul3A_945 = arith.mulf %mul3A_944, %get3A_5 : vector<16xf32>
      %add3A_946 = arith.addf %mul3A_943, %mul3A_945 : vector<16xf32>
      %reduce_sum3A_947 = arith.constant true
      %reduce_sum3A_948 = vector.broadcast %reduce_sum3A_947 : i1 to vector<16xi1>
      %reduce_sum3A_949 = tpu.scan <sum>, %add3A_946 masked %reduce_sum3A_948 : vector<16xf32>, vector<16xi1> -> vector<16xf32>
      %reduce_sum3A_950 = vector.extract %reduce_sum3A_949[15] : f32 from vector<16xf32>
      %eq3A_951 = arith.constant 10 : i32
      %eq3A_952 = vector.broadcast %eq3A_951 : i32 to vector<16xi32>
      %eq3A_953 = arith.cmpi eq, %iota3A, %eq3A_952 : vector<16xi32>
      %broadcast_in_dim3A_954 = vector.broadcast %reduce_sum3A_950 : f32 to vector<16xf32>
      %select_n3A_955 = arith.select %eq3A_953, %broadcast_in_dim3A_954, %select_n3A_888 : vector<16xi1>, vector<16xf32>
      %mul3A_956 = arith.constant 16 : i32
      %mul3A_957 = arith.muli %scan3A_221, %mul3A_956 : i32
      %add3A_958 = arith.constant 11 : i32
      %add3A_959 = arith.addi %mul3A_957, %add3A_958 : i32
      %slice3A_960 = vector.extract_strided_slice %get3A_227 {offsets = [11], sizes = [1], strides = [1]} : vector<16xi32> to vector<1xi32>
      %squeeze3A_961 = vector.extract %slice3A_960[0] : i32 from vector<1xi32>
      %rem3A_962 = arith.constant 4 : i32
      %rem3A_963 = arith.remsi %squeeze3A_961, %rem3A_962 : i32
      %mul3A_964 = arith.constant 32 : i32
      %mul3A_965 = arith.muli %rem3A_963, %mul3A_964 : i32
      %div3A_966 = arith.constant 4 : i32
      %div3A_967 = arith.divsi %squeeze3A_961, %div3A_966 : i32
      %mul3A_968 = arith.constant 32 : i32
      %mul3A_969 = arith.muli %div3A_967, %mul3A_968 : i32
      %broadcast_in_dim3A_970 = vector.broadcast %add3A_959 : i32 to vector<16xi32>
      %add3A_971 = vector.broadcast %mul3A_965 : i32 to vector<16xi32>
      %add3A_972 = arith.addi %add3A_971, %iota3A : vector<16xi32>
      %gather3A_973 = arith.constant 1 : i32
      %gather3A_974 = arith.constant 0 : i32
      %gather3A_975 = arith.constant 0 : i32
      %gather3A_976 = tpu.memref_slice %arg12[%gather3A_973, %gather3A_974, %gather3A_975] : memref<2x128x128xf32, #tpu.memory_space<vmem>> -> memref<1x128x128xf32, #tpu.memory_space<vmem>>
      %gather3A_977 = tpu.memref_squeeze %gather3A_976 : memref<1x128x128xf32, #tpu.memory_space<vmem>> -> memref<128x128xf32, #tpu.memory_space<vmem>>
      %gather3A_978 = tpu.vector_load_idx %gather3A_977[%broadcast_in_dim3A_970, %add3A_972] : memref<128x128xf32, #tpu.memory_space<vmem>>[vector<16xi32>, vector<16xi32>], vector<16xf32>,
      %add3A_979 = vector.broadcast %mul3A_965 : i32 to vector<16xi32>
      %add3A_980 = arith.addi %add3A_979, %iota3A : vector<16xi32>
      %add3A_981 = arith.constant 16 : i32
      %add3A_982 = vector.broadcast %add3A_981 : i32 to vector<16xi32>
      %add3A_983 = arith.addi %add3A_980, %add3A_982 : vector<16xi32>
      %gather3A_984 = arith.constant 1 : i32
      %gather3A_985 = arith.constant 0 : i32
      %gather3A_986 = arith.constant 0 : i32
      %gather3A_987 = tpu.memref_slice %arg12[%gather3A_984, %gather3A_985, %gather3A_986] : memref<2x128x128xf32, #tpu.memory_space<vmem>> -> memref<1x128x128xf32, #tpu.memory_space<vmem>>
      %gather3A_988 = tpu.memref_squeeze %gather3A_987 : memref<1x128x128xf32, #tpu.memory_space<vmem>> -> memref<128x128xf32, #tpu.memory_space<vmem>>
      %gather3A_989 = tpu.vector_load_idx %gather3A_988[%broadcast_in_dim3A_970, %add3A_983] : memref<128x128xf32, #tpu.memory_space<vmem>>[vector<16xi32>, vector<16xi32>], vector<16xf32>,
      %add3A_990 = vector.broadcast %mul3A_969 : i32 to vector<16xi32>
      %add3A_991 = arith.addi %add3A_990, %iota3A : vector<16xi32>
      %gather3A_992 = arith.constant 1 : i32
      %gather3A_993 = arith.constant 0 : i32
      %gather3A_994 = arith.constant 0 : i32
      %gather3A_995 = tpu.memref_slice %arg13[%gather3A_992, %gather3A_993, %gather3A_994] : memref<2x128x128xf32, #tpu.memory_space<vmem>> -> memref<1x128x128xf32, #tpu.memory_space<vmem>>
      %gather3A_996 = tpu.memref_squeeze %gather3A_995 : memref<1x128x128xf32, #tpu.memory_space<vmem>> -> memref<128x128xf32, #tpu.memory_space<vmem>>
      %gather3A_997 = tpu.vector_load_idx %gather3A_996[%broadcast_in_dim3A_970, %add3A_991] : memref<128x128xf32, #tpu.memory_space<vmem>>[vector<16xi32>, vector<16xi32>], vector<16xf32>,
      %add3A_998 = vector.broadcast %mul3A_969 : i32 to vector<16xi32>
      %add3A_999 = arith.addi %add3A_998, %iota3A : vector<16xi32>
      %add3A_1000 = arith.constant 16 : i32
      %add3A_1001 = vector.broadcast %add3A_1000 : i32 to vector<16xi32>
      %add3A_1002 = arith.addi %add3A_999, %add3A_1001 : vector<16xi32>
      %gather3A_1003 = arith.constant 1 : i32
      %gather3A_1004 = arith.constant 0 : i32
      %gather3A_1005 = arith.constant 0 : i32
      %gather3A_1006 = tpu.memref_slice %arg13[%gather3A_1003, %gather3A_1004, %gather3A_1005] : memref<2x128x128xf32, #tpu.memory_space<vmem>> -> memref<1x128x128xf32, #tpu.memory_space<vmem>>
      %gather3A_1007 = tpu.memref_squeeze %gather3A_1006 : memref<1x128x128xf32, #tpu.memory_space<vmem>> -> memref<128x128xf32, #tpu.memory_space<vmem>>
      %gather3A_1008 = tpu.vector_load_idx %gather3A_1007[%broadcast_in_dim3A_970, %add3A_1002] : memref<128x128xf32, #tpu.memory_space<vmem>>[vector<16xi32>, vector<16xi32>], vector<16xf32>,
      %mul3A_1009 = arith.mulf %gather3A_978, %gather3A_997 : vector<16xf32>
      %mul3A_1010 = arith.mulf %mul3A_1009, %get3A_3 : vector<16xf32>
      %mul3A_1011 = arith.mulf %gather3A_989, %gather3A_1008 : vector<16xf32>
      %mul3A_1012 = arith.mulf %mul3A_1011, %get3A_5 : vector<16xf32>
      %add3A_1013 = arith.addf %mul3A_1010, %mul3A_1012 : vector<16xf32>
      %reduce_sum3A_1014 = arith.constant true
      %reduce_sum3A_1015 = vector.broadcast %reduce_sum3A_1014 : i1 to vector<16xi1>
      %reduce_sum3A_1016 = tpu.scan <sum>, %add3A_1013 masked %reduce_sum3A_1015 : vector<16xf32>, vector<16xi1> -> vector<16xf32>
      %reduce_sum3A_1017 = vector.extract %reduce_sum3A_1016[15] : f32 from vector<16xf32>
      %eq3A_1018 = arith.constant 11 : i32
      %eq3A_1019 = vector.broadcast %eq3A_1018 : i32 to vector<16xi32>
      %eq3A_1020 = arith.cmpi eq, %iota3A, %eq3A_1019 : vector<16xi32>
      %broadcast_in_dim3A_1021 = vector.broadcast %reduce_sum3A_1017 : f32 to vector<16xf32>
      %select_n3A_1022 = arith.select %eq3A_1020, %broadcast_in_dim3A_1021, %select_n3A_955 : vector<16xi1>, vector<16xf32>
      %mul3A_1023 = arith.constant 16 : i32
      %mul3A_1024 = arith.muli %scan3A_221, %mul3A_1023 : i32
      %add3A_1025 = arith.constant 12 : i32
      %add3A_1026 = arith.addi %mul3A_1024, %add3A_1025 : i32
      %slice3A_1027 = vector.extract_strided_slice %get3A_227 {offsets = [12], sizes = [1], strides = [1]} : vector<16xi32> to vector<1xi32>
      %squeeze3A_1028 = vector.extract %slice3A_1027[0] : i32 from vector<1xi32>
      %rem3A_1029 = arith.constant 4 : i32
      %rem3A_1030 = arith.remsi %squeeze3A_1028, %rem3A_1029 : i32
      %mul3A_1031 = arith.constant 32 : i32
      %mul3A_1032 = arith.muli %rem3A_1030, %mul3A_1031 : i32
      %div3A_1033 = arith.constant 4 : i32
      %div3A_1034 = arith.divsi %squeeze3A_1028, %div3A_1033 : i32
      %mul3A_1035 = arith.constant 32 : i32
      %mul3A_1036 = arith.muli %div3A_1034, %mul3A_1035 : i32
      %broadcast_in_dim3A_1037 = vector.broadcast %add3A_1026 : i32 to vector<16xi32>
      %add3A_1038 = vector.broadcast %mul3A_1032 : i32 to vector<16xi32>
      %add3A_1039 = arith.addi %add3A_1038, %iota3A : vector<16xi32>
      %gather3A_1040 = arith.constant 1 : i32
      %gather3A_1041 = arith.constant 0 : i32
      %gather3A_1042 = arith.constant 0 : i32
      %gather3A_1043 = tpu.memref_slice %arg12[%gather3A_1040, %gather3A_1041, %gather3A_1042] : memref<2x128x128xf32, #tpu.memory_space<vmem>> -> memref<1x128x128xf32, #tpu.memory_space<vmem>>
      %gather3A_1044 = tpu.memref_squeeze %gather3A_1043 : memref<1x128x128xf32, #tpu.memory_space<vmem>> -> memref<128x128xf32, #tpu.memory_space<vmem>>
      %gather3A_1045 = tpu.vector_load_idx %gather3A_1044[%broadcast_in_dim3A_1037, %add3A_1039] : memref<128x128xf32, #tpu.memory_space<vmem>>[vector<16xi32>, vector<16xi32>], vector<16xf32>,
      %add3A_1046 = vector.broadcast %mul3A_1032 : i32 to vector<16xi32>
      %add3A_1047 = arith.addi %add3A_1046, %iota3A : vector<16xi32>
      %add3A_1048 = arith.constant 16 : i32
      %add3A_1049 = vector.broadcast %add3A_1048 : i32 to vector<16xi32>
      %add3A_1050 = arith.addi %add3A_1047, %add3A_1049 : vector<16xi32>
      %gather3A_1051 = arith.constant 1 : i32
      %gather3A_1052 = arith.constant 0 : i32
      %gather3A_1053 = arith.constant 0 : i32
      %gather3A_1054 = tpu.memref_slice %arg12[%gather3A_1051, %gather3A_1052, %gather3A_1053] : memref<2x128x128xf32, #tpu.memory_space<vmem>> -> memref<1x128x128xf32, #tpu.memory_space<vmem>>
      %gather3A_1055 = tpu.memref_squeeze %gather3A_1054 : memref<1x128x128xf32, #tpu.memory_space<vmem>> -> memref<128x128xf32, #tpu.memory_space<vmem>>
      %gather3A_1056 = tpu.vector_load_idx %gather3A_1055[%broadcast_in_dim3A_1037, %add3A_1050] : memref<128x128xf32, #tpu.memory_space<vmem>>[vector<16xi32>, vector<16xi32>], vector<16xf32>,
      %add3A_1057 = vector.broadcast %mul3A_1036 : i32 to vector<16xi32>
      %add3A_1058 = arith.addi %add3A_1057, %iota3A : vector<16xi32>
      %gather3A_1059 = arith.constant 1 : i32
      %gather3A_1060 = arith.constant 0 : i32
      %gather3A_1061 = arith.constant 0 : i32
      %gather3A_1062 = tpu.memref_slice %arg13[%gather3A_1059, %gather3A_1060, %gather3A_1061] : memref<2x128x128xf32, #tpu.memory_space<vmem>> -> memref<1x128x128xf32, #tpu.memory_space<vmem>>
      %gather3A_1063 = tpu.memref_squeeze %gather3A_1062 : memref<1x128x128xf32, #tpu.memory_space<vmem>> -> memref<128x128xf32, #tpu.memory_space<vmem>>
      %gather3A_1064 = tpu.vector_load_idx %gather3A_1063[%broadcast_in_dim3A_1037, %add3A_1058] : memref<128x128xf32, #tpu.memory_space<vmem>>[vector<16xi32>, vector<16xi32>], vector<16xf32>,
      %add3A_1065 = vector.broadcast %mul3A_1036 : i32 to vector<16xi32>
      %add3A_1066 = arith.addi %add3A_1065, %iota3A : vector<16xi32>
      %add3A_1067 = arith.constant 16 : i32
      %add3A_1068 = vector.broadcast %add3A_1067 : i32 to vector<16xi32>
      %add3A_1069 = arith.addi %add3A_1066, %add3A_1068 : vector<16xi32>
      %gather3A_1070 = arith.constant 1 : i32
      %gather3A_1071 = arith.constant 0 : i32
      %gather3A_1072 = arith.constant 0 : i32
      %gather3A_1073 = tpu.memref_slice %arg13[%gather3A_1070, %gather3A_1071, %gather3A_1072] : memref<2x128x128xf32, #tpu.memory_space<vmem>> -> memref<1x128x128xf32, #tpu.memory_space<vmem>>
      %gather3A_1074 = tpu.memref_squeeze %gather3A_1073 : memref<1x128x128xf32, #tpu.memory_space<vmem>> -> memref<128x128xf32, #tpu.memory_space<vmem>>
      %gather3A_1075 = tpu.vector_load_idx %gather3A_1074[%broadcast_in_dim3A_1037, %add3A_1069] : memref<128x128xf32, #tpu.memory_space<vmem>>[vector<16xi32>, vector<16xi32>], vector<16xf32>,
      %mul3A_1076 = arith.mulf %gather3A_1045, %gather3A_1064 : vector<16xf32>
      %mul3A_1077 = arith.mulf %mul3A_1076, %get3A_3 : vector<16xf32>
      %mul3A_1078 = arith.mulf %gather3A_1056, %gather3A_1075 : vector<16xf32>
      %mul3A_1079 = arith.mulf %mul3A_1078, %get3A_5 : vector<16xf32>
      %add3A_1080 = arith.addf %mul3A_1077, %mul3A_1079 : vector<16xf32>
      %reduce_sum3A_1081 = arith.constant true
      %reduce_sum3A_1082 = vector.broadcast %reduce_sum3A_1081 : i1 to vector<16xi1>
      %reduce_sum3A_1083 = tpu.scan <sum>, %add3A_1080 masked %reduce_sum3A_1082 : vector<16xf32>, vector<16xi1> -> vector<16xf32>
      %reduce_sum3A_1084 = vector.extract %reduce_sum3A_1083[15] : f32 from vector<16xf32>
      %eq3A_1085 = arith.constant 12 : i32
      %eq3A_1086 = vector.broadcast %eq3A_1085 : i32 to vector<16xi32>
      %eq3A_1087 = arith.cmpi eq, %iota3A, %eq3A_1086 : vector<16xi32>
      %broadcast_in_dim3A_1088 = vector.broadcast %reduce_sum3A_1084 : f32 to vector<16xf32>
      %select_n3A_1089 = arith.select %eq3A_1087, %broadcast_in_dim3A_1088, %select_n3A_1022 : vector<16xi1>, vector<16xf32>
      %mul3A_1090 = arith.constant 16 : i32
      %mul3A_1091 = arith.muli %scan3A_221, %mul3A_1090 : i32
      %add3A_1092 = arith.constant 13 : i32
      %add3A_1093 = arith.addi %mul3A_1091, %add3A_1092 : i32
      %slice3A_1094 = vector.extract_strided_slice %get3A_227 {offsets = [13], sizes = [1], strides = [1]} : vector<16xi32> to vector<1xi32>
      %squeeze3A_1095 = vector.extract %slice3A_1094[0] : i32 from vector<1xi32>
      %rem3A_1096 = arith.constant 4 : i32
      %rem3A_1097 = arith.remsi %squeeze3A_1095, %rem3A_1096 : i32
      %mul3A_1098 = arith.constant 32 : i32
      %mul3A_1099 = arith.muli %rem3A_1097, %mul3A_1098 : i32
      %div3A_1100 = arith.constant 4 : i32
      %div3A_1101 = arith.divsi %squeeze3A_1095, %div3A_1100 : i32
      %mul3A_1102 = arith.constant 32 : i32
      %mul3A_1103 = arith.muli %div3A_1101, %mul3A_1102 : i32
      %broadcast_in_dim3A_1104 = vector.broadcast %add3A_1093 : i32 to vector<16xi32>
      %add3A_1105 = vector.broadcast %mul3A_1099 : i32 to vector<16xi32>
      %add3A_1106 = arith.addi %add3A_1105, %iota3A : vector<16xi32>
      %gather3A_1107 = arith.constant 1 : i32
      %gather3A_1108 = arith.constant 0 : i32
      %gather3A_1109 = arith.constant 0 : i32
      %gather3A_1110 = tpu.memref_slice %arg12[%gather3A_1107, %gather3A_1108, %gather3A_1109] : memref<2x128x128xf32, #tpu.memory_space<vmem>> -> memref<1x128x128xf32, #tpu.memory_space<vmem>>
      %gather3A_1111 = tpu.memref_squeeze %gather3A_1110 : memref<1x128x128xf32, #tpu.memory_space<vmem>> -> memref<128x128xf32, #tpu.memory_space<vmem>>
      %gather3A_1112 = tpu.vector_load_idx %gather3A_1111[%broadcast_in_dim3A_1104, %add3A_1106] : memref<128x128xf32, #tpu.memory_space<vmem>>[vector<16xi32>, vector<16xi32>], vector<16xf32>,
      %add3A_1113 = vector.broadcast %mul3A_1099 : i32 to vector<16xi32>
      %add3A_1114 = arith.addi %add3A_1113, %iota3A : vector<16xi32>
      %add3A_1115 = arith.constant 16 : i32
      %add3A_1116 = vector.broadcast %add3A_1115 : i32 to vector<16xi32>
      %add3A_1117 = arith.addi %add3A_1114, %add3A_1116 : vector<16xi32>
      %gather3A_1118 = arith.constant 1 : i32
      %gather3A_1119 = arith.constant 0 : i32
      %gather3A_1120 = arith.constant 0 : i32
      %gather3A_1121 = tpu.memref_slice %arg12[%gather3A_1118, %gather3A_1119, %gather3A_1120] : memref<2x128x128xf32, #tpu.memory_space<vmem>> -> memref<1x128x128xf32, #tpu.memory_space<vmem>>
      %gather3A_1122 = tpu.memref_squeeze %gather3A_1121 : memref<1x128x128xf32, #tpu.memory_space<vmem>> -> memref<128x128xf32, #tpu.memory_space<vmem>>
      %gather3A_1123 = tpu.vector_load_idx %gather3A_1122[%broadcast_in_dim3A_1104, %add3A_1117] : memref<128x128xf32, #tpu.memory_space<vmem>>[vector<16xi32>, vector<16xi32>], vector<16xf32>,
      %add3A_1124 = vector.broadcast %mul3A_1103 : i32 to vector<16xi32>
      %add3A_1125 = arith.addi %add3A_1124, %iota3A : vector<16xi32>
      %gather3A_1126 = arith.constant 1 : i32
      %gather3A_1127 = arith.constant 0 : i32
      %gather3A_1128 = arith.constant 0 : i32
      %gather3A_1129 = tpu.memref_slice %arg13[%gather3A_1126, %gather3A_1127, %gather3A_1128] : memref<2x128x128xf32, #tpu.memory_space<vmem>> -> memref<1x128x128xf32, #tpu.memory_space<vmem>>
      %gather3A_1130 = tpu.memref_squeeze %gather3A_1129 : memref<1x128x128xf32, #tpu.memory_space<vmem>> -> memref<128x128xf32, #tpu.memory_space<vmem>>
      %gather3A_1131 = tpu.vector_load_idx %gather3A_1130[%broadcast_in_dim3A_1104, %add3A_1125] : memref<128x128xf32, #tpu.memory_space<vmem>>[vector<16xi32>, vector<16xi32>], vector<16xf32>,
      %add3A_1132 = vector.broadcast %mul3A_1103 : i32 to vector<16xi32>
      %add3A_1133 = arith.addi %add3A_1132, %iota3A : vector<16xi32>
      %add3A_1134 = arith.constant 16 : i32
      %add3A_1135 = vector.broadcast %add3A_1134 : i32 to vector<16xi32>
      %add3A_1136 = arith.addi %add3A_1133, %add3A_1135 : vector<16xi32>
      %gather3A_1137 = arith.constant 1 : i32
      %gather3A_1138 = arith.constant 0 : i32
      %gather3A_1139 = arith.constant 0 : i32
      %gather3A_1140 = tpu.memref_slice %arg13[%gather3A_1137, %gather3A_1138, %gather3A_1139] : memref<2x128x128xf32, #tpu.memory_space<vmem>> -> memref<1x128x128xf32, #tpu.memory_space<vmem>>
      %gather3A_1141 = tpu.memref_squeeze %gather3A_1140 : memref<1x128x128xf32, #tpu.memory_space<vmem>> -> memref<128x128xf32, #tpu.memory_space<vmem>>
      %gather3A_1142 = tpu.vector_load_idx %gather3A_1141[%broadcast_in_dim3A_1104, %add3A_1136] : memref<128x128xf32, #tpu.memory_space<vmem>>[vector<16xi32>, vector<16xi32>], vector<16xf32>,
      %mul3A_1143 = arith.mulf %gather3A_1112, %gather3A_1131 : vector<16xf32>
      %mul3A_1144 = arith.mulf %mul3A_1143, %get3A_3 : vector<16xf32>
      %mul3A_1145 = arith.mulf %gather3A_1123, %gather3A_1142 : vector<16xf32>
      %mul3A_1146 = arith.mulf %mul3A_1145, %get3A_5 : vector<16xf32>
      %add3A_1147 = arith.addf %mul3A_1144, %mul3A_1146 : vector<16xf32>
      %reduce_sum3A_1148 = arith.constant true
      %reduce_sum3A_1149 = vector.broadcast %reduce_sum3A_1148 : i1 to vector<16xi1>
      %reduce_sum3A_1150 = tpu.scan <sum>, %add3A_1147 masked %reduce_sum3A_1149 : vector<16xf32>, vector<16xi1> -> vector<16xf32>
      %reduce_sum3A_1151 = vector.extract %reduce_sum3A_1150[15] : f32 from vector<16xf32>
      %eq3A_1152 = arith.constant 13 : i32
      %eq3A_1153 = vector.broadcast %eq3A_1152 : i32 to vector<16xi32>
      %eq3A_1154 = arith.cmpi eq, %iota3A, %eq3A_1153 : vector<16xi32>
      %broadcast_in_dim3A_1155 = vector.broadcast %reduce_sum3A_1151 : f32 to vector<16xf32>
      %select_n3A_1156 = arith.select %eq3A_1154, %broadcast_in_dim3A_1155, %select_n3A_1089 : vector<16xi1>, vector<16xf32>
      %mul3A_1157 = arith.constant 16 : i32
      %mul3A_1158 = arith.muli %scan3A_221, %mul3A_1157 : i32
      %add3A_1159 = arith.constant 14 : i32
      %add3A_1160 = arith.addi %mul3A_1158, %add3A_1159 : i32
      %slice3A_1161 = vector.extract_strided_slice %get3A_227 {offsets = [14], sizes = [1], strides = [1]} : vector<16xi32> to vector<1xi32>
      %squeeze3A_1162 = vector.extract %slice3A_1161[0] : i32 from vector<1xi32>
      %rem3A_1163 = arith.constant 4 : i32
      %rem3A_1164 = arith.remsi %squeeze3A_1162, %rem3A_1163 : i32
      %mul3A_1165 = arith.constant 32 : i32
      %mul3A_1166 = arith.muli %rem3A_1164, %mul3A_1165 : i32
      %div3A_1167 = arith.constant 4 : i32
      %div3A_1168 = arith.divsi %squeeze3A_1162, %div3A_1167 : i32
      %mul3A_1169 = arith.constant 32 : i32
      %mul3A_1170 = arith.muli %div3A_1168, %mul3A_1169 : i32
      %broadcast_in_dim3A_1171 = vector.broadcast %add3A_1160 : i32 to vector<16xi32>
      %add3A_1172 = vector.broadcast %mul3A_1166 : i32 to vector<16xi32>
      %add3A_1173 = arith.addi %add3A_1172, %iota3A : vector<16xi32>
      %gather3A_1174 = arith.constant 1 : i32
      %gather3A_1175 = arith.constant 0 : i32
      %gather3A_1176 = arith.constant 0 : i32
      %gather3A_1177 = tpu.memref_slice %arg12[%gather3A_1174, %gather3A_1175, %gather3A_1176] : memref<2x128x128xf32, #tpu.memory_space<vmem>> -> memref<1x128x128xf32, #tpu.memory_space<vmem>>
      %gather3A_1178 = tpu.memref_squeeze %gather3A_1177 : memref<1x128x128xf32, #tpu.memory_space<vmem>> -> memref<128x128xf32, #tpu.memory_space<vmem>>
      %gather3A_1179 = tpu.vector_load_idx %gather3A_1178[%broadcast_in_dim3A_1171, %add3A_1173] : memref<128x128xf32, #tpu.memory_space<vmem>>[vector<16xi32>, vector<16xi32>], vector<16xf32>,
      %add3A_1180 = vector.broadcast %mul3A_1166 : i32 to vector<16xi32>
      %add3A_1181 = arith.addi %add3A_1180, %iota3A : vector<16xi32>
      %add3A_1182 = arith.constant 16 : i32
      %add3A_1183 = vector.broadcast %add3A_1182 : i32 to vector<16xi32>
      %add3A_1184 = arith.addi %add3A_1181, %add3A_1183 : vector<16xi32>
      %gather3A_1185 = arith.constant 1 : i32
      %gather3A_1186 = arith.constant 0 : i32
      %gather3A_1187 = arith.constant 0 : i32
      %gather3A_1188 = tpu.memref_slice %arg12[%gather3A_1185, %gather3A_1186, %gather3A_1187] : memref<2x128x128xf32, #tpu.memory_space<vmem>> -> memref<1x128x128xf32, #tpu.memory_space<vmem>>
      %gather3A_1189 = tpu.memref_squeeze %gather3A_1188 : memref<1x128x128xf32, #tpu.memory_space<vmem>> -> memref<128x128xf32, #tpu.memory_space<vmem>>
      %gather3A_1190 = tpu.vector_load_idx %gather3A_1189[%broadcast_in_dim3A_1171, %add3A_1184] : memref<128x128xf32, #tpu.memory_space<vmem>>[vector<16xi32>, vector<16xi32>], vector<16xf32>,
      %add3A_1191 = vector.broadcast %mul3A_1170 : i32 to vector<16xi32>
      %add3A_1192 = arith.addi %add3A_1191, %iota3A : vector<16xi32>
      %gather3A_1193 = arith.constant 1 : i32
      %gather3A_1194 = arith.constant 0 : i32
      %gather3A_1195 = arith.constant 0 : i32
      %gather3A_1196 = tpu.memref_slice %arg13[%gather3A_1193, %gather3A_1194, %gather3A_1195] : memref<2x128x128xf32, #tpu.memory_space<vmem>> -> memref<1x128x128xf32, #tpu.memory_space<vmem>>
      %gather3A_1197 = tpu.memref_squeeze %gather3A_1196 : memref<1x128x128xf32, #tpu.memory_space<vmem>> -> memref<128x128xf32, #tpu.memory_space<vmem>>
      %gather3A_1198 = tpu.vector_load_idx %gather3A_1197[%broadcast_in_dim3A_1171, %add3A_1192] : memref<128x128xf32, #tpu.memory_space<vmem>>[vector<16xi32>, vector<16xi32>], vector<16xf32>,
      %add3A_1199 = vector.broadcast %mul3A_1170 : i32 to vector<16xi32>
      %add3A_1200 = arith.addi %add3A_1199, %iota3A : vector<16xi32>
      %add3A_1201 = arith.constant 16 : i32
      %add3A_1202 = vector.broadcast %add3A_1201 : i32 to vector<16xi32>
      %add3A_1203 = arith.addi %add3A_1200, %add3A_1202 : vector<16xi32>
      %gather3A_1204 = arith.constant 1 : i32
      %gather3A_1205 = arith.constant 0 : i32
      %gather3A_1206 = arith.constant 0 : i32
      %gather3A_1207 = tpu.memref_slice %arg13[%gather3A_1204, %gather3A_1205, %gather3A_1206] : memref<2x128x128xf32, #tpu.memory_space<vmem>> -> memref<1x128x128xf32, #tpu.memory_space<vmem>>
      %gather3A_1208 = tpu.memref_squeeze %gather3A_1207 : memref<1x128x128xf32, #tpu.memory_space<vmem>> -> memref<128x128xf32, #tpu.memory_space<vmem>>
      %gather3A_1209 = tpu.vector_load_idx %gather3A_1208[%broadcast_in_dim3A_1171, %add3A_1203] : memref<128x128xf32, #tpu.memory_space<vmem>>[vector<16xi32>, vector<16xi32>], vector<16xf32>,
      %mul3A_1210 = arith.mulf %gather3A_1179, %gather3A_1198 : vector<16xf32>
      %mul3A_1211 = arith.mulf %mul3A_1210, %get3A_3 : vector<16xf32>
      %mul3A_1212 = arith.mulf %gather3A_1190, %gather3A_1209 : vector<16xf32>
      %mul3A_1213 = arith.mulf %mul3A_1212, %get3A_5 : vector<16xf32>
      %add3A_1214 = arith.addf %mul3A_1211, %mul3A_1213 : vector<16xf32>
      %reduce_sum3A_1215 = arith.constant true
      %reduce_sum3A_1216 = vector.broadcast %reduce_sum3A_1215 : i1 to vector<16xi1>
      %reduce_sum3A_1217 = tpu.scan <sum>, %add3A_1214 masked %reduce_sum3A_1216 : vector<16xf32>, vector<16xi1> -> vector<16xf32>
      %reduce_sum3A_1218 = vector.extract %reduce_sum3A_1217[15] : f32 from vector<16xf32>
      %eq3A_1219 = arith.constant 14 : i32
      %eq3A_1220 = vector.broadcast %eq3A_1219 : i32 to vector<16xi32>
      %eq3A_1221 = arith.cmpi eq, %iota3A, %eq3A_1220 : vector<16xi32>
      %broadcast_in_dim3A_1222 = vector.broadcast %reduce_sum3A_1218 : f32 to vector<16xf32>
      %select_n3A_1223 = arith.select %eq3A_1221, %broadcast_in_dim3A_1222, %select_n3A_1156 : vector<16xi1>, vector<16xf32>
      %mul3A_1224 = arith.constant 16 : i32
      %mul3A_1225 = arith.muli %scan3A_221, %mul3A_1224 : i32
      %add3A_1226 = arith.constant 15 : i32
      %add3A_1227 = arith.addi %mul3A_1225, %add3A_1226 : i32
      %slice3A_1228 = vector.extract_strided_slice %get3A_227 {offsets = [15], sizes = [1], strides = [1]} : vector<16xi32> to vector<1xi32>
      %squeeze3A_1229 = vector.extract %slice3A_1228[0] : i32 from vector<1xi32>
      %rem3A_1230 = arith.constant 4 : i32
      %rem3A_1231 = arith.remsi %squeeze3A_1229, %rem3A_1230 : i32
      %mul3A_1232 = arith.constant 32 : i32
      %mul3A_1233 = arith.muli %rem3A_1231, %mul3A_1232 : i32
      %div3A_1234 = arith.constant 4 : i32
      %div3A_1235 = arith.divsi %squeeze3A_1229, %div3A_1234 : i32
      %mul3A_1236 = arith.constant 32 : i32
      %mul3A_1237 = arith.muli %div3A_1235, %mul3A_1236 : i32
      %broadcast_in_dim3A_1238 = vector.broadcast %add3A_1227 : i32 to vector<16xi32>
      %add3A_1239 = vector.broadcast %mul3A_1233 : i32 to vector<16xi32>
      %add3A_1240 = arith.addi %add3A_1239, %iota3A : vector<16xi32>
      %gather3A_1241 = arith.constant 1 : i32
      %gather3A_1242 = arith.constant 0 : i32
      %gather3A_1243 = arith.constant 0 : i32
      %gather3A_1244 = tpu.memref_slice %arg12[%gather3A_1241, %gather3A_1242, %gather3A_1243] : memref<2x128x128xf32, #tpu.memory_space<vmem>> -> memref<1x128x128xf32, #tpu.memory_space<vmem>>
      %gather3A_1245 = tpu.memref_squeeze %gather3A_1244 : memref<1x128x128xf32, #tpu.memory_space<vmem>> -> memref<128x128xf32, #tpu.memory_space<vmem>>
      %gather3A_1246 = tpu.vector_load_idx %gather3A_1245[%broadcast_in_dim3A_1238, %add3A_1240] : memref<128x128xf32, #tpu.memory_space<vmem>>[vector<16xi32>, vector<16xi32>], vector<16xf32>,
      %add3A_1247 = vector.broadcast %mul3A_1233 : i32 to vector<16xi32>
      %add3A_1248 = arith.addi %add3A_1247, %iota3A : vector<16xi32>
      %add3A_1249 = arith.constant 16 : i32
      %add3A_1250 = vector.broadcast %add3A_1249 : i32 to vector<16xi32>
      %add3A_1251 = arith.addi %add3A_1248, %add3A_1250 : vector<16xi32>
      %gather3A_1252 = arith.constant 1 : i32
      %gather3A_1253 = arith.constant 0 : i32
      %gather3A_1254 = arith.constant 0 : i32
      %gather3A_1255 = tpu.memref_slice %arg12[%gather3A_1252, %gather3A_1253, %gather3A_1254] : memref<2x128x128xf32, #tpu.memory_space<vmem>> -> memref<1x128x128xf32, #tpu.memory_space<vmem>>
      %gather3A_1256 = tpu.memref_squeeze %gather3A_1255 : memref<1x128x128xf32, #tpu.memory_space<vmem>> -> memref<128x128xf32, #tpu.memory_space<vmem>>
      %gather3A_1257 = tpu.vector_load_idx %gather3A_1256[%broadcast_in_dim3A_1238, %add3A_1251] : memref<128x128xf32, #tpu.memory_space<vmem>>[vector<16xi32>, vector<16xi32>], vector<16xf32>,
      %add3A_1258 = vector.broadcast %mul3A_1237 : i32 to vector<16xi32>
      %add3A_1259 = arith.addi %add3A_1258, %iota3A : vector<16xi32>
      %gather3A_1260 = arith.constant 1 : i32
      %gather3A_1261 = arith.constant 0 : i32
      %gather3A_1262 = arith.constant 0 : i32
      %gather3A_1263 = tpu.memref_slice %arg13[%gather3A_1260, %gather3A_1261, %gather3A_1262] : memref<2x128x128xf32, #tpu.memory_space<vmem>> -> memref<1x128x128xf32, #tpu.memory_space<vmem>>
      %gather3A_1264 = tpu.memref_squeeze %gather3A_1263 : memref<1x128x128xf32, #tpu.memory_space<vmem>> -> memref<128x128xf32, #tpu.memory_space<vmem>>
      %gather3A_1265 = tpu.vector_load_idx %gather3A_1264[%broadcast_in_dim3A_1238, %add3A_1259] : memref<128x128xf32, #tpu.memory_space<vmem>>[vector<16xi32>, vector<16xi32>], vector<16xf32>,
      %add3A_1266 = vector.broadcast %mul3A_1237 : i32 to vector<16xi32>
      %add3A_1267 = arith.addi %add3A_1266, %iota3A : vector<16xi32>
      %add3A_1268 = arith.constant 16 : i32
      %add3A_1269 = vector.broadcast %add3A_1268 : i32 to vector<16xi32>
      %add3A_1270 = arith.addi %add3A_1267, %add3A_1269 : vector<16xi32>
      %gather3A_1271 = arith.constant 1 : i32
      %gather3A_1272 = arith.constant 0 : i32
      %gather3A_1273 = arith.constant 0 : i32
      %gather3A_1274 = tpu.memref_slice %arg13[%gather3A_1271, %gather3A_1272, %gather3A_1273] : memref<2x128x128xf32, #tpu.memory_space<vmem>> -> memref<1x128x128xf32, #tpu.memory_space<vmem>>
      %gather3A_1275 = tpu.memref_squeeze %gather3A_1274 : memref<1x128x128xf32, #tpu.memory_space<vmem>> -> memref<128x128xf32, #tpu.memory_space<vmem>>
      %gather3A_1276 = tpu.vector_load_idx %gather3A_1275[%broadcast_in_dim3A_1238, %add3A_1270] : memref<128x128xf32, #tpu.memory_space<vmem>>[vector<16xi32>, vector<16xi32>], vector<16xf32>,
      %mul3A_1277 = arith.mulf %gather3A_1246, %gather3A_1265 : vector<16xf32>
      %mul3A_1278 = arith.mulf %mul3A_1277, %get3A_3 : vector<16xf32>
      %mul3A_1279 = arith.mulf %gather3A_1257, %gather3A_1276 : vector<16xf32>
      %mul3A_1280 = arith.mulf %mul3A_1279, %get3A_5 : vector<16xf32>
      %add3A_1281 = arith.addf %mul3A_1278, %mul3A_1280 : vector<16xf32>
      %reduce_sum3A_1282 = arith.constant true
      %reduce_sum3A_1283 = vector.broadcast %reduce_sum3A_1282 : i1 to vector<16xi1>
      %reduce_sum3A_1284 = tpu.scan <sum>, %add3A_1281 masked %reduce_sum3A_1283 : vector<16xf32>, vector<16xi1> -> vector<16xf32>
      %reduce_sum3A_1285 = vector.extract %reduce_sum3A_1284[15] : f32 from vector<16xf32>
      %eq3A_1286 = arith.constant 15 : i32
      %eq3A_1287 = vector.broadcast %eq3A_1286 : i32 to vector<16xi32>
      %eq3A_1288 = arith.cmpi eq, %iota3A, %eq3A_1287 : vector<16xi32>
      %broadcast_in_dim3A_1289 = vector.broadcast %reduce_sum3A_1285 : f32 to vector<16xf32>
      %select_n3A_1290 = arith.select %eq3A_1288, %broadcast_in_dim3A_1289, %select_n3A_1223 : vector<16xi1>, vector<16xf32>
      %add3A_1291 = arith.addf %select_n3A_1290, %get3A_7 : vector<16xf32>
      %mul3A_1292 = arith.constant 16 : i32
      %mul3A_1293 = arith.muli %scan3A_221, %mul3A_1292 : i32
      %add3A_1294 = arith.constant 384 : i32
      %add3A_1295 = arith.addi %add3A_1294, %mul3A_1293 : i32
      %swap3A = arith.index_cast %add3A_1295 : i32 to index
      %swap3A_1296 = tpu.vector_load %arg15[%swap3A] {strides = array<i32>} : memref<512xf32, #tpu.memory_space<vmem>>, vector<16xf32>,
      tpu.vector_store %arg15[%swap3A], %add3A_1291 {strides = array<i32>} : memref<512xf32, #tpu.memory_space<vmem>>, vector<16xf32>,
    }
    %scan3A_220 = arith.constant 8 : i32
    "tpu.region"() ({
      %run_scoped3A = tpu.sem_alloc : memref<!tpu.dma_semaphore, #tpu.memory_space<semaphore_mem>>
      %dma_start3A_221 = tpu.memref_slice %arg8[%mul3A_2] : memref<16384xf32, #tpu.memory_space<hbm>> -> memref<512xf32, #tpu.memory_space<hbm>>
      %dma_start3A_222 = tpu.memref_slice %arg8[%mul3A_2] : memref<16384xf32, #tpu.memory_space<hbm>> -> memref<512xf32, #tpu.memory_space<hbm>>
      tpu.enqueue_dma source(%arg15 : memref<512xf32, #tpu.memory_space<vmem>>) target(%dma_start3A_222 : memref<512xf32, #tpu.memory_space<hbm>>) target_semaphore(%run_scoped3A : memref<!tpu.dma_semaphore, #tpu.memory_space<semaphore_mem>>)
      %dma_wait3A_223 = tpu.memref_slice %arg8[%mul3A_2] : memref<16384xf32, #tpu.memory_space<hbm>> -> memref<512xf32, #tpu.memory_space<hbm>>
      %dma_wait3A_224 = tpu.memref_slice %arg8[%mul3A_2] : memref<16384xf32, #tpu.memory_space<hbm>> -> memref<512xf32, #tpu.memory_space<hbm>>
      tpu.wait_dma2 semaphore(%run_scoped3A : memref<!tpu.dma_semaphore, #tpu.memory_space<semaphore_mem>>) src(%arg15 : memref<512xf32, #tpu.memory_space<vmem>>) dst(%dma_wait3A_224 : memref<512xf32, #tpu.memory_space<hbm>>)
      tpu.yield
    }) : () -> ()
    return
  }
}

module attributes {stable_mosaic.version = 14 : i64} {
  func.func @_tr_body(%arg0: i32, %arg1: memref<32x5120xf32, #tpu.memory_space<vmem>>, %arg2: memref<32x5120xf32, #tpu.memory_space<vmem>>, %arg3: memref<32x5120xf32, #tpu.memory_space<vmem>>, %arg4: memref<32x5120xf32, #tpu.memory_space<vmem>>, %arg5: memref<5120x128xf32, #tpu.memory_space<vmem>>) attributes {dimension_semantics = [#tpu.dimension_semantics<arbitrary>], iteration_bounds = array<i64: 49>, scalar_prefetch = 0 : i64, scratch_operands = 0 : i64, tpu.core_type = #tpu.core_type<tc>, window_params = [{transform_indices = @transform_0, window_bounds = array<i64: 32, 5120>}, {transform_indices = @transform_1, window_bounds = array<i64: 32, 5120>}, {transform_indices = @transform_2, window_bounds = array<i64: 32, 5120>}, {transform_indices = @transform_3, window_bounds = array<i64: 32, 5120>}, {transform_indices = @transform_4, window_bounds = array<i64: 5120, 128>}]} {
    %get3A = arith.constant 0 : index
    %get3A_0 = arith.constant 0 : index
    %get3A_1 = vector.load %arg1[%get3A, %get3A_0] : memref<32x5120xf32, #tpu.memory_space<vmem>>, vector<32x5120xf32>
    %transpose3A = tpu.transpose %get3A_1, [1, 0] : vector<32x5120xf32> -> vector<5120x32xf32>
    %swap3A = arith.constant 0 : index
    %swap3A_2 = arith.constant 0 : index
    %swap3A_3 = vector.load %arg5[%swap3A, %swap3A_2] : memref<5120x128xf32, #tpu.memory_space<vmem>>, vector<5120x32xf32>
    tpu.vector_store %arg5[%swap3A, %swap3A_2], %transpose3A {strides = array<i32>} : memref<5120x128xf32, #tpu.memory_space<vmem>>, vector<5120x32xf32>,
    %get3A_4 = arith.constant 0 : index
    %get3A_5 = arith.constant 0 : index
    %get3A_6 = vector.load %arg2[%get3A_4, %get3A_5] : memref<32x5120xf32, #tpu.memory_space<vmem>>, vector<32x5120xf32>
    %transpose3A_7 = tpu.transpose %get3A_6, [1, 0] : vector<32x5120xf32> -> vector<5120x32xf32>
    %swap3A_8 = arith.constant 0 : index
    %swap3A_9 = arith.constant 32 : index
    %swap3A_10 = vector.load %arg5[%swap3A_8, %swap3A_9] : memref<5120x128xf32, #tpu.memory_space<vmem>>, vector<5120x32xf32>
    tpu.vector_store %arg5[%swap3A_8, %swap3A_9], %transpose3A_7 {strides = array<i32>} : memref<5120x128xf32, #tpu.memory_space<vmem>>, vector<5120x32xf32>,
    %get3A_11 = arith.constant 0 : index
    %get3A_12 = arith.constant 0 : index
    %get3A_13 = vector.load %arg3[%get3A_11, %get3A_12] : memref<32x5120xf32, #tpu.memory_space<vmem>>, vector<32x5120xf32>
    %transpose3A_14 = tpu.transpose %get3A_13, [1, 0] : vector<32x5120xf32> -> vector<5120x32xf32>
    %swap3A_15 = arith.constant 0 : index
    %swap3A_16 = arith.constant 64 : index
    %swap3A_17 = vector.load %arg5[%swap3A_15, %swap3A_16] : memref<5120x128xf32, #tpu.memory_space<vmem>>, vector<5120x32xf32>
    tpu.vector_store %arg5[%swap3A_15, %swap3A_16], %transpose3A_14 {strides = array<i32>} : memref<5120x128xf32, #tpu.memory_space<vmem>>, vector<5120x32xf32>,
    %get3A_18 = arith.constant 0 : index
    %get3A_19 = arith.constant 0 : index
    %get3A_20 = vector.load %arg4[%get3A_18, %get3A_19] : memref<32x5120xf32, #tpu.memory_space<vmem>>, vector<32x5120xf32>
    %transpose3A_21 = tpu.transpose %get3A_20, [1, 0] : vector<32x5120xf32> -> vector<5120x32xf32>
    %swap3A_22 = arith.constant 0 : index
    %swap3A_23 = arith.constant 96 : index
    %swap3A_24 = vector.load %arg5[%swap3A_22, %swap3A_23] : memref<5120x128xf32, #tpu.memory_space<vmem>>, vector<5120x32xf32>
    tpu.vector_store %arg5[%swap3A_22, %swap3A_23], %transpose3A_21 {strides = array<i32>} : memref<5120x128xf32, #tpu.memory_space<vmem>>, vector<5120x32xf32>,
    return
  }
  func.func @transform_0(%arg0: i32) -> (i32, i32) {
    %add3A = arith.constant 0 : i32
    %add3A_0 = arith.addi %arg0, %add3A : i32
    %c0_i32 = arith.constant 0 : i32
    %c0_i32_1 = arith.constant 0 : i32
    return %c0_i32, %add3A_0 : i32, i32
  }
  func.func @transform_1(%arg0: i32) -> (i32, i32) {
    %add3A = arith.constant 49 : i32
    %add3A_0 = arith.addi %arg0, %add3A : i32
    %c0_i32 = arith.constant 0 : i32
    %c0_i32_1 = arith.constant 0 : i32
    return %c0_i32, %add3A_0 : i32, i32
  }
  func.func @transform_2(%arg0: i32) -> (i32, i32) {
    %add3A = arith.constant 98 : i32
    %add3A_0 = arith.addi %arg0, %add3A : i32
    %c0_i32 = arith.constant 0 : i32
    %c0_i32_1 = arith.constant 0 : i32
    return %c0_i32, %add3A_0 : i32, i32
  }
  func.func @transform_3(%arg0: i32) -> (i32, i32) {
    %add3A = arith.constant 147 : i32
    %add3A_0 = arith.addi %arg0, %add3A : i32
    %c0_i32 = arith.constant 0 : i32
    %c0_i32_1 = arith.constant 0 : i32
    return %c0_i32, %add3A_0 : i32, i32
  }
  func.func @transform_4(%arg0: i32) -> (i32, i32) {
    %c0_i32 = arith.constant 0 : i32
    %c0_i32_0 = arith.constant 0 : i32
    return %arg0, %c0_i32 : i32, i32
  }
}

</mosaic_0001>

<sc_bundles>
// kernel: kernel.5.cloned.1.call-start
scs
__scs_entry_jumppad:
0x0: {  	(pc) =	sbr.rel $0x88, $3  }
0x1: {  	(tag) =	ssettag $0x0;
	lr =	simm.s32 $0x1  }
0x2: {  	[smem:$0x3F9A] =	sst lr;
	_ =	strace $0xD0000000  }
0x3: {  	_ = 	snop  }
0x4: {  	_ = 	snop  }
0x5: {  	_ = 	snop  }
0x6: {  	_ = 	snop  }
0x7: {  	_ = 	snop  }
__scs_overlays_trampoline_lowered:
0x8: {  	[smem:$0x3FA9] =	sst s0  }
0x9: {  	[smem:$0x3FAA] =	sst s1  }
0xa: {  	[smem:$0x3FAB] =	sst s2  }
0xb: {  	[smem:$0x3FAC] =	sst s3  }
0xc: {  	[smem:$0x3FAD] =	sst s4  }
0xd: {  	[smem:$0x3FAE] =	sst s5  }
0xe: {  	[smem:$0x3FAF] =	sst s6  }
0xf: {  	[smem:$0x3FB0] =	sst s7  }
0x10: {  	[smem:$0x3FB1] =	sst s8  }
0x11: {  	[smem:$0x3FB2] =	sst s9;
	s0 =	simm.s32 @!p0 $0x0  }
0x12: {  	s1 =	sld [smem:$0x3F98];
	s0 =	simm.s32 @p0 $0x1  }
0x13: {  	[smem:$0x3FB3] =	sst s0;
	s0 =	simm.s32 @!p1 $0x0  }
0x14: {  	s2 =	sld [smem:$0x3F97];
	s0 =	simm.s32 @p1 $0x1  }
0x15: {  	[smem:$0x3FB4] =	sst s0;
	s0 =	simm.s32 @!p2 $0x0  }
0x16: {  	s3 =	sld [smem:$0x3FDB];
	s0 =	simm.s32 @p2 $0x1  }
0x17: {  	s4 =	simm.s32 $0x1BF5;
	[smem:$0x3FB6] =	sst s0  }
0x18: {  	s0 =	sld [smem:$0x3F99];
	_ =	swait.ge [sflag:s4], $0x0  }
0x19: {  	s7 =	sld [smem:$0x3F9A]  }
0x1a: {  	s8 =	sadd.s32 $0xFFFFE003, lr  }
0x1b: {  	s9 =	sadd.s32 $0xFFFFFEF7, lr;
	s5 =	simm.s32 $0xFFFFFFFF;
	p2 =	slt.u32 s8, $0xFFFFF086  }
0x1c: {  	p1 =	slt.u32 s9, $0xF7A;
	s5 =	simm.s32 @!p2 $0x0  }
0x1d: {  	s5 =	simm.s32 @p1 $0x1;
	p0 =	seq.s32 s7, s2  }
0x1e: {  	s7 =	smul.u32 @!p0 $0xF7A, s2;
	p2 =	seq.s32 @!p0 s5, $0x0  }
0x1f: {  	s9 =	smul.u32 $0xF7A, s1;
	s8 =	simm.s32 @!p0 $0x1BF5;
	p2 =	por !p2, p0  }
0x20: {  	[sflag:s8] =	ssyncset.s32 @!p0 $0xFFFFF086;
	s6 =	sadd.s32 @!p0 s3, s7;
	s7 =	simm.s32 @!p0 $0x108  }
0x21: {  	s3 =	sadd.s32 s3, s9;
	s6 =	sadd.s32 @!p0 $0x88, s6;
	s7 =	simm.s32 @p2 $0x1082  }
0x22: {  	[simem:s7], [sflag:s8] =	dma.local @!p0 [hbm:s6], $0xF7A  }
0x23: {  	s9 =	sor.u32 $0xD0000000, s2;
	s6 =	simm.s32 $0x108;
	_ =	swait.ge @!p0 [sflag:s8], $0x0  }
0x24: {  	s3 =	sadd.s32 $0x88, s3;
	s6 =	simm.s32 @!p1 $0x1082;
	[sflag:s4] =	ssyncset.s32 $0xFFFFF086  }
0x25: {  	[simem:s6], [sflag:s4] =	dma.local [hbm:s3], $0xF7A  }
0x26: {  	[smem:$0x3F9A] =	sst s1;
	(tag) =	ssettag s2;
	_ =	strace s9  }
0x27: {  	s1 =	sld [smem:$0x3FAA]  }
0x28: {  	s2 =	sld [smem:$0x3FAB]  }
0x29: {  	s4 =	sld [smem:$0x3FAD]  }
0x2a: {  	p0 =	seq.s32 s5, $0x0;
	s5 =	sld [smem:$0x3FAE]  }
0x2b: {  	s6 =	sld [smem:$0x3FAF]  }
0x2c: {  	s7 =	sld [smem:$0x3FB0]  }
0x2d: {  	s3 =	simm.s32 $0x108;
	s8 =	sld [smem:$0x3FB1]  }
0x2e: {  	s3 =	simm.s32 @!p0 $0x1082;
	s9 =	sld [smem:$0x3FB2]  }
0x2f: {  	lr =	sadd.s32 s0, s3;
	s0 =	sld [smem:$0x3FA9]  }
0x30: {  	s3 =	sld [smem:$0x3FAC]  }
0x31: {  	[smem:$0x3FB5] =	sst s10  }
0x32: {  	s10 =	sld [smem:$0x3FB3];
	_ =	sdelay $0x3  }
0x33: {  	p0 =	seq.s32 s10, $0x1;
	s10 =	sld [smem:$0x3FB5];
	_ =	sdelay $0x3  }
0x34: {  	[smem:$0x3FB5] =	sst s10  }
0x35: {  	s10 =	sld [smem:$0x3FB4];
	_ =	sdelay $0x3  }
0x36: {  	p1 =	seq.s32 s10, $0x1;
	s10 =	sld [smem:$0x3FB5];
	_ =	sdelay $0x3  }
0x37: {  	[smem:$0x3FB5] =	sst s10  }
0x38: {  	s10 =	sld [smem:$0x3FB6]  }
0x39: {  	_ = 	snop;
	(pc) =	sbr.ind lr, $3  }
0x3a: {  	_ = 	snop  }
0x3b: {  	_ = 	snop  }
0x3c: {  	p2 =	seq.s32 s10, $0x1;
	s10 =	sld [smem:$0x3FB5]  }
0x3d: {  	_ =	shalt  }
0x3e: {  	_ =	shalt  }
0x3f: {  	_ =	shalt  }
0x40: {  	_ =	shalt  }
0x41: {  	_ =	shalt  }
0x42: {  	_ =	shalt  }
0x43: {  	_ =	shalt  }
0x44: {  	_ =	shalt  }
0x45: {  	_ =	shalt  }
0x46: {  	_ =	shalt  }
0x47: {  	_ =	shalt  }
0x48: {  	_ =	shalt  }
0x49: {  	_ =	shalt  }
0x4a: {  	_ =	shalt  }
0x4b: {  	_ =	shalt  }
0x4c: {  	_ =	shalt  }
0x4d: {  	_ =	shalt  }
0x4e: {  	_ =	shalt  }
0x4f: {  	_ =	shalt  }
0x50: {  	_ =	shalt  }
0x51: {  	_ =	shalt  }
0x52: {  	_ =	shalt  }
0x53: {  	_ =	shalt  }
0x54: {  	_ =	shalt  }
0x55: {  	_ =	shalt  }
0x56: {  	_ =	shalt  }
0x57: {  	_ =	shalt  }
0x58: {  	_ =	shalt  }
0x59: {  	_ =	shalt  }
0x5a: {  	_ =	shalt  }
0x5b: {  	_ =	shalt  }
0x5c: {  	_ =	shalt  }
0x5d: {  	_ =	shalt  }
0x5e: {  	_ =	shalt  }
0x5f: {  	_ =	shalt  }
0x60: {  	_ =	shalt  }
0x61: {  	_ =	shalt  }
0x62: {  	_ =	shalt  }
0x63: {  	_ =	shalt  }
0x64: {  	_ =	shalt  }
0x65: {  	_ =	shalt  }
0x66: {  	_ =	shalt  }
0x67: {  	_ =	shalt  }
0x68: {  	_ =	shalt  }
0x69: {  	_ =	shalt  }
0x6a: {  	_ =	shalt  }
0x6b: {  	_ =	shalt  }
0x6c: {  	_ =	shalt  }
0x6d: {  	_ =	shalt  }
0x6e: {  	_ =	shalt  }
0x6f: {  	_ =	shalt  }
0x70: {  	_ =	shalt  }
0x71: {  	_ =	shalt  }
0x72: {  	_ =	shalt  }
0x73: {  	_ =	shalt  }
0x74: {  	_ =	shalt  }
0x75: {  	_ =	shalt  }
0x76: {  	_ =	shalt  }
0x77: {  	_ =	shalt  }
0x78: {  	_ =	shalt  }
0x79: {  	_ =	shalt  }
0x7a: {  	_ =	shalt  }
0x7b: {  	_ =	shalt  }
0x7c: {  	_ =	shalt  }
0x7d: {  	_ =	shalt  }
0x7e: {  	_ =	shalt  }
0x7f: {  	_ =	shalt  }
0x80: {  	_ =	shalt  }
0x81: {  	_ =	shalt  }
0x82: {  	_ =	shalt  }
0x83: {  	_ =	shalt  }
0x84: {  	_ =	shalt  }
0x85: {  	_ =	shalt  }
0x86: {  	_ =	shalt  }
0x87: {  	_ =	shalt  }
.Lfunc_end0:
.L_simem_size_0:
called_computation_lowered:
.L_overlay_start_0:
0x88: {  	s2 =	sld [smem:$0x3FD9]  }
0x89: {  	s3 =	sld [smem:$0x3FFE];
	_ =	sdelay $0x1  }
0x8a: {  	s1 =	srdreg.scid  }
0x8b: {  	s0 =	sand.u32 $0x1, s1  }
0x8c: {  	s17 =	sshll.u32 s0, $0xA;
	s2 =	sadd.s32 s3, s2  }
0x8d: {  	s2 =	sadd.s32 s2, s17  }
0x8e: {  	[smem:$0x3FC1] =	sst s2  }
0x8f: {  	_ = 	snop  }
0x90: {  	s2 =	sld [smem:$0x3FD0];
	(tm) =	ssettm $0x1  }
0x91: {  	s18 =	sld [smem:$0x3FFB];
	_ =	sdelay $0x3  }
0x92: {  	_ =	strace s18  }
0x93: {  	s3 =	sld [smem:$0x3FFC];
	_ =	sdelay $0x3  }
0x94: {  	_ =	strace s3  }
0x95: {  	s3 =	sld [smem:$0x3FFD];
	_ =	sdelay $0x3  }
0x96: {  	_ =	strace s3  }
0x97: {  	_ =	strace $0x8FFFFFFF  }
0x98: {  	s19 =	sld [smem:$0x3FDB];
	_ =	sdelay $0x1  }
0x99: {  	s4 =	simm.s32 $_scs_section_size  }
0x9a: {  	s5 =	simm.s32 $_size__tile_overlayer_lowered;
	s6 =	simm.s32 $_tile_overlayer_lowered  }
0x9b: {  	s22 =	simm.s32 $0x1BFF;
	s21 =	sshll.u32 s6, $0x1;
	s3 =	sadd.s32 s4, s19  }
0x9c: {  	s7 =	simm.s32 $0x0;
	s20 =	sshll.u32 s5, $0x1;
	s5 =	sadd.s32 s21, s3  }
0x9d: {  	[timem:s7], [sflag:s22] =	dma.local [hbm:s5], s20  }
0x9e: {  	_ =	swait.ge [sflag:s22], s20  }
0x9f: {  	s4 =	ssub.s32 $0x0, s20;
	[sflag:s22] =	ssyncset.done $0x0  }
0xa0: {  	[sflag:s22] =	ssyncadd.s32 s4;
	_ =	sdelay $0x1  }
0xa1: {  	s23 =	simm.s32 $0x1B8B  }
0xa2: {  	_ =	swait.ge [sflag:s23], $0x1  }
0xa3: {  	[sflag:s23] =	ssyncset.done $0x0  }
0xa4: {  	s25 =	simm.s32 $0x1B8E;
	s24 =	sld [smem:$0x3FFE];
	[sflag:s23] =	ssyncadd.s32 $0xFFFFFFFF  }
0xa5: {  	s26 =	simm.s32 $execute0_lowered;
	[smem:$0x3FD2] =	sst s25  }
0xa6: {  	s5 =	sshll.u32 s26, $0x1;
	_ =	strace $0x80000046;
	[dreg:$0x1] =	wrdreg $0xFFFFFFFF  }
0xa7: {  	s28 =	simm.s32 $_size_execute0_lowered;
	s3 =	sadd.s32 s3, s5;
	[dreg:$0x0] =	wrdreg $0x0  }
0xa8: {  	s5 =	sshll.u32 s28, $0x1;
	[dreg:$0x2] =	wrdreg s3  }
0xa9: {  	[dreg:$0x3] =	wrdreg s5  }
0xaa: {  	[dreg:$0x4] =	wrdreg $0xC0  }
0xab: {  	_ =	task [dreg:s7], $0x5FFFF  }
0xac: {  	[dreg:$0x1] =	wrdreg $0xFFFFFFFF  }
0xad: {  	[dreg:$0x0] =	wrdreg $0x60  }
0xae: {  	[dreg:$0x2] =	wrdreg s24  }
0xaf: {  	[dreg:$0x3] =	wrdreg s2  }
0xb0: {  	[dreg:$0x4] =	wrdreg $0x9  }
0xb1: {  	_ =	task.clear_ibuf [dreg:s7], $0x5FFFF;
	_ =	strace $0x90000046  }
0xb2: {  	s29 =	simm.s32 $0x9;
	_ =	strace $0x80000048  }
0xb3: {  	_ =	swait.ge [sflag:s29], $0x1  }
0xb4: {  	[sflag:s29] =	ssyncadd.s32 $0xFFFFFFFF  }
0xb5: {  	_ =	strace $0x90000048  }
0xb6: {  	_ =	sfence  }
0xb7: {  	s30 =	sld [smem:$0x0];
	_ =	sdelay $0x2  }
0xb8: {  	s31 =	sshll.u32 s1, $0xD;
	s1 =	sshrl.u32 s1, $0x2  }
0xb9: {  	s3 =	sand.u32 $0x4000, s31;
	s1 =	sadd.s32 s1, s30  }
0xba: {  	s0 =	sor.u32 s3, s0;
	s1 =	sshll.u32 s1, $0x11  }
0xbb: {  	s0 =	sor.u32 s1, s0  }
0xbc: {  	s0 =	sadd.s32 $0x8F2B, s0  }
0xbd: {  	[sflag:s0] =	ssyncadd.remote.s32 $0x1  }
0xbe: {  	_ =	sfence.sel $0xFFFF  }
0xbf: {  	[dreg:$0x0] =	wrdreg $0xFFFFFFFF;
	(pc) =	sbr.abs _section_cstart, $3  }
0xc0: {  	[dreg:$0x1] =	wrdreg $0xFFFFFFFF  }
0xc1: {  	_ =	task.clear_ibuf [dreg:s7], $0x2FFFF;
	_ =	strace $0x9FFFFFFF  }
0xc2: {  	(tm) =	ssettm $0x7FFFFFFF  }
0xc3: {  	_ =	shalt  }
tec
execute0_lowered:
.L_overlay_start_1:
0x0: {  	(tag) =	ssettag $0x1  }
0x1: {  	s0 =	rddreg [dreg:$0x0]  }
0x2: {  	s9 =	rddreg [dreg:$0x1];
	s3 =	srdreg.scid  }
0x3: {  	s1 =	stileid.u32;
	s2 =	simm.s32 $0x0;
	s13 =	simm.s32 $0x80  }
0x4: {  	s15 =	simm.s32 $0x600;
	s16 =	simm.s32 $0x8600;
	s17 =	simm.s32 $0x4600  }
0x5: {  	s19 =	simm.s32 $0xC600;
	s20 =	simm.s32 $0x1;
	s21 =	simm.s32 $0x2  }
0x6: {  	s24 =	simm.s32 $0x180;
	s25 =	simm.s32 $0x380;
	s26 =	simm.s32 $0x10680  }
0x7: {  	s28 =	simm.s32 $0x0;
	s5 =	sand.u32 $0x1, s3;
	s29 =	sshll.u32 s1, $0x1  }
0x8: {  	[smem:$0x7FF] =	sst s2;
	s30 =	sshll.u32 s1, $0x7;
	s4 =	sadd.s32 $0x3D6000, s0  }
0x9: {  	s6 =	sor.u32 s5, s29;
	_ =	strace $0x80000047;
	s3 =	sand.u32 $0x600, s30  }
0xa: {  	v0 =	vlaneseq.u32;
	vm0 =	vmmov $0x1;
	s11 =	ssub.s32 $0x2, s5;
	s5 =	sadd.s32 $0x7AA000, s0;
	s10 =	sshll.u32 s6, $0x6  }
0xb: {  	vm1 =	vmmov $0x3;
	vm2 =	vmmov $0x7;
	vm3 =	vmmov $0xf;
	s8 =	sadd.s32 s3, s0;
	s3 =	sadd.s32 $0x2000, s0;
	s6 =	sshll.u32 s6, $0x4  }
0xc: {  	vm4 =	vmmov $0x1f;
	vm5 =	vmmov $0x3f;
	vm6 =	vmmov $0x7f;
	s31 =	sshrl.u32 s11, $0x1;
	s7 =	sadd.s32 s10, s0;
	s12 =	sand.u32 $0x70, s6  }
0xd: {  	vm7 =	vmmov $0xff;
	vm8 =	vmmov $0x1ff;
	vm9 =	vmmov $0x3ff;
	s0 =	ssub.s32 s11, s31;
	s9 =	sadd.s32 s9, s10;
	s11 =	simm.s32 $0x3  }
0xe: {  	vm10 =	vmmov $0x7ff;
	vm11 =	vmmov $0xfff;
	vm12 =	vmmov $0x1fff;
	s6 =	sadd.s32 $0x800, s7;
	s8 =	sadd.s32 s12, s8;
	s7 =	sadd.s32 $0x1000, s7  }
0xf: {  	vm13 =	vmmov $0x3fff;
	vm14 =	vmmov $0x7fff;
	v1 =	vor.u32 $0x10, v0;
	s10 =	smax.u32 s0, $0x1;
	s12 =	simm.s32 $0x200;
	s8 =	sadd.s32 $0x1800, s8  }
.LBB2_1:
0x10: {  	[tilespmem:s2], [sflag:$0x3] =	stream.linear.gather [hbm4b:s6+s2], $0x200, $0x38;
	[tilespmem:$0x10880] =	vst v63  }
0x11: {  	_ =	swait.ge [sflag:s11], $0x200  }
0x12: {  	[sflag:s11] =	ssyncset.done $0x0  }
0x13: {  	[sflag:s11] =	ssyncadd.s32 $0xFFFFFE00  }
0x14: {  	[tilespmem:s12], [sflag:$0x3] =	stream.linear.gather [hbm4b:s7+s2], $0x200, $0x38;
	[tilespmem:$0x10880] =	vst v63  }
0x15: {  	_ =	swait.ge [sflag:s11], $0x200  }
0x16: {  	[sflag:s11] =	ssyncset.done $0x0  }
0x17: {  	s29 =	simm.s32 $0x400;
	[sflag:s11] =	ssyncadd.s32 $0xFFFFFE00  }
0x18: {  	[tilespmem:s29], [sflag:$0x3] =	stream.strided.gather [hbm4b:s8+s13], $0x200, s29, s13, $0x38;
	[tilespmem:$0x10880] =	vst v63  }
0x19: {  	_ =	swait.ge [sflag:s11], $0x200  }
0x1a: {  	[sflag:s11] =	ssyncset.done $0x0  }
0x1b: {  	s0 =	simm.s32 $0x10600;
	[sflag:s11] =	ssyncadd.s32 $0xFFFFFE00  }
0x1c: {  	[tilespmem:s0], [sflag:$0x3] =	stream.linear.gather [hbm4b:s5+s2], $0x80, $0x38;
	[tilespmem:$0x10880] =	vst v63  }
0x1d: {  	_ =	swait.ge [sflag:s11], $0x80  }
0x1e: {  	[sflag:s11] =	ssyncset.done $0x0  }
0x1f: {  	[sflag:s11] =	ssyncadd.s32 $0xFFFFFF80  }
0x20: {  	v2 =	vld [tilespmem:$0x10600]  }
0x21: {  	v3 =	vld [tilespmem:$0x10610]  }
0x22: {  	v4 =	vld [tilespmem:$0x10620];
	[tilespmem:s15], [sflag:$0x1] =	stream.indirect.gather [hbm4b:s3+s13], $0x80, s2, s13, $0xb8  }
0x23: {  	_ = 	snop  }
0x24: {  	[tilespmem:s16], [sflag:$0x2] =	stream.indirect.gather [hbm4b:s4+s13], $0x80, s12, s13, $0xb8;
	[tilespmem:$0x10880] =	vst v63  }
0x25: {  	_ = 	snop  }
0x26: {  	[tilespmem:s17], [sflag:$0x1] =	stream.indirect.gather [hbm4b:s3+s13], $0x80, s13, s13, $0xb8;
	[tilespmem:$0x10880] =	vst v63  }
0x27: {  	s23 =	simm.s32 $0x280  }
0x28: {  	[tilespmem:s19], [sflag:$0x2] =	stream.indirect.gather [hbm4b:s4+s13], $0x80, s23, s13, $0xb8;
	[tilespmem:$0x10880] =	vst v63  }
0x29: {  	_ =	swait.ge [sflag:s20], $0x4000  }
0x2a: {  	[sflag:s20] =	ssyncset.done $0x0  }
0x2b: {  	[sflag:s20] =	ssyncadd.s32 $0xFFFFC000  }
0x2c: {  	_ =	swait.ge [sflag:s21], $0x4000  }
0x2d: {  	[sflag:s21] =	ssyncset.done $0x0  }
0x2e: {  	s30 =	simm.s32 $0xF;
	s31 =	simm.s32 $0x10680;
	[sflag:s21] =	ssyncadd.s32 $0xFFFFC000  }
.LBB2_2:
0x2f: {  	v5 =	vld [tilespmem:s29+$0x0];
	_ =	sdelay $0x4  }
0x30: {  	(v2sf) =	vpush v5, $0x0;
	_ =	sdelay $0x4  }
0x31: {  	(v2sf) =	vpush v5, $0x1;
	_ =	sdelay $0x1  }
0x32: {  	(v2sf) =	vpush v5, $0x2;
	_ =	sdelay $0x7  }
0x33: {  	s0 =	spop (v2sf)  }
0x34: {  	s1 =	sshra.s32 s0, $0x1F  }
0x35: {  	s1 =	sshrl.u32 s1, $0x1E  }
0x36: {  	s1 =	sadd.s32 s1, s0  }
0x37: {  	s1 =	sshra.s32 s1, $0x2  }
0x38: {  	(v2sf) =	vpush v5, $0x3;
	s18 =	spop (v2sf);
	s14 =	sshll.u32 s1, $0x7;
	s1 =	sshll.u32 s1, $0x5  }
0x39: {  	(v2sf) =	vpush v5, $0x4;
	s22 =	sshra.s32 s18, $0x1F;
	s0 =	sshll.u32 s0, $0x5;
	v9 =	vmov s1  }
0x3a: {  	s22 =	sshrl.u32 s22, $0x1E;
	s14 =	ssub.s32 s0, s14;
	v10 =	vor.u32 s1, v0;
	v24 =	vor.u32 s1, v1;
	s1 =	spop (v2sf);
	(v2sf) =	vpush v5, $0x5  }
0x3b: {  	s22 =	sadd.s32 s22, s18;
	v6 =	vmov s14;
	v7 =	vor.u32 s14, v0;
	v8 =	vor.u32 s14, v1  }
0x3c: {  	s0 =	sshll.u32 s30, $0x7;
	s14 =	sshra.s32 s22, $0x2;
	v9 =	vand.u32 $0xFFFFFF80, v9;
	v23 =	vand.u32 $0x6F, v10;
	v10 =	vand.u32 $0x7F, v24  }
0x3d: {  	s23 =	sadd.s32 $0xFFFFF880, s0;
	v6 =	vand.u32 $0xFFFFFF80, v6;
	v7 =	vand.u32 $0x6F, v7;
	v8 =	vand.u32 $0x7F, v8;
	s22 =	sshll.u32 s14, $0x7;
	s14 =	sshll.u32 s14, $0x5  }
0x3e: {  	s18 =	sshll.u32 s18, $0x5;
	v9 =	vadd.s32 s23, v9;
	v6 =	vadd.s32 s23, v6;
	v26 =	vmov s14  }
0x3f: {  	s18 =	ssub.s32 s18, s22;
	v14 =	vor.u32 s14, v0;
	v28 =	vor.u32 s14, v1;
	v7 =	vor.u32 v7, v6  }
0x40: {  	s23 =	sshra.s32 s1, $0x1F;
	v6 =	vor.u32 v8, v6;
	v8 =	vor.u32 v23, v9;
	v11 =	vmov s18  }
0x41: {  	s22 =	sadd.s32 $0xFFFFF900, s0;
	v12 =	vor.u32 s18, v0;
	s23 =	sshrl.u32 s23, $0x1E;
	v9 =	vor.u32 v10, v9;
	v11 =	vand.u32 $0xFFFFFF80, v11  }
0x42: {  	v13 =	vor.u32 s18, v1;
	v12 =	vand.u32 $0x6F, v12;
	s23 =	sadd.s32 s23, s1;
	v11 =	vadd.s32 s22, v11  }
0x43: {  	v13 =	vand.u32 $0x7F, v13;
	s18 =	sshra.s32 s23, $0x2;
	v25 =	vor.u32 v12, v11;
	v12 =	vand.u32 $0xFFFFFF80, v26  }
0x44: {  	v14 =	vand.u32 $0x6F, v14;
	s1 =	sshll.u32 s1, $0x5;
	s23 =	sshll.u32 s18, $0x7;
	v11 =	vor.u32 v13, v11;
	s18 =	sshll.u32 s18, $0x5;
	v12 =	vadd.s32 s22, v12  }
0x45: {  	s1 =	ssub.s32 s1, s23;
	v17 =	vmov s18;
	v30 =	vor.u32 s18, v0;
	v18 =	vor.u32 s18, v1  }
0x46: {  	v27 =	vor.u32 v14, v12;
	v14 =	vand.u32 $0x7F, v28;
	v15 =	vmov s1;
	v7 =	vld.idx.msk [tilespmem:v7+s15+$0x0], $0xffff  }
0x47: {  	s22 =	sadd.s32 $0xFFFFF980, s0;
	v29 =	vor.u32 s1, v0;
	v6 =	vld.idx.msk [tilespmem:v6+s15+$0x0], $0xffff;
	v16 =	vor.u32 s1, v1;
	v15 =	vand.u32 $0xFFFFFF80, v15  }
0x48: {  	v8 =	vld.idx.msk [tilespmem:v8+s16+$0x0], $0xffff;
	v12 =	vor.u32 v14, v12;
	v14 =	vand.u32 $0x6F, v29;
	v15 =	vadd.s32 s22, v15  }
0x49: {  	v9 =	vld.idx.msk [tilespmem:v9+s16+$0x0], $0xffff;
	v17 =	vand.u32 $0xFFFFFF80, v17;
	v16 =	vand.u32 $0x7F, v16;
	v14 =	vor.u32 v14, v15  }
0x4a: {  	v17 =	vadd.s32 s22, v17;
	v15 =	vor.u32 v16, v15;
	v10 =	vld.idx.msk [tilespmem:v25+s15+$0x0], $0xffff;
	v16 =	vand.u32 $0x6F, v30  }
0x4b: {  	s23 =	spop (v2sf);
	v18 =	vand.u32 $0x7F, v18;
	v11 =	vld.idx.msk [tilespmem:v11+s15+$0x0], $0xffff;
	v16 =	vor.u32 v16, v17  }
0x4c: {  	s18 =	sshra.s32 s23, $0x1F;
	v17 =	vor.u32 v18, v17;
	v13 =	vld.idx.msk [tilespmem:v27+s16+$0x0], $0xffff  }
0x4d: {  	s14 =	sshrl.u32 s18, $0x1E;
	v12 =	vld.idx.msk [tilespmem:v12+s16+$0x0], $0xffff  }
0x4e: {  	s14 =	sadd.s32 s14, s23;
	v14 =	vld.idx.msk [tilespmem:v14+s15+$0x0], $0xffff  }
0x4f: {  	(v2sf) =	vpush v5, $0x6;
	s14 =	sshra.s32 s14, $0x2;
	v15 =	vld.idx.msk [tilespmem:v15+s15+$0x0], $0xffff  }
0x50: {  	s18 =	spop (v2sf);
	(v2sf) =	vpush v5, $0x7;
	s22 =	sshll.u32 s14, $0x7;
	s14 =	sshll.u32 s14, $0x5;
	v16 =	vld.idx.msk [tilespmem:v16+s16+$0x0], $0xffff  }
0x51: {  	s1 =	sshll.u32 s23, $0x5;
	v7 =	vmul.f32 v8, v7;
	v6 =	vmul.f32 v9, v6;
	v37 =	vmov s14;
	v17 =	vld.idx.msk [tilespmem:v17+s16+$0x0], $0xffff  }
0x52: {  	s1 =	ssub.s32 s1, s22;
	v38 =	vor.u32 s14, v0;
	v40 =	vor.u32 s14, v1;
	v31 =	vmul.f32 v13, v10  }
0x53: {  	v33 =	vor.u32 s1, v0;
	v10 =	vmul.f32 v7, v2;
	v7 =	vmul.f32 v12, v11  }
0x54: {  	s22 =	sshra.s32 s18, $0x1F;
	v36 =	vor.u32 s1, v1;
	v13 =	vand.u32 $0x6F, v33;
	v11 =	vmul.f32 v6, v3  }
0x55: {  	s22 =	sshrl.u32 s22, $0x1E;
	v8 =	vmul.f32 v31, v2;
	v9 =	vmul.f32 v7, v3;
	v7 =	vmov s1  }
0x56: {  	s22 =	sadd.s32 s22, s18;
	v10 =	vadd.f32 v11, v10;
	v6 =	vmul.f32 v16, v14;
	v32 =	vmul.f32 v17, v15  }
0x57: {  	s23 =	sadd.s32 $0xFFFFFA00, s0;
	s1 =	sshra.s32 s22, $0x2;
	v7 =	vand.u32 $0xFFFFFF80, v7;
	v15 =	vand.u32 $0xFFFFFF80, v37;
	v14 =	vand.u32 $0x6F, v38  }
0x58: {  	s18 =	sshll.u32 s18, $0x5;
	s22 =	sshll.u32 s1, $0x7;
	v17 =	vand.u32 $0x7F, v40;
	s1 =	sshll.u32 s1, $0x5;
	v34 =	vadd.s32 s23, v7;
	v15 =	vadd.s32 s23, v15  }
0x59: {  	s18 =	ssub.s32 s18, s22;
	s22 =	spop (v2sf);
	v19 =	vmov s1;
	(v2sf) =	vpush v5, $0x8;
	v20 =	vor.u32 s1, v0  }
0x5a: {  	v45 =	vor.u32 s1, v1;
	v6 =	vmul.f32 v6, v2;
	v7 =	vmul.f32 v32, v3  }
0x5b: {  	v35 =	vor.u32 v13, v34;
	v13 =	vand.u32 $0x7F, v36;
	v39 =	vmov s18  }
0x5c: {  	v41 =	vor.u32 s18, v0;
	v14 =	vor.u32 v14, v15;
	v15 =	vor.u32 v17, v15  }
0x5d: {  	s23 =	sshra.s32 s22, $0x1F;
	v43 =	vor.u32 s18, v1;
	v19 =	vand.u32 $0xFFFFFF80, v19;
	v44 =	vand.u32 $0x6F, v20  }
0x5e: {  	s14 =	sadd.s32 $0xFFFFFA80, s0;
	s1 =	spop (v2sf);
	v20 =	vand.u32 $0x7F, v45;
	(v2sf) =	vpush v5, $0x9;
	v16 =	vand.u32 $0xFFFFFF80, v39;
	s23 =	sshrl.u32 s23, $0x1E  }
0x5f: {  	v13 =	vor.u32 v13, v34;
	v18 =	vand.u32 $0x6F, v41;
	v16 =	vadd.s32 s14, v16;
	s23 =	sadd.s32 s23, s22  }
0x60: {  	v19 =	vadd.s32 s14, v19;
	v42 =	vor.u32 v18, v16;
	s18 =	sshra.s32 s23, $0x2;
	v18 =	vand.u32 $0x7F, v43  }
0x61: {  	s22 =	sshll.u32 s22, $0x5;
	v6 =	vadd.f32 v7, v6;
	s23 =	sshll.u32 s18, $0x7;
	v16 =	vor.u32 v18, v16;
	v18 =	vor.u32 v44, v19;
	s18 =	sshll.u32 s18, $0x5  }
0x62: {  	v19 =	vor.u32 v20, v19;
	s14 =	ssub.s32 s22, s23;
	v48 =	vmov s18;
	v49 =	vor.u32 s18, v0  }
0x63: {  	s23 =	sshra.s32 s1, $0x1F;
	v24 =	vor.u32 s18, v1;
	s18 =	spop (v2sf);
	(v2sf) =	vpush v5, $0xA;
	v21 =	vmov s14  }
0x64: {  	v22 =	vor.u32 s14, v0;
	v23 =	vor.u32 s14, v1;
	s23 =	sshrl.u32 s23, $0x1E;
	v24 =	vand.u32 $0x7F, v24  }
0x65: {  	s22 =	sadd.s32 $0xFFFFFB00, s0;
	(v2sf) =	vpush v5, $0xB;
	v21 =	vand.u32 $0xFFFFFF80, v21;
	v22 =	vand.u32 $0x6F, v22;
	s14 =	sadd.s32 s23, s1  }
0x66: {  	v15 =	vld.idx.msk [tilespmem:v15+s16+$0x0], $0xffff;
	v47 =	vand.u32 $0x7F, v23;
	v23 =	vand.u32 $0x6F, v49;
	v21 =	vadd.s32 s22, v21;
	s14 =	sshra.s32 s14, $0x2  }
0x67: {  	v30 =	vld.idx.msk [tilespmem:v13+s15+$0x0], $0xffff;
	(v2sf) =	vpush v5, $0xC;
	v46 =	vor.u32 v22, v21;
	v22 =	vand.u32 $0xFFFFFF80, v48;
	s23 =	sshll.u32 s14, $0x7;
	s14 =	sshll.u32 s14, $0x5  }
0x68: {  	s1 =	sshll.u32 s1, $0x5;
	v21 =	vor.u32 v47, v21;
	v22 =	vadd.s32 s22, v22;
	v27 =	vmov s14  }
0x69: {  	s1 =	ssub.s32 s1, s23;
	v51 =	vor.u32 s14, v0;
	v28 =	vor.u32 s14, v1;
	v23 =	vor.u32 v23, v22  }
0x6a: {  	v22 =	vor.u32 v24, v22;
	v50 =	vmov s1;
	v25 =	vor.u32 s1, v0  }
0x6b: {  	s22 =	sshra.s32 s18, $0x1F;
	v26 =	vor.u32 s1, v1;
	v27 =	vand.u32 $0xFFFFFF80, v27;
	v28 =	vand.u32 $0x7F, v28  }
0x6c: {  	v56 =	vld.idx.msk [tilespmem:v18+s16+$0x0], $0xffff;
	s23 =	sadd.s32 $0xFFFFFB80, s0;
	s22 =	sshrl.u32 s22, $0x1E;
	v18 =	vmul.f32 v15, v30;
	v24 =	vand.u32 $0xFFFFFF80, v50;
	v25 =	vand.u32 $0x6F, v25  }
0x6d: {  	s22 =	sadd.s32 s22, s18;
	v26 =	vand.u32 $0x7F, v26;
	v27 =	vadd.s32 s23, v27;
	v24 =	vadd.s32 s23, v24  }
0x6e: {  	s1 =	sshra.s32 s22, $0x2;
	v25 =	vor.u32 v25, v24;
	v24 =	vor.u32 v26, v24;
	v26 =	vand.u32 $0x6F, v51  }
0x6f: {  	s18 =	sshll.u32 s18, $0x5;
	v18 =	vmul.f32 v18, v3;
	s22 =	sshll.u32 s1, $0x7;
	s1 =	sshll.u32 s1, $0x5;
	v20 =	vld.idx.msk [tilespmem:v46+s15+$0x0], $0xffff;
	v26 =	vor.u32 v26, v27;
	v27 =	vor.u32 v28, v27  }
0x70: {  	v21 =	vld.idx.msk [tilespmem:v21+s15+$0x0], $0xffff;
	s14 =	ssub.s32 s18, s22;
	s18 =	spop (v2sf);
	v31 =	vmov s1;
	v32 =	vor.u32 s1, v0;
	v58 =	vor.u32 s1, v1  }
0x71: {  	v29 =	vmov s14;
	s22 =	sshra.s32 s18, $0x1F;
	v52 =	vor.u32 s14, v0;
	v54 =	vor.u32 s14, v1;
	v23 =	vld.idx.msk [tilespmem:v23+s16+$0x0], $0xffff  }
0x72: {  	s23 =	sadd.s32 $0xFFFFFC00, s0;
	v31 =	vand.u32 $0xFFFFFF80, v31;
	v55 =	vand.u32 $0x6F, v32;
	v22 =	vld.idx.msk [tilespmem:v22+s16+$0x0], $0xffff;
	v29 =	vand.u32 $0xFFFFFF80, v29;
	s22 =	sshrl.u32 s22, $0x1E  }
0x73: {  	v12 =	vld.idx.msk [tilespmem:v35+s15+$0x0], $0xffff;
	v13 =	vand.u32 $0x6F, v52;
	v53 =	vadd.s32 s23, v29;
	s22 =	sadd.s32 s22, s18;
	v29 =	vand.u32 $0x7F, v54  }
0x74: {  	v14 =	vld.idx.msk [tilespmem:v14+s16+$0x0], $0xffff;
	v31 =	vadd.s32 s23, v31;
	s14 =	sshra.s32 s22, $0x2;
	v28 =	vor.u32 v29, v53;
	v29 =	vand.u32 $0x7F, v58  }
0x75: {  	v17 =	vld.idx.msk [tilespmem:v42+s15+$0x0], $0xffff;
	s18 =	sshll.u32 s18, $0x5;
	v57 =	vor.u32 v55, v31;
	v13 =	vor.u32 v13, v53;
	s22 =	sshll.u32 s14, $0x7;
	v29 =	vor.u32 v29, v31;
	s14 =	sshll.u32 s14, $0x5  }
0x76: {  	v16 =	vld.idx.msk [tilespmem:v16+s15+$0x0], $0xffff;
	s18 =	ssub.s32 s18, s22;
	v35 =	vmov s14;
	v36 =	vor.u32 s14, v0;
	v37 =	vor.u32 s14, v1  }
0x77: {  	v19 =	vld.idx.msk [tilespmem:v19+s16+$0x0], $0xffff;
	s1 =	spop (v2sf);
	v20 =	vmul.f32 v23, v20;
	v21 =	vmul.f32 v22, v21;
	v33 =	vmov s18  }
0x78: {  	s23 =	sshra.s32 s1, $0x1F;
	v34 =	vor.u32 s18, v0;
	v60 =	vor.u32 s18, v1;
	v35 =	vand.u32 $0xFFFFFF80, v35  }
0x79: {  	s23 =	sshrl.u32 s23, $0x1E;
	s22 =	sadd.s32 $0xFFFFFC80, s0;
	v36 =	vand.u32 $0x6F, v36;
	v37 =	vand.u32 $0x7F, v37;
	v33 =	vand.u32 $0xFFFFFF80, v33  }
0x7a: {  	s18 =	sadd.s32 s23, s1;
	v59 =	vand.u32 $0x6F, v34;
	v34 =	vand.u32 $0x7F, v60;
	v35 =	vadd.s32 s22, v35  }
0x7b: {  	s18 =	sshra.s32 s18, $0x2;
	v33 =	vadd.s32 s22, v33;
	v61 =	vor.u32 v36, v35;
	v41 =	vld.idx.msk [tilespmem:v13+s15+$0x0], $0xffff;
	v13 =	vmul.f32 v14, v12  }
0x7c: {  	s1 =	sshll.u32 s1, $0x5;
	s14 =	sshll.u32 s18, $0x7;
	v35 =	vor.u32 v37, v35;
	v14 =	vmul.f32 v56, v17;
	v17 =	vmul.f32 v19, v16  }
0x7d: {  	s23 =	spop (v2sf);
	v19 =	vadd.f32 v9, v8;
	s1 =	ssub.s32 s1, s14;
	v31 =	vor.u32 v59, v33;
	v33 =	vor.u32 v34, v33;
	s14 =	sshll.u32 s18, $0x5  }
0x7e: {  	s22 =	sshra.s32 s23, $0x1F;
	v62 =	vmov s1;
	v38 =	vor.u32 s1, v0;
	v39 =	vmov s14  }
0x7f: {  	v44 =	vld.idx.msk [tilespmem:v57+s16+$0x0], $0xffff;
	s22 =	sshrl.u32 s22, $0x1E;
	v40 =	vor.u32 s1, v1;
	v37 =	vor.u32 s14, v0;
	v42 =	vor.u32 s14, v1  }
0x80: {  	s18 =	sadd.s32 s22, s23;
	s14 =	spop (v2sf);
	(v2sf) =	vpush v5, $0xD;
	v13 =	vmul.f32 v13, v2;
	v7 =	vmul.f32 v14, v2  }
0x81: {  	v28 =	vld.idx.msk [tilespmem:v28+s15+$0x0], $0xffff;
	s22 =	sadd.s32 $0xFFFFFD00, s0;
	v36 =	vand.u32 $0xFFFFFF80, v62;
	v39 =	vand.u32 $0xFFFFFF80, v39;
	s18 =	sshra.s32 s18, $0x2;
	v59 =	vand.u32 $0x6F, v38  }
0x82: {  	v49 =	vld.idx.msk [tilespmem:v29+s16+$0x0], $0xffff;
	v42 =	vand.u32 $0x7F, v42;
	v36 =	vadd.s32 s22, v36;
	v39 =	vadd.s32 s22, v39;
	s22 =	sshll.u32 s18, $0x7;
	s18 =	sshll.u32 s18, $0x5  }
0x83: {  	s23 =	sshll.u32 s23, $0x5;
	v13 =	vadd.f32 v18, v13;
	v46 =	vmov s18;
	v32 =	vor.u32 s18, v0  }
0x84: {  	s1 =	ssub.s32 s23, s22;
	v53 =	vld.idx.msk [tilespmem:v61+s16+$0x0], $0xffff;
	v8 =	vmul.f32 v44, v41;
	v60 =	vor.u32 v59, v36;
	v61 =	vand.u32 $0x7F, v40  }
0x85: {  	s22 =	sshra.s32 s14, $0x1F;
	v41 =	vand.u32 $0x6F, v37;
	v63 =	vmov s1;
	v43 =	vor.u32 s1, v0  }
0x86: {  	v45 =	vor.u32 s1, v1;
	s22 =	sshrl.u32 s22, $0x1E;
	v50 =	vand.u32 $0xFFFFFF80, v46;
	v52 =	vld.idx.msk [tilespmem:v33+s15+$0x0], $0xffff;
	v33 =	vor.u32 s18, v1  }
0x87: {  	s23 =	sadd.s32 $0xFFFFFD80, s0;
	v54 =	vld.idx.msk [tilespmem:v35+s16+$0x0], $0xffff;
	v9 =	vmul.f32 v49, v28;
	v32 =	vand.u32 $0x6F, v32;
	v48 =	vand.u32 $0xFFFFFF80, v63;
	s22 =	sadd.s32 s22, s14  }
0x88: {  	v51 =	vld.idx.msk [tilespmem:v31+s15+$0x0], $0xffff;
	v46 =	vadd.s32 s23, v50;
	v33 =	vand.u32 $0x7F, v33;
	v29 =	vadd.s32 s23, v48;
	s23 =	sshra.s32 s22, $0x2  }
0x89: {  	v24 =	vld.idx.msk [tilespmem:v24+s15+$0x0], $0xffff;
	s14 =	sshll.u32 s14, $0x5;
	v8 =	vmul.f32 v8, v2;
	v32 =	vor.u32 v32, v46;
	v33 =	vor.u32 v33, v46;
	s22 =	sshll.u32 s23, $0x7;
	s1 =	sshll.u32 s23, $0x5  }
0x8a: {  	v27 =	vld.idx.msk [tilespmem:v27+s16+$0x0], $0xffff;
	v9 =	vmul.f32 v9, v3;
	s14 =	ssub.s32 s14, s22;
	v57 =	vmov s1;
	v62 =	vor.u32 s1, v0  }
0x8b: {  	v25 =	vld.idx.msk [tilespmem:v25+s15+$0x0], $0xffff;
	v63 =	vor.u32 s1, v1;
	v55 =	vmov s14;
	v56 =	vor.u32 s14, v0  }
0x8c: {  	v26 =	vld.idx.msk [tilespmem:v26+s16+$0x0], $0xffff;
	v58 =	vor.u32 s14, v1;
	v16 =	vand.u32 $0xFFFFFF80, v57;
	s14 =	spop (v2sf);
	(v2sf) =	vpush v5, $0xE  }
0x8d: {  	v11 =	vmul.f32 v53, v51;
	v12 =	vmul.f32 v54, v52;
	v51 =	vor.u32 v42, v39  }
0x8e: {  	s23 =	sadd.s32 $0xFFFFFE00, s0;
	v52 =	vand.u32 $0x6F, v43;
	v53 =	vand.u32 $0x7F, v45;
	v15 =	vand.u32 $0xFFFFFF80, v55;
	s22 =	sshra.s32 s14, $0x1F  }
0x8f: {  	v47 =	vadd.s32 s23, v16;
	v16 =	vmul.f32 v27, v24;
	v24 =	vor.u32 v61, v36;
	s18 =	sshrl.u32 s22, $0x1E  }
0x90: {  	v28 =	vor.u32 v52, v29;
	v23 =	vand.u32 $0x6F, v56;
	v35 =	vadd.s32 s23, v15;
	s18 =	sadd.s32 s18, s14  }
0x91: {  	v15 =	vmul.f32 v26, v25;
	v25 =	vand.u32 $0x6F, v62;
	v23 =	vor.u32 v23, v35;
	s18 =	sshra.s32 s18, $0x2  }
0x92: {  	(xrf2) =	vadd.scan.msk.f32 $0xffff, v10;
	v34 =	vand.u32 $0x7F, v58;
	v26 =	vand.u32 $0x7F, v63;
	s14 =	sshll.u32 s14, $0x5;
	v25 =	vor.u32 v25, v47;
	s23 =	sshll.u32 s18, $0x7  }
0x93: {  	(xrf2) =	vadd.scan.msk.f32 $0xffff, v19;
	v29 =	vor.u32 v53, v29;
	v34 =	vor.u32 v34, v35;
	v26 =	vor.u32 v26, v47;
	s1 =	ssub.s32 s14, s23  }
0x94: {  	(xrf2) =	vadd.scan.msk.f32 $0xffff, v6;
	v6 =	vmul.f32 v15, v2;
	s14 =	sshll.u32 s18, $0x5;
	v44 =	vmov s1;
	v48 =	vor.u32 s1, v0  }
0x95: {  	v49 =	vmov s14;
	v50 =	vor.u32 s1, v1;
	s1 =	spop (v2sf);
	(v2sf) =	vpush v5, $0xF  }
0x96: {  	v5 =	vor.u32 v41, v39;
	v54 =	vor.u32 s14, v0;
	v55 =	vor.u32 s14, v1;
	s23 =	sshra.s32 s1, $0x1F;
	v23 =	vld.idx.msk [tilespmem:v23+s15+$0x0], $0xffff  }
0x97: {  	s22 =	sadd.s32 $0xFFFFFE80, s0;
	v30 =	vand.u32 $0xFFFFFF80, v44;
	v36 =	vand.u32 $0xFFFFFF80, v49;
	v31 =	vand.u32 $0x6F, v48;
	v25 =	vld.idx.msk [tilespmem:v25+s16+$0x0], $0xffff;
	s18 =	sshrl.u32 s23, $0x1E  }
0x98: {  	v22 =	vld.idx.msk [tilespmem:v60+s15+$0x0], $0xffff;
	v60 =	vand.u32 $0x7F, v50;
	v61 =	vand.u32 $0x6F, v54;
	v30 =	vadd.s32 s22, v30;
	s18 =	sadd.s32 s18, s1  }
0x99: {  	v62 =	vand.u32 $0x7F, v55;
	v36 =	vadd.s32 s22, v36;
	v31 =	vor.u32 v31, v30;
	s18 =	sshra.s32 s18, $0x2  }
0x9a: {  	s1 =	sshll.u32 s1, $0x5;
	v30 =	vor.u32 v60, v30;
	v35 =	vor.u32 v61, v36;
	v36 =	vor.u32 v62, v36;
	s22 =	sshll.u32 s18, $0x7;
	s14 =	sshll.u32 s18, $0x5  }
0x9b: {  	v5 =	vld.idx.msk [tilespmem:v5+s16+$0x0], $0xffff;
	s1 =	ssub.s32 s1, s22;
	v58 =	vmov s14;
	v63 =	vor.u32 s14, v0;
	v48 =	vor.u32 s14, v1  }
0x9c: {  	v23 =	vmul.f32 v25, v23;
	v56 =	vmov s1;
	v57 =	vor.u32 s1, v0  }
0x9d: {  	v59 =	vor.u32 s1, v1;
	v42 =	vand.u32 $0xFFFFFF80, v58;
	v38 =	vand.u32 $0x6F, v63;
	s18 =	spop (v2sf)  }
0x9e: {  	v32 =	vld.idx.msk [tilespmem:v32+s16+$0x0], $0xffff;
	s23 =	sadd.s32 $0xFFFFFF00, s0;
	v39 =	vand.u32 $0x7F, v48;
	v63 =	vmul.f32 v17, v3;
	v40 =	vand.u32 $0xFFFFFF80, v56;
	s22 =	sshra.s32 s18, $0x1F  }
0x9f: {  	v33 =	vld.idx.msk [tilespmem:v33+s16+$0x0], $0xffff;
	v42 =	vadd.s32 s23, v42;
	v49 =	vand.u32 $0x6F, v57;
	v43 =	vand.u32 $0x7F, v59;
	s1 =	sshrl.u32 s22, $0x1E  }
0xa0: {  	v27 =	vld.idx.msk [tilespmem:v51+s16+$0x0], $0xffff;
	v40 =	vadd.s32 s23, v40;
	v38 =	vor.u32 v38, v42;
	v5 =	vmul.f32 v5, v22;
	s1 =	sadd.s32 s1, s18  }
0xa1: {  	v24 =	vld.idx.msk [tilespmem:v24+s15+$0x0], $0xffff;
	v39 =	vor.u32 v39, v42;
	v7 =	vadd.f32 v63, v7;
	v37 =	vor.u32 v49, v40;
	s1 =	sshra.s32 s1, $0x2  }
0xa2: {  	v28 =	vld.idx.msk [tilespmem:v28+s15+$0x0], $0xffff;
	v40 =	vor.u32 v43, v40;
	v49 =	vmul.f32 v20, v2;
	s18 =	sshll.u32 s18, $0x5;
	v5 =	vmul.f32 v5, v2;
	s23 =	sshll.u32 s1, $0x7;
	s1 =	sshll.u32 s1, $0x5  }
0xa3: {  	v29 =	vld.idx.msk [tilespmem:v29+s15+$0x0], $0xffff;
	s14 =	ssub.s32 s18, s23;
	v52 =	vmov s1;
	v56 =	vor.u32 s1, v0;
	v58 =	vor.u32 s1, v1  }
0xa4: {  	v34 =	vld.idx.msk [tilespmem:v34+s15+$0x0], $0xffff;
	v50 =	vmov s14;
	v51 =	vor.u32 s14, v0;
	v53 =	vor.u32 s14, v1;
	s14 =	spop (v2sf)  }
0xa5: {  	v26 =	vld.idx.msk [tilespmem:v26+s16+$0x0], $0xffff;
	s22 =	sadd.s32 $0xFFFFFF80, s0;
	v45 =	vand.u32 $0xFFFFFF80, v52;
	v43 =	vand.u32 $0x6F, v56;
	v59 =	vand.u32 $0x7F, v58;
	s23 =	sshra.s32 s14, $0x1F  }
0xa6: {  	v31 =	vld.idx.msk [tilespmem:v31+s15+$0x0], $0xffff;
	v52 =	vmul.f32 v27, v24;
	v41 =	vand.u32 $0xFFFFFF80, v50;
	v45 =	vadd.s32 s22, v45;
	s18 =	sshrl.u32 s23, $0x1E  }
0xa7: {  	v30 =	vld.idx.msk [tilespmem:v30+s15+$0x0], $0xffff;
	v54 =	vand.u32 $0x6F, v51;
	v57 =	vand.u32 $0x7F, v53;
	v50 =	vmul.f32 v21, v3;
	s18 =	sadd.s32 s18, s14  }
0xa8: {  	v35 =	vld.idx.msk [tilespmem:v35+s16+$0x0], $0xffff;
	v41 =	vadd.s32 s22, v41;
	v43 =	vor.u32 v43, v45;
	v44 =	vor.u32 v59, v45;
	s18 =	sshra.s32 s18, $0x2  }
0xa9: {  	v36 =	vld.idx.msk [tilespmem:v36+s16+$0x0], $0xffff;
	v55 =	vor.u32 v54, v41;
	s14 =	sshll.u32 s14, $0x5;
	v41 =	vor.u32 v57, v41;
	v18 =	vadd.f32 v50, v49;
	s22 =	sshll.u32 s18, $0x7;
	s23 =	sshll.u32 s18, $0x5  }
0xaa: {  	v38 =	vld.idx.msk [tilespmem:v38+s16+$0x0], $0xffff;
	v54 =	vmul.f32 v32, v28;
	v32 =	vmul.f32 v16, v3;
	s1 =	ssub.s32 s14, s22;
	v62 =	vmov s23  }
0xab: {  	v39 =	vld.idx.msk [tilespmem:v39+s16+$0x0], $0xffff;
	v48 =	vor.u32 s23, v0;
	v63 =	vor.u32 s23, v1;
	v60 =	vmov s1  }
0xac: {  	v40 =	vld.idx.msk [tilespmem:v40+s15+$0x0], $0xffff;
	v61 =	vor.u32 s1, v0;
	v47 =	vand.u32 $0xFFFFFF80, v62;
	v48 =	vand.u32 $0x6F, v48  }
0xad: {  	v37 =	vld.idx.msk [tilespmem:v37+s15+$0x0], $0xffff;
	v58 =	vor.u32 s1, v1;
	v45 =	vand.u32 $0xFFFFFF80, v60;
	v47 =	vadd.s32 s0, v47  }
0xae: {  	v42 =	vld.idx.msk [tilespmem:v55+s15+$0x0], $0xffff;
	v55 =	vmul.f32 v33, v29;
	v33 =	vand.u32 $0x7F, v63;
	v48 =	vor.u32 v48, v47  }
0xaf: {  	(xrf2) =	vadd.scan.msk.f32 $0xffff, v13;
	v51 =	vld.idx.msk [tilespmem:v43+s16+$0x0], $0xffff;
	v46 =	vand.u32 $0x6F, v61;
	v45 =	vadd.s32 s0, v45;
	v16 =	vor.u32 v33, v47  }
0xb0: {  	(xrf2) =	vadd.scan.msk.f32 $0xffff, v7;
	v57 =	vmul.f32 v26, v34;
	v53 =	vld.idx.msk [tilespmem:v44+s16+$0x0], $0xffff;
	v26 =	vand.u32 $0x7F, v58;
	v46 =	vor.u32 v46, v45  }
0xb1: {  	v34 =	vmul.f32 v39, v40;
	v6 =	vadd.f32 v32, v6;
	v41 =	vld.idx.msk [tilespmem:v41+s15+$0x0], $0xffff;
	v26 =	vor.u32 v26, v45  }
0xb2: {  	(xrf2) =	vadd.scan.msk.f32 $0xffff, v18;
	v39 =	vmul.f32 v54, v2;
	v62 =	vmul.f32 v38, v37  }
0xb3: {  	(xrf2) =	vadd.scan.msk.f32 $0xffff, v6;
	v6 =	vmul.f32 v11, v2;
	v37 =	vmul.f32 v52, v3;
	v59 =	vld.idx.msk [tilespmem:v48+s16+$0x0], $0xffff  }
0xb4: {  	v61 =	vmul.f32 v36, v30;
	v36 =	vmul.f32 v12, v3;
	v16 =	vld.idx.msk [tilespmem:v16+s16+$0x0], $0xffff  }
0xb5: {  	v8 =	vadd.f32 v9, v8;
	v60 =	vmul.f32 v35, v31;
	v40 =	vmul.f32 v55, v3;
	v56 =	vld.idx.msk [tilespmem:v46+s15+$0x0], $0xffff  }
0xb6: {  	v6 =	vadd.f32 v36, v6;
	v21 =	vmul.f32 v51, v42;
	v7 =	vmul.f32 v53, v41;
	v38 =	vld.idx.msk [tilespmem:v26+s15+$0x0], $0xffff  }
0xb7: {  	(xrf2) =	vadd.scan.msk.f32 $0xffff, v8;
	v5 =	vadd.f32 v37, v5;
	v41 =	vmul.f32 v23, v2;
	v42 =	vmul.f32 v57, v3  }
0xb8: {  	v10 =	vmul.f32 v60, v2;
	v43 =	vmul.f32 v61, v3;
	(xrf2) =	vadd.scan.msk.f32 $0xffff, v6;
	v6 =	vadd.f32 v40, v39  }
0xb9: {  	v13 =	vmul.f32 v34, v3;
	v45 =	vmul.f32 v62, v2;
	(xrf2) =	vadd.scan.msk.f32 $0xffff, v5;
	v5 =	vadd.f32 v42, v41  }
0xba: {  	v44, _, _ =	vpop (xrf2);
	(xrf2) =	vadd.scan.msk.f32 $0xffff, v6;
	v6 =	vadd.f32 v43, v10;
	v47 =	vmul.f32 v21, v2;
	v7 =	vmul.f32 v7, v3  }
0xbb: {  	v46, _, _ =	vpop (xrf2);
	(xrf2) =	vadd.scan.msk.f32 $0xffff, v5;
	v5 =	vadd.f32 v13, v45;
	v35 =	vmul.f32 v59, v56;
	v48 =	vmul.f32 v16, v38  }
0xbc: {  	v8 =	vbroadcast v44, $0xF;
	v49, _, _ =	vpop (xrf2);
	v7 =	vadd.f32 v7, v47;
	(xrf2) =	vadd.scan.msk.f32 $0xffff, v6;
	v6 =	vbroadcast v46, $0xF  }
0xbd: {  	v51, _, _ =	vpop (xrf2);
	(xrf2) =	vadd.scan.msk.f32 $0xffff, v5;
	v5 =	vmul.f32 v35, v2;
	v9 =	vmul.f32 v48, v3  }
0xbe: {  	v50 =	vbroadcast v49, $0xF  }
0xbf: {  	v52 =	vbroadcast v51, $0xF;
	v53, _, _ =	vpop (xrf2);
	v6 =	vsel vm0, v8, v6;
	(xrf2) =	vadd.scan.msk.f32 $0xffff, v7;
	v5 =	vadd.f32 v9, v5  }
0xc0: {  	v54 =	vbroadcast v53, $0xF;
	v7, _, _ =	vpop (xrf2);
	v6 =	vsel vm1, v6, v50  }
0xc1: {  	v55, _, _ =	vpop (xrf2);
	v6 =	vsel vm2, v6, v52;
	v7 =	vbroadcast v7, $0xF  }
0xc2: {  	v6 =	vsel vm3, v6, v54;
	v56 =	vbroadcast v55, $0xF;
	v57, _, _ =	vpop (xrf2)  }
0xc3: {  	v6 =	vsel vm4, v6, v7;
	v7 =	vbroadcast v57, $0xF;
	(xrf2) =	vadd.scan.msk.f32 $0xffff, v5;
	v5, _, _ =	vpop (xrf2)  }
0xc4: {  	v6 =	vsel vm5, v6, v56;
	v58, _, _ =	vpop (xrf2);
	v5 =	vbroadcast v5, $0xF  }
0xc5: {  	v6 =	vsel vm6, v6, v7;
	v59, _, _ =	vpop (xrf2);
	v7 =	vbroadcast v58, $0xF  }
0xc6: {  	v60, _, _ =	vpop (xrf2);
	v5 =	vsel vm7, v6, v5;
	v6 =	vbroadcast v59, $0xF  }
0xc7: {  	v61, _, _ =	vpop (xrf2);
	v5 =	vsel vm8, v5, v7;
	v7 =	vbroadcast v60, $0xF  }
0xc8: {  	v62, _, _ =	vpop (xrf2);
	v5 =	vsel vm9, v5, v6;
	v6 =	vbroadcast v61, $0xF  }
0xc9: {  	v63, _, _ =	vpop (xrf2);
	v5 =	vsel vm10, v5, v7  }
0xca: {  	v5 =	vsel vm11, v5, v6;
	v6 =	vbroadcast v63, $0xF  }
0xcb: {  	v7 =	vbroadcast v62, $0xF;
	_ =	sdelay $0x1  }
0xcc: {  	p0 =	sne.s32 s30, $0x7F;
	v5 =	vsel vm12, v5, v7  }
.Ltmp0:
0xcd: {  	v5 =	vsel vm13, v5, v6;
	v6, _, _ =	vpop (xrf2);
	(pc) =	sbr.rel @p0 .LBB2_2-.Ltmp0, $3  }
0xce: {  	v5 =	vsel vm14, v5, v6  }
0xcf: {  	v5 =	vadd.f32 v5, v4;
	_ =	sdelay $0x1  }
0xd0: {  	s29 =	sadd.s32 $0x10, s29;
	s30 =	sadd.s32 $0x10, s30;
	[tilespmem:s31+$0x0] =	vst v5;
	s31 =	sadd.s32 $0x10, s31  }
0xd1: {  	s0 =	simm.s32 $0x100  }
0xd2: {  	[tilespmem:s15], [sflag:$0x1] =	stream.indirect.gather [hbm4b:s3+s13], $0x80, s0, s13, $0xb8;
	[tilespmem:$0x10880] =	vst v63  }
0xd3: {  	s23 =	simm.s32 $0x300  }
0xd4: {  	[tilespmem:s16], [sflag:$0x2] =	stream.indirect.gather [hbm4b:s4+s13], $0x80, s23, s13, $0xb8;
	[tilespmem:$0x10880] =	vst v63  }
0xd5: {  	_ =	swait.ge [sflag:s20], $0x4000  }
0xd6: {  	[sflag:s20] =	ssyncset.done $0x0  }
0xd7: {  	[sflag:s20] =	ssyncadd.s32 $0xFFFFC000  }
0xd8: {  	_ =	swait.ge [sflag:s21], $0x4000  }
0xd9: {  	s29 =	simm.s32 $0xF;
	[sflag:s21] =	ssyncset.done $0x0  }
0xda: {  	s30 =	simm.s32 $0x480;
	s31 =	simm.s32 $0x10700;
	[sflag:s21] =	ssyncadd.s32 $0xFFFFC000  }
.LBB2_4:
0xdb: {  	v5 =	vld [tilespmem:s30+$0x0];
	_ =	sdelay $0x4  }
0xdc: {  	(v2sf) =	vpush v5, $0x0;
	_ =	sdelay $0x4  }
0xdd: {  	(v2sf) =	vpush v5, $0x1;
	_ =	sdelay $0x1  }
0xde: {  	(v2sf) =	vpush v5, $0x2;
	_ =	sdelay $0x7  }
0xdf: {  	s0 =	spop (v2sf)  }
0xe0: {  	s1 =	sshra.s32 s0, $0x1F  }
0xe1: {  	s1 =	sshrl.u32 s1, $0x1E  }
0xe2: {  	s1 =	sadd.s32 s1, s0  }
0xe3: {  	s1 =	sshra.s32 s1, $0x2  }
0xe4: {  	(v2sf) =	vpush v5, $0x3;
	s18 =	spop (v2sf);
	s14 =	sshll.u32 s1, $0x7;
	s1 =	sshll.u32 s1, $0x5  }
0xe5: {  	(v2sf) =	vpush v5, $0x4;
	s22 =	sshra.s32 s18, $0x1F;
	s0 =	sshll.u32 s0, $0x5;
	v9 =	vmov s1  }
0xe6: {  	s22 =	sshrl.u32 s22, $0x1E;
	s14 =	ssub.s32 s0, s14;
	v10 =	vor.u32 s1, v0;
	v24 =	vor.u32 s1, v1;
	s1 =	spop (v2sf);
	(v2sf) =	vpush v5, $0x5  }
0xe7: {  	s22 =	sadd.s32 s22, s18;
	v6 =	vmov s14;
	v7 =	vor.u32 s14, v0;
	v8 =	vor.u32 s14, v1  }
0xe8: {  	s0 =	sshll.u32 s29, $0x7;
	s14 =	sshra.s32 s22, $0x2;
	v9 =	vand.u32 $0xFFFFFF80, v9;
	v23 =	vand.u32 $0x6F, v10;
	v10 =	vand.u32 $0x7F, v24  }
0xe9: {  	s23 =	sadd.s32 $0xFFFFF880, s0;
	v6 =	vand.u32 $0xFFFFFF80, v6;
	v7 =	vand.u32 $0x6F, v7;
	v8 =	vand.u32 $0x7F, v8;
	s22 =	sshll.u32 s14, $0x7;
	s14 =	sshll.u32 s14, $0x5  }
0xea: {  	s18 =	sshll.u32 s18, $0x5;
	v9 =	vadd.s32 s23, v9;
	v6 =	vadd.s32 s23, v6;
	v26 =	vmov s14  }
0xeb: {  	s18 =	ssub.s32 s18, s22;
	v14 =	vor.u32 s14, v0;
	v28 =	vor.u32 s14, v1;
	v7 =	vor.u32 v7, v6  }
0xec: {  	s23 =	sshra.s32 s1, $0x1F;
	v6 =	vor.u32 v8, v6;
	v8 =	vor.u32 v23, v9;
	v11 =	vmov s18  }
0xed: {  	s22 =	sadd.s32 $0xFFFFF900, s0;
	v12 =	vor.u32 s18, v0;
	s23 =	sshrl.u32 s23, $0x1E;
	v9 =	vor.u32 v10, v9;
	v11 =	vand.u32 $0xFFFFFF80, v11  }
0xee: {  	v13 =	vor.u32 s18, v1;
	v12 =	vand.u32 $0x6F, v12;
	s23 =	sadd.s32 s23, s1;
	v11 =	vadd.s32 s22, v11  }
0xef: {  	v13 =	vand.u32 $0x7F, v13;
	s18 =	sshra.s32 s23, $0x2;
	v25 =	vor.u32 v12, v11;
	v12 =	vand.u32 $0xFFFFFF80, v26  }
0xf0: {  	v14 =	vand.u32 $0x6F, v14;
	s1 =	sshll.u32 s1, $0x5;
	s23 =	sshll.u32 s18, $0x7;
	v11 =	vor.u32 v13, v11;
	s18 =	sshll.u32 s18, $0x5;
	v12 =	vadd.s32 s22, v12  }
0xf1: {  	s1 =	ssub.s32 s1, s23;
	v17 =	vmov s18;
	v30 =	vor.u32 s18, v0;
	v18 =	vor.u32 s18, v1  }
0xf2: {  	v27 =	vor.u32 v14, v12;
	v14 =	vand.u32 $0x7F, v28;
	v15 =	vmov s1;
	v7 =	vld.idx.msk [tilespmem:v7+s17+$0x0], $0xffff  }
0xf3: {  	s22 =	sadd.s32 $0xFFFFF980, s0;
	v29 =	vor.u32 s1, v0;
	v6 =	vld.idx.msk [tilespmem:v6+s17+$0x0], $0xffff;
	v16 =	vor.u32 s1, v1;
	v15 =	vand.u32 $0xFFFFFF80, v15  }
0xf4: {  	v8 =	vld.idx.msk [tilespmem:v8+s19+$0x0], $0xffff;
	v12 =	vor.u32 v14, v12;
	v14 =	vand.u32 $0x6F, v29;
	v15 =	vadd.s32 s22, v15  }
0xf5: {  	v9 =	vld.idx.msk [tilespmem:v9+s19+$0x0], $0xffff;
	v17 =	vand.u32 $0xFFFFFF80, v17;
	v16 =	vand.u32 $0x7F, v16;
	v14 =	vor.u32 v14, v15  }
0xf6: {  	v17 =	vadd.s32 s22, v17;
	v15 =	vor.u32 v16, v15;
	v10 =	vld.idx.msk [tilespmem:v25+s17+$0x0], $0xffff;
	v16 =	vand.u32 $0x6F, v30  }
0xf7: {  	s23 =	spop (v2sf);
	v18 =	vand.u32 $0x7F, v18;
	v11 =	vld.idx.msk [tilespmem:v11+s17+$0x0], $0xffff;
	v16 =	vor.u32 v16, v17  }
0xf8: {  	s18 =	sshra.s32 s23, $0x1F;
	v17 =	vor.u32 v18, v17;
	v13 =	vld.idx.msk [tilespmem:v27+s19+$0x0], $0xffff  }
0xf9: {  	s14 =	sshrl.u32 s18, $0x1E;
	v12 =	vld.idx.msk [tilespmem:v12+s19+$0x0], $0xffff  }
0xfa: {  	s14 =	sadd.s32 s14, s23;
	v14 =	vld.idx.msk [tilespmem:v14+s17+$0x0], $0xffff  }
0xfb: {  	(v2sf) =	vpush v5, $0x6;
	s14 =	sshra.s32 s14, $0x2;
	v15 =	vld.idx.msk [tilespmem:v15+s17+$0x0], $0xffff  }
0xfc: {  	s18 =	spop (v2sf);
	(v2sf) =	vpush v5, $0x7;
	s22 =	sshll.u32 s14, $0x7;
	s14 =	sshll.u32 s14, $0x5;
	v16 =	vld.idx.msk [tilespmem:v16+s19+$0x0], $0xffff  }
0xfd: {  	s1 =	sshll.u32 s23, $0x5;
	v7 =	vmul.f32 v8, v7;
	v6 =	vmul.f32 v9, v6;
	v37 =	vmov s14;
	v17 =	vld.idx.msk [tilespmem:v17+s19+$0x0], $0xffff  }
0xfe: {  	s1 =	ssub.s32 s1, s22;
	v38 =	vor.u32 s14, v0;
	v40 =	vor.u32 s14, v1;
	v31 =	vmul.f32 v13, v10  }
0xff: {  	v33 =	vor.u32 s1, v0;
	v10 =	vmul.f32 v7, v2;
	v7 =	vmul.f32 v12, v11  }
0x100: {  	s22 =	sshra.s32 s18, $0x1F;
	v36 =	vor.u32 s1, v1;
	v13 =	vand.u32 $0x6F, v33;
	v11 =	vmul.f32 v6, v3  }
0x101: {  	s22 =	sshrl.u32 s22, $0x1E;
	v8 =	vmul.f32 v31, v2;
	v9 =	vmul.f32 v7, v3;
	v7 =	vmov s1  }
0x102: {  	s22 =	sadd.s32 s22, s18;
	v10 =	vadd.f32 v11, v10;
	v6 =	vmul.f32 v16, v14;
	v32 =	vmul.f32 v17, v15  }
0x103: {  	s23 =	sadd.s32 $0xFFFFFA00, s0;
	s1 =	sshra.s32 s22, $0x2;
	v7 =	vand.u32 $0xFFFFFF80, v7;
	v15 =	vand.u32 $0xFFFFFF80, v37;
	v14 =	vand.u32 $0x6F, v38  }
0x104: {  	s18 =	sshll.u32 s18, $0x5;
	s22 =	sshll.u32 s1, $0x7;
	v17 =	vand.u32 $0x7F, v40;
	s1 =	sshll.u32 s1, $0x5;
	v34 =	vadd.s32 s23, v7;
	v15 =	vadd.s32 s23, v15  }
0x105: {  	s18 =	ssub.s32 s18, s22;
	s22 =	spop (v2sf);
	v19 =	vmov s1;
	(v2sf) =	vpush v5, $0x8;
	v20 =	vor.u32 s1, v0  }
0x106: {  	v45 =	vor.u32 s1, v1;
	v6 =	vmul.f32 v6, v2;
	v7 =	vmul.f32 v32, v3  }
0x107: {  	v35 =	vor.u32 v13, v34;
	v13 =	vand.u32 $0x7F, v36;
	v39 =	vmov s18  }
0x108: {  	v41 =	vor.u32 s18, v0;
	v14 =	vor.u32 v14, v15;
	v15 =	vor.u32 v17, v15  }
0x109: {  	s23 =	sshra.s32 s22, $0x1F;
	v43 =	vor.u32 s18, v1;
	v19 =	vand.u32 $0xFFFFFF80, v19;
	v44 =	vand.u32 $0x6F, v20  }
0x10a: {  	s14 =	sadd.s32 $0xFFFFFA80, s0;
	s1 =	spop (v2sf);
	v20 =	vand.u32 $0x7F, v45;
	(v2sf) =	vpush v5, $0x9;
	v16 =	vand.u32 $0xFFFFFF80, v39;
	s23 =	sshrl.u32 s23, $0x1E  }
0x10b: {  	v13 =	vor.u32 v13, v34;
	v18 =	vand.u32 $0x6F, v41;
	v16 =	vadd.s32 s14, v16;
	s23 =	sadd.s32 s23, s22  }
0x10c: {  	v19 =	vadd.s32 s14, v19;
	v42 =	vor.u32 v18, v16;
	s18 =	sshra.s32 s23, $0x2;
	v18 =	vand.u32 $0x7F, v43  }
0x10d: {  	s22 =	sshll.u32 s22, $0x5;
	v6 =	vadd.f32 v7, v6;
	s23 =	sshll.u32 s18, $0x7;
	v16 =	vor.u32 v18, v16;
	v18 =	vor.u32 v44, v19;
	s18 =	sshll.u32 s18, $0x5  }
0x10e: {  	v19 =	vor.u32 v20, v19;
	s14 =	ssub.s32 s22, s23;
	v48 =	vmov s18;
	v49 =	vor.u32 s18, v0  }
0x10f: {  	s23 =	sshra.s32 s1, $0x1F;
	v24 =	vor.u32 s18, v1;
	s18 =	spop (v2sf);
	(v2sf) =	vpush v5, $0xA;
	v21 =	vmov s14  }
0x110: {  	v22 =	vor.u32 s14, v0;
	v23 =	vor.u32 s14, v1;
	s23 =	sshrl.u32 s23, $0x1E;
	v24 =	vand.u32 $0x7F, v24  }
0x111: {  	s22 =	sadd.s32 $0xFFFFFB00, s0;
	(v2sf) =	vpush v5, $0xB;
	v21 =	vand.u32 $0xFFFFFF80, v21;
	v22 =	vand.u32 $0x6F, v22;
	s14 =	sadd.s32 s23, s1  }
0x112: {  	v15 =	vld.idx.msk [tilespmem:v15+s19+$0x0], $0xffff;
	v47 =	vand.u32 $0x7F, v23;
	v23 =	vand.u32 $0x6F, v49;
	v21 =	vadd.s32 s22, v21;
	s14 =	sshra.s32 s14, $0x2  }
0x113: {  	v30 =	vld.idx.msk [tilespmem:v13+s17+$0x0], $0xffff;
	(v2sf) =	vpush v5, $0xC;
	v46 =	vor.u32 v22, v21;
	v22 =	vand.u32 $0xFFFFFF80, v48;
	s23 =	sshll.u32 s14, $0x7;
	s14 =	sshll.u32 s14, $0x5  }
0x114: {  	s1 =	sshll.u32 s1, $0x5;
	v21 =	vor.u32 v47, v21;
	v22 =	vadd.s32 s22, v22;
	v27 =	vmov s14  }
0x115: {  	s1 =	ssub.s32 s1, s23;
	v51 =	vor.u32 s14, v0;
	v28 =	vor.u32 s14, v1;
	v23 =	vor.u32 v23, v22  }
0x116: {  	v22 =	vor.u32 v24, v22;
	v50 =	vmov s1;
	v25 =	vor.u32 s1, v0  }
0x117: {  	s22 =	sshra.s32 s18, $0x1F;
	v26 =	vor.u32 s1, v1;
	v27 =	vand.u32 $0xFFFFFF80, v27;
	v28 =	vand.u32 $0x7F, v28  }
0x118: {  	v56 =	vld.idx.msk [tilespmem:v18+s19+$0x0], $0xffff;
	s23 =	sadd.s32 $0xFFFFFB80, s0;
	s22 =	sshrl.u32 s22, $0x1E;
	v18 =	vmul.f32 v15, v30;
	v24 =	vand.u32 $0xFFFFFF80, v50;
	v25 =	vand.u32 $0x6F, v25  }
0x119: {  	s22 =	sadd.s32 s22, s18;
	v26 =	vand.u32 $0x7F, v26;
	v27 =	vadd.s32 s23, v27;
	v24 =	vadd.s32 s23, v24  }
0x11a: {  	s1 =	sshra.s32 s22, $0x2;
	v25 =	vor.u32 v25, v24;
	v24 =	vor.u32 v26, v24;
	v26 =	vand.u32 $0x6F, v51  }
0x11b: {  	s18 =	sshll.u32 s18, $0x5;
	v18 =	vmul.f32 v18, v3;
	s22 =	sshll.u32 s1, $0x7;
	s1 =	sshll.u32 s1, $0x5;
	v20 =	vld.idx.msk [tilespmem:v46+s17+$0x0], $0xffff;
	v26 =	vor.u32 v26, v27;
	v27 =	vor.u32 v28, v27  }
0x11c: {  	v21 =	vld.idx.msk [tilespmem:v21+s17+$0x0], $0xffff;
	s14 =	ssub.s32 s18, s22;
	s18 =	spop (v2sf);
	v31 =	vmov s1;
	v32 =	vor.u32 s1, v0;
	v58 =	vor.u32 s1, v1  }
0x11d: {  	v29 =	vmov s14;
	s22 =	sshra.s32 s18, $0x1F;
	v52 =	vor.u32 s14, v0;
	v54 =	vor.u32 s14, v1;
	v23 =	vld.idx.msk [tilespmem:v23+s19+$0x0], $0xffff  }
0x11e: {  	s23 =	sadd.s32 $0xFFFFFC00, s0;
	v31 =	vand.u32 $0xFFFFFF80, v31;
	v55 =	vand.u32 $0x6F, v32;
	v22 =	vld.idx.msk [tilespmem:v22+s19+$0x0], $0xffff;
	v29 =	vand.u32 $0xFFFFFF80, v29;
	s22 =	sshrl.u32 s22, $0x1E  }
0x11f: {  	v12 =	vld.idx.msk [tilespmem:v35+s17+$0x0], $0xffff;
	v13 =	vand.u32 $0x6F, v52;
	v53 =	vadd.s32 s23, v29;
	s22 =	sadd.s32 s22, s18;
	v29 =	vand.u32 $0x7F, v54  }
0x120: {  	v14 =	vld.idx.msk [tilespmem:v14+s19+$0x0], $0xffff;
	v31 =	vadd.s32 s23, v31;
	s14 =	sshra.s32 s22, $0x2;
	v28 =	vor.u32 v29, v53;
	v29 =	vand.u32 $0x7F, v58  }
0x121: {  	v17 =	vld.idx.msk [tilespmem:v42+s17+$0x0], $0xffff;
	s18 =	sshll.u32 s18, $0x5;
	v57 =	vor.u32 v55, v31;
	v13 =	vor.u32 v13, v53;
	s22 =	sshll.u32 s14, $0x7;
	v29 =	vor.u32 v29, v31;
	s14 =	sshll.u32 s14, $0x5  }
0x122: {  	v16 =	vld.idx.msk [tilespmem:v16+s17+$0x0], $0xffff;
	s18 =	ssub.s32 s18, s22;
	v35 =	vmov s14;
	v36 =	vor.u32 s14, v0;
	v37 =	vor.u32 s14, v1  }
0x123: {  	v19 =	vld.idx.msk [tilespmem:v19+s19+$0x0], $0xffff;
	s1 =	spop (v2sf);
	v20 =	vmul.f32 v23, v20;
	v21 =	vmul.f32 v22, v21;
	v33 =	vmov s18  }
0x124: {  	s23 =	sshra.s32 s1, $0x1F;
	v34 =	vor.u32 s18, v0;
	v60 =	vor.u32 s18, v1;
	v35 =	vand.u32 $0xFFFFFF80, v35  }
0x125: {  	s23 =	sshrl.u32 s23, $0x1E;
	s22 =	sadd.s32 $0xFFFFFC80, s0;
	v36 =	vand.u32 $0x6F, v36;
	v37 =	vand.u32 $0x7F, v37;
	v33 =	vand.u32 $0xFFFFFF80, v33  }
0x126: {  	s18 =	sadd.s32 s23, s1;
	v59 =	vand.u32 $0x6F, v34;
	v34 =	vand.u32 $0x7F, v60;
	v35 =	vadd.s32 s22, v35  }
0x127: {  	s18 =	sshra.s32 s18, $0x2;
	v33 =	vadd.s32 s22, v33;
	v61 =	vor.u32 v36, v35;
	v41 =	vld.idx.msk [tilespmem:v13+s17+$0x0], $0xffff;
	v13 =	vmul.f32 v14, v12  }
0x128: {  	s1 =	sshll.u32 s1, $0x5;
	s14 =	sshll.u32 s18, $0x7;
	v35 =	vor.u32 v37, v35;
	v14 =	vmul.f32 v56, v17;
	v17 =	vmul.f32 v19, v16  }
0x129: {  	s23 =	spop (v2sf);
	v19 =	vadd.f32 v9, v8;
	s1 =	ssub.s32 s1, s14;
	v31 =	vor.u32 v59, v33;
	v33 =	vor.u32 v34, v33;
	s14 =	sshll.u32 s18, $0x5  }
0x12a: {  	s22 =	sshra.s32 s23, $0x1F;
	v62 =	vmov s1;
	v38 =	vor.u32 s1, v0;
	v39 =	vmov s14  }
0x12b: {  	v44 =	vld.idx.msk [tilespmem:v57+s19+$0x0], $0xffff;
	s22 =	sshrl.u32 s22, $0x1E;
	v40 =	vor.u32 s1, v1;
	v37 =	vor.u32 s14, v0;
	v42 =	vor.u32 s14, v1  }
0x12c: {  	s18 =	sadd.s32 s22, s23;
	s14 =	spop (v2sf);
	(v2sf) =	vpush v5, $0xD;
	v13 =	vmul.f32 v13, v2;
	v7 =	vmul.f32 v14, v2  }
0x12d: {  	v28 =	vld.idx.msk [tilespmem:v28+s17+$0x0], $0xffff;
	s22 =	sadd.s32 $0xFFFFFD00, s0;
	v36 =	vand.u32 $0xFFFFFF80, v62;
	v39 =	vand.u32 $0xFFFFFF80, v39;
	s18 =	sshra.s32 s18, $0x2;
	v59 =	vand.u32 $0x6F, v38  }
0x12e: {  	v49 =	vld.idx.msk [tilespmem:v29+s19+$0x0], $0xffff;
	v42 =	vand.u32 $0x7F, v42;
	v36 =	vadd.s32 s22, v36;
	v39 =	vadd.s32 s22, v39;
	s22 =	sshll.u32 s18, $0x7;
	s18 =	sshll.u32 s18, $0x5  }
0x12f: {  	s23 =	sshll.u32 s23, $0x5;
	v13 =	vadd.f32 v18, v13;
	v46 =	vmov s18;
	v32 =	vor.u32 s18, v0  }
0x130: {  	s1 =	ssub.s32 s23, s22;
	v53 =	vld.idx.msk [tilespmem:v61+s19+$0x0], $0xffff;
	v8 =	vmul.f32 v44, v41;
	v60 =	vor.u32 v59, v36;
	v61 =	vand.u32 $0x7F, v40  }
0x131: {  	s22 =	sshra.s32 s14, $0x1F;
	v41 =	vand.u32 $0x6F, v37;
	v63 =	vmov s1;
	v43 =	vor.u32 s1, v0  }
0x132: {  	v45 =	vor.u32 s1, v1;
	s22 =	sshrl.u32 s22, $0x1E;
	v50 =	vand.u32 $0xFFFFFF80, v46;
	v52 =	vld.idx.msk [tilespmem:v33+s17+$0x0], $0xffff;
	v33 =	vor.u32 s18, v1  }
0x133: {  	s23 =	sadd.s32 $0xFFFFFD80, s0;
	v54 =	vld.idx.msk [tilespmem:v35+s19+$0x0], $0xffff;
	v9 =	vmul.f32 v49, v28;
	v32 =	vand.u32 $0x6F, v32;
	v48 =	vand.u32 $0xFFFFFF80, v63;
	s22 =	sadd.s32 s22, s14  }
0x134: {  	v51 =	vld.idx.msk [tilespmem:v31+s17+$0x0], $0xffff;
	v46 =	vadd.s32 s23, v50;
	v33 =	vand.u32 $0x7F, v33;
	v29 =	vadd.s32 s23, v48;
	s23 =	sshra.s32 s22, $0x2  }
0x135: {  	v24 =	vld.idx.msk [tilespmem:v24+s17+$0x0], $0xffff;
	s14 =	sshll.u32 s14, $0x5;
	v8 =	vmul.f32 v8, v2;
	v32 =	vor.u32 v32, v46;
	v33 =	vor.u32 v33, v46;
	s22 =	sshll.u32 s23, $0x7;
	s1 =	sshll.u32 s23, $0x5  }
0x136: {  	v27 =	vld.idx.msk [tilespmem:v27+s19+$0x0], $0xffff;
	v9 =	vmul.f32 v9, v3;
	s14 =	ssub.s32 s14, s22;
	v57 =	vmov s1;
	v62 =	vor.u32 s1, v0  }
0x137: {  	v25 =	vld.idx.msk [tilespmem:v25+s17+$0x0], $0xffff;
	v63 =	vor.u32 s1, v1;
	v55 =	vmov s14;
	v56 =	vor.u32 s14, v0  }
0x138: {  	v26 =	vld.idx.msk [tilespmem:v26+s19+$0x0], $0xffff;
	v58 =	vor.u32 s14, v1;
	v16 =	vand.u32 $0xFFFFFF80, v57;
	s14 =	spop (v2sf);
	(v2sf) =	vpush v5, $0xE  }
0x139: {  	v11 =	vmul.f32 v53, v51;
	v12 =	vmul.f32 v54, v52;
	v51 =	vor.u32 v42, v39  }
0x13a: {  	s23 =	sadd.s32 $0xFFFFFE00, s0;
	v52 =	vand.u32 $0x6F, v43;
	v53 =	vand.u32 $0x7F, v45;
	v15 =	vand.u32 $0xFFFFFF80, v55;
	s22 =	sshra.s32 s14, $0x1F  }
0x13b: {  	v47 =	vadd.s32 s23, v16;
	v16 =	vmul.f32 v27, v24;
	v24 =	vor.u32 v61, v36;
	s18 =	sshrl.u32 s22, $0x1E  }
0x13c: {  	v28 =	vor.u32 v52, v29;
	v23 =	vand.u32 $0x6F, v56;
	v35 =	vadd.s32 s23, v15;
	s18 =	sadd.s32 s18, s14  }
0x13d: {  	v15 =	vmul.f32 v26, v25;
	v25 =	vand.u32 $0x6F, v62;
	v23 =	vor.u32 v23, v35;
	s18 =	sshra.s32 s18, $0x2  }
0x13e: {  	(xrf2) =	vadd.scan.msk.f32 $0xffff, v10;
	v34 =	vand.u32 $0x7F, v58;
	v26 =	vand.u32 $0x7F, v63;
	s14 =	sshll.u32 s14, $0x5;
	v25 =	vor.u32 v25, v47;
	s23 =	sshll.u32 s18, $0x7  }
0x13f: {  	(xrf2) =	vadd.scan.msk.f32 $0xffff, v19;
	v29 =	vor.u32 v53, v29;
	v34 =	vor.u32 v34, v35;
	v26 =	vor.u32 v26, v47;
	s1 =	ssub.s32 s14, s23  }
0x140: {  	(xrf2) =	vadd.scan.msk.f32 $0xffff, v6;
	v6 =	vmul.f32 v15, v2;
	s14 =	sshll.u32 s18, $0x5;
	v44 =	vmov s1;
	v48 =	vor.u32 s1, v0  }
0x141: {  	v49 =	vmov s14;
	v50 =	vor.u32 s1, v1;
	s1 =	spop (v2sf);
	(v2sf) =	vpush v5, $0xF  }
0x142: {  	v5 =	vor.u32 v41, v39;
	v54 =	vor.u32 s14, v0;
	v55 =	vor.u32 s14, v1;
	s23 =	sshra.s32 s1, $0x1F;
	v23 =	vld.idx.msk [tilespmem:v23+s17+$0x0], $0xffff  }
0x143: {  	s22 =	sadd.s32 $0xFFFFFE80, s0;
	v30 =	vand.u32 $0xFFFFFF80, v44;
	v36 =	vand.u32 $0xFFFFFF80, v49;
	v31 =	vand.u32 $0x6F, v48;
	v25 =	vld.idx.msk [tilespmem:v25+s19+$0x0], $0xffff;
	s18 =	sshrl.u32 s23, $0x1E  }
0x144: {  	v22 =	vld.idx.msk [tilespmem:v60+s17+$0x0], $0xffff;
	v60 =	vand.u32 $0x7F, v50;
	v61 =	vand.u32 $0x6F, v54;
	v30 =	vadd.s32 s22, v30;
	s18 =	sadd.s32 s18, s1  }
0x145: {  	v62 =	vand.u32 $0x7F, v55;
	v36 =	vadd.s32 s22, v36;
	v31 =	vor.u32 v31, v30;
	s18 =	sshra.s32 s18, $0x2  }
0x146: {  	s1 =	sshll.u32 s1, $0x5;
	v30 =	vor.u32 v60, v30;
	v35 =	vor.u32 v61, v36;
	v36 =	vor.u32 v62, v36;
	s22 =	sshll.u32 s18, $0x7;
	s14 =	sshll.u32 s18, $0x5  }
0x147: {  	v5 =	vld.idx.msk [tilespmem:v5+s19+$0x0], $0xffff;
	s1 =	ssub.s32 s1, s22;
	v58 =	vmov s14;
	v63 =	vor.u32 s14, v0;
	v48 =	vor.u32 s14, v1  }
0x148: {  	v23 =	vmul.f32 v25, v23;
	v56 =	vmov s1;
	v57 =	vor.u32 s1, v0  }
0x149: {  	v59 =	vor.u32 s1, v1;
	v42 =	vand.u32 $0xFFFFFF80, v58;
	v38 =	vand.u32 $0x6F, v63;
	s18 =	spop (v2sf)  }
0x14a: {  	v32 =	vld.idx.msk [tilespmem:v32+s19+$0x0], $0xffff;
	s23 =	sadd.s32 $0xFFFFFF00, s0;
	v39 =	vand.u32 $0x7F, v48;
	v63 =	vmul.f32 v17, v3;
	v40 =	vand.u32 $0xFFFFFF80, v56;
	s22 =	sshra.s32 s18, $0x1F  }
0x14b: {  	v33 =	vld.idx.msk [tilespmem:v33+s19+$0x0], $0xffff;
	v42 =	vadd.s32 s23, v42;
	v49 =	vand.u32 $0x6F, v57;
	v43 =	vand.u32 $0x7F, v59;
	s1 =	sshrl.u32 s22, $0x1E  }
0x14c: {  	v27 =	vld.idx.msk [tilespmem:v51+s19+$0x0], $0xffff;
	v40 =	vadd.s32 s23, v40;
	v38 =	vor.u32 v38, v42;
	v5 =	vmul.f32 v5, v22;
	s1 =	sadd.s32 s1, s18  }
0x14d: {  	v24 =	vld.idx.msk [tilespmem:v24+s17+$0x0], $0xffff;
	v39 =	vor.u32 v39, v42;
	v7 =	vadd.f32 v63, v7;
	v37 =	vor.u32 v49, v40;
	s1 =	sshra.s32 s1, $0x2  }
0x14e: {  	v28 =	vld.idx.msk [tilespmem:v28+s17+$0x0], $0xffff;
	v40 =	vor.u32 v43, v40;
	v49 =	vmul.f32 v20, v2;
	s18 =	sshll.u32 s18, $0x5;
	v5 =	vmul.f32 v5, v2;
	s23 =	sshll.u32 s1, $0x7;
	s1 =	sshll.u32 s1, $0x5  }
0x14f: {  	v29 =	vld.idx.msk [tilespmem:v29+s17+$0x0], $0xffff;
	s14 =	ssub.s32 s18, s23;
	v52 =	vmov s1;
	v56 =	vor.u32 s1, v0;
	v58 =	vor.u32 s1, v1  }
0x150: {  	v34 =	vld.idx.msk [tilespmem:v34+s17+$0x0], $0xffff;
	v50 =	vmov s14;
	v51 =	vor.u32 s14, v0;
	v53 =	vor.u32 s14, v1;
	s14 =	spop (v2sf)  }
0x151: {  	v26 =	vld.idx.msk [tilespmem:v26+s19+$0x0], $0xffff;
	s22 =	sadd.s32 $0xFFFFFF80, s0;
	v45 =	vand.u32 $0xFFFFFF80, v52;
	v43 =	vand.u32 $0x6F, v56;
	v59 =	vand.u32 $0x7F, v58;
	s23 =	sshra.s32 s14, $0x1F  }
0x152: {  	v31 =	vld.idx.msk [tilespmem:v31+s17+$0x0], $0xffff;
	v52 =	vmul.f32 v27, v24;
	v41 =	vand.u32 $0xFFFFFF80, v50;
	v45 =	vadd.s32 s22, v45;
	s18 =	sshrl.u32 s23, $0x1E  }
0x153: {  	v30 =	vld.idx.msk [tilespmem:v30+s17+$0x0], $0xffff;
	v54 =	vand.u32 $0x6F, v51;
	v57 =	vand.u32 $0x7F, v53;
	v50 =	vmul.f32 v21, v3;
	s18 =	sadd.s32 s18, s14  }
0x154: {  	v35 =	vld.idx.msk [tilespmem:v35+s19+$0x0], $0xffff;
	v41 =	vadd.s32 s22, v41;
	v43 =	vor.u32 v43, v45;
	v44 =	vor.u32 v59, v45;
	s18 =	sshra.s32 s18, $0x2  }
0x155: {  	v36 =	vld.idx.msk [tilespmem:v36+s19+$0x0], $0xffff;
	v55 =	vor.u32 v54, v41;
	s14 =	sshll.u32 s14, $0x5;
	v41 =	vor.u32 v57, v41;
	v18 =	vadd.f32 v50, v49;
	s22 =	sshll.u32 s18, $0x7;
	s23 =	sshll.u32 s18, $0x5  }
0x156: {  	v38 =	vld.idx.msk [tilespmem:v38+s19+$0x0], $0xffff;
	v54 =	vmul.f32 v32, v28;
	v32 =	vmul.f32 v16, v3;
	s1 =	ssub.s32 s14, s22;
	v62 =	vmov s23  }
0x157: {  	v39 =	vld.idx.msk [tilespmem:v39+s19+$0x0], $0xffff;
	v48 =	vor.u32 s23, v0;
	v63 =	vor.u32 s23, v1;
	v60 =	vmov s1  }
0x158: {  	v40 =	vld.idx.msk [tilespmem:v40+s17+$0x0], $0xffff;
	v61 =	vor.u32 s1, v0;
	v47 =	vand.u32 $0xFFFFFF80, v62;
	v48 =	vand.u32 $0x6F, v48  }
0x159: {  	v37 =	vld.idx.msk [tilespmem:v37+s17+$0x0], $0xffff;
	v58 =	vor.u32 s1, v1;
	v45 =	vand.u32 $0xFFFFFF80, v60;
	v47 =	vadd.s32 s0, v47  }
0x15a: {  	v42 =	vld.idx.msk [tilespmem:v55+s17+$0x0], $0xffff;
	v55 =	vmul.f32 v33, v29;
	v33 =	vand.u32 $0x7F, v63;
	v48 =	vor.u32 v48, v47  }
0x15b: {  	(xrf2) =	vadd.scan.msk.f32 $0xffff, v13;
	v51 =	vld.idx.msk [tilespmem:v43+s19+$0x0], $0xffff;
	v46 =	vand.u32 $0x6F, v61;
	v45 =	vadd.s32 s0, v45;
	v16 =	vor.u32 v33, v47  }
0x15c: {  	(xrf2) =	vadd.scan.msk.f32 $0xffff, v7;
	v57 =	vmul.f32 v26, v34;
	v53 =	vld.idx.msk [tilespmem:v44+s19+$0x0], $0xffff;
	v26 =	vand.u32 $0x7F, v58;
	v46 =	vor.u32 v46, v45  }
0x15d: {  	v34 =	vmul.f32 v39, v40;
	v6 =	vadd.f32 v32, v6;
	v41 =	vld.idx.msk [tilespmem:v41+s17+$0x0], $0xffff;
	v26 =	vor.u32 v26, v45  }
0x15e: {  	(xrf2) =	vadd.scan.msk.f32 $0xffff, v18;
	v39 =	vmul.f32 v54, v2;
	v62 =	vmul.f32 v38, v37  }
0x15f: {  	(xrf2) =	vadd.scan.msk.f32 $0xffff, v6;
	v6 =	vmul.f32 v11, v2;
	v37 =	vmul.f32 v52, v3;
	v59 =	vld.idx.msk [tilespmem:v48+s19+$0x0], $0xffff  }
0x160: {  	v61 =	vmul.f32 v36, v30;
	v36 =	vmul.f32 v12, v3;
	v16 =	vld.idx.msk [tilespmem:v16+s19+$0x0], $0xffff  }
0x161: {  	v8 =	vadd.f32 v9, v8;
	v60 =	vmul.f32 v35, v31;
	v40 =	vmul.f32 v55, v3;
	v56 =	vld.idx.msk [tilespmem:v46+s17+$0x0], $0xffff  }
0x162: {  	v6 =	vadd.f32 v36, v6;
	v21 =	vmul.f32 v51, v42;
	v7 =	vmul.f32 v53, v41;
	v38 =	vld.idx.msk [tilespmem:v26+s17+$0x0], $0xffff  }
0x163: {  	(xrf2) =	vadd.scan.msk.f32 $0xffff, v8;
	v5 =	vadd.f32 v37, v5;
	v41 =	vmul.f32 v23, v2;
	v42 =	vmul.f32 v57, v3  }
0x164: {  	v10 =	vmul.f32 v60, v2;
	v43 =	vmul.f32 v61, v3;
	(xrf2) =	vadd.scan.msk.f32 $0xffff, v6;
	v6 =	vadd.f32 v40, v39  }
0x165: {  	v13 =	vmul.f32 v34, v3;
	v45 =	vmul.f32 v62, v2;
	(xrf2) =	vadd.scan.msk.f32 $0xffff, v5;
	v5 =	vadd.f32 v42, v41  }
0x166: {  	v44, _, _ =	vpop (xrf2);
	(xrf2) =	vadd.scan.msk.f32 $0xffff, v6;
	v6 =	vadd.f32 v43, v10;
	v47 =	vmul.f32 v21, v2;
	v7 =	vmul.f32 v7, v3  }
0x167: {  	v46, _, _ =	vpop (xrf2);
	(xrf2) =	vadd.scan.msk.f32 $0xffff, v5;
	v5 =	vadd.f32 v13, v45;
	v35 =	vmul.f32 v59, v56;
	v48 =	vmul.f32 v16, v38  }
0x168: {  	v8 =	vbroadcast v44, $0xF;
	v49, _, _ =	vpop (xrf2);
	v7 =	vadd.f32 v7, v47;
	(xrf2) =	vadd.scan.msk.f32 $0xffff, v6;
	v6 =	vbroadcast v46, $0xF  }
0x169: {  	v51, _, _ =	vpop (xrf2);
	(xrf2) =	vadd.scan.msk.f32 $0xffff, v5;
	v5 =	vmul.f32 v35, v2;
	v9 =	vmul.f32 v48, v3  }
0x16a: {  	v50 =	vbroadcast v49, $0xF  }
0x16b: {  	v52 =	vbroadcast v51, $0xF;
	v53, _, _ =	vpop (xrf2);
	v6 =	vsel vm0, v8, v6;
	(xrf2) =	vadd.scan.msk.f32 $0xffff, v7;
	v5 =	vadd.f32 v9, v5  }
0x16c: {  	v54 =	vbroadcast v53, $0xF;
	v7, _, _ =	vpop (xrf2);
	v6 =	vsel vm1, v6, v50  }
0x16d: {  	v55, _, _ =	vpop (xrf2);
	v6 =	vsel vm2, v6, v52;
	v7 =	vbroadcast v7, $0xF  }
0x16e: {  	v6 =	vsel vm3, v6, v54;
	v56 =	vbroadcast v55, $0xF;
	v57, _, _ =	vpop (xrf2)  }
0x16f: {  	v6 =	vsel vm4, v6, v7;
	v7 =	vbroadcast v57, $0xF;
	(xrf2) =	vadd.scan.msk.f32 $0xffff, v5;
	v5, _, _ =	vpop (xrf2)  }
0x170: {  	v6 =	vsel vm5, v6, v56;
	v58, _, _ =	vpop (xrf2);
	v5 =	vbroadcast v5, $0xF  }
0x171: {  	v6 =	vsel vm6, v6, v7;
	v59, _, _ =	vpop (xrf2);
	v7 =	vbroadcast v58, $0xF  }
0x172: {  	v60, _, _ =	vpop (xrf2);
	v5 =	vsel vm7, v6, v5;
	v6 =	vbroadcast v59, $0xF  }
0x173: {  	v61, _, _ =	vpop (xrf2);
	v5 =	vsel vm8, v5, v7;
	v7 =	vbroadcast v60, $0xF  }
0x174: {  	v62, _, _ =	vpop (xrf2);
	v5 =	vsel vm9, v5, v6;
	v6 =	vbroadcast v61, $0xF  }
0x175: {  	v63, _, _ =	vpop (xrf2);
	v5 =	vsel vm10, v5, v7  }
0x176: {  	v5 =	vsel vm11, v5, v6;
	v6 =	vbroadcast v63, $0xF  }
0x177: {  	v7 =	vbroadcast v62, $0xF;
	_ =	sdelay $0x1  }
0x178: {  	p0 =	sne.s32 s29, $0x7F;
	v5 =	vsel vm12, v5, v7  }
.Ltmp1:
0x179: {  	v5 =	vsel vm13, v5, v6;
	v6, _, _ =	vpop (xrf2);
	(pc) =	sbr.rel @p0 .LBB2_4-.Ltmp1, $3  }
0x17a: {  	v5 =	vsel vm14, v5, v6  }
0x17b: {  	v5 =	vadd.f32 v5, v4;
	_ =	sdelay $0x1  }
0x17c: {  	s30 =	sadd.s32 $0x10, s30;
	s29 =	sadd.s32 $0x10, s29;
	[tilespmem:s31+$0x0] =	vst v5;
	s31 =	sadd.s32 $0x10, s31  }
0x17d: {  	[tilespmem:s17], [sflag:$0x1] =	stream.indirect.gather [hbm4b:s3+s13], $0x80, s24, s13, $0xb8;
	[tilespmem:$0x10880] =	vst v63  }
0x17e: {  	_ = 	snop  }
0x17f: {  	[tilespmem:s19], [sflag:$0x2] =	stream.indirect.gather [hbm4b:s4+s13], $0x80, s25, s13, $0xb8;
	[tilespmem:$0x10880] =	vst v63  }
0x180: {  	_ =	swait.ge [sflag:s20], $0x4000  }
0x181: {  	[sflag:s20] =	ssyncset.done $0x0  }
0x182: {  	[sflag:s20] =	ssyncadd.s32 $0xFFFFC000  }
0x183: {  	_ =	swait.ge [sflag:s21], $0x4000  }
0x184: {  	s29 =	simm.s32 $0xF;
	[sflag:s21] =	ssyncset.done $0x0  }
0x185: {  	s30 =	simm.s32 $0x500;
	s31 =	simm.s32 $0x10780;
	[sflag:s21] =	ssyncadd.s32 $0xFFFFC000  }
.LBB2_6:
0x186: {  	v5 =	vld [tilespmem:s30+$0x0];
	_ =	sdelay $0x4  }
0x187: {  	(v2sf) =	vpush v5, $0x0;
	_ =	sdelay $0x4  }
0x188: {  	(v2sf) =	vpush v5, $0x1;
	_ =	sdelay $0x1  }
0x189: {  	(v2sf) =	vpush v5, $0x2;
	_ =	sdelay $0x7  }
0x18a: {  	s0 =	spop (v2sf)  }
0x18b: {  	s1 =	sshra.s32 s0, $0x1F  }
0x18c: {  	s1 =	sshrl.u32 s1, $0x1E  }
0x18d: {  	s1 =	sadd.s32 s1, s0  }
0x18e: {  	s1 =	sshra.s32 s1, $0x2  }
0x18f: {  	(v2sf) =	vpush v5, $0x3;
	s18 =	spop (v2sf);
	s14 =	sshll.u32 s1, $0x7;
	s1 =	sshll.u32 s1, $0x5  }
0x190: {  	(v2sf) =	vpush v5, $0x4;
	s22 =	sshra.s32 s18, $0x1F;
	s0 =	sshll.u32 s0, $0x5;
	v9 =	vmov s1  }
0x191: {  	s22 =	sshrl.u32 s22, $0x1E;
	s14 =	ssub.s32 s0, s14;
	v10 =	vor.u32 s1, v0;
	v24 =	vor.u32 s1, v1;
	s1 =	spop (v2sf);
	(v2sf) =	vpush v5, $0x5  }
0x192: {  	s22 =	sadd.s32 s22, s18;
	v6 =	vmov s14;
	v7 =	vor.u32 s14, v0;
	v8 =	vor.u32 s14, v1  }
0x193: {  	s0 =	sshll.u32 s29, $0x7;
	s14 =	sshra.s32 s22, $0x2;
	v9 =	vand.u32 $0xFFFFFF80, v9;
	v23 =	vand.u32 $0x6F, v10;
	v10 =	vand.u32 $0x7F, v24  }
0x194: {  	s23 =	sadd.s32 $0xFFFFF880, s0;
	v6 =	vand.u32 $0xFFFFFF80, v6;
	v7 =	vand.u32 $0x6F, v7;
	v8 =	vand.u32 $0x7F, v8;
	s22 =	sshll.u32 s14, $0x7;
	s14 =	sshll.u32 s14, $0x5  }
0x195: {  	s18 =	sshll.u32 s18, $0x5;
	v9 =	vadd.s32 s23, v9;
	v6 =	vadd.s32 s23, v6;
	v26 =	vmov s14  }
0x196: {  	s18 =	ssub.s32 s18, s22;
	v14 =	vor.u32 s14, v0;
	v28 =	vor.u32 s14, v1;
	v7 =	vor.u32 v7, v6  }
0x197: {  	s23 =	sshra.s32 s1, $0x1F;
	v6 =	vor.u32 v8, v6;
	v8 =	vor.u32 v23, v9;
	v11 =	vmov s18  }
0x198: {  	s22 =	sadd.s32 $0xFFFFF900, s0;
	v12 =	vor.u32 s18, v0;
	s23 =	sshrl.u32 s23, $0x1E;
	v9 =	vor.u32 v10, v9;
	v11 =	vand.u32 $0xFFFFFF80, v11  }
0x199: {  	v13 =	vor.u32 s18, v1;
	v12 =	vand.u32 $0x6F, v12;
	s23 =	sadd.s32 s23, s1;
	v11 =	vadd.s32 s22, v11  }
0x19a: {  	v13 =	vand.u32 $0x7F, v13;
	s18 =	sshra.s32 s23, $0x2;
	v25 =	vor.u32 v12, v11;
	v12 =	vand.u32 $0xFFFFFF80, v26  }
0x19b: {  	v14 =	vand.u32 $0x6F, v14;
	s1 =	sshll.u32 s1, $0x5;
	s23 =	sshll.u32 s18, $0x7;
	v11 =	vor.u32 v13, v11;
	s18 =	sshll.u32 s18, $0x5;
	v12 =	vadd.s32 s22, v12  }
0x19c: {  	s1 =	ssub.s32 s1, s23;
	v17 =	vmov s18;
	v30 =	vor.u32 s18, v0;
	v18 =	vor.u32 s18, v1  }
0x19d: {  	v27 =	vor.u32 v14, v12;
	v14 =	vand.u32 $0x7F, v28;
	v15 =	vmov s1;
	v7 =	vld.idx.msk [tilespmem:v7+s15+$0x0], $0xffff  }
0x19e: {  	s22 =	sadd.s32 $0xFFFFF980, s0;
	v29 =	vor.u32 s1, v0;
	v6 =	vld.idx.msk [tilespmem:v6+s15+$0x0], $0xffff;
	v16 =	vor.u32 s1, v1;
	v15 =	vand.u32 $0xFFFFFF80, v15  }
0x19f: {  	v8 =	vld.idx.msk [tilespmem:v8+s16+$0x0], $0xffff;
	v12 =	vor.u32 v14, v12;
	v14 =	vand.u32 $0x6F, v29;
	v15 =	vadd.s32 s22, v15  }
0x1a0: {  	v9 =	vld.idx.msk [tilespmem:v9+s16+$0x0], $0xffff;
	v17 =	vand.u32 $0xFFFFFF80, v17;
	v16 =	vand.u32 $0x7F, v16;
	v14 =	vor.u32 v14, v15  }
0x1a1: {  	v17 =	vadd.s32 s22, v17;
	v15 =	vor.u32 v16, v15;
	v10 =	vld.idx.msk [tilespmem:v25+s15+$0x0], $0xffff;
	v16 =	vand.u32 $0x6F, v30  }
0x1a2: {  	s23 =	spop (v2sf);
	v18 =	vand.u32 $0x7F, v18;
	v11 =	vld.idx.msk [tilespmem:v11+s15+$0x0], $0xffff;
	v16 =	vor.u32 v16, v17  }
0x1a3: {  	s18 =	sshra.s32 s23, $0x1F;
	v17 =	vor.u32 v18, v17;
	v13 =	vld.idx.msk [tilespmem:v27+s16+$0x0], $0xffff  }
0x1a4: {  	s14 =	sshrl.u32 s18, $0x1E;
	v12 =	vld.idx.msk [tilespmem:v12+s16+$0x0], $0xffff  }
0x1a5: {  	s14 =	sadd.s32 s14, s23;
	v14 =	vld.idx.msk [tilespmem:v14+s15+$0x0], $0xffff  }
0x1a6: {  	(v2sf) =	vpush v5, $0x6;
	s14 =	sshra.s32 s14, $0x2;
	v15 =	vld.idx.msk [tilespmem:v15+s15+$0x0], $0xffff  }
0x1a7: {  	s18 =	spop (v2sf);
	(v2sf) =	vpush v5, $0x7;
	s22 =	sshll.u32 s14, $0x7;
	s14 =	sshll.u32 s14, $0x5;
	v16 =	vld.idx.msk [tilespmem:v16+s16+$0x0], $0xffff  }
0x1a8: {  	s1 =	sshll.u32 s23, $0x5;
	v7 =	vmul.f32 v8, v7;
	v6 =	vmul.f32 v9, v6;
	v37 =	vmov s14;
	v17 =	vld.idx.msk [tilespmem:v17+s16+$0x0], $0xffff  }
0x1a9: {  	s1 =	ssub.s32 s1, s22;
	v38 =	vor.u32 s14, v0;
	v40 =	vor.u32 s14, v1;
	v31 =	vmul.f32 v13, v10  }
0x1aa: {  	v33 =	vor.u32 s1, v0;
	v10 =	vmul.f32 v7, v2;
	v7 =	vmul.f32 v12, v11  }
0x1ab: {  	s22 =	sshra.s32 s18, $0x1F;
	v36 =	vor.u32 s1, v1;
	v13 =	vand.u32 $0x6F, v33;
	v11 =	vmul.f32 v6, v3  }
0x1ac: {  	s22 =	sshrl.u32 s22, $0x1E;
	v8 =	vmul.f32 v31, v2;
	v9 =	vmul.f32 v7, v3;
	v7 =	vmov s1  }
0x1ad: {  	s22 =	sadd.s32 s22, s18;
	v10 =	vadd.f32 v11, v10;
	v6 =	vmul.f32 v16, v14;
	v32 =	vmul.f32 v17, v15  }
0x1ae: {  	s23 =	sadd.s32 $0xFFFFFA00, s0;
	s1 =	sshra.s32 s22, $0x2;
	v7 =	vand.u32 $0xFFFFFF80, v7;
	v15 =	vand.u32 $0xFFFFFF80, v37;
	v14 =	vand.u32 $0x6F, v38  }
0x1af: {  	s18 =	sshll.u32 s18, $0x5;
	s22 =	sshll.u32 s1, $0x7;
	v17 =	vand.u32 $0x7F, v40;
	s1 =	sshll.u32 s1, $0x5;
	v34 =	vadd.s32 s23, v7;
	v15 =	vadd.s32 s23, v15  }
0x1b0: {  	s18 =	ssub.s32 s18, s22;
	s22 =	spop (v2sf);
	v19 =	vmov s1;
	(v2sf) =	vpush v5, $0x8;
	v20 =	vor.u32 s1, v0  }
0x1b1: {  	v45 =	vor.u32 s1, v1;
	v6 =	vmul.f32 v6, v2;
	v7 =	vmul.f32 v32, v3  }
0x1b2: {  	v35 =	vor.u32 v13, v34;
	v13 =	vand.u32 $0x7F, v36;
	v39 =	vmov s18  }
0x1b3: {  	v41 =	vor.u32 s18, v0;
	v14 =	vor.u32 v14, v15;
	v15 =	vor.u32 v17, v15  }
0x1b4: {  	s23 =	sshra.s32 s22, $0x1F;
	v43 =	vor.u32 s18, v1;
	v19 =	vand.u32 $0xFFFFFF80, v19;
	v44 =	vand.u32 $0x6F, v20  }
0x1b5: {  	s14 =	sadd.s32 $0xFFFFFA80, s0;
	s1 =	spop (v2sf);
	v20 =	vand.u32 $0x7F, v45;
	(v2sf) =	vpush v5, $0x9;
	v16 =	vand.u32 $0xFFFFFF80, v39;
	s23 =	sshrl.u32 s23, $0x1E  }
0x1b6: {  	v13 =	vor.u32 v13, v34;
	v18 =	vand.u32 $0x6F, v41;
	v16 =	vadd.s32 s14, v16;
	s23 =	sadd.s32 s23, s22  }
0x1b7: {  	v19 =	vadd.s32 s14, v19;
	v42 =	vor.u32 v18, v16;
	s18 =	sshra.s32 s23, $0x2;
	v18 =	vand.u32 $0x7F, v43  }
0x1b8: {  	s22 =	sshll.u32 s22, $0x5;
	v6 =	vadd.f32 v7, v6;
	s23 =	sshll.u32 s18, $0x7;
	v16 =	vor.u32 v18, v16;
	v18 =	vor.u32 v44, v19;
	s18 =	sshll.u32 s18, $0x5  }
0x1b9: {  	v19 =	vor.u32 v20, v19;
	s14 =	ssub.s32 s22, s23;
	v48 =	vmov s18;
	v49 =	vor.u32 s18, v0  }
0x1ba: {  	s23 =	sshra.s32 s1, $0x1F;
	v24 =	vor.u32 s18, v1;
	s18 =	spop (v2sf);
	(v2sf) =	vpush v5, $0xA;
	v21 =	vmov s14  }
0x1bb: {  	v22 =	vor.u32 s14, v0;
	v23 =	vor.u32 s14, v1;
	s23 =	sshrl.u32 s23, $0x1E;
	v24 =	vand.u32 $0x7F, v24  }
0x1bc: {  	s22 =	sadd.s32 $0xFFFFFB00, s0;
	(v2sf) =	vpush v5, $0xB;
	v21 =	vand.u32 $0xFFFFFF80, v21;
	v22 =	vand.u32 $0x6F, v22;
	s14 =	sadd.s32 s23, s1  }
0x1bd: {  	v15 =	vld.idx.msk [tilespmem:v15+s16+$0x0], $0xffff;
	v47 =	vand.u32 $0x7F, v23;
	v23 =	vand.u32 $0x6F, v49;
	v21 =	vadd.s32 s22, v21;
	s14 =	sshra.s32 s14, $0x2  }
0x1be: {  	v30 =	vld.idx.msk [tilespmem:v13+s15+$0x0], $0xffff;
	(v2sf) =	vpush v5, $0xC;
	v46 =	vor.u32 v22, v21;
	v22 =	vand.u32 $0xFFFFFF80, v48;
	s23 =	sshll.u32 s14, $0x7;
	s14 =	sshll.u32 s14, $0x5  }
0x1bf: {  	s1 =	sshll.u32 s1, $0x5;
	v21 =	vor.u32 v47, v21;
	v22 =	vadd.s32 s22, v22;
	v27 =	vmov s14  }
0x1c0: {  	s1 =	ssub.s32 s1, s23;
	v51 =	vor.u32 s14, v0;
	v28 =	vor.u32 s14, v1;
	v23 =	vor.u32 v23, v22  }
0x1c1: {  	v22 =	vor.u32 v24, v22;
	v50 =	vmov s1;
	v25 =	vor.u32 s1, v0  }
0x1c2: {  	s22 =	sshra.s32 s18, $0x1F;
	v26 =	vor.u32 s1, v1;
	v27 =	vand.u32 $0xFFFFFF80, v27;
	v28 =	vand.u32 $0x7F, v28  }
0x1c3: {  	v56 =	vld.idx.msk [tilespmem:v18+s16+$0x0], $0xffff;
	s23 =	sadd.s32 $0xFFFFFB80, s0;
	s22 =	sshrl.u32 s22, $0x1E;
	v18 =	vmul.f32 v15, v30;
	v24 =	vand.u32 $0xFFFFFF80, v50;
	v25 =	vand.u32 $0x6F, v25  }
0x1c4: {  	s22 =	sadd.s32 s22, s18;
	v26 =	vand.u32 $0x7F, v26;
	v27 =	vadd.s32 s23, v27;
	v24 =	vadd.s32 s23, v24  }
0x1c5: {  	s1 =	sshra.s32 s22, $0x2;
	v25 =	vor.u32 v25, v24;
	v24 =	vor.u32 v26, v24;
	v26 =	vand.u32 $0x6F, v51  }
0x1c6: {  	s18 =	sshll.u32 s18, $0x5;
	v18 =	vmul.f32 v18, v3;
	s22 =	sshll.u32 s1, $0x7;
	s1 =	sshll.u32 s1, $0x5;
	v20 =	vld.idx.msk [tilespmem:v46+s15+$0x0], $0xffff;
	v26 =	vor.u32 v26, v27;
	v27 =	vor.u32 v28, v27  }
0x1c7: {  	v21 =	vld.idx.msk [tilespmem:v21+s15+$0x0], $0xffff;
	s14 =	ssub.s32 s18, s22;
	s18 =	spop (v2sf);
	v31 =	vmov s1;
	v32 =	vor.u32 s1, v0;
	v58 =	vor.u32 s1, v1  }
0x1c8: {  	v29 =	vmov s14;
	s22 =	sshra.s32 s18, $0x1F;
	v52 =	vor.u32 s14, v0;
	v54 =	vor.u32 s14, v1;
	v23 =	vld.idx.msk [tilespmem:v23+s16+$0x0], $0xffff  }
0x1c9: {  	s23 =	sadd.s32 $0xFFFFFC00, s0;
	v31 =	vand.u32 $0xFFFFFF80, v31;
	v55 =	vand.u32 $0x6F, v32;
	v22 =	vld.idx.msk [tilespmem:v22+s16+$0x0], $0xffff;
	v29 =	vand.u32 $0xFFFFFF80, v29;
	s22 =	sshrl.u32 s22, $0x1E  }
0x1ca: {  	v12 =	vld.idx.msk [tilespmem:v35+s15+$0x0], $0xffff;
	v13 =	vand.u32 $0x6F, v52;
	v53 =	vadd.s32 s23, v29;
	s22 =	sadd.s32 s22, s18;
	v29 =	vand.u32 $0x7F, v54  }
0x1cb: {  	v14 =	vld.idx.msk [tilespmem:v14+s16+$0x0], $0xffff;
	v31 =	vadd.s32 s23, v31;
	s14 =	sshra.s32 s22, $0x2;
	v28 =	vor.u32 v29, v53;
	v29 =	vand.u32 $0x7F, v58  }
0x1cc: {  	v17 =	vld.idx.msk [tilespmem:v42+s15+$0x0], $0xffff;
	s18 =	sshll.u32 s18, $0x5;
	v57 =	vor.u32 v55, v31;
	v13 =	vor.u32 v13, v53;
	s22 =	sshll.u32 s14, $0x7;
	v29 =	vor.u32 v29, v31;
	s14 =	sshll.u32 s14, $0x5  }
0x1cd: {  	v16 =	vld.idx.msk [tilespmem:v16+s15+$0x0], $0xffff;
	s18 =	ssub.s32 s18, s22;
	v35 =	vmov s14;
	v36 =	vor.u32 s14, v0;
	v37 =	vor.u32 s14, v1  }
0x1ce: {  	v19 =	vld.idx.msk [tilespmem:v19+s16+$0x0], $0xffff;
	s1 =	spop (v2sf);
	v20 =	vmul.f32 v23, v20;
	v21 =	vmul.f32 v22, v21;
	v33 =	vmov s18  }
0x1cf: {  	s23 =	sshra.s32 s1, $0x1F;
	v34 =	vor.u32 s18, v0;
	v60 =	vor.u32 s18, v1;
	v35 =	vand.u32 $0xFFFFFF80, v35  }
0x1d0: {  	s23 =	sshrl.u32 s23, $0x1E;
	s22 =	sadd.s32 $0xFFFFFC80, s0;
	v36 =	vand.u32 $0x6F, v36;
	v37 =	vand.u32 $0x7F, v37;
	v33 =	vand.u32 $0xFFFFFF80, v33  }
0x1d1: {  	s18 =	sadd.s32 s23, s1;
	v59 =	vand.u32 $0x6F, v34;
	v34 =	vand.u32 $0x7F, v60;
	v35 =	vadd.s32 s22, v35  }
0x1d2: {  	s18 =	sshra.s32 s18, $0x2;
	v33 =	vadd.s32 s22, v33;
	v61 =	vor.u32 v36, v35;
	v41 =	vld.idx.msk [tilespmem:v13+s15+$0x0], $0xffff;
	v13 =	vmul.f32 v14, v12  }
0x1d3: {  	s1 =	sshll.u32 s1, $0x5;
	s14 =	sshll.u32 s18, $0x7;
	v35 =	vor.u32 v37, v35;
	v14 =	vmul.f32 v56, v17;
	v17 =	vmul.f32 v19, v16  }
0x1d4: {  	s23 =	spop (v2sf);
	v19 =	vadd.f32 v9, v8;
	s1 =	ssub.s32 s1, s14;
	v31 =	vor.u32 v59, v33;
	v33 =	vor.u32 v34, v33;
	s14 =	sshll.u32 s18, $0x5  }
0x1d5: {  	s22 =	sshra.s32 s23, $0x1F;
	v62 =	vmov s1;
	v38 =	vor.u32 s1, v0;
	v39 =	vmov s14  }
0x1d6: {  	v44 =	vld.idx.msk [tilespmem:v57+s16+$0x0], $0xffff;
	s22 =	sshrl.u32 s22, $0x1E;
	v40 =	vor.u32 s1, v1;
	v37 =	vor.u32 s14, v0;
	v42 =	vor.u32 s14, v1  }
0x1d7: {  	s18 =	sadd.s32 s22, s23;
	s14 =	spop (v2sf);
	(v2sf) =	vpush v5, $0xD;
	v13 =	vmul.f32 v13, v2;
	v7 =	vmul.f32 v14, v2  }
0x1d8: {  	v28 =	vld.idx.msk [tilespmem:v28+s15+$0x0], $0xffff;
	s22 =	sadd.s32 $0xFFFFFD00, s0;
	v36 =	vand.u32 $0xFFFFFF80, v62;
	v39 =	vand.u32 $0xFFFFFF80, v39;
	s18 =	sshra.s32 s18, $0x2;
	v59 =	vand.u32 $0x6F, v38  }
0x1d9: {  	v49 =	vld.idx.msk [tilespmem:v29+s16+$0x0], $0xffff;
	v42 =	vand.u32 $0x7F, v42;
	v36 =	vadd.s32 s22, v36;
	v39 =	vadd.s32 s22, v39;
	s22 =	sshll.u32 s18, $0x7;
	s18 =	sshll.u32 s18, $0x5  }
0x1da: {  	s23 =	sshll.u32 s23, $0x5;
	v13 =	vadd.f32 v18, v13;
	v46 =	vmov s18;
	v32 =	vor.u32 s18, v0  }
0x1db: {  	s1 =	ssub.s32 s23, s22;
	v53 =	vld.idx.msk [tilespmem:v61+s16+$0x0], $0xffff;
	v8 =	vmul.f32 v44, v41;
	v60 =	vor.u32 v59, v36;
	v61 =	vand.u32 $0x7F, v40  }
0x1dc: {  	s22 =	sshra.s32 s14, $0x1F;
	v41 =	vand.u32 $0x6F, v37;
	v63 =	vmov s1;
	v43 =	vor.u32 s1, v0  }
0x1dd: {  	v45 =	vor.u32 s1, v1;
	s22 =	sshrl.u32 s22, $0x1E;
	v50 =	vand.u32 $0xFFFFFF80, v46;
	v52 =	vld.idx.msk [tilespmem:v33+s15+$0x0], $0xffff;
	v33 =	vor.u32 s18, v1  }
0x1de: {  	s23 =	sadd.s32 $0xFFFFFD80, s0;
	v54 =	vld.idx.msk [tilespmem:v35+s16+$0x0], $0xffff;
	v9 =	vmul.f32 v49, v28;
	v32 =	vand.u32 $0x6F, v32;
	v48 =	vand.u32 $0xFFFFFF80, v63;
	s22 =	sadd.s32 s22, s14  }
0x1df: {  	v51 =	vld.idx.msk [tilespmem:v31+s15+$0x0], $0xffff;
	v46 =	vadd.s32 s23, v50;
	v33 =	vand.u32 $0x7F, v33;
	v29 =	vadd.s32 s23, v48;
	s23 =	sshra.s32 s22, $0x2  }
0x1e0: {  	v24 =	vld.idx.msk [tilespmem:v24+s15+$0x0], $0xffff;
	s14 =	sshll.u32 s14, $0x5;
	v8 =	vmul.f32 v8, v2;
	v32 =	vor.u32 v32, v46;
	v33 =	vor.u32 v33, v46;
	s22 =	sshll.u32 s23, $0x7;
	s1 =	sshll.u32 s23, $0x5  }
0x1e1: {  	v27 =	vld.idx.msk [tilespmem:v27+s16+$0x0], $0xffff;
	v9 =	vmul.f32 v9, v3;
	s14 =	ssub.s32 s14, s22;
	v57 =	vmov s1;
	v62 =	vor.u32 s1, v0  }
0x1e2: {  	v25 =	vld.idx.msk [tilespmem:v25+s15+$0x0], $0xffff;
	v63 =	vor.u32 s1, v1;
	v55 =	vmov s14;
	v56 =	vor.u32 s14, v0  }
0x1e3: {  	v26 =	vld.idx.msk [tilespmem:v26+s16+$0x0], $0xffff;
	v58 =	vor.u32 s14, v1;
	v16 =	vand.u32 $0xFFFFFF80, v57;
	s14 =	spop (v2sf);
	(v2sf) =	vpush v5, $0xE  }
0x1e4: {  	v11 =	vmul.f32 v53, v51;
	v12 =	vmul.f32 v54, v52;
	v51 =	vor.u32 v42, v39  }
0x1e5: {  	s23 =	sadd.s32 $0xFFFFFE00, s0;
	v52 =	vand.u32 $0x6F, v43;
	v53 =	vand.u32 $0x7F, v45;
	v15 =	vand.u32 $0xFFFFFF80, v55;
	s22 =	sshra.s32 s14, $0x1F  }
0x1e6: {  	v47 =	vadd.s32 s23, v16;
	v16 =	vmul.f32 v27, v24;
	v24 =	vor.u32 v61, v36;
	s18 =	sshrl.u32 s22, $0x1E  }
0x1e7: {  	v28 =	vor.u32 v52, v29;
	v23 =	vand.u32 $0x6F, v56;
	v35 =	vadd.s32 s23, v15;
	s18 =	sadd.s32 s18, s14  }
0x1e8: {  	v15 =	vmul.f32 v26, v25;
	v25 =	vand.u32 $0x6F, v62;
	v23 =	vor.u32 v23, v35;
	s18 =	sshra.s32 s18, $0x2  }
0x1e9: {  	(xrf2) =	vadd.scan.msk.f32 $0xffff, v10;
	v34 =	vand.u32 $0x7F, v58;
	v26 =	vand.u32 $0x7F, v63;
	s14 =	sshll.u32 s14, $0x5;
	v25 =	vor.u32 v25, v47;
	s23 =	sshll.u32 s18, $0x7  }
0x1ea: {  	(xrf2) =	vadd.scan.msk.f32 $0xffff, v19;
	v29 =	vor.u32 v53, v29;
	v34 =	vor.u32 v34, v35;
	v26 =	vor.u32 v26, v47;
	s1 =	ssub.s32 s14, s23  }
0x1eb: {  	(xrf2) =	vadd.scan.msk.f32 $0xffff, v6;
	v6 =	vmul.f32 v15, v2;
	s14 =	sshll.u32 s18, $0x5;
	v44 =	vmov s1;
	v48 =	vor.u32 s1, v0  }
0x1ec: {  	v49 =	vmov s14;
	v50 =	vor.u32 s1, v1;
	s1 =	spop (v2sf);
	(v2sf) =	vpush v5, $0xF  }
0x1ed: {  	v5 =	vor.u32 v41, v39;
	v54 =	vor.u32 s14, v0;
	v55 =	vor.u32 s14, v1;
	s23 =	sshra.s32 s1, $0x1F;
	v23 =	vld.idx.msk [tilespmem:v23+s15+$0x0], $0xffff  }
0x1ee: {  	s22 =	sadd.s32 $0xFFFFFE80, s0;
	v30 =	vand.u32 $0xFFFFFF80, v44;
	v36 =	vand.u32 $0xFFFFFF80, v49;
	v31 =	vand.u32 $0x6F, v48;
	v25 =	vld.idx.msk [tilespmem:v25+s16+$0x0], $0xffff;
	s18 =	sshrl.u32 s23, $0x1E  }
0x1ef: {  	v22 =	vld.idx.msk [tilespmem:v60+s15+$0x0], $0xffff;
	v60 =	vand.u32 $0x7F, v50;
	v61 =	vand.u32 $0x6F, v54;
	v30 =	vadd.s32 s22, v30;
	s18 =	sadd.s32 s18, s1  }
0x1f0: {  	v62 =	vand.u32 $0x7F, v55;
	v36 =	vadd.s32 s22, v36;
	v31 =	vor.u32 v31, v30;
	s18 =	sshra.s32 s18, $0x2  }
0x1f1: {  	s1 =	sshll.u32 s1, $0x5;
	v30 =	vor.u32 v60, v30;
	v35 =	vor.u32 v61, v36;
	v36 =	vor.u32 v62, v36;
	s22 =	sshll.u32 s18, $0x7;
	s14 =	sshll.u32 s18, $0x5  }
0x1f2: {  	v5 =	vld.idx.msk [tilespmem:v5+s16+$0x0], $0xffff;
	s1 =	ssub.s32 s1, s22;
	v58 =	vmov s14;
	v63 =	vor.u32 s14, v0;
	v48 =	vor.u32 s14, v1  }
0x1f3: {  	v23 =	vmul.f32 v25, v23;
	v56 =	vmov s1;
	v57 =	vor.u32 s1, v0  }
0x1f4: {  	v59 =	vor.u32 s1, v1;
	v42 =	vand.u32 $0xFFFFFF80, v58;
	v38 =	vand.u32 $0x6F, v63;
	s18 =	spop (v2sf)  }
0x1f5: {  	v32 =	vld.idx.msk [tilespmem:v32+s16+$0x0], $0xffff;
	s23 =	sadd.s32 $0xFFFFFF00, s0;
	v39 =	vand.u32 $0x7F, v48;
	v63 =	vmul.f32 v17, v3;
	v40 =	vand.u32 $0xFFFFFF80, v56;
	s22 =	sshra.s32 s18, $0x1F  }
0x1f6: {  	v33 =	vld.idx.msk [tilespmem:v33+s16+$0x0], $0xffff;
	v42 =	vadd.s32 s23, v42;
	v49 =	vand.u32 $0x6F, v57;
	v43 =	vand.u32 $0x7F, v59;
	s1 =	sshrl.u32 s22, $0x1E  }
0x1f7: {  	v27 =	vld.idx.msk [tilespmem:v51+s16+$0x0], $0xffff;
	v40 =	vadd.s32 s23, v40;
	v38 =	vor.u32 v38, v42;
	v5 =	vmul.f32 v5, v22;
	s1 =	sadd.s32 s1, s18  }
0x1f8: {  	v24 =	vld.idx.msk [tilespmem:v24+s15+$0x0], $0xffff;
	v39 =	vor.u32 v39, v42;
	v7 =	vadd.f32 v63, v7;
	v37 =	vor.u32 v49, v40;
	s1 =	sshra.s32 s1, $0x2  }
0x1f9: {  	v28 =	vld.idx.msk [tilespmem:v28+s15+$0x0], $0xffff;
	v40 =	vor.u32 v43, v40;
	v49 =	vmul.f32 v20, v2;
	s18 =	sshll.u32 s18, $0x5;
	v5 =	vmul.f32 v5, v2;
	s23 =	sshll.u32 s1, $0x7;
	s1 =	sshll.u32 s1, $0x5  }
0x1fa: {  	v29 =	vld.idx.msk [tilespmem:v29+s15+$0x0], $0xffff;
	s14 =	ssub.s32 s18, s23;
	v52 =	vmov s1;
	v56 =	vor.u32 s1, v0;
	v58 =	vor.u32 s1, v1  }
0x1fb: {  	v34 =	vld.idx.msk [tilespmem:v34+s15+$0x0], $0xffff;
	v50 =	vmov s14;
	v51 =	vor.u32 s14, v0;
	v53 =	vor.u32 s14, v1;
	s14 =	spop (v2sf)  }
0x1fc: {  	v26 =	vld.idx.msk [tilespmem:v26+s16+$0x0], $0xffff;
	s22 =	sadd.s32 $0xFFFFFF80, s0;
	v45 =	vand.u32 $0xFFFFFF80, v52;
	v43 =	vand.u32 $0x6F, v56;
	v59 =	vand.u32 $0x7F, v58;
	s23 =	sshra.s32 s14, $0x1F  }
0x1fd: {  	v31 =	vld.idx.msk [tilespmem:v31+s15+$0x0], $0xffff;
	v52 =	vmul.f32 v27, v24;
	v41 =	vand.u32 $0xFFFFFF80, v50;
	v45 =	vadd.s32 s22, v45;
	s18 =	sshrl.u32 s23, $0x1E  }
0x1fe: {  	v30 =	vld.idx.msk [tilespmem:v30+s15+$0x0], $0xffff;
	v54 =	vand.u32 $0x6F, v51;
	v57 =	vand.u32 $0x7F, v53;
	v50 =	vmul.f32 v21, v3;
	s18 =	sadd.s32 s18, s14  }
0x1ff: {  	v35 =	vld.idx.msk [tilespmem:v35+s16+$0x0], $0xffff;
	v41 =	vadd.s32 s22, v41;
	v43 =	vor.u32 v43, v45;
	v44 =	vor.u32 v59, v45;
	s18 =	sshra.s32 s18, $0x2  }
0x200: {  	v36 =	vld.idx.msk [tilespmem:v36+s16+$0x0], $0xffff;
	v55 =	vor.u32 v54, v41;
	s14 =	sshll.u32 s14, $0x5;
	v41 =	vor.u32 v57, v41;
	v18 =	vadd.f32 v50, v49;
	s22 =	sshll.u32 s18, $0x7;
	s23 =	sshll.u32 s18, $0x5  }
0x201: {  	v38 =	vld.idx.msk [tilespmem:v38+s16+$0x0], $0xffff;
	v54 =	vmul.f32 v32, v28;
	v32 =	vmul.f32 v16, v3;
	s1 =	ssub.s32 s14, s22;
	v62 =	vmov s23  }
0x202: {  	v39 =	vld.idx.msk [tilespmem:v39+s16+$0x0], $0xffff;
	v48 =	vor.u32 s23, v0;
	v63 =	vor.u32 s23, v1;
	v60 =	vmov s1  }
0x203: {  	v40 =	vld.idx.msk [tilespmem:v40+s15+$0x0], $0xffff;
	v61 =	vor.u32 s1, v0;
	v47 =	vand.u32 $0xFFFFFF80, v62;
	v48 =	vand.u32 $0x6F, v48  }
0x204: {  	v37 =	vld.idx.msk [tilespmem:v37+s15+$0x0], $0xffff;
	v58 =	vor.u32 s1, v1;
	v45 =	vand.u32 $0xFFFFFF80, v60;
	v47 =	vadd.s32 s0, v47  }
0x205: {  	v42 =	vld.idx.msk [tilespmem:v55+s15+$0x0], $0xffff;
	v55 =	vmul.f32 v33, v29;
	v33 =	vand.u32 $0x7F, v63;
	v48 =	vor.u32 v48, v47  }
0x206: {  	(xrf2) =	vadd.scan.msk.f32 $0xffff, v13;
	v51 =	vld.idx.msk [tilespmem:v43+s16+$0x0], $0xffff;
	v46 =	vand.u32 $0x6F, v61;
	v45 =	vadd.s32 s0, v45;
	v16 =	vor.u32 v33, v47  }
0x207: {  	(xrf2) =	vadd.scan.msk.f32 $0xffff, v7;
	v57 =	vmul.f32 v26, v34;
	v53 =	vld.idx.msk [tilespmem:v44+s16+$0x0], $0xffff;
	v26 =	vand.u32 $0x7F, v58;
	v46 =	vor.u32 v46, v45  }
0x208: {  	v34 =	vmul.f32 v39, v40;
	v6 =	vadd.f32 v32, v6;
	v41 =	vld.idx.msk [tilespmem:v41+s15+$0x0], $0xffff;
	v26 =	vor.u32 v26, v45  }
0x209: {  	(xrf2) =	vadd.scan.msk.f32 $0xffff, v18;
	v39 =	vmul.f32 v54, v2;
	v62 =	vmul.f32 v38, v37  }
0x20a: {  	(xrf2) =	vadd.scan.msk.f32 $0xffff, v6;
	v6 =	vmul.f32 v11, v2;
	v37 =	vmul.f32 v52, v3;
	v59 =	vld.idx.msk [tilespmem:v48+s16+$0x0], $0xffff  }
0x20b: {  	v61 =	vmul.f32 v36, v30;
	v36 =	vmul.f32 v12, v3;
	v16 =	vld.idx.msk [tilespmem:v16+s16+$0x0], $0xffff  }
0x20c: {  	v8 =	vadd.f32 v9, v8;
	v60 =	vmul.f32 v35, v31;
	v40 =	vmul.f32 v55, v3;
	v56 =	vld.idx.msk [tilespmem:v46+s15+$0x0], $0xffff  }
0x20d: {  	v6 =	vadd.f32 v36, v6;
	v21 =	vmul.f32 v51, v42;
	v7 =	vmul.f32 v53, v41;
	v38 =	vld.idx.msk [tilespmem:v26+s15+$0x0], $0xffff  }
0x20e: {  	(xrf2) =	vadd.scan.msk.f32 $0xffff, v8;
	v5 =	vadd.f32 v37, v5;
	v41 =	vmul.f32 v23, v2;
	v42 =	vmul.f32 v57, v3  }
0x20f: {  	v10 =	vmul.f32 v60, v2;
	v43 =	vmul.f32 v61, v3;
	(xrf2) =	vadd.scan.msk.f32 $0xffff, v6;
	v6 =	vadd.f32 v40, v39  }
0x210: {  	v13 =	vmul.f32 v34, v3;
	v45 =	vmul.f32 v62, v2;
	(xrf2) =	vadd.scan.msk.f32 $0xffff, v5;
	v5 =	vadd.f32 v42, v41  }
0x211: {  	v44, _, _ =	vpop (xrf2);
	(xrf2) =	vadd.scan.msk.f32 $0xffff, v6;
	v6 =	vadd.f32 v43, v10;
	v47 =	vmul.f32 v21, v2;
	v7 =	vmul.f32 v7, v3  }
0x212: {  	v46, _, _ =	vpop (xrf2);
	(xrf2) =	vadd.scan.msk.f32 $0xffff, v5;
	v5 =	vadd.f32 v13, v45;
	v35 =	vmul.f32 v59, v56;
	v48 =	vmul.f32 v16, v38  }
0x213: {  	v8 =	vbroadcast v44, $0xF;
	v49, _, _ =	vpop (xrf2);
	v7 =	vadd.f32 v7, v47;
	(xrf2) =	vadd.scan.msk.f32 $0xffff, v6;
	v6 =	vbroadcast v46, $0xF  }
0x214: {  	v51, _, _ =	vpop (xrf2);
	(xrf2) =	vadd.scan.msk.f32 $0xffff, v5;
	v5 =	vmul.f32 v35, v2;
	v9 =	vmul.f32 v48, v3  }
0x215: {  	v50 =	vbroadcast v49, $0xF  }
0x216: {  	v52 =	vbroadcast v51, $0xF;
	v53, _, _ =	vpop (xrf2);
	v6 =	vsel vm0, v8, v6;
	(xrf2) =	vadd.scan.msk.f32 $0xffff, v7;
	v5 =	vadd.f32 v9, v5  }
0x217: {  	v54 =	vbroadcast v53, $0xF;
	v7, _, _ =	vpop (xrf2);
	v6 =	vsel vm1, v6, v50  }
0x218: {  	v55, _, _ =	vpop (xrf2);
	v6 =	vsel vm2, v6, v52;
	v7 =	vbroadcast v7, $0xF  }
0x219: {  	v6 =	vsel vm3, v6, v54;
	v56 =	vbroadcast v55, $0xF;
	v57, _, _ =	vpop (xrf2)  }
0x21a: {  	v6 =	vsel vm4, v6, v7;
	v7 =	vbroadcast v57, $0xF;
	(xrf2) =	vadd.scan.msk.f32 $0xffff, v5;
	v5, _, _ =	vpop (xrf2)  }
0x21b: {  	v6 =	vsel vm5, v6, v56;
	v58, _, _ =	vpop (xrf2);
	v5 =	vbroadcast v5, $0xF  }
0x21c: {  	v6 =	vsel vm6, v6, v7;
	v59, _, _ =	vpop (xrf2);
	v7 =	vbroadcast v58, $0xF  }
0x21d: {  	v60, _, _ =	vpop (xrf2);
	v5 =	vsel vm7, v6, v5;
	v6 =	vbroadcast v59, $0xF  }
0x21e: {  	v61, _, _ =	vpop (xrf2);
	v5 =	vsel vm8, v5, v7;
	v7 =	vbroadcast v60, $0xF  }
0x21f: {  	v62, _, _ =	vpop (xrf2);
	v5 =	vsel vm9, v5, v6;
	v6 =	vbroadcast v61, $0xF  }
0x220: {  	v63, _, _ =	vpop (xrf2);
	v5 =	vsel vm10, v5, v7  }
0x221: {  	v5 =	vsel vm11, v5, v6;
	v6 =	vbroadcast v63, $0xF  }
0x222: {  	v7 =	vbroadcast v62, $0xF;
	_ =	sdelay $0x1  }
0x223: {  	p0 =	sne.s32 s29, $0x7F;
	v5 =	vsel vm12, v5, v7  }
.Ltmp2:
0x224: {  	v5 =	vsel vm13, v5, v6;
	v6, _, _ =	vpop (xrf2);
	(pc) =	sbr.rel @p0 .LBB2_6-.Ltmp2, $3  }
0x225: {  	v5 =	vsel vm14, v5, v6  }
0x226: {  	v5 =	vadd.f32 v5, v4;
	_ =	sdelay $0x1  }
0x227: {  	s30 =	sadd.s32 $0x10, s30;
	s29 =	sadd.s32 $0x10, s29;
	[tilespmem:s31+$0x0] =	vst v5;
	s31 =	sadd.s32 $0x10, s31  }
0x228: {  	_ =	swait.ge [sflag:s20], $0x4000  }
0x229: {  	[sflag:s20] =	ssyncset.done $0x0  }
0x22a: {  	[sflag:s20] =	ssyncadd.s32 $0xFFFFC000  }
0x22b: {  	_ =	swait.ge [sflag:s21], $0x4000  }
0x22c: {  	s29 =	simm.s32 $0xF;
	[sflag:s21] =	ssyncset.done $0x0  }
0x22d: {  	s30 =	simm.s32 $0x580;
	s31 =	simm.s32 $0x10800;
	[sflag:s21] =	ssyncadd.s32 $0xFFFFC000  }
.LBB2_8:
0x22e: {  	v5 =	vld [tilespmem:s30+$0x0];
	_ =	sdelay $0x4  }
0x22f: {  	(v2sf) =	vpush v5, $0x0;
	_ =	sdelay $0x4  }
0x230: {  	(v2sf) =	vpush v5, $0x1;
	_ =	sdelay $0x1  }
0x231: {  	(v2sf) =	vpush v5, $0x2;
	_ =	sdelay $0x7  }
0x232: {  	s0 =	spop (v2sf)  }
0x233: {  	s1 =	sshra.s32 s0, $0x1F  }
0x234: {  	s1 =	sshrl.u32 s1, $0x1E  }
0x235: {  	s1 =	sadd.s32 s1, s0  }
0x236: {  	s1 =	sshra.s32 s1, $0x2  }
0x237: {  	(v2sf) =	vpush v5, $0x3;
	s18 =	spop (v2sf);
	s14 =	sshll.u32 s1, $0x7;
	s1 =	sshll.u32 s1, $0x5  }
0x238: {  	(v2sf) =	vpush v5, $0x4;
	s22 =	sshra.s32 s18, $0x1F;
	s0 =	sshll.u32 s0, $0x5;
	v9 =	vmov s1  }
0x239: {  	s22 =	sshrl.u32 s22, $0x1E;
	s14 =	ssub.s32 s0, s14;
	v10 =	vor.u32 s1, v0;
	v24 =	vor.u32 s1, v1;
	s1 =	spop (v2sf);
	(v2sf) =	vpush v5, $0x5  }
0x23a: {  	s22 =	sadd.s32 s22, s18;
	v6 =	vmov s14;
	v7 =	vor.u32 s14, v0;
	v8 =	vor.u32 s14, v1  }
0x23b: {  	s0 =	sshll.u32 s29, $0x7;
	s14 =	sshra.s32 s22, $0x2;
	v9 =	vand.u32 $0xFFFFFF80, v9;
	v23 =	vand.u32 $0x6F, v10;
	v10 =	vand.u32 $0x7F, v24  }
0x23c: {  	s23 =	sadd.s32 $0xFFFFF880, s0;
	v6 =	vand.u32 $0xFFFFFF80, v6;
	v7 =	vand.u32 $0x6F, v7;
	v8 =	vand.u32 $0x7F, v8;
	s22 =	sshll.u32 s14, $0x7;
	s14 =	sshll.u32 s14, $0x5  }
0x23d: {  	s18 =	sshll.u32 s18, $0x5;
	v9 =	vadd.s32 s23, v9;
	v6 =	vadd.s32 s23, v6;
	v26 =	vmov s14  }
0x23e: {  	s18 =	ssub.s32 s18, s22;
	v14 =	vor.u32 s14, v0;
	v28 =	vor.u32 s14, v1;
	v7 =	vor.u32 v7, v6  }
0x23f: {  	s23 =	sshra.s32 s1, $0x1F;
	v6 =	vor.u32 v8, v6;
	v8 =	vor.u32 v23, v9;
	v11 =	vmov s18  }
0x240: {  	s22 =	sadd.s32 $0xFFFFF900, s0;
	v12 =	vor.u32 s18, v0;
	s23 =	sshrl.u32 s23, $0x1E;
	v9 =	vor.u32 v10, v9;
	v11 =	vand.u32 $0xFFFFFF80, v11  }
0x241: {  	v13 =	vor.u32 s18, v1;
	v12 =	vand.u32 $0x6F, v12;
	s23 =	sadd.s32 s23, s1;
	v11 =	vadd.s32 s22, v11  }
0x242: {  	v13 =	vand.u32 $0x7F, v13;
	s18 =	sshra.s32 s23, $0x2;
	v25 =	vor.u32 v12, v11;
	v12 =	vand.u32 $0xFFFFFF80, v26  }
0x243: {  	v14 =	vand.u32 $0x6F, v14;
	s1 =	sshll.u32 s1, $0x5;
	s23 =	sshll.u32 s18, $0x7;
	v11 =	vor.u32 v13, v11;
	s18 =	sshll.u32 s18, $0x5;
	v12 =	vadd.s32 s22, v12  }
0x244: {  	s1 =	ssub.s32 s1, s23;
	v17 =	vmov s18;
	v30 =	vor.u32 s18, v0;
	v18 =	vor.u32 s18, v1  }
0x245: {  	v27 =	vor.u32 v14, v12;
	v14 =	vand.u32 $0x7F, v28;
	v15 =	vmov s1;
	v7 =	vld.idx.msk [tilespmem:v7+s17+$0x0], $0xffff  }
0x246: {  	s22 =	sadd.s32 $0xFFFFF980, s0;
	v29 =	vor.u32 s1, v0;
	v6 =	vld.idx.msk [tilespmem:v6+s17+$0x0], $0xffff;
	v16 =	vor.u32 s1, v1;
	v15 =	vand.u32 $0xFFFFFF80, v15  }
0x247: {  	v8 =	vld.idx.msk [tilespmem:v8+s19+$0x0], $0xffff;
	v12 =	vor.u32 v14, v12;
	v14 =	vand.u32 $0x6F, v29;
	v15 =	vadd.s32 s22, v15  }
0x248: {  	v9 =	vld.idx.msk [tilespmem:v9+s19+$0x0], $0xffff;
	v17 =	vand.u32 $0xFFFFFF80, v17;
	v16 =	vand.u32 $0x7F, v16;
	v14 =	vor.u32 v14, v15  }
0x249: {  	v17 =	vadd.s32 s22, v17;
	v15 =	vor.u32 v16, v15;
	v10 =	vld.idx.msk [tilespmem:v25+s17+$0x0], $0xffff;
	v16 =	vand.u32 $0x6F, v30  }
0x24a: {  	s23 =	spop (v2sf);
	v18 =	vand.u32 $0x7F, v18;
	v11 =	vld.idx.msk [tilespmem:v11+s17+$0x0], $0xffff;
	v16 =	vor.u32 v16, v17  }
0x24b: {  	s18 =	sshra.s32 s23, $0x1F;
	v17 =	vor.u32 v18, v17;
	v13 =	vld.idx.msk [tilespmem:v27+s19+$0x0], $0xffff  }
0x24c: {  	s14 =	sshrl.u32 s18, $0x1E;
	v12 =	vld.idx.msk [tilespmem:v12+s19+$0x0], $0xffff  }
0x24d: {  	s14 =	sadd.s32 s14, s23;
	v14 =	vld.idx.msk [tilespmem:v14+s17+$0x0], $0xffff  }
0x24e: {  	(v2sf) =	vpush v5, $0x6;
	s14 =	sshra.s32 s14, $0x2;
	v15 =	vld.idx.msk [tilespmem:v15+s17+$0x0], $0xffff  }
0x24f: {  	s18 =	spop (v2sf);
	(v2sf) =	vpush v5, $0x7;
	s22 =	sshll.u32 s14, $0x7;
	s14 =	sshll.u32 s14, $0x5;
	v16 =	vld.idx.msk [tilespmem:v16+s19+$0x0], $0xffff  }
0x250: {  	s1 =	sshll.u32 s23, $0x5;
	v7 =	vmul.f32 v8, v7;
	v6 =	vmul.f32 v9, v6;
	v37 =	vmov s14;
	v17 =	vld.idx.msk [tilespmem:v17+s19+$0x0], $0xffff  }
0x251: {  	s1 =	ssub.s32 s1, s22;
	v38 =	vor.u32 s14, v0;
	v40 =	vor.u32 s14, v1;
	v31 =	vmul.f32 v13, v10  }
0x252: {  	v33 =	vor.u32 s1, v0;
	v10 =	vmul.f32 v7, v2;
	v7 =	vmul.f32 v12, v11  }
0x253: {  	s22 =	sshra.s32 s18, $0x1F;
	v36 =	vor.u32 s1, v1;
	v13 =	vand.u32 $0x6F, v33;
	v11 =	vmul.f32 v6, v3  }
0x254: {  	s22 =	sshrl.u32 s22, $0x1E;
	v8 =	vmul.f32 v31, v2;
	v9 =	vmul.f32 v7, v3;
	v7 =	vmov s1  }
0x255: {  	s22 =	sadd.s32 s22, s18;
	v10 =	vadd.f32 v11, v10;
	v6 =	vmul.f32 v16, v14;
	v32 =	vmul.f32 v17, v15  }
0x256: {  	s23 =	sadd.s32 $0xFFFFFA00, s0;
	s1 =	sshra.s32 s22, $0x2;
	v7 =	vand.u32 $0xFFFFFF80, v7;
	v15 =	vand.u32 $0xFFFFFF80, v37;
	v14 =	vand.u32 $0x6F, v38  }
0x257: {  	s18 =	sshll.u32 s18, $0x5;
	s22 =	sshll.u32 s1, $0x7;
	v17 =	vand.u32 $0x7F, v40;
	s1 =	sshll.u32 s1, $0x5;
	v34 =	vadd.s32 s23, v7;
	v15 =	vadd.s32 s23, v15  }
0x258: {  	s18 =	ssub.s32 s18, s22;
	s22 =	spop (v2sf);
	v19 =	vmov s1;
	(v2sf) =	vpush v5, $0x8;
	v20 =	vor.u32 s1, v0  }
0x259: {  	v45 =	vor.u32 s1, v1;
	v6 =	vmul.f32 v6, v2;
	v7 =	vmul.f32 v32, v3  }
0x25a: {  	v35 =	vor.u32 v13, v34;
	v13 =	vand.u32 $0x7F, v36;
	v39 =	vmov s18  }
0x25b: {  	v41 =	vor.u32 s18, v0;
	v14 =	vor.u32 v14, v15;
	v15 =	vor.u32 v17, v15  }
0x25c: {  	s23 =	sshra.s32 s22, $0x1F;
	v43 =	vor.u32 s18, v1;
	v19 =	vand.u32 $0xFFFFFF80, v19;
	v44 =	vand.u32 $0x6F, v20  }
0x25d: {  	s14 =	sadd.s32 $0xFFFFFA80, s0;
	s1 =	spop (v2sf);
	v20 =	vand.u32 $0x7F, v45;
	(v2sf) =	vpush v5, $0x9;
	v16 =	vand.u32 $0xFFFFFF80, v39;
	s23 =	sshrl.u32 s23, $0x1E  }
0x25e: {  	v13 =	vor.u32 v13, v34;
	v18 =	vand.u32 $0x6F, v41;
	v16 =	vadd.s32 s14, v16;
	s23 =	sadd.s32 s23, s22  }
0x25f: {  	v19 =	vadd.s32 s14, v19;
	v42 =	vor.u32 v18, v16;
	s18 =	sshra.s32 s23, $0x2;
	v18 =	vand.u32 $0x7F, v43  }
0x260: {  	s22 =	sshll.u32 s22, $0x5;
	v6 =	vadd.f32 v7, v6;
	s23 =	sshll.u32 s18, $0x7;
	v16 =	vor.u32 v18, v16;
	v18 =	vor.u32 v44, v19;
	s18 =	sshll.u32 s18, $0x5  }
0x261: {  	v19 =	vor.u32 v20, v19;
	s14 =	ssub.s32 s22, s23;
	v48 =	vmov s18;
	v49 =	vor.u32 s18, v0  }
0x262: {  	s23 =	sshra.s32 s1, $0x1F;
	v24 =	vor.u32 s18, v1;
	s18 =	spop (v2sf);
	(v2sf) =	vpush v5, $0xA;
	v21 =	vmov s14  }
0x263: {  	v22 =	vor.u32 s14, v0;
	v23 =	vor.u32 s14, v1;
	s23 =	sshrl.u32 s23, $0x1E;
	v24 =	vand.u32 $0x7F, v24  }
0x264: {  	s22 =	sadd.s32 $0xFFFFFB00, s0;
	(v2sf) =	vpush v5, $0xB;
	v21 =	vand.u32 $0xFFFFFF80, v21;
	v22 =	vand.u32 $0x6F, v22;
	s14 =	sadd.s32 s23, s1  }
0x265: {  	v15 =	vld.idx.msk [tilespmem:v15+s19+$0x0], $0xffff;
	v47 =	vand.u32 $0x7F, v23;
	v23 =	vand.u32 $0x6F, v49;
	v21 =	vadd.s32 s22, v21;
	s14 =	sshra.s32 s14, $0x2  }
0x266: {  	v30 =	vld.idx.msk [tilespmem:v13+s17+$0x0], $0xffff;
	(v2sf) =	vpush v5, $0xC;
	v46 =	vor.u32 v22, v21;
	v22 =	vand.u32 $0xFFFFFF80, v48;
	s23 =	sshll.u32 s14, $0x7;
	s14 =	sshll.u32 s14, $0x5  }
0x267: {  	s1 =	sshll.u32 s1, $0x5;
	v21 =	vor.u32 v47, v21;
	v22 =	vadd.s32 s22, v22;
	v27 =	vmov s14  }
0x268: {  	s1 =	ssub.s32 s1, s23;
	v51 =	vor.u32 s14, v0;
	v28 =	vor.u32 s14, v1;
	v23 =	vor.u32 v23, v22  }
0x269: {  	v22 =	vor.u32 v24, v22;
	v50 =	vmov s1;
	v25 =	vor.u32 s1, v0  }
0x26a: {  	s22 =	sshra.s32 s18, $0x1F;
	v26 =	vor.u32 s1, v1;
	v27 =	vand.u32 $0xFFFFFF80, v27;
	v28 =	vand.u32 $0x7F, v28  }
0x26b: {  	v56 =	vld.idx.msk [tilespmem:v18+s19+$0x0], $0xffff;
	s23 =	sadd.s32 $0xFFFFFB80, s0;
	s22 =	sshrl.u32 s22, $0x1E;
	v18 =	vmul.f32 v15, v30;
	v24 =	vand.u32 $0xFFFFFF80, v50;
	v25 =	vand.u32 $0x6F, v25  }
0x26c: {  	s22 =	sadd.s32 s22, s18;
	v26 =	vand.u32 $0x7F, v26;
	v27 =	vadd.s32 s23, v27;
	v24 =	vadd.s32 s23, v24  }
0x26d: {  	s1 =	sshra.s32 s22, $0x2;
	v25 =	vor.u32 v25, v24;
	v24 =	vor.u32 v26, v24;
	v26 =	vand.u32 $0x6F, v51  }
0x26e: {  	s18 =	sshll.u32 s18, $0x5;
	v18 =	vmul.f32 v18, v3;
	s22 =	sshll.u32 s1, $0x7;
	s1 =	sshll.u32 s1, $0x5;
	v20 =	vld.idx.msk [tilespmem:v46+s17+$0x0], $0xffff;
	v26 =	vor.u32 v26, v27;
	v27 =	vor.u32 v28, v27  }
0x26f: {  	v21 =	vld.idx.msk [tilespmem:v21+s17+$0x0], $0xffff;
	s14 =	ssub.s32 s18, s22;
	s18 =	spop (v2sf);
	v31 =	vmov s1;
	v32 =	vor.u32 s1, v0;
	v58 =	vor.u32 s1, v1  }
0x270: {  	v29 =	vmov s14;
	s22 =	sshra.s32 s18, $0x1F;
	v52 =	vor.u32 s14, v0;
	v54 =	vor.u32 s14, v1;
	v23 =	vld.idx.msk [tilespmem:v23+s19+$0x0], $0xffff  }
0x271: {  	s23 =	sadd.s32 $0xFFFFFC00, s0;
	v31 =	vand.u32 $0xFFFFFF80, v31;
	v55 =	vand.u32 $0x6F, v32;
	v22 =	vld.idx.msk [tilespmem:v22+s19+$0x0], $0xffff;
	v29 =	vand.u32 $0xFFFFFF80, v29;
	s22 =	sshrl.u32 s22, $0x1E  }
0x272: {  	v12 =	vld.idx.msk [tilespmem:v35+s17+$0x0], $0xffff;
	v13 =	vand.u32 $0x6F, v52;
	v53 =	vadd.s32 s23, v29;
	s22 =	sadd.s32 s22, s18;
	v29 =	vand.u32 $0x7F, v54  }
0x273: {  	v14 =	vld.idx.msk [tilespmem:v14+s19+$0x0], $0xffff;
	v31 =	vadd.s32 s23, v31;
	s14 =	sshra.s32 s22, $0x2;
	v28 =	vor.u32 v29, v53;
	v29 =	vand.u32 $0x7F, v58  }
0x274: {  	v17 =	vld.idx.msk [tilespmem:v42+s17+$0x0], $0xffff;
	s18 =	sshll.u32 s18, $0x5;
	v57 =	vor.u32 v55, v31;
	v13 =	vor.u32 v13, v53;
	s22 =	sshll.u32 s14, $0x7;
	v29 =	vor.u32 v29, v31;
	s14 =	sshll.u32 s14, $0x5  }
0x275: {  	v16 =	vld.idx.msk [tilespmem:v16+s17+$0x0], $0xffff;
	s18 =	ssub.s32 s18, s22;
	v35 =	vmov s14;
	v36 =	vor.u32 s14, v0;
	v37 =	vor.u32 s14, v1  }
0x276: {  	v19 =	vld.idx.msk [tilespmem:v19+s19+$0x0], $0xffff;
	s1 =	spop (v2sf);
	v20 =	vmul.f32 v23, v20;
	v21 =	vmul.f32 v22, v21;
	v33 =	vmov s18  }
0x277: {  	s23 =	sshra.s32 s1, $0x1F;
	v34 =	vor.u32 s18, v0;
	v60 =	vor.u32 s18, v1;
	v35 =	vand.u32 $0xFFFFFF80, v35  }
0x278: {  	s23 =	sshrl.u32 s23, $0x1E;
	s22 =	sadd.s32 $0xFFFFFC80, s0;
	v36 =	vand.u32 $0x6F, v36;
	v37 =	vand.u32 $0x7F, v37;
	v33 =	vand.u32 $0xFFFFFF80, v33  }
0x279: {  	s18 =	sadd.s32 s23, s1;
	v59 =	vand.u32 $0x6F, v34;
	v34 =	vand.u32 $0x7F, v60;
	v35 =	vadd.s32 s22, v35  }
0x27a: {  	s18 =	sshra.s32 s18, $0x2;
	v33 =	vadd.s32 s22, v33;
	v61 =	vor.u32 v36, v35;
	v41 =	vld.idx.msk [tilespmem:v13+s17+$0x0], $0xffff;
	v13 =	vmul.f32 v14, v12  }
0x27b: {  	s1 =	sshll.u32 s1, $0x5;
	s14 =	sshll.u32 s18, $0x7;
	v35 =	vor.u32 v37, v35;
	v14 =	vmul.f32 v56, v17;
	v17 =	vmul.f32 v19, v16  }
0x27c: {  	s23 =	spop (v2sf);
	v19 =	vadd.f32 v9, v8;
	s1 =	ssub.s32 s1, s14;
	v31 =	vor.u32 v59, v33;
	v33 =	vor.u32 v34, v33;
	s14 =	sshll.u32 s18, $0x5  }
0x27d: {  	s22 =	sshra.s32 s23, $0x1F;
	v62 =	vmov s1;
	v38 =	vor.u32 s1, v0;
	v39 =	vmov s14  }
0x27e: {  	v44 =	vld.idx.msk [tilespmem:v57+s19+$0x0], $0xffff;
	s22 =	sshrl.u32 s22, $0x1E;
	v40 =	vor.u32 s1, v1;
	v37 =	vor.u32 s14, v0;
	v42 =	vor.u32 s14, v1  }
0x27f: {  	s18 =	sadd.s32 s22, s23;
	s14 =	spop (v2sf);
	(v2sf) =	vpush v5, $0xD;
	v13 =	vmul.f32 v13, v2;
	v7 =	vmul.f32 v14, v2  }
0x280: {  	v28 =	vld.idx.msk [tilespmem:v28+s17+$0x0], $0xffff;
	s22 =	sadd.s32 $0xFFFFFD00, s0;
	v36 =	vand.u32 $0xFFFFFF80, v62;
	v39 =	vand.u32 $0xFFFFFF80, v39;
	s18 =	sshra.s32 s18, $0x2;
	v59 =	vand.u32 $0x6F, v38  }
0x281: {  	v49 =	vld.idx.msk [tilespmem:v29+s19+$0x0], $0xffff;
	v42 =	vand.u32 $0x7F, v42;
	v36 =	vadd.s32 s22, v36;
	v39 =	vadd.s32 s22, v39;
	s22 =	sshll.u32 s18, $0x7;
	s18 =	sshll.u32 s18, $0x5  }
0x282: {  	s23 =	sshll.u32 s23, $0x5;
	v13 =	vadd.f32 v18, v13;
	v46 =	vmov s18;
	v32 =	vor.u32 s18, v0  }
0x283: {  	s1 =	ssub.s32 s23, s22;
	v53 =	vld.idx.msk [tilespmem:v61+s19+$0x0], $0xffff;
	v8 =	vmul.f32 v44, v41;
	v60 =	vor.u32 v59, v36;
	v61 =	vand.u32 $0x7F, v40  }
0x284: {  	s22 =	sshra.s32 s14, $0x1F;
	v41 =	vand.u32 $0x6F, v37;
	v63 =	vmov s1;
	v43 =	vor.u32 s1, v0  }
0x285: {  	v45 =	vor.u32 s1, v1;
	s22 =	sshrl.u32 s22, $0x1E;
	v50 =	vand.u32 $0xFFFFFF80, v46;
	v52 =	vld.idx.msk [tilespmem:v33+s17+$0x0], $0xffff;
	v33 =	vor.u32 s18, v1  }
0x286: {  	s23 =	sadd.s32 $0xFFFFFD80, s0;
	v54 =	vld.idx.msk [tilespmem:v35+s19+$0x0], $0xffff;
	v9 =	vmul.f32 v49, v28;
	v32 =	vand.u32 $0x6F, v32;
	v48 =	vand.u32 $0xFFFFFF80, v63;
	s22 =	sadd.s32 s22, s14  }
0x287: {  	v51 =	vld.idx.msk [tilespmem:v31+s17+$0x0], $0xffff;
	v46 =	vadd.s32 s23, v50;
	v33 =	vand.u32 $0x7F, v33;
	v29 =	vadd.s32 s23, v48;
	s23 =	sshra.s32 s22, $0x2  }
0x288: {  	v24 =	vld.idx.msk [tilespmem:v24+s17+$0x0], $0xffff;
	s14 =	sshll.u32 s14, $0x5;
	v8 =	vmul.f32 v8, v2;
	v32 =	vor.u32 v32, v46;
	v33 =	vor.u32 v33, v46;
	s22 =	sshll.u32 s23, $0x7;
	s1 =	sshll.u32 s23, $0x5  }
0x289: {  	v27 =	vld.idx.msk [tilespmem:v27+s19+$0x0], $0xffff;
	v9 =	vmul.f32 v9, v3;
	s14 =	ssub.s32 s14, s22;
	v57 =	vmov s1;
	v62 =	vor.u32 s1, v0  }
0x28a: {  	v25 =	vld.idx.msk [tilespmem:v25+s17+$0x0], $0xffff;
	v63 =	vor.u32 s1, v1;
	v55 =	vmov s14;
	v56 =	vor.u32 s14, v0  }
0x28b: {  	v26 =	vld.idx.msk [tilespmem:v26+s19+$0x0], $0xffff;
	v58 =	vor.u32 s14, v1;
	v16 =	vand.u32 $0xFFFFFF80, v57;
	s14 =	spop (v2sf);
	(v2sf) =	vpush v5, $0xE  }
0x28c: {  	v11 =	vmul.f32 v53, v51;
	v12 =	vmul.f32 v54, v52;
	v51 =	vor.u32 v42, v39  }
0x28d: {  	s23 =	sadd.s32 $0xFFFFFE00, s0;
	v52 =	vand.u32 $0x6F, v43;
	v53 =	vand.u32 $0x7F, v45;
	v15 =	vand.u32 $0xFFFFFF80, v55;
	s22 =	sshra.s32 s14, $0x1F  }
0x28e: {  	v47 =	vadd.s32 s23, v16;
	v16 =	vmul.f32 v27, v24;
	v24 =	vor.u32 v61, v36;
	s18 =	sshrl.u32 s22, $0x1E  }
0x28f: {  	v28 =	vor.u32 v52, v29;
	v23 =	vand.u32 $0x6F, v56;
	v35 =	vadd.s32 s23, v15;
	s18 =	sadd.s32 s18, s14  }
0x290: {  	v15 =	vmul.f32 v26, v25;
	v25 =	vand.u32 $0x6F, v62;
	v23 =	vor.u32 v23, v35;
	s18 =	sshra.s32 s18, $0x2  }
0x291: {  	(xrf2) =	vadd.scan.msk.f32 $0xffff, v10;
	v34 =	vand.u32 $0x7F, v58;
	v26 =	vand.u32 $0x7F, v63;
	s14 =	sshll.u32 s14, $0x5;
	v25 =	vor.u32 v25, v47;
	s23 =	sshll.u32 s18, $0x7  }
0x292: {  	(xrf2) =	vadd.scan.msk.f32 $0xffff, v19;
	v29 =	vor.u32 v53, v29;
	v34 =	vor.u32 v34, v35;
	v26 =	vor.u32 v26, v47;
	s1 =	ssub.s32 s14, s23  }
0x293: {  	(xrf2) =	vadd.scan.msk.f32 $0xffff, v6;
	v6 =	vmul.f32 v15, v2;
	s14 =	sshll.u32 s18, $0x5;
	v44 =	vmov s1;
	v48 =	vor.u32 s1, v0  }
0x294: {  	v49 =	vmov s14;
	v50 =	vor.u32 s1, v1;
	s1 =	spop (v2sf);
	(v2sf) =	vpush v5, $0xF  }
0x295: {  	v5 =	vor.u32 v41, v39;
	v54 =	vor.u32 s14, v0;
	v55 =	vor.u32 s14, v1;
	s23 =	sshra.s32 s1, $0x1F;
	v23 =	vld.idx.msk [tilespmem:v23+s17+$0x0], $0xffff  }
0x296: {  	s22 =	sadd.s32 $0xFFFFFE80, s0;
	v30 =	vand.u32 $0xFFFFFF80, v44;
	v36 =	vand.u32 $0xFFFFFF80, v49;
	v31 =	vand.u32 $0x6F, v48;
	v25 =	vld.idx.msk [tilespmem:v25+s19+$0x0], $0xffff;
	s18 =	sshrl.u32 s23, $0x1E  }
0x297: {  	v22 =	vld.idx.msk [tilespmem:v60+s17+$0x0], $0xffff;
	v60 =	vand.u32 $0x7F, v50;
	v61 =	vand.u32 $0x6F, v54;
	v30 =	vadd.s32 s22, v30;
	s18 =	sadd.s32 s18, s1  }
0x298: {  	v62 =	vand.u32 $0x7F, v55;
	v36 =	vadd.s32 s22, v36;
	v31 =	vor.u32 v31, v30;
	s18 =	sshra.s32 s18, $0x2  }
0x299: {  	s1 =	sshll.u32 s1, $0x5;
	v30 =	vor.u32 v60, v30;
	v35 =	vor.u32 v61, v36;
	v36 =	vor.u32 v62, v36;
	s22 =	sshll.u32 s18, $0x7;
	s14 =	sshll.u32 s18, $0x5  }
0x29a: {  	v5 =	vld.idx.msk [tilespmem:v5+s19+$0x0], $0xffff;
	s1 =	ssub.s32 s1, s22;
	v58 =	vmov s14;
	v63 =	vor.u32 s14, v0;
	v48 =	vor.u32 s14, v1  }
0x29b: {  	v23 =	vmul.f32 v25, v23;
	v56 =	vmov s1;
	v57 =	vor.u32 s1, v0  }
0x29c: {  	v59 =	vor.u32 s1, v1;
	v42 =	vand.u32 $0xFFFFFF80, v58;
	v38 =	vand.u32 $0x6F, v63;
	s18 =	spop (v2sf)  }
0x29d: {  	v32 =	vld.idx.msk [tilespmem:v32+s19+$0x0], $0xffff;
	s23 =	sadd.s32 $0xFFFFFF00, s0;
	v39 =	vand.u32 $0x7F, v48;
	v63 =	vmul.f32 v17, v3;
	v40 =	vand.u32 $0xFFFFFF80, v56;
	s22 =	sshra.s32 s18, $0x1F  }
0x29e: {  	v33 =	vld.idx.msk [tilespmem:v33+s19+$0x0], $0xffff;
	v42 =	vadd.s32 s23, v42;
	v49 =	vand.u32 $0x6F, v57;
	v43 =	vand.u32 $0x7F, v59;
	s1 =	sshrl.u32 s22, $0x1E  }
0x29f: {  	v27 =	vld.idx.msk [tilespmem:v51+s19+$0x0], $0xffff;
	v40 =	vadd.s32 s23, v40;
	v38 =	vor.u32 v38, v42;
	v5 =	vmul.f32 v5, v22;
	s1 =	sadd.s32 s1, s18  }
0x2a0: {  	v24 =	vld.idx.msk [tilespmem:v24+s17+$0x0], $0xffff;
	v39 =	vor.u32 v39, v42;
	v7 =	vadd.f32 v63, v7;
	v37 =	vor.u32 v49, v40;
	s1 =	sshra.s32 s1, $0x2  }
0x2a1: {  	v28 =	vld.idx.msk [tilespmem:v28+s17+$0x0], $0xffff;
	v40 =	vor.u32 v43, v40;
	v49 =	vmul.f32 v20, v2;
	s18 =	sshll.u32 s18, $0x5;
	v5 =	vmul.f32 v5, v2;
	s23 =	sshll.u32 s1, $0x7;
	s1 =	sshll.u32 s1, $0x5  }
0x2a2: {  	v29 =	vld.idx.msk [tilespmem:v29+s17+$0x0], $0xffff;
	s14 =	ssub.s32 s18, s23;
	v52 =	vmov s1;
	v56 =	vor.u32 s1, v0;
	v58 =	vor.u32 s1, v1  }
0x2a3: {  	v34 =	vld.idx.msk [tilespmem:v34+s17+$0x0], $0xffff;
	v50 =	vmov s14;
	v51 =	vor.u32 s14, v0;
	v53 =	vor.u32 s14, v1;
	s14 =	spop (v2sf)  }
0x2a4: {  	v26 =	vld.idx.msk [tilespmem:v26+s19+$0x0], $0xffff;
	s22 =	sadd.s32 $0xFFFFFF80, s0;
	v45 =	vand.u32 $0xFFFFFF80, v52;
	v43 =	vand.u32 $0x6F, v56;
	v59 =	vand.u32 $0x7F, v58;
	s23 =	sshra.s32 s14, $0x1F  }
0x2a5: {  	v31 =	vld.idx.msk [tilespmem:v31+s17+$0x0], $0xffff;
	v52 =	vmul.f32 v27, v24;
	v41 =	vand.u32 $0xFFFFFF80, v50;
	v45 =	vadd.s32 s22, v45;
	s18 =	sshrl.u32 s23, $0x1E  }
0x2a6: {  	v30 =	vld.idx.msk [tilespmem:v30+s17+$0x0], $0xffff;
	v54 =	vand.u32 $0x6F, v51;
	v57 =	vand.u32 $0x7F, v53;
	v50 =	vmul.f32 v21, v3;
	s18 =	sadd.s32 s18, s14  }
0x2a7: {  	v35 =	vld.idx.msk [tilespmem:v35+s19+$0x0], $0xffff;
	v41 =	vadd.s32 s22, v41;
	v43 =	vor.u32 v43, v45;
	v44 =	vor.u32 v59, v45;
	s18 =	sshra.s32 s18, $0x2  }
0x2a8: {  	v36 =	vld.idx.msk [tilespmem:v36+s19+$0x0], $0xffff;
	v55 =	vor.u32 v54, v41;
	s14 =	sshll.u32 s14, $0x5;
	v41 =	vor.u32 v57, v41;
	v18 =	vadd.f32 v50, v49;
	s22 =	sshll.u32 s18, $0x7;
	s23 =	sshll.u32 s18, $0x5  }
0x2a9: {  	v38 =	vld.idx.msk [tilespmem:v38+s19+$0x0], $0xffff;
	v54 =	vmul.f32 v32, v28;
	v32 =	vmul.f32 v16, v3;
	s1 =	ssub.s32 s14, s22;
	v62 =	vmov s23  }
0x2aa: {  	v39 =	vld.idx.msk [tilespmem:v39+s19+$0x0], $0xffff;
	v48 =	vor.u32 s23, v0;
	v63 =	vor.u32 s23, v1;
	v60 =	vmov s1  }
0x2ab: {  	v40 =	vld.idx.msk [tilespmem:v40+s17+$0x0], $0xffff;
	v61 =	vor.u32 s1, v0;
	v47 =	vand.u32 $0xFFFFFF80, v62;
	v48 =	vand.u32 $0x6F, v48  }
0x2ac: {  	v37 =	vld.idx.msk [tilespmem:v37+s17+$0x0], $0xffff;
	v58 =	vor.u32 s1, v1;
	v45 =	vand.u32 $0xFFFFFF80, v60;
	v47 =	vadd.s32 s0, v47  }
0x2ad: {  	v42 =	vld.idx.msk [tilespmem:v55+s17+$0x0], $0xffff;
	v55 =	vmul.f32 v33, v29;
	v33 =	vand.u32 $0x7F, v63;
	v48 =	vor.u32 v48, v47  }
0x2ae: {  	(xrf2) =	vadd.scan.msk.f32 $0xffff, v13;
	v51 =	vld.idx.msk [tilespmem:v43+s19+$0x0], $0xffff;
	v46 =	vand.u32 $0x6F, v61;
	v45 =	vadd.s32 s0, v45;
	v16 =	vor.u32 v33, v47  }
0x2af: {  	(xrf2) =	vadd.scan.msk.f32 $0xffff, v7;
	v57 =	vmul.f32 v26, v34;
	v53 =	vld.idx.msk [tilespmem:v44+s19+$0x0], $0xffff;
	v26 =	vand.u32 $0x7F, v58;
	v46 =	vor.u32 v46, v45  }
0x2b0: {  	v34 =	vmul.f32 v39, v40;
	v6 =	vadd.f32 v32, v6;
	v41 =	vld.idx.msk [tilespmem:v41+s17+$0x0], $0xffff;
	v26 =	vor.u32 v26, v45  }
0x2b1: {  	(xrf2) =	vadd.scan.msk.f32 $0xffff, v18;
	v39 =	vmul.f32 v54, v2;
	v62 =	vmul.f32 v38, v37  }
0x2b2: {  	(xrf2) =	vadd.scan.msk.f32 $0xffff, v6;
	v6 =	vmul.f32 v11, v2;
	v37 =	vmul.f32 v52, v3;
	v59 =	vld.idx.msk [tilespmem:v48+s19+$0x0], $0xffff  }
0x2b3: {  	v61 =	vmul.f32 v36, v30;
	v36 =	vmul.f32 v12, v3;
	v16 =	vld.idx.msk [tilespmem:v16+s19+$0x0], $0xffff  }
0x2b4: {  	v8 =	vadd.f32 v9, v8;
	v60 =	vmul.f32 v35, v31;
	v40 =	vmul.f32 v55, v3;
	v56 =	vld.idx.msk [tilespmem:v46+s17+$0x0], $0xffff  }
0x2b5: {  	v6 =	vadd.f32 v36, v6;
	v21 =	vmul.f32 v51, v42;
	v7 =	vmul.f32 v53, v41;
	v38 =	vld.idx.msk [tilespmem:v26+s17+$0x0], $0xffff  }
0x2b6: {  	(xrf2) =	vadd.scan.msk.f32 $0xffff, v8;
	v5 =	vadd.f32 v37, v5;
	v41 =	vmul.f32 v23, v2;
	v42 =	vmul.f32 v57, v3  }
0x2b7: {  	v10 =	vmul.f32 v60, v2;
	v43 =	vmul.f32 v61, v3;
	(xrf2) =	vadd.scan.msk.f32 $0xffff, v6;
	v6 =	vadd.f32 v40, v39  }
0x2b8: {  	v13 =	vmul.f32 v34, v3;
	v45 =	vmul.f32 v62, v2;
	(xrf2) =	vadd.scan.msk.f32 $0xffff, v5;
	v5 =	vadd.f32 v42, v41  }
0x2b9: {  	v44, _, _ =	vpop (xrf2);
	(xrf2) =	vadd.scan.msk.f32 $0xffff, v6;
	v6 =	vadd.f32 v43, v10;
	v47 =	vmul.f32 v21, v2;
	v7 =	vmul.f32 v7, v3  }
0x2ba: {  	v46, _, _ =	vpop (xrf2);
	(xrf2) =	vadd.scan.msk.f32 $0xffff, v5;
	v5 =	vadd.f32 v13, v45;
	v35 =	vmul.f32 v59, v56;
	v48 =	vmul.f32 v16, v38  }
0x2bb: {  	v8 =	vbroadcast v44, $0xF;
	v49, _, _ =	vpop (xrf2);
	v7 =	vadd.f32 v7, v47;
	(xrf2) =	vadd.scan.msk.f32 $0xffff, v6;
	v6 =	vbroadcast v46, $0xF  }
0x2bc: {  	v51, _, _ =	vpop (xrf2);
	(xrf2) =	vadd.scan.msk.f32 $0xffff, v5;
	v5 =	vmul.f32 v35, v2;
	v9 =	vmul.f32 v48, v3  }
0x2bd: {  	v50 =	vbroadcast v49, $0xF  }
0x2be: {  	v52 =	vbroadcast v51, $0xF;
	v53, _, _ =	vpop (xrf2);
	v6 =	vsel vm0, v8, v6;
	(xrf2) =	vadd.scan.msk.f32 $0xffff, v7;
	v5 =	vadd.f32 v9, v5  }
0x2bf: {  	v54 =	vbroadcast v53, $0xF;
	v7, _, _ =	vpop (xrf2);
	v6 =	vsel vm1, v6, v50  }
0x2c0: {  	v55, _, _ =	vpop (xrf2);
	v6 =	vsel vm2, v6, v52;
	v7 =	vbroadcast v7, $0xF  }
0x2c1: {  	v6 =	vsel vm3, v6, v54;
	v56 =	vbroadcast v55, $0xF;
	v57, _, _ =	vpop (xrf2)  }
0x2c2: {  	v6 =	vsel vm4, v6, v7;
	v7 =	vbroadcast v57, $0xF;
	(xrf2) =	vadd.scan.msk.f32 $0xffff, v5;
	v5, _, _ =	vpop (xrf2)  }
0x2c3: {  	v6 =	vsel vm5, v6, v56;
	v58, _, _ =	vpop (xrf2);
	v5 =	vbroadcast v5, $0xF  }
0x2c4: {  	v6 =	vsel vm6, v6, v7;
	v59, _, _ =	vpop (xrf2);
	v7 =	vbroadcast v58, $0xF  }
0x2c5: {  	v60, _, _ =	vpop (xrf2);
	v5 =	vsel vm7, v6, v5;
	v6 =	vbroadcast v59, $0xF  }
0x2c6: {  	v61, _, _ =	vpop (xrf2);
	v5 =	vsel vm8, v5, v7;
	v7 =	vbroadcast v60, $0xF  }
0x2c7: {  	v62, _, _ =	vpop (xrf2);
	v5 =	vsel vm9, v5, v6;
	v6 =	vbroadcast v61, $0xF  }
0x2c8: {  	v63, _, _ =	vpop (xrf2);
	v5 =	vsel vm10, v5, v7  }
0x2c9: {  	v5 =	vsel vm11, v5, v6;
	v6 =	vbroadcast v63, $0xF  }
0x2ca: {  	v7 =	vbroadcast v62, $0xF;
	_ =	sdelay $0x1  }
0x2cb: {  	p0 =	sne.s32 s29, $0x7F;
	v5 =	vsel vm12, v5, v7  }
.Ltmp3:
0x2cc: {  	v5 =	vsel vm13, v5, v6;
	v6, _, _ =	vpop (xrf2);
	(pc) =	sbr.rel @p0 .LBB2_8-.Ltmp3, $3  }
0x2cd: {  	v5 =	vsel vm14, v5, v6  }
0x2ce: {  	v5 =	vadd.f32 v5, v4;
	_ =	sdelay $0x1  }
0x2cf: {  	s30 =	sadd.s32 $0x10, s30;
	s29 =	sadd.s32 $0x10, s29;
	[tilespmem:s31+$0x0] =	vst v5;
	s31 =	sadd.s32 $0x10, s31  }
0x2d0: {  	s28 =	sadd.s32 $0x1, s28  }
0x2d1: {  	p0 =	sne.s32 s28, s10  }
.Ltmp4:
0x2d2: {  	_ = 	snop;
	(pc) =	sbr.rel @p0 .LBB2_1-.Ltmp4, $4  }
0x2d3: {  	[hbm4b:s9+s2] =	stream.linear.scatter [tilespmem:s26], [sflag:$0x3], $0x200, $0x38;
	[tilespmem:$0x10880] =	vst v63  }
0x2d4: {  	_ =	swait.ge [sflag:s11], $0x200  }
0x2d5: {  	[sflag:s11] =	ssyncset.done $0x0  }
0x2d6: {  	[sflag:s11] =	ssyncadd.s32 $0xFFFFFE00  }
0x2d7: {  	_ =	sfence.sel $0x180000  }
0x2d8: {  	[bflag:$0x0] =	sbarrier.arrive $0xFFFF  }
0x2d9: {  	_ =	strace $0x90000047  }
0x2da: {  	s0 =	stileid.u32;
	[bflag:$0x2] =	sbarrier.arrive $0xFFFF  }
0x2db: {  	p0 =	sne.s32 s0, $0x0;
	s0 =	rddreg [dreg:$0x2]  }
0x2dc: {  	s0 =	sadd.s32 @!p0 $0x100000, s0  }
0x2dd: {  	[sflag:s0] =	ssyncadd.tile.s32 @!p0 $0x1;
	_ =	shalt  }
.Lfunc_end2:
_tile_overlayer_lowered:
.L_overlay_start_2:
0x2de: {  	(tag) =	ssettag $0x2  }
0x2df: {  	s0 =	rddreg [dreg:$0x0];
	s2 =	stileid.u32  }
0x2e0: {  	s1 =	rddreg [dreg:$0x1];
	p0 =	sne.s32 s2, $0x0  }
0x2e1: {  	s3 =	rddreg [dreg:$0x2];
	[bflag:$0x3] =	sbarrier.arrive $0xFFFF;
	s2 =	simm.s32 @!p0 $0x1C03  }
0x2e2: {  	[timem:s3], [sflag:s2] =	dma.local @!p0 [hbm:s0], s1  }
0x2e3: {  	s0 =	simm.s32 @!p0 $0x3  }
0x2e4: {  	_ =	swait.ge @!p0 [sflag:s0], s1  }
0x2e5: {  	s1 =	ssub.s32 @!p0 $0x0, s1;
	[sflag:s0] =	ssyncset.done @!p0 $0x0  }
0x2e6: {  	[sflag:s0] =	ssyncadd.s32 @!p0 s1  }
0x2e7: {  	[bflag:$0x3] =	sbarrier.arrive $0xFFFF  }
0x2e8: {  	_ =	shalt  }

</sc_bundles>
